<compile_context>
chip_gen: v7x
topology: tpu7x:2x2x1
jax: 0.10.2.dev20260603
libtpu: 0.0.44.dev20260713+nightly
codegen_flags: <defaults>
</compile_context>

<pallas_src>
import jax
import jax.numpy as jnp
from jax import lax
from jax.experimental import pallas as pl
from jax.experimental.pallas import tpu as pltpu
from jax.experimental.pallas import tpu_sc as plsc

NC = 2
NS = 16
L = 16
NW = NC * NS

BATCH = 16384
D = 64
W = 2 * D
B_PER_W = BATCH // NW
CHUNK = 128
NCHUNK = B_PER_W // CHUNK
GROUPS = CHUNK // L
JBLK = 16


def _softplus(x):
    ax = jnp.abs(x)
    z = jnp.exp(-ax)
    t = z / (2.0 + z)
    t2 = t * t
    log1p = t * (2.0 + t2 * (2.0 / 3.0 + t2 * (0.4 + t2 * (2.0 / 7.0))))
    return jnp.maximum(x, 0.0) + log1p


def _bpr_body(uq_hbm, iq_hbm, jq_hbm, ur_hbm, ir_hbm, jr_hbm,
              eu_hbm, ei_hbm,
              out_sp_hbm, out_sq_hbm,
              uqv, iqv, jqv, urv, irv, jrv, ubuf, pbuf, nbuf,
              sp_stage, sq_stage, sem0, sem1):
    wid = lax.axis_index("s") * NC + lax.axis_index("c")
    sems = (sem0, sem1)

    pltpu.sync_copy(uq_hbm.at[wid], uqv)
    pltpu.sync_copy(iq_hbm.at[wid], iqv)
    pltpu.sync_copy(jq_hbm.at[wid], jqv)
    pltpu.sync_copy(ur_hbm.at[wid], urv)
    pltpu.sync_copy(ir_hbm.at[wid], irv)
    pltpu.sync_copy(jr_hbm.at[wid], jrv)

    def fire(c):
        s = c % 2
        pltpu.async_copy(eu_hbm.at[uqv.at[c]], ubuf.at[s], sems[s])
        pltpu.async_copy(ei_hbm.at[iqv.at[c]], pbuf.at[s], sems[s])
        pltpu.async_copy(ei_hbm.at[jqv.at[c]], nbuf.at[s], sems[s])

    def drain(c):
        s = c % 2
        pltpu.make_async_copy(eu_hbm.at[uqv.at[c]], ubuf.at[s], sems[s]).wait()
        pltpu.make_async_copy(ei_hbm.at[iqv.at[c]], pbuf.at[s], sems[s]).wait()
        pltpu.make_async_copy(ei_hbm.at[jqv.at[c]], nbuf.at[s], sems[s]).wait()

    iota = lax.iota(jnp.int32, L)
    zero = jnp.zeros((L,), jnp.float32)

    def compute_chunk(c, ub, pb, nb, carry):
        def group(g, carry):
            sp_acc, qu0, qu1, qp0, qp1, qn0, qn1 = carry
            row = g * L + iota
            base = g * L
            uoff = jnp.left_shift(jnp.bitwise_and(urv[c, pl.ds(base, L)], 1), 6)
            ioff = jnp.left_shift(jnp.bitwise_and(irv[c, pl.ds(base, L)], 1), 6)
            joff = jnp.left_shift(jnp.bitwise_and(jrv[c, pl.ds(base, L)], 1), 6)

            def jblock(jb, inner):
                d = list(inner[0:4])
                q_u = list(inner[4:6])
                q_p = list(inner[6:8])
                q_n = list(inner[8:10])
                jbase = iota + jb * JBLK
                for jj in range(JBLK):
                    col = jnp.bitwise_and(jbase + jj, D - 1)
                    u = plsc.load_gather(ub, [row, uoff + col])
                    p = plsc.load_gather(pb, [row, ioff + col])
                    n = plsc.load_gather(nb, [row, joff + col])
                    d[jj % 4] = d[jj % 4] + u * (n - p)
                    q_u[jj % 2] = q_u[jj % 2] + u * u
                    q_p[jj % 2] = q_p[jj % 2] + p * p
                    q_n[jj % 2] = q_n[jj % 2] + n * n
                return (*d, *q_u, *q_p, *q_n)

            inner = (zero, zero, zero, zero, qu0, qu1, qp0, qp1, qn0, qn1)
            inner = lax.fori_loop(0, D // JBLK, jblock, inner)
            d0, d1, d2, d3, qu0, qu1, qp0, qp1, qn0, qn1 = inner
            dt = (d0 + d1) + (d2 + d3)
            sp_acc = sp_acc + _softplus(dt)
            return (sp_acc, qu0, qu1, qp0, qp1, qn0, qn1)

        return lax.fori_loop(0, GROUPS, group, carry)

    carry = (zero,) * 7
    fire(0)
    for c in range(NCHUNK):
        if c + 1 < NCHUNK:
            fire(c + 1)
        drain(c)
        s = c % 2
        carry = compute_chunk(c, ubuf.at[s], pbuf.at[s], nbuf.at[s], carry)

    sp_acc, qu0, qu1, qp0, qp1, qn0, qn1 = carry
    sq = (qu0 + qu1) + (qp0 + qp1) + (qn0 + qn1)
    sp_stage[...] = sp_acc
    sq_stage[...] = sq
    pltpu.sync_copy(sp_stage, out_sp_hbm.at[wid])
    pltpu.sync_copy(sq_stage, out_sq_hbm.at[wid])


@jax.jit
def _bpr_call(uq, iq, jq, ur, ir, jr, embed_user, embed_item):
    eu_p = embed_user.reshape(500000, W)
    ei_p = embed_item.reshape(500000, W)
    mesh = plsc.VectorSubcoreMesh(core_axis_name="c", subcore_axis_name="s")
    f = pl.kernel(
        _bpr_body,
        out_type=[
            jax.ShapeDtypeStruct((NW, L), jnp.float32),
            jax.ShapeDtypeStruct((NW, L), jnp.float32),
        ],
        mesh=mesh,
        compiler_params=pltpu.CompilerParams(needs_layout_passes=False),
        scratch_types=[
            pltpu.VMEM((NCHUNK, CHUNK), jnp.int32),
            pltpu.VMEM((NCHUNK, CHUNK), jnp.int32),
            pltpu.VMEM((NCHUNK, CHUNK), jnp.int32),
            pltpu.VMEM((NCHUNK, CHUNK), jnp.int32),
            pltpu.VMEM((NCHUNK, CHUNK), jnp.int32),
            pltpu.VMEM((NCHUNK, CHUNK), jnp.int32),
            pltpu.VMEM((2, CHUNK, W), jnp.float32),
            pltpu.VMEM((2, CHUNK, W), jnp.float32),
            pltpu.VMEM((2, CHUNK, W), jnp.float32),
            pltpu.VMEM((L,), jnp.float32),
            pltpu.VMEM((L,), jnp.float32),
            pltpu.SemaphoreType.DMA,
            pltpu.SemaphoreType.DMA,
        ],
    )
    sp_part, sq_part = f(uq, iq, jq, ur, ir, jr, eu_p, ei_p)
    inv_b = 1.0 / BATCH
    loss = jnp.sum(sp_part) * inv_b
    reg = 0.5 * jnp.sum(sq_part) * inv_b
    return loss, reg


def kernel(user, item_i, item_j, embed_user, embed_item):
    user_i32 = user.astype(jnp.int32)
    item_i_i32 = item_i.astype(jnp.int32)
    item_j_i32 = item_j.astype(jnp.int32)
    shp = (NW, NCHUNK, CHUNK)
    uq = jnp.right_shift(user_i32, 1).reshape(shp)
    iq = jnp.right_shift(item_i_i32, 1).reshape(shp)
    jq = jnp.right_shift(item_j_i32, 1).reshape(shp)
    ur = user_i32.reshape(shp)
    ir = item_i_i32.reshape(shp)
    jr = item_j_i32.reshape(shp)
    return _bpr_call(uq, iq, jq, ur, ir, jr, embed_user, embed_item)

# --- scband reference (transcript-rebuilt; emitter-appended) ---
"""Pipeline reference for scband-bpr-81123342287220 (READ-ONLY COPY).

The authoritative reference and input builder live on the scoring server;
editing this copy changes nothing except your own understanding.
"""

import jax, jax.numpy as jnp
import numpy as np

USER_NUM = 1000000
ITEM_NUM = 1000000
FACTOR_NUM = 64
BATCH = 16384


def setup_inputs(seed: int = 0) -> dict:
    key = jax.random.key(seed)
    k1, k2, k3, k4, k5 = jax.random.split(key, 5)
    user = jax.random.randint(k1, (BATCH,), 0, USER_NUM, dtype=jnp.int64) if jax.config.jax_enable_x64 else jax.random.randint(k1, (BATCH,), 0, USER_NUM, dtype=jnp.int32)
    item_i = jax.random.randint(k2, (BATCH,), 0, ITEM_NUM, dtype=user.dtype)
    item_j = jax.random.randint(k3, (BATCH,), 0, ITEM_NUM, dtype=user.dtype)
    embed_user = jax.random.normal(k4, (USER_NUM, FACTOR_NUM), dtype=jnp.float32) * 0.01
    embed_item = jax.random.normal(k5, (ITEM_NUM, FACTOR_NUM), dtype=jnp.float32) * 0.01
    return {"user": user, "item_i": item_i, "item_j": item_j,
            "embed_user": embed_user, "embed_item": embed_item}


def reference(user, item_i, item_j, embed_user, embed_item):
    users_emb = jnp.take(embed_user, user, axis=0)
    pos_emb = jnp.take(embed_item, item_i, axis=0)
    neg_emb = jnp.take(embed_item, item_j, axis=0)
    pos_scores = jnp.sum(users_emb * pos_emb, axis=1)
    neg_scores = jnp.sum(users_emb * neg_emb, axis=1)
    loss = jnp.mean(jax.nn.softplus(neg_scores - pos_scores))
    reg_loss = 0.5 * (jnp.sum(users_emb ** 2) + jnp.sum(pos_emb ** 2) + jnp.sum(neg_emb ** 2)) / float(user.shape[0])
    return (loss, reg_loss)

if __name__ == "__main__":
    import jax
    _d = setup_inputs()
    print(jax.jit(kernel)(*tuple(_d.values())))

</pallas_src>

<mosaic_0001>
#map = affine_map<(d0, d1) -> (0, 0, 0)>
#map1 = affine_map<(d0, d1) -> (0, 0)>
module attributes {stable_mosaic.version = 14 : i64} {
  func.func @_bpr_body(%arg0: i32, %arg1: i32, %arg2: memref<32x4x128xi32, #tpu.memory_space<hbm>>, %arg3: memref<32x4x128xi32, #tpu.memory_space<hbm>>, %arg4: memref<32x4x128xi32, #tpu.memory_space<hbm>>, %arg5: memref<32x4x128xi32, #tpu.memory_space<hbm>>, %arg6: memref<32x4x128xi32, #tpu.memory_space<hbm>>, %arg7: memref<32x4x128xi32, #tpu.memory_space<hbm>>, %arg8: memref<500000x128xf32, #tpu.memory_space<hbm>>, %arg9: memref<500000x128xf32, #tpu.memory_space<hbm>>, %arg10: memref<32x16xf32, #tpu.memory_space<hbm>>, %arg11: memref<32x16xf32, #tpu.memory_space<hbm>>, %arg12: memref<4x128xi32, #tpu.memory_space<vmem>>, %arg13: memref<4x128xi32, #tpu.memory_space<vmem>>, %arg14: memref<4x128xi32, #tpu.memory_space<vmem>>, %arg15: memref<4x128xi32, #tpu.memory_space<vmem>>, %arg16: memref<4x128xi32, #tpu.memory_space<vmem>>, %arg17: memref<4x128xi32, #tpu.memory_space<vmem>>, %arg18: memref<2x128x128xf32, #tpu.memory_space<vmem>>, %arg19: memref<2x128x128xf32, #tpu.memory_space<vmem>>, %arg20: memref<2x128x128xf32, #tpu.memory_space<vmem>>, %arg21: memref<16xf32, #tpu.memory_space<vmem>>, %arg22: memref<16xf32, #tpu.memory_space<vmem>>, %arg23: memref<!tpu.dma_semaphore, #tpu.memory_space<semaphore_mem>>, %arg24: memref<!tpu.dma_semaphore, #tpu.memory_space<semaphore_mem>>) attributes {dimension_semantics = [#tpu.dimension_semantics<core_parallel>, #tpu.dimension_semantics<subcore_parallel>], iteration_bounds = array<i64: 2, 16>, scalar_prefetch = 0 : i64, scratch_operands = 13 : i64, tpu.core_type = #tpu.core_type<sc_vector_subcore>, window_params = [{transform_indices = #map}, {transform_indices = #map}, {transform_indices = #map}, {transform_indices = #map}, {transform_indices = #map}, {transform_indices = #map}, {transform_indices = #map1}, {transform_indices = #map1}, {transform_indices = #map1}, {transform_indices = #map1}]} {
    %mul3A = arith.constant 2 : i32
    %mul3A_0 = arith.muli %arg1, %mul3A : i32
    %add3A = arith.addi %mul3A_0, %arg0 : i32
    "tpu.region"() ({
      %run_scoped3A = tpu.sem_alloc : memref<!tpu.dma_semaphore, #tpu.memory_space<semaphore_mem>>
      %dma_start3A_331 = arith.constant 0 : i32
      %dma_start3A_332 = arith.constant 0 : i32
      %dma_start3A_333 = tpu.memref_slice %arg2[%add3A, %dma_start3A_331, %dma_start3A_332] : memref<32x4x128xi32, #tpu.memory_space<hbm>> -> memref<1x4x128xi32, #tpu.memory_space<hbm>>
      %dma_start3A_334 = tpu.memref_squeeze %dma_start3A_333 : memref<1x4x128xi32, #tpu.memory_space<hbm>> -> memref<4x128xi32, #tpu.memory_space<hbm>>
      %dma_start3A_335 = arith.constant 0 : i32
      %dma_start3A_336 = arith.constant 0 : i32
      %dma_start3A_337 = tpu.memref_slice %arg2[%add3A, %dma_start3A_335, %dma_start3A_336] : memref<32x4x128xi32, #tpu.memory_space<hbm>> -> memref<1x4x128xi32, #tpu.memory_space<hbm>>
      %dma_start3A_338 = tpu.memref_squeeze %dma_start3A_337 : memref<1x4x128xi32, #tpu.memory_space<hbm>> -> memref<4x128xi32, #tpu.memory_space<hbm>>
      tpu.enqueue_dma source(%dma_start3A_338 : memref<4x128xi32, #tpu.memory_space<hbm>>) target(%arg12 : memref<4x128xi32, #tpu.memory_space<vmem>>) target_semaphore(%run_scoped3A : memref<!tpu.dma_semaphore, #tpu.memory_space<semaphore_mem>>)
      %dma_wait3A_339 = arith.constant 0 : i32
      %dma_wait3A_340 = arith.constant 0 : i32
      %dma_wait3A_341 = tpu.memref_slice %arg2[%add3A, %dma_wait3A_339, %dma_wait3A_340] : memref<32x4x128xi32, #tpu.memory_space<hbm>> -> memref<1x4x128xi32, #tpu.memory_space<hbm>>
      %dma_wait3A_342 = tpu.memref_squeeze %dma_wait3A_341 : memref<1x4x128xi32, #tpu.memory_space<hbm>> -> memref<4x128xi32, #tpu.memory_space<hbm>>
      %dma_wait3A_343 = arith.constant 0 : i32
      %dma_wait3A_344 = arith.constant 0 : i32
      %dma_wait3A_345 = tpu.memref_slice %arg2[%add3A, %dma_wait3A_343, %dma_wait3A_344] : memref<32x4x128xi32, #tpu.memory_space<hbm>> -> memref<1x4x128xi32, #tpu.memory_space<hbm>>
      %dma_wait3A_346 = tpu.memref_squeeze %dma_wait3A_345 : memref<1x4x128xi32, #tpu.memory_space<hbm>> -> memref<4x128xi32, #tpu.memory_space<hbm>>
      tpu.wait_dma2 semaphore(%run_scoped3A : memref<!tpu.dma_semaphore, #tpu.memory_space<semaphore_mem>>) src(%dma_wait3A_346 : memref<4x128xi32, #tpu.memory_space<hbm>>) dst(%arg12 : memref<4x128xi32, #tpu.memory_space<vmem>>)
      tpu.yield
    }) : () -> ()
    "tpu.region"() ({
      %run_scoped3A = tpu.sem_alloc : memref<!tpu.dma_semaphore, #tpu.memory_space<semaphore_mem>>
      %dma_start3A_331 = arith.constant 0 : i32
      %dma_start3A_332 = arith.constant 0 : i32
      %dma_start3A_333 = tpu.memref_slice %arg3[%add3A, %dma_start3A_331, %dma_start3A_332] : memref<32x4x128xi32, #tpu.memory_space<hbm>> -> memref<1x4x128xi32, #tpu.memory_space<hbm>>
      %dma_start3A_334 = tpu.memref_squeeze %dma_start3A_333 : memref<1x4x128xi32, #tpu.memory_space<hbm>> -> memref<4x128xi32, #tpu.memory_space<hbm>>
      %dma_start3A_335 = arith.constant 0 : i32
      %dma_start3A_336 = arith.constant 0 : i32
      %dma_start3A_337 = tpu.memref_slice %arg3[%add3A, %dma_start3A_335, %dma_start3A_336] : memref<32x4x128xi32, #tpu.memory_space<hbm>> -> memref<1x4x128xi32, #tpu.memory_space<hbm>>
      %dma_start3A_338 = tpu.memref_squeeze %dma_start3A_337 : memref<1x4x128xi32, #tpu.memory_space<hbm>> -> memref<4x128xi32, #tpu.memory_space<hbm>>
      tpu.enqueue_dma source(%dma_start3A_338 : memref<4x128xi32, #tpu.memory_space<hbm>>) target(%arg13 : memref<4x128xi32, #tpu.memory_space<vmem>>) target_semaphore(%run_scoped3A : memref<!tpu.dma_semaphore, #tpu.memory_space<semaphore_mem>>)
      %dma_wait3A_339 = arith.constant 0 : i32
      %dma_wait3A_340 = arith.constant 0 : i32
      %dma_wait3A_341 = tpu.memref_slice %arg3[%add3A, %dma_wait3A_339, %dma_wait3A_340] : memref<32x4x128xi32, #tpu.memory_space<hbm>> -> memref<1x4x128xi32, #tpu.memory_space<hbm>>
      %dma_wait3A_342 = tpu.memref_squeeze %dma_wait3A_341 : memref<1x4x128xi32, #tpu.memory_space<hbm>> -> memref<4x128xi32, #tpu.memory_space<hbm>>
      %dma_wait3A_343 = arith.constant 0 : i32
      %dma_wait3A_344 = arith.constant 0 : i32
      %dma_wait3A_345 = tpu.memref_slice %arg3[%add3A, %dma_wait3A_343, %dma_wait3A_344] : memref<32x4x128xi32, #tpu.memory_space<hbm>> -> memref<1x4x128xi32, #tpu.memory_space<hbm>>
      %dma_wait3A_346 = tpu.memref_squeeze %dma_wait3A_345 : memref<1x4x128xi32, #tpu.memory_space<hbm>> -> memref<4x128xi32, #tpu.memory_space<hbm>>
      tpu.wait_dma2 semaphore(%run_scoped3A : memref<!tpu.dma_semaphore, #tpu.memory_space<semaphore_mem>>) src(%dma_wait3A_346 : memref<4x128xi32, #tpu.memory_space<hbm>>) dst(%arg13 : memref<4x128xi32, #tpu.memory_space<vmem>>)
      tpu.yield
    }) : () -> ()
    "tpu.region"() ({
      %run_scoped3A = tpu.sem_alloc : memref<!tpu.dma_semaphore, #tpu.memory_space<semaphore_mem>>
      %dma_start3A_331 = arith.constant 0 : i32
      %dma_start3A_332 = arith.constant 0 : i32
      %dma_start3A_333 = tpu.memref_slice %arg4[%add3A, %dma_start3A_331, %dma_start3A_332] : memref<32x4x128xi32, #tpu.memory_space<hbm>> -> memref<1x4x128xi32, #tpu.memory_space<hbm>>
      %dma_start3A_334 = tpu.memref_squeeze %dma_start3A_333 : memref<1x4x128xi32, #tpu.memory_space<hbm>> -> memref<4x128xi32, #tpu.memory_space<hbm>>
      %dma_start3A_335 = arith.constant 0 : i32
      %dma_start3A_336 = arith.constant 0 : i32
      %dma_start3A_337 = tpu.memref_slice %arg4[%add3A, %dma_start3A_335, %dma_start3A_336] : memref<32x4x128xi32, #tpu.memory_space<hbm>> -> memref<1x4x128xi32, #tpu.memory_space<hbm>>
      %dma_start3A_338 = tpu.memref_squeeze %dma_start3A_337 : memref<1x4x128xi32, #tpu.memory_space<hbm>> -> memref<4x128xi32, #tpu.memory_space<hbm>>
      tpu.enqueue_dma source(%dma_start3A_338 : memref<4x128xi32, #tpu.memory_space<hbm>>) target(%arg14 : memref<4x128xi32, #tpu.memory_space<vmem>>) target_semaphore(%run_scoped3A : memref<!tpu.dma_semaphore, #tpu.memory_space<semaphore_mem>>)
      %dma_wait3A_339 = arith.constant 0 : i32
      %dma_wait3A_340 = arith.constant 0 : i32
      %dma_wait3A_341 = tpu.memref_slice %arg4[%add3A, %dma_wait3A_339, %dma_wait3A_340] : memref<32x4x128xi32, #tpu.memory_space<hbm>> -> memref<1x4x128xi32, #tpu.memory_space<hbm>>
      %dma_wait3A_342 = tpu.memref_squeeze %dma_wait3A_341 : memref<1x4x128xi32, #tpu.memory_space<hbm>> -> memref<4x128xi32, #tpu.memory_space<hbm>>
      %dma_wait3A_343 = arith.constant 0 : i32
      %dma_wait3A_344 = arith.constant 0 : i32
      %dma_wait3A_345 = tpu.memref_slice %arg4[%add3A, %dma_wait3A_343, %dma_wait3A_344] : memref<32x4x128xi32, #tpu.memory_space<hbm>> -> memref<1x4x128xi32, #tpu.memory_space<hbm>>
      %dma_wait3A_346 = tpu.memref_squeeze %dma_wait3A_345 : memref<1x4x128xi32, #tpu.memory_space<hbm>> -> memref<4x128xi32, #tpu.memory_space<hbm>>
      tpu.wait_dma2 semaphore(%run_scoped3A : memref<!tpu.dma_semaphore, #tpu.memory_space<semaphore_mem>>) src(%dma_wait3A_346 : memref<4x128xi32, #tpu.memory_space<hbm>>) dst(%arg14 : memref<4x128xi32, #tpu.memory_space<vmem>>)
      tpu.yield
    }) : () -> ()
    "tpu.region"() ({
      %run_scoped3A = tpu.sem_alloc : memref<!tpu.dma_semaphore, #tpu.memory_space<semaphore_mem>>
      %dma_start3A_331 = arith.constant 0 : i32
      %dma_start3A_332 = arith.constant 0 : i32
      %dma_start3A_333 = tpu.memref_slice %arg5[%add3A, %dma_start3A_331, %dma_start3A_332] : memref<32x4x128xi32, #tpu.memory_space<hbm>> -> memref<1x4x128xi32, #tpu.memory_space<hbm>>
      %dma_start3A_334 = tpu.memref_squeeze %dma_start3A_333 : memref<1x4x128xi32, #tpu.memory_space<hbm>> -> memref<4x128xi32, #tpu.memory_space<hbm>>
      %dma_start3A_335 = arith.constant 0 : i32
      %dma_start3A_336 = arith.constant 0 : i32
      %dma_start3A_337 = tpu.memref_slice %arg5[%add3A, %dma_start3A_335, %dma_start3A_336] : memref<32x4x128xi32, #tpu.memory_space<hbm>> -> memref<1x4x128xi32, #tpu.memory_space<hbm>>
      %dma_start3A_338 = tpu.memref_squeeze %dma_start3A_337 : memref<1x4x128xi32, #tpu.memory_space<hbm>> -> memref<4x128xi32, #tpu.memory_space<hbm>>
      tpu.enqueue_dma source(%dma_start3A_338 : memref<4x128xi32, #tpu.memory_space<hbm>>) target(%arg15 : memref<4x128xi32, #tpu.memory_space<vmem>>) target_semaphore(%run_scoped3A : memref<!tpu.dma_semaphore, #tpu.memory_space<semaphore_mem>>)
      %dma_wait3A_339 = arith.constant 0 : i32
      %dma_wait3A_340 = arith.constant 0 : i32
      %dma_wait3A_341 = tpu.memref_slice %arg5[%add3A, %dma_wait3A_339, %dma_wait3A_340] : memref<32x4x128xi32, #tpu.memory_space<hbm>> -> memref<1x4x128xi32, #tpu.memory_space<hbm>>
      %dma_wait3A_342 = tpu.memref_squeeze %dma_wait3A_341 : memref<1x4x128xi32, #tpu.memory_space<hbm>> -> memref<4x128xi32, #tpu.memory_space<hbm>>
      %dma_wait3A_343 = arith.constant 0 : i32
      %dma_wait3A_344 = arith.constant 0 : i32
      %dma_wait3A_345 = tpu.memref_slice %arg5[%add3A, %dma_wait3A_343, %dma_wait3A_344] : memref<32x4x128xi32, #tpu.memory_space<hbm>> -> memref<1x4x128xi32, #tpu.memory_space<hbm>>
      %dma_wait3A_346 = tpu.memref_squeeze %dma_wait3A_345 : memref<1x4x128xi32, #tpu.memory_space<hbm>> -> memref<4x128xi32, #tpu.memory_space<hbm>>
      tpu.wait_dma2 semaphore(%run_scoped3A : memref<!tpu.dma_semaphore, #tpu.memory_space<semaphore_mem>>) src(%dma_wait3A_346 : memref<4x128xi32, #tpu.memory_space<hbm>>) dst(%arg15 : memref<4x128xi32, #tpu.memory_space<vmem>>)
      tpu.yield
    }) : () -> ()
    "tpu.region"() ({
      %run_scoped3A = tpu.sem_alloc : memref<!tpu.dma_semaphore, #tpu.memory_space<semaphore_mem>>
      %dma_start3A_331 = arith.constant 0 : i32
      %dma_start3A_332 = arith.constant 0 : i32
      %dma_start3A_333 = tpu.memref_slice %arg6[%add3A, %dma_start3A_331, %dma_start3A_332] : memref<32x4x128xi32, #tpu.memory_space<hbm>> -> memref<1x4x128xi32, #tpu.memory_space<hbm>>
      %dma_start3A_334 = tpu.memref_squeeze %dma_start3A_333 : memref<1x4x128xi32, #tpu.memory_space<hbm>> -> memref<4x128xi32, #tpu.memory_space<hbm>>
      %dma_start3A_335 = arith.constant 0 : i32
      %dma_start3A_336 = arith.constant 0 : i32
      %dma_start3A_337 = tpu.memref_slice %arg6[%add3A, %dma_start3A_335, %dma_start3A_336] : memref<32x4x128xi32, #tpu.memory_space<hbm>> -> memref<1x4x128xi32, #tpu.memory_space<hbm>>
      %dma_start3A_338 = tpu.memref_squeeze %dma_start3A_337 : memref<1x4x128xi32, #tpu.memory_space<hbm>> -> memref<4x128xi32, #tpu.memory_space<hbm>>
      tpu.enqueue_dma source(%dma_start3A_338 : memref<4x128xi32, #tpu.memory_space<hbm>>) target(%arg16 : memref<4x128xi32, #tpu.memory_space<vmem>>) target_semaphore(%run_scoped3A : memref<!tpu.dma_semaphore, #tpu.memory_space<semaphore_mem>>)
      %dma_wait3A_339 = arith.constant 0 : i32
      %dma_wait3A_340 = arith.constant 0 : i32
      %dma_wait3A_341 = tpu.memref_slice %arg6[%add3A, %dma_wait3A_339, %dma_wait3A_340] : memref<32x4x128xi32, #tpu.memory_space<hbm>> -> memref<1x4x128xi32, #tpu.memory_space<hbm>>
      %dma_wait3A_342 = tpu.memref_squeeze %dma_wait3A_341 : memref<1x4x128xi32, #tpu.memory_space<hbm>> -> memref<4x128xi32, #tpu.memory_space<hbm>>
      %dma_wait3A_343 = arith.constant 0 : i32
      %dma_wait3A_344 = arith.constant 0 : i32
      %dma_wait3A_345 = tpu.memref_slice %arg6[%add3A, %dma_wait3A_343, %dma_wait3A_344] : memref<32x4x128xi32, #tpu.memory_space<hbm>> -> memref<1x4x128xi32, #tpu.memory_space<hbm>>
      %dma_wait3A_346 = tpu.memref_squeeze %dma_wait3A_345 : memref<1x4x128xi32, #tpu.memory_space<hbm>> -> memref<4x128xi32, #tpu.memory_space<hbm>>
      tpu.wait_dma2 semaphore(%run_scoped3A : memref<!tpu.dma_semaphore, #tpu.memory_space<semaphore_mem>>) src(%dma_wait3A_346 : memref<4x128xi32, #tpu.memory_space<hbm>>) dst(%arg16 : memref<4x128xi32, #tpu.memory_space<vmem>>)
      tpu.yield
    }) : () -> ()
    "tpu.region"() ({
      %run_scoped3A = tpu.sem_alloc : memref<!tpu.dma_semaphore, #tpu.memory_space<semaphore_mem>>
      %dma_start3A_331 = arith.constant 0 : i32
      %dma_start3A_332 = arith.constant 0 : i32
      %dma_start3A_333 = tpu.memref_slice %arg7[%add3A, %dma_start3A_331, %dma_start3A_332] : memref<32x4x128xi32, #tpu.memory_space<hbm>> -> memref<1x4x128xi32, #tpu.memory_space<hbm>>
      %dma_start3A_334 = tpu.memref_squeeze %dma_start3A_333 : memref<1x4x128xi32, #tpu.memory_space<hbm>> -> memref<4x128xi32, #tpu.memory_space<hbm>>
      %dma_start3A_335 = arith.constant 0 : i32
      %dma_start3A_336 = arith.constant 0 : i32
      %dma_start3A_337 = tpu.memref_slice %arg7[%add3A, %dma_start3A_335, %dma_start3A_336] : memref<32x4x128xi32, #tpu.memory_space<hbm>> -> memref<1x4x128xi32, #tpu.memory_space<hbm>>
      %dma_start3A_338 = tpu.memref_squeeze %dma_start3A_337 : memref<1x4x128xi32, #tpu.memory_space<hbm>> -> memref<4x128xi32, #tpu.memory_space<hbm>>
      tpu.enqueue_dma source(%dma_start3A_338 : memref<4x128xi32, #tpu.memory_space<hbm>>) target(%arg17 : memref<4x128xi32, #tpu.memory_space<vmem>>) target_semaphore(%run_scoped3A : memref<!tpu.dma_semaphore, #tpu.memory_space<semaphore_mem>>)
      %dma_wait3A_339 = arith.constant 0 : i32
      %dma_wait3A_340 = arith.constant 0 : i32
      %dma_wait3A_341 = tpu.memref_slice %arg7[%add3A, %dma_wait3A_339, %dma_wait3A_340] : memref<32x4x128xi32, #tpu.memory_space<hbm>> -> memref<1x4x128xi32, #tpu.memory_space<hbm>>
      %dma_wait3A_342 = tpu.memref_squeeze %dma_wait3A_341 : memref<1x4x128xi32, #tpu.memory_space<hbm>> -> memref<4x128xi32, #tpu.memory_space<hbm>>
      %dma_wait3A_343 = arith.constant 0 : i32
      %dma_wait3A_344 = arith.constant 0 : i32
      %dma_wait3A_345 = tpu.memref_slice %arg7[%add3A, %dma_wait3A_343, %dma_wait3A_344] : memref<32x4x128xi32, #tpu.memory_space<hbm>> -> memref<1x4x128xi32, #tpu.memory_space<hbm>>
      %dma_wait3A_346 = tpu.memref_squeeze %dma_wait3A_345 : memref<1x4x128xi32, #tpu.memory_space<hbm>> -> memref<4x128xi32, #tpu.memory_space<hbm>>
      tpu.wait_dma2 semaphore(%run_scoped3A : memref<!tpu.dma_semaphore, #tpu.memory_space<semaphore_mem>>) src(%dma_wait3A_346 : memref<4x128xi32, #tpu.memory_space<hbm>>) dst(%arg17 : memref<4x128xi32, #tpu.memory_space<vmem>>)
      tpu.yield
    }) : () -> ()
    %iota3A = tpu.iota {dimensions = array<i32: 0>} : vector<16xi32>
    %broadcast_in_dim3A = arith.constant 0.000000e+00 : f32
    %broadcast_in_dim3A_1 = vector.broadcast %broadcast_in_dim3A : f32 to vector<16xf32>
    %dma_start3A = arith.constant 0 : i32
    %dma_start3A_2 = arith.constant 0 : i32
    %dma_start3A_3 = arith.constant 0 : i32
    %dma_start3A_4 = arith.constant 0 : i32
    %dma_start3A_5 = tpu.memref_slice %arg18[%dma_start3A_2, %dma_start3A_3, %dma_start3A_4] : memref<2x128x128xf32, #tpu.memory_space<vmem>> -> memref<1x128x128xf32, #tpu.memory_space<vmem>>
    %dma_start3A_6 = tpu.memref_squeeze %dma_start3A_5 : memref<1x128x128xf32, #tpu.memory_space<vmem>> -> memref<128x128xf32, #tpu.memory_space<vmem>>
    %dma_start3A_7 = arith.constant 0 : i32
    %dma_start3A_8 = tpu.memref_slice %arg12[%dma_start3A, %dma_start3A_7] : memref<4x128xi32, #tpu.memory_space<vmem>> -> memref<1x128xi32, #tpu.memory_space<vmem>>
    %dma_start3A_9 = tpu.memref_squeeze %dma_start3A_8 : memref<1x128xi32, #tpu.memory_space<vmem>> -> memref<128xi32, #tpu.memory_space<vmem>>
    %dma_start3A_10 = arith.constant 0 : i32
    %dma_start3A_11 = arith.constant 0 : i32
    %dma_start3A_12 = tpu.memref_slice %arg8[%dma_start3A_10, %dma_start3A_11] : memref<500000x128xf32, #tpu.memory_space<hbm>> -> memref<500000x128xf32, #tpu.memory_space<hbm>>
    tpu.enqueue_indirect_dma source(%dma_start3A_12 : memref<500000x128xf32, #tpu.memory_space<hbm>>) target(%dma_start3A_6 : memref<128x128xf32, #tpu.memory_space<vmem>>) offsets(%dma_start3A_9 : memref<128xi32, #tpu.memory_space<vmem>>) semaphore(%arg23 : memref<!tpu.dma_semaphore, #tpu.memory_space<semaphore_mem>>)
    %dma_start3A_13 = arith.constant 0 : i32
    %dma_start3A_14 = arith.constant 0 : i32
    %dma_start3A_15 = arith.constant 0 : i32
    %dma_start3A_16 = arith.constant 0 : i32
    %dma_start3A_17 = tpu.memref_slice %arg19[%dma_start3A_14, %dma_start3A_15, %dma_start3A_16] : memref<2x128x128xf32, #tpu.memory_space<vmem>> -> memref<1x128x128xf32, #tpu.memory_space<vmem>>
    %dma_start3A_18 = tpu.memref_squeeze %dma_start3A_17 : memref<1x128x128xf32, #tpu.memory_space<vmem>> -> memref<128x128xf32, #tpu.memory_space<vmem>>
    %dma_start3A_19 = arith.constant 0 : i32
    %dma_start3A_20 = tpu.memref_slice %arg13[%dma_start3A_13, %dma_start3A_19] : memref<4x128xi32, #tpu.memory_space<vmem>> -> memref<1x128xi32, #tpu.memory_space<vmem>>
    %dma_start3A_21 = tpu.memref_squeeze %dma_start3A_20 : memref<1x128xi32, #tpu.memory_space<vmem>> -> memref<128xi32, #tpu.memory_space<vmem>>
    %dma_start3A_22 = arith.constant 0 : i32
    %dma_start3A_23 = arith.constant 0 : i32
    %dma_start3A_24 = tpu.memref_slice %arg9[%dma_start3A_22, %dma_start3A_23] : memref<500000x128xf32, #tpu.memory_space<hbm>> -> memref<500000x128xf32, #tpu.memory_space<hbm>>
    tpu.enqueue_indirect_dma source(%dma_start3A_24 : memref<500000x128xf32, #tpu.memory_space<hbm>>) target(%dma_start3A_18 : memref<128x128xf32, #tpu.memory_space<vmem>>) offsets(%dma_start3A_21 : memref<128xi32, #tpu.memory_space<vmem>>) semaphore(%arg23 : memref<!tpu.dma_semaphore, #tpu.memory_space<semaphore_mem>>)
    %dma_start3A_25 = arith.constant 0 : i32
    %dma_start3A_26 = arith.constant 0 : i32
    %dma_start3A_27 = arith.constant 0 : i32
    %dma_start3A_28 = arith.constant 0 : i32
    %dma_start3A_29 = tpu.memref_slice %arg20[%dma_start3A_26, %dma_start3A_27, %dma_start3A_28] : memref<2x128x128xf32, #tpu.memory_space<vmem>> -> memref<1x128x128xf32, #tpu.memory_space<vmem>>
    %dma_start3A_30 = tpu.memref_squeeze %dma_start3A_29 : memref<1x128x128xf32, #tpu.memory_space<vmem>> -> memref<128x128xf32, #tpu.memory_space<vmem>>
    %dma_start3A_31 = arith.constant 0 : i32
    %dma_start3A_32 = tpu.memref_slice %arg14[%dma_start3A_25, %dma_start3A_31] : memref<4x128xi32, #tpu.memory_space<vmem>> -> memref<1x128xi32, #tpu.memory_space<vmem>>
    %dma_start3A_33 = tpu.memref_squeeze %dma_start3A_32 : memref<1x128xi32, #tpu.memory_space<vmem>> -> memref<128xi32, #tpu.memory_space<vmem>>
    %dma_start3A_34 = arith.constant 0 : i32
    %dma_start3A_35 = arith.constant 0 : i32
    %dma_start3A_36 = tpu.memref_slice %arg9[%dma_start3A_34, %dma_start3A_35] : memref<500000x128xf32, #tpu.memory_space<hbm>> -> memref<500000x128xf32, #tpu.memory_space<hbm>>
    tpu.enqueue_indirect_dma source(%dma_start3A_36 : memref<500000x128xf32, #tpu.memory_space<hbm>>) target(%dma_start3A_30 : memref<128x128xf32, #tpu.memory_space<vmem>>) offsets(%dma_start3A_33 : memref<128xi32, #tpu.memory_space<vmem>>) semaphore(%arg23 : memref<!tpu.dma_semaphore, #tpu.memory_space<semaphore_mem>>)
    %dma_start3A_37 = arith.constant 1 : i32
    %dma_start3A_38 = arith.constant 1 : i32
    %dma_start3A_39 = arith.constant 0 : i32
    %dma_start3A_40 = arith.constant 0 : i32
    %dma_start3A_41 = tpu.memref_slice %arg18[%dma_start3A_38, %dma_start3A_39, %dma_start3A_40] : memref<2x128x128xf32, #tpu.memory_space<vmem>> -> memref<1x128x128xf32, #tpu.memory_space<vmem>>
    %dma_start3A_42 = tpu.memref_squeeze %dma_start3A_41 : memref<1x128x128xf32, #tpu.memory_space<vmem>> -> memref<128x128xf32, #tpu.memory_space<vmem>>
    %dma_start3A_43 = arith.constant 0 : i32
    %dma_start3A_44 = tpu.memref_slice %arg12[%dma_start3A_37, %dma_start3A_43] : memref<4x128xi32, #tpu.memory_space<vmem>> -> memref<1x128xi32, #tpu.memory_space<vmem>>
    %dma_start3A_45 = tpu.memref_squeeze %dma_start3A_44 : memref<1x128xi32, #tpu.memory_space<vmem>> -> memref<128xi32, #tpu.memory_space<vmem>>
    %dma_start3A_46 = arith.constant 0 : i32
    %dma_start3A_47 = arith.constant 0 : i32
    %dma_start3A_48 = tpu.memref_slice %arg8[%dma_start3A_46, %dma_start3A_47] : memref<500000x128xf32, #tpu.memory_space<hbm>> -> memref<500000x128xf32, #tpu.memory_space<hbm>>
    tpu.enqueue_indirect_dma source(%dma_start3A_48 : memref<500000x128xf32, #tpu.memory_space<hbm>>) target(%dma_start3A_42 : memref<128x128xf32, #tpu.memory_space<vmem>>) offsets(%dma_start3A_45 : memref<128xi32, #tpu.memory_space<vmem>>) semaphore(%arg24 : memref<!tpu.dma_semaphore, #tpu.memory_space<semaphore_mem>>)
    %dma_start3A_49 = arith.constant 1 : i32
    %dma_start3A_50 = arith.constant 1 : i32
    %dma_start3A_51 = arith.constant 0 : i32
    %dma_start3A_52 = arith.constant 0 : i32
    %dma_start3A_53 = tpu.memref_slice %arg19[%dma_start3A_50, %dma_start3A_51, %dma_start3A_52] : memref<2x128x128xf32, #tpu.memory_space<vmem>> -> memref<1x128x128xf32, #tpu.memory_space<vmem>>
    %dma_start3A_54 = tpu.memref_squeeze %dma_start3A_53 : memref<1x128x128xf32, #tpu.memory_space<vmem>> -> memref<128x128xf32, #tpu.memory_space<vmem>>
    %dma_start3A_55 = arith.constant 0 : i32
    %dma_start3A_56 = tpu.memref_slice %arg13[%dma_start3A_49, %dma_start3A_55] : memref<4x128xi32, #tpu.memory_space<vmem>> -> memref<1x128xi32, #tpu.memory_space<vmem>>
    %dma_start3A_57 = tpu.memref_squeeze %dma_start3A_56 : memref<1x128xi32, #tpu.memory_space<vmem>> -> memref<128xi32, #tpu.memory_space<vmem>>
    %dma_start3A_58 = arith.constant 0 : i32
    %dma_start3A_59 = arith.constant 0 : i32
    %dma_start3A_60 = tpu.memref_slice %arg9[%dma_start3A_58, %dma_start3A_59] : memref<500000x128xf32, #tpu.memory_space<hbm>> -> memref<500000x128xf32, #tpu.memory_space<hbm>>
    tpu.enqueue_indirect_dma source(%dma_start3A_60 : memref<500000x128xf32, #tpu.memory_space<hbm>>) target(%dma_start3A_54 : memref<128x128xf32, #tpu.memory_space<vmem>>) offsets(%dma_start3A_57 : memref<128xi32, #tpu.memory_space<vmem>>) semaphore(%arg24 : memref<!tpu.dma_semaphore, #tpu.memory_space<semaphore_mem>>)
    %dma_start3A_61 = arith.constant 1 : i32
    %dma_start3A_62 = arith.constant 1 : i32
    %dma_start3A_63 = arith.constant 0 : i32
    %dma_start3A_64 = arith.constant 0 : i32
    %dma_start3A_65 = tpu.memref_slice %arg20[%dma_start3A_62, %dma_start3A_63, %dma_start3A_64] : memref<2x128x128xf32, #tpu.memory_space<vmem>> -> memref<1x128x128xf32, #tpu.memory_space<vmem>>
    %dma_start3A_66 = tpu.memref_squeeze %dma_start3A_65 : memref<1x128x128xf32, #tpu.memory_space<vmem>> -> memref<128x128xf32, #tpu.memory_space<vmem>>
    %dma_start3A_67 = arith.constant 0 : i32
    %dma_start3A_68 = tpu.memref_slice %arg14[%dma_start3A_61, %dma_start3A_67] : memref<4x128xi32, #tpu.memory_space<vmem>> -> memref<1x128xi32, #tpu.memory_space<vmem>>
    %dma_start3A_69 = tpu.memref_squeeze %dma_start3A_68 : memref<1x128xi32, #tpu.memory_space<vmem>> -> memref<128xi32, #tpu.memory_space<vmem>>
    %dma_start3A_70 = arith.constant 0 : i32
    %dma_start3A_71 = arith.constant 0 : i32
    %dma_start3A_72 = tpu.memref_slice %arg9[%dma_start3A_70, %dma_start3A_71] : memref<500000x128xf32, #tpu.memory_space<hbm>> -> memref<500000x128xf32, #tpu.memory_space<hbm>>
    tpu.enqueue_indirect_dma source(%dma_start3A_72 : memref<500000x128xf32, #tpu.memory_space<hbm>>) target(%dma_start3A_66 : memref<128x128xf32, #tpu.memory_space<vmem>>) offsets(%dma_start3A_69 : memref<128xi32, #tpu.memory_space<vmem>>) semaphore(%arg24 : memref<!tpu.dma_semaphore, #tpu.memory_space<semaphore_mem>>)
    %dma_wait3A = arith.constant 0 : i32
    %dma_wait3A_73 = arith.constant 0 : i32
    %dma_wait3A_74 = arith.constant 0 : i32
    %dma_wait3A_75 = arith.constant 0 : i32
    %dma_wait3A_76 = tpu.memref_slice %arg18[%dma_wait3A_73, %dma_wait3A_74, %dma_wait3A_75] : memref<2x128x128xf32, #tpu.memory_space<vmem>> -> memref<1x128x128xf32, #tpu.memory_space<vmem>>
    %dma_wait3A_77 = tpu.memref_squeeze %dma_wait3A_76 : memref<1x128x128xf32, #tpu.memory_space<vmem>> -> memref<128x128xf32, #tpu.memory_space<vmem>>
    %dma_wait3A_78 = arith.constant 0 : i32
    %dma_wait3A_79 = tpu.memref_slice %arg12[%dma_wait3A, %dma_wait3A_78] : memref<4x128xi32, #tpu.memory_space<vmem>> -> memref<1x128xi32, #tpu.memory_space<vmem>>
    %dma_wait3A_80 = tpu.memref_squeeze %dma_wait3A_79 : memref<1x128xi32, #tpu.memory_space<vmem>> -> memref<128xi32, #tpu.memory_space<vmem>>
    %dma_wait3A_81 = arith.constant 0 : i32
    %dma_wait3A_82 = arith.constant 0 : i32
    %dma_wait3A_83 = tpu.memref_slice %arg8[%dma_wait3A_81, %dma_wait3A_82] : memref<500000x128xf32, #tpu.memory_space<hbm>> -> memref<500000x128xf32, #tpu.memory_space<hbm>>
    tpu.wait_indirect_dma semaphore(%arg23 : memref<!tpu.dma_semaphore, #tpu.memory_space<semaphore_mem>>) src(%dma_wait3A_83 : memref<500000x128xf32, #tpu.memory_space<hbm>>) dst(%dma_wait3A_77 : memref<128x128xf32, #tpu.memory_space<vmem>>)
    %dma_wait3A_84 = arith.constant 0 : i32
    %dma_wait3A_85 = arith.constant 0 : i32
    %dma_wait3A_86 = arith.constant 0 : i32
    %dma_wait3A_87 = arith.constant 0 : i32
    %dma_wait3A_88 = tpu.memref_slice %arg19[%dma_wait3A_85, %dma_wait3A_86, %dma_wait3A_87] : memref<2x128x128xf32, #tpu.memory_space<vmem>> -> memref<1x128x128xf32, #tpu.memory_space<vmem>>
    %dma_wait3A_89 = tpu.memref_squeeze %dma_wait3A_88 : memref<1x128x128xf32, #tpu.memory_space<vmem>> -> memref<128x128xf32, #tpu.memory_space<vmem>>
    %dma_wait3A_90 = arith.constant 0 : i32
    %dma_wait3A_91 = tpu.memref_slice %arg13[%dma_wait3A_84, %dma_wait3A_90] : memref<4x128xi32, #tpu.memory_space<vmem>> -> memref<1x128xi32, #tpu.memory_space<vmem>>
    %dma_wait3A_92 = tpu.memref_squeeze %dma_wait3A_91 : memref<1x128xi32, #tpu.memory_space<vmem>> -> memref<128xi32, #tpu.memory_space<vmem>>
    %dma_wait3A_93 = arith.constant 0 : i32
    %dma_wait3A_94 = arith.constant 0 : i32
    %dma_wait3A_95 = tpu.memref_slice %arg9[%dma_wait3A_93, %dma_wait3A_94] : memref<500000x128xf32, #tpu.memory_space<hbm>> -> memref<500000x128xf32, #tpu.memory_space<hbm>>
    tpu.wait_indirect_dma semaphore(%arg23 : memref<!tpu.dma_semaphore, #tpu.memory_space<semaphore_mem>>) src(%dma_wait3A_95 : memref<500000x128xf32, #tpu.memory_space<hbm>>) dst(%dma_wait3A_89 : memref<128x128xf32, #tpu.memory_space<vmem>>)
    %dma_wait3A_96 = arith.constant 0 : i32
    %dma_wait3A_97 = arith.constant 0 : i32
    %dma_wait3A_98 = arith.constant 0 : i32
    %dma_wait3A_99 = arith.constant 0 : i32
    %dma_wait3A_100 = tpu.memref_slice %arg20[%dma_wait3A_97, %dma_wait3A_98, %dma_wait3A_99] : memref<2x128x128xf32, #tpu.memory_space<vmem>> -> memref<1x128x128xf32, #tpu.memory_space<vmem>>
    %dma_wait3A_101 = tpu.memref_squeeze %dma_wait3A_100 : memref<1x128x128xf32, #tpu.memory_space<vmem>> -> memref<128x128xf32, #tpu.memory_space<vmem>>
    %dma_wait3A_102 = arith.constant 0 : i32
    %dma_wait3A_103 = tpu.memref_slice %arg14[%dma_wait3A_96, %dma_wait3A_102] : memref<4x128xi32, #tpu.memory_space<vmem>> -> memref<1x128xi32, #tpu.memory_space<vmem>>
    %dma_wait3A_104 = tpu.memref_squeeze %dma_wait3A_103 : memref<1x128xi32, #tpu.memory_space<vmem>> -> memref<128xi32, #tpu.memory_space<vmem>>
    %dma_wait3A_105 = arith.constant 0 : i32
    %dma_wait3A_106 = arith.constant 0 : i32
    %dma_wait3A_107 = tpu.memref_slice %arg9[%dma_wait3A_105, %dma_wait3A_106] : memref<500000x128xf32, #tpu.memory_space<hbm>> -> memref<500000x128xf32, #tpu.memory_space<hbm>>
    tpu.wait_indirect_dma semaphore(%arg23 : memref<!tpu.dma_semaphore, #tpu.memory_space<semaphore_mem>>) src(%dma_wait3A_107 : memref<500000x128xf32, #tpu.memory_space<hbm>>) dst(%dma_wait3A_101 : memref<128x128xf32, #tpu.memory_space<vmem>>)
    %scan3A = arith.constant 0 : i32
    %scan3A_108 = arith.constant 0 : i32
    %scan3A_109 = arith.constant 0 : i32
    %scan3A_110 = arith.constant 0 : i32
    %scan3A_111 = arith.constant 8 : i32
    %scan3A_112 = arith.addi %scan3A_110, %scan3A_111 : i32
    %scan3A_113 = arith.constant 1 : i32
    %scan3A_114:7 = scf.for %scan3A_331 = %scan3A_110 to %scan3A_112 step %scan3A_113 iter_args(%scan3A_332 = %broadcast_in_dim3A_1, %scan3A_333 = %broadcast_in_dim3A_1, %scan3A_334 = %broadcast_in_dim3A_1, %scan3A_335 = %broadcast_in_dim3A_1, %scan3A_336 = %broadcast_in_dim3A_1, %scan3A_337 = %broadcast_in_dim3A_1, %scan3A_338 = %broadcast_in_dim3A_1) -> (vector<16xf32>, vector<16xf32>, vector<16xf32>, vector<16xf32>, vector<16xf32>, vector<16xf32>, vector<16xf32>)  : i32 {
      %mul3A_339 = arith.constant 16 : i32
      %mul3A_340 = arith.muli %scan3A_331, %mul3A_339 : i32
      %add3A_341 = vector.broadcast %mul3A_340 : i32 to vector<16xi32>
      %add3A_342 = arith.addi %add3A_341, %iota3A : vector<16xi32>
      %mul3A_343 = arith.constant 16 : i32
      %mul3A_344 = arith.muli %scan3A_331, %mul3A_343 : i32
      %get3A = arith.constant 0 : i32
      %get3A_345 = arith.index_cast %get3A : i32 to index
      %get3A_346 = arith.index_cast %mul3A_344 : i32 to index
      %get3A_347 = tpu.vector_load %arg15[%get3A_345, %get3A_346] {strides = array<i32>} : memref<4x128xi32, #tpu.memory_space<vmem>>, vector<16xi32>,
      %and3A = arith.constant 1 : i32
      %and3A_348 = vector.broadcast %and3A : i32 to vector<16xi32>
      %and3A_349 = arith.andi %get3A_347, %and3A_348 : vector<16xi32>
      %shift_left3A = arith.constant 6 : i32
      %shift_left3A_350 = vector.broadcast %shift_left3A : i32 to vector<16xi32>
      %shift_left3A_351 = arith.shli %and3A_349, %shift_left3A_350 : vector<16xi32>
      %get3A_352 = arith.constant 0 : i32
      %get3A_353 = arith.index_cast %get3A_352 : i32 to index
      %get3A_354 = arith.index_cast %mul3A_344 : i32 to index
      %get3A_355 = tpu.vector_load %arg16[%get3A_353, %get3A_354] {strides = array<i32>} : memref<4x128xi32, #tpu.memory_space<vmem>>, vector<16xi32>,
      %and3A_356 = arith.constant 1 : i32
      %and3A_357 = vector.broadcast %and3A_356 : i32 to vector<16xi32>
      %and3A_358 = arith.andi %get3A_355, %and3A_357 : vector<16xi32>
      %shift_left3A_359 = arith.constant 6 : i32
      %shift_left3A_360 = vector.broadcast %shift_left3A_359 : i32 to vector<16xi32>
      %shift_left3A_361 = arith.shli %and3A_358, %shift_left3A_360 : vector<16xi32>
      %get3A_362 = arith.constant 0 : i32
      %get3A_363 = arith.index_cast %get3A_362 : i32 to index
      %get3A_364 = arith.index_cast %mul3A_344 : i32 to index
      %get3A_365 = tpu.vector_load %arg17[%get3A_363, %get3A_364] {strides = array<i32>} : memref<4x128xi32, #tpu.memory_space<vmem>>, vector<16xi32>,
      %and3A_366 = arith.constant 1 : i32
      %and3A_367 = vector.broadcast %and3A_366 : i32 to vector<16xi32>
      %and3A_368 = arith.andi %get3A_365, %and3A_367 : vector<16xi32>
      %shift_left3A_369 = arith.constant 6 : i32
      %shift_left3A_370 = vector.broadcast %shift_left3A_369 : i32 to vector<16xi32>
      %shift_left3A_371 = arith.shli %and3A_368, %shift_left3A_370 : vector<16xi32>
      %scan3A_372 = arith.constant 0 : i32
      %scan3A_373 = arith.constant 4 : i32
      %scan3A_374 = arith.addi %scan3A_372, %scan3A_373 : i32
      %scan3A_375 = arith.constant 1 : i32
      %scan3A_376:10 = scf.for %scan3A_406 = %scan3A_372 to %scan3A_374 step %scan3A_375 iter_args(%scan3A_407 = %broadcast_in_dim3A_1, %scan3A_408 = %broadcast_in_dim3A_1, %scan3A_409 = %broadcast_in_dim3A_1, %scan3A_410 = %broadcast_in_dim3A_1, %scan3A_411 = %scan3A_333, %scan3A_412 = %scan3A_334, %scan3A_413 = %scan3A_335, %scan3A_414 = %scan3A_336, %scan3A_415 = %scan3A_337, %scan3A_416 = %scan3A_338) -> (vector<16xf32>, vector<16xf32>, vector<16xf32>, vector<16xf32>, vector<16xf32>, vector<16xf32>, vector<16xf32>, vector<16xf32>, vector<16xf32>, vector<16xf32>)  : i32 {
        %mul3A_417 = arith.constant 16 : i32
        %mul3A_418 = arith.muli %scan3A_406, %mul3A_417 : i32
        %add3A_419 = vector.broadcast %mul3A_418 : i32 to vector<16xi32>
        %add3A_420 = arith.addi %iota3A, %add3A_419 : vector<16xi32>
        %add3A_421 = arith.constant 0 : i32
        %add3A_422 = vector.broadcast %add3A_421 : i32 to vector<16xi32>
        %add3A_423 = arith.addi %add3A_420, %add3A_422 : vector<16xi32>
        %and3A_424 = arith.constant 63 : i32
        %and3A_425 = vector.broadcast %and3A_424 : i32 to vector<16xi32>
        %and3A_426 = arith.andi %add3A_423, %and3A_425 : vector<16xi32>
        %add3A_427 = arith.addi %shift_left3A_351, %and3A_426 : vector<16xi32>
        %gather3A = arith.constant 0 : i32
        %gather3A_428 = arith.constant 0 : i32
        %gather3A_429 = tpu.memref_slice %arg18[%scan3A, %gather3A, %gather3A_428] : memref<2x128x128xf32, #tpu.memory_space<vmem>> -> memref<1x128x128xf32, #tpu.memory_space<vmem>>
        %gather3A_430 = tpu.memref_squeeze %gather3A_429 : memref<1x128x128xf32, #tpu.memory_space<vmem>> -> memref<128x128xf32, #tpu.memory_space<vmem>>
        %gather3A_431 = tpu.vector_load_idx %gather3A_430[%add3A_342, %add3A_427] : memref<128x128xf32, #tpu.memory_space<vmem>>[vector<16xi32>, vector<16xi32>], vector<16xf32>,
        %add3A_432 = arith.addi %shift_left3A_361, %and3A_426 : vector<16xi32>
        %gather3A_433 = arith.constant 0 : i32
        %gather3A_434 = arith.constant 0 : i32
        %gather3A_435 = tpu.memref_slice %arg19[%scan3A_108, %gather3A_433, %gather3A_434] : memref<2x128x128xf32, #tpu.memory_space<vmem>> -> memref<1x128x128xf32, #tpu.memory_space<vmem>>
        %gather3A_436 = tpu.memref_squeeze %gather3A_435 : memref<1x128x128xf32, #tpu.memory_space<vmem>> -> memref<128x128xf32, #tpu.memory_space<vmem>>
        %gather3A_437 = tpu.vector_load_idx %gather3A_436[%add3A_342, %add3A_432] : memref<128x128xf32, #tpu.memory_space<vmem>>[vector<16xi32>, vector<16xi32>], vector<16xf32>,
        %add3A_438 = arith.addi %shift_left3A_371, %and3A_426 : vector<16xi32>
        %gather3A_439 = arith.constant 0 : i32
        %gather3A_440 = arith.constant 0 : i32
        %gather3A_441 = tpu.memref_slice %arg20[%scan3A_109, %gather3A_439, %gather3A_440] : memref<2x128x128xf32, #tpu.memory_space<vmem>> -> memref<1x128x128xf32, #tpu.memory_space<vmem>>
        %gather3A_442 = tpu.memref_squeeze %gather3A_441 : memref<1x128x128xf32, #tpu.memory_space<vmem>> -> memref<128x128xf32, #tpu.memory_space<vmem>>
        %gather3A_443 = tpu.vector_load_idx %gather3A_442[%add3A_342, %add3A_438] : memref<128x128xf32, #tpu.memory_space<vmem>>[vector<16xi32>, vector<16xi32>], vector<16xf32>,
        %sub3A = arith.subf %gather3A_443, %gather3A_437 : vector<16xf32>
        %mul3A_444 = arith.mulf %gather3A_431, %sub3A : vector<16xf32>
        %add3A_445 = arith.addf %scan3A_407, %mul3A_444 : vector<16xf32>
        %mul3A_446 = arith.mulf %gather3A_431, %gather3A_431 : vector<16xf32>
        %add3A_447 = arith.addf %scan3A_411, %mul3A_446 : vector<16xf32>
        %mul3A_448 = arith.mulf %gather3A_437, %gather3A_437 : vector<16xf32>
        %add3A_449 = arith.addf %scan3A_413, %mul3A_448 : vector<16xf32>
        %mul3A_450 = arith.mulf %gather3A_443, %gather3A_443 : vector<16xf32>
        %add3A_451 = arith.addf %scan3A_415, %mul3A_450 : vector<16xf32>
        %add3A_452 = arith.constant 1 : i32
        %add3A_453 = vector.broadcast %add3A_452 : i32 to vector<16xi32>
        %add3A_454 = arith.addi %add3A_420, %add3A_453 : vector<16xi32>
        %and3A_455 = arith.constant 63 : i32
        %and3A_456 = vector.broadcast %and3A_455 : i32 to vector<16xi32>
        %and3A_457 = arith.andi %add3A_454, %and3A_456 : vector<16xi32>
        %add3A_458 = arith.addi %shift_left3A_351, %and3A_457 : vector<16xi32>
        %gather3A_459 = arith.constant 0 : i32
        %gather3A_460 = arith.constant 0 : i32
        %gather3A_461 = tpu.memref_slice %arg18[%scan3A, %gather3A_459, %gather3A_460] : memref<2x128x128xf32, #tpu.memory_space<vmem>> -> memref<1x128x128xf32, #tpu.memory_space<vmem>>
        %gather3A_462 = tpu.memref_squeeze %gather3A_461 : memref<1x128x128xf32, #tpu.memory_space<vmem>> -> memref<128x128xf32, #tpu.memory_space<vmem>>
        %gather3A_463 = tpu.vector_load_idx %gather3A_462[%add3A_342, %add3A_458] : memref<128x128xf32, #tpu.memory_space<vmem>>[vector<16xi32>, vector<16xi32>], vector<16xf32>,
        %add3A_464 = arith.addi %shift_left3A_361, %and3A_457 : vector<16xi32>
        %gather3A_465 = arith.constant 0 : i32
        %gather3A_466 = arith.constant 0 : i32
        %gather3A_467 = tpu.memref_slice %arg19[%scan3A_108, %gather3A_465, %gather3A_466] : memref<2x128x128xf32, #tpu.memory_space<vmem>> -> memref<1x128x128xf32, #tpu.memory_space<vmem>>
        %gather3A_468 = tpu.memref_squeeze %gather3A_467 : memref<1x128x128xf32, #tpu.memory_space<vmem>> -> memref<128x128xf32, #tpu.memory_space<vmem>>
        %gather3A_469 = tpu.vector_load_idx %gather3A_468[%add3A_342, %add3A_464] : memref<128x128xf32, #tpu.memory_space<vmem>>[vector<16xi32>, vector<16xi32>], vector<16xf32>,
        %add3A_470 = arith.addi %shift_left3A_371, %and3A_457 : vector<16xi32>
        %gather3A_471 = arith.constant 0 : i32
        %gather3A_472 = arith.constant 0 : i32
        %gather3A_473 = tpu.memref_slice %arg20[%scan3A_109, %gather3A_471, %gather3A_472] : memref<2x128x128xf32, #tpu.memory_space<vmem>> -> memref<1x128x128xf32, #tpu.memory_space<vmem>>
        %gather3A_474 = tpu.memref_squeeze %gather3A_473 : memref<1x128x128xf32, #tpu.memory_space<vmem>> -> memref<128x128xf32, #tpu.memory_space<vmem>>
        %gather3A_475 = tpu.vector_load_idx %gather3A_474[%add3A_342, %add3A_470] : memref<128x128xf32, #tpu.memory_space<vmem>>[vector<16xi32>, vector<16xi32>], vector<16xf32>,
        %sub3A_476 = arith.subf %gather3A_475, %gather3A_469 : vector<16xf32>
        %mul3A_477 = arith.mulf %gather3A_463, %sub3A_476 : vector<16xf32>
        %add3A_478 = arith.addf %scan3A_408, %mul3A_477 : vector<16xf32>
        %mul3A_479 = arith.mulf %gather3A_463, %gather3A_463 : vector<16xf32>
        %add3A_480 = arith.addf %scan3A_412, %mul3A_479 : vector<16xf32>
        %mul3A_481 = arith.mulf %gather3A_469, %gather3A_469 : vector<16xf32>
        %add3A_482 = arith.addf %scan3A_414, %mul3A_481 : vector<16xf32>
        %mul3A_483 = arith.mulf %gather3A_475, %gather3A_475 : vector<16xf32>
        %add3A_484 = arith.addf %scan3A_416, %mul3A_483 : vector<16xf32>
        %add3A_485 = arith.constant 2 : i32
        %add3A_486 = vector.broadcast %add3A_485 : i32 to vector<16xi32>
        %add3A_487 = arith.addi %add3A_420, %add3A_486 : vector<16xi32>
        %and3A_488 = arith.constant 63 : i32
        %and3A_489 = vector.broadcast %and3A_488 : i32 to vector<16xi32>
        %and3A_490 = arith.andi %add3A_487, %and3A_489 : vector<16xi32>
        %add3A_491 = arith.addi %shift_left3A_351, %and3A_490 : vector<16xi32>
        %gather3A_492 = arith.constant 0 : i32
        %gather3A_493 = arith.constant 0 : i32
        %gather3A_494 = tpu.memref_slice %arg18[%scan3A, %gather3A_492, %gather3A_493] : memref<2x128x128xf32, #tpu.memory_space<vmem>> -> memref<1x128x128xf32, #tpu.memory_space<vmem>>
        %gather3A_495 = tpu.memref_squeeze %gather3A_494 : memref<1x128x128xf32, #tpu.memory_space<vmem>> -> memref<128x128xf32, #tpu.memory_space<vmem>>
        %gather3A_496 = tpu.vector_load_idx %gather3A_495[%add3A_342, %add3A_491] : memref<128x128xf32, #tpu.memory_space<vmem>>[vector<16xi32>, vector<16xi32>], vector<16xf32>,
        %add3A_497 = arith.addi %shift_left3A_361, %and3A_490 : vector<16xi32>
        %gather3A_498 = arith.constant 0 : i32
        %gather3A_499 = arith.constant 0 : i32
        %gather3A_500 = tpu.memref_slice %arg19[%scan3A_108, %gather3A_498, %gather3A_499] : memref<2x128x128xf32, #tpu.memory_space<vmem>> -> memref<1x128x128xf32, #tpu.memory_space<vmem>>
        %gather3A_501 = tpu.memref_squeeze %gather3A_500 : memref<1x128x128xf32, #tpu.memory_space<vmem>> -> memref<128x128xf32, #tpu.memory_space<vmem>>
        %gather3A_502 = tpu.vector_load_idx %gather3A_501[%add3A_342, %add3A_497] : memref<128x128xf32, #tpu.memory_space<vmem>>[vector<16xi32>, vector<16xi32>], vector<16xf32>,
        %add3A_503 = arith.addi %shift_left3A_371, %and3A_490 : vector<16xi32>
        %gather3A_504 = arith.constant 0 : i32
        %gather3A_505 = arith.constant 0 : i32
        %gather3A_506 = tpu.memref_slice %arg20[%scan3A_109, %gather3A_504, %gather3A_505] : memref<2x128x128xf32, #tpu.memory_space<vmem>> -> memref<1x128x128xf32, #tpu.memory_space<vmem>>
        %gather3A_507 = tpu.memref_squeeze %gather3A_506 : memref<1x128x128xf32, #tpu.memory_space<vmem>> -> memref<128x128xf32, #tpu.memory_space<vmem>>
        %gather3A_508 = tpu.vector_load_idx %gather3A_507[%add3A_342, %add3A_503] : memref<128x128xf32, #tpu.memory_space<vmem>>[vector<16xi32>, vector<16xi32>], vector<16xf32>,
        %sub3A_509 = arith.subf %gather3A_508, %gather3A_502 : vector<16xf32>
        %mul3A_510 = arith.mulf %gather3A_496, %sub3A_509 : vector<16xf32>
        %add3A_511 = arith.addf %scan3A_409, %mul3A_510 : vector<16xf32>
        %mul3A_512 = arith.mulf %gather3A_496, %gather3A_496 : vector<16xf32>
        %add3A_513 = arith.addf %add3A_447, %mul3A_512 : vector<16xf32>
        %mul3A_514 = arith.mulf %gather3A_502, %gather3A_502 : vector<16xf32>
        %add3A_515 = arith.addf %add3A_449, %mul3A_514 : vector<16xf32>
        %mul3A_516 = arith.mulf %gather3A_508, %gather3A_508 : vector<16xf32>
        %add3A_517 = arith.addf %add3A_451, %mul3A_516 : vector<16xf32>
        %add3A_518 = arith.constant 3 : i32
        %add3A_519 = vector.broadcast %add3A_518 : i32 to vector<16xi32>
        %add3A_520 = arith.addi %add3A_420, %add3A_519 : vector<16xi32>
        %and3A_521 = arith.constant 63 : i32
        %and3A_522 = vector.broadcast %and3A_521 : i32 to vector<16xi32>
        %and3A_523 = arith.andi %add3A_520, %and3A_522 : vector<16xi32>
        %add3A_524 = arith.addi %shift_left3A_351, %and3A_523 : vector<16xi32>
        %gather3A_525 = arith.constant 0 : i32
        %gather3A_526 = arith.constant 0 : i32
        %gather3A_527 = tpu.memref_slice %arg18[%scan3A, %gather3A_525, %gather3A_526] : memref<2x128x128xf32, #tpu.memory_space<vmem>> -> memref<1x128x128xf32, #tpu.memory_space<vmem>>
        %gather3A_528 = tpu.memref_squeeze %gather3A_527 : memref<1x128x128xf32, #tpu.memory_space<vmem>> -> memref<128x128xf32, #tpu.memory_space<vmem>>
        %gather3A_529 = tpu.vector_load_idx %gather3A_528[%add3A_342, %add3A_524] : memref<128x128xf32, #tpu.memory_space<vmem>>[vector<16xi32>, vector<16xi32>], vector<16xf32>,
        %add3A_530 = arith.addi %shift_left3A_361, %and3A_523 : vector<16xi32>
        %gather3A_531 = arith.constant 0 : i32
        %gather3A_532 = arith.constant 0 : i32
        %gather3A_533 = tpu.memref_slice %arg19[%scan3A_108, %gather3A_531, %gather3A_532] : memref<2x128x128xf32, #tpu.memory_space<vmem>> -> memref<1x128x128xf32, #tpu.memory_space<vmem>>
        %gather3A_534 = tpu.memref_squeeze %gather3A_533 : memref<1x128x128xf32, #tpu.memory_space<vmem>> -> memref<128x128xf32, #tpu.memory_space<vmem>>
        %gather3A_535 = tpu.vector_load_idx %gather3A_534[%add3A_342, %add3A_530] : memref<128x128xf32, #tpu.memory_space<vmem>>[vector<16xi32>, vector<16xi32>], vector<16xf32>,
        %add3A_536 = arith.addi %shift_left3A_371, %and3A_523 : vector<16xi32>
        %gather3A_537 = arith.constant 0 : i32
        %gather3A_538 = arith.constant 0 : i32
        %gather3A_539 = tpu.memref_slice %arg20[%scan3A_109, %gather3A_537, %gather3A_538] : memref<2x128x128xf32, #tpu.memory_space<vmem>> -> memref<1x128x128xf32, #tpu.memory_space<vmem>>
        %gather3A_540 = tpu.memref_squeeze %gather3A_539 : memref<1x128x128xf32, #tpu.memory_space<vmem>> -> memref<128x128xf32, #tpu.memory_space<vmem>>
        %gather3A_541 = tpu.vector_load_idx %gather3A_540[%add3A_342, %add3A_536] : memref<128x128xf32, #tpu.memory_space<vmem>>[vector<16xi32>, vector<16xi32>], vector<16xf32>,
        %sub3A_542 = arith.subf %gather3A_541, %gather3A_535 : vector<16xf32>
        %mul3A_543 = arith.mulf %gather3A_529, %sub3A_542 : vector<16xf32>
        %add3A_544 = arith.addf %scan3A_410, %mul3A_543 : vector<16xf32>
        %mul3A_545 = arith.mulf %gather3A_529, %gather3A_529 : vector<16xf32>
        %add3A_546 = arith.addf %add3A_480, %mul3A_545 : vector<16xf32>
        %mul3A_547 = arith.mulf %gather3A_535, %gather3A_535 : vector<16xf32>
        %add3A_548 = arith.addf %add3A_482, %mul3A_547 : vector<16xf32>
        %mul3A_549 = arith.mulf %gather3A_541, %gather3A_541 : vector<16xf32>
        %add3A_550 = arith.addf %add3A_484, %mul3A_549 : vector<16xf32>
        %add3A_551 = arith.constant 4 : i32
        %add3A_552 = vector.broadcast %add3A_551 : i32 to vector<16xi32>
        %add3A_553 = arith.addi %add3A_420, %add3A_552 : vector<16xi32>
        %and3A_554 = arith.constant 63 : i32
        %and3A_555 = vector.broadcast %and3A_554 : i32 to vector<16xi32>
        %and3A_556 = arith.andi %add3A_553, %and3A_555 : vector<16xi32>
        %add3A_557 = arith.addi %shift_left3A_351, %and3A_556 : vector<16xi32>
        %gather3A_558 = arith.constant 0 : i32
        %gather3A_559 = arith.constant 0 : i32
        %gather3A_560 = tpu.memref_slice %arg18[%scan3A, %gather3A_558, %gather3A_559] : memref<2x128x128xf32, #tpu.memory_space<vmem>> -> memref<1x128x128xf32, #tpu.memory_space<vmem>>
        %gather3A_561 = tpu.memref_squeeze %gather3A_560 : memref<1x128x128xf32, #tpu.memory_space<vmem>> -> memref<128x128xf32, #tpu.memory_space<vmem>>
        %gather3A_562 = tpu.vector_load_idx %gather3A_561[%add3A_342, %add3A_557] : memref<128x128xf32, #tpu.memory_space<vmem>>[vector<16xi32>, vector<16xi32>], vector<16xf32>,
        %add3A_563 = arith.addi %shift_left3A_361, %and3A_556 : vector<16xi32>
        %gather3A_564 = arith.constant 0 : i32
        %gather3A_565 = arith.constant 0 : i32
        %gather3A_566 = tpu.memref_slice %arg19[%scan3A_108, %gather3A_564, %gather3A_565] : memref<2x128x128xf32, #tpu.memory_space<vmem>> -> memref<1x128x128xf32, #tpu.memory_space<vmem>>
        %gather3A_567 = tpu.memref_squeeze %gather3A_566 : memref<1x128x128xf32, #tpu.memory_space<vmem>> -> memref<128x128xf32, #tpu.memory_space<vmem>>
        %gather3A_568 = tpu.vector_load_idx %gather3A_567[%add3A_342, %add3A_563] : memref<128x128xf32, #tpu.memory_space<vmem>>[vector<16xi32>, vector<16xi32>], vector<16xf32>,
        %add3A_569 = arith.addi %shift_left3A_371, %and3A_556 : vector<16xi32>
        %gather3A_570 = arith.constant 0 : i32
        %gather3A_571 = arith.constant 0 : i32
        %gather3A_572 = tpu.memref_slice %arg20[%scan3A_109, %gather3A_570, %gather3A_571] : memref<2x128x128xf32, #tpu.memory_space<vmem>> -> memref<1x128x128xf32, #tpu.memory_space<vmem>>
        %gather3A_573 = tpu.memref_squeeze %gather3A_572 : memref<1x128x128xf32, #tpu.memory_space<vmem>> -> memref<128x128xf32, #tpu.memory_space<vmem>>
        %gather3A_574 = tpu.vector_load_idx %gather3A_573[%add3A_342, %add3A_569] : memref<128x128xf32, #tpu.memory_space<vmem>>[vector<16xi32>, vector<16xi32>], vector<16xf32>,
        %sub3A_575 = arith.subf %gather3A_574, %gather3A_568 : vector<16xf32>
        %mul3A_576 = arith.mulf %gather3A_562, %sub3A_575 : vector<16xf32>
        %add3A_577 = arith.addf %add3A_445, %mul3A_576 : vector<16xf32>
        %mul3A_578 = arith.mulf %gather3A_562, %gather3A_562 : vector<16xf32>
        %add3A_579 = arith.addf %add3A_513, %mul3A_578 : vector<16xf32>
        %mul3A_580 = arith.mulf %gather3A_568, %gather3A_568 : vector<16xf32>
        %add3A_581 = arith.addf %add3A_515, %mul3A_580 : vector<16xf32>
        %mul3A_582 = arith.mulf %gather3A_574, %gather3A_574 : vector<16xf32>
        %add3A_583 = arith.addf %add3A_517, %mul3A_582 : vector<16xf32>
        %add3A_584 = arith.constant 5 : i32
        %add3A_585 = vector.broadcast %add3A_584 : i32 to vector<16xi32>
        %add3A_586 = arith.addi %add3A_420, %add3A_585 : vector<16xi32>
        %and3A_587 = arith.constant 63 : i32
        %and3A_588 = vector.broadcast %and3A_587 : i32 to vector<16xi32>
        %and3A_589 = arith.andi %add3A_586, %and3A_588 : vector<16xi32>
        %add3A_590 = arith.addi %shift_left3A_351, %and3A_589 : vector<16xi32>
        %gather3A_591 = arith.constant 0 : i32
        %gather3A_592 = arith.constant 0 : i32
        %gather3A_593 = tpu.memref_slice %arg18[%scan3A, %gather3A_591, %gather3A_592] : memref<2x128x128xf32, #tpu.memory_space<vmem>> -> memref<1x128x128xf32, #tpu.memory_space<vmem>>
        %gather3A_594 = tpu.memref_squeeze %gather3A_593 : memref<1x128x128xf32, #tpu.memory_space<vmem>> -> memref<128x128xf32, #tpu.memory_space<vmem>>
        %gather3A_595 = tpu.vector_load_idx %gather3A_594[%add3A_342, %add3A_590] : memref<128x128xf32, #tpu.memory_space<vmem>>[vector<16xi32>, vector<16xi32>], vector<16xf32>,
        %add3A_596 = arith.addi %shift_left3A_361, %and3A_589 : vector<16xi32>
        %gather3A_597 = arith.constant 0 : i32
        %gather3A_598 = arith.constant 0 : i32
        %gather3A_599 = tpu.memref_slice %arg19[%scan3A_108, %gather3A_597, %gather3A_598] : memref<2x128x128xf32, #tpu.memory_space<vmem>> -> memref<1x128x128xf32, #tpu.memory_space<vmem>>
        %gather3A_600 = tpu.memref_squeeze %gather3A_599 : memref<1x128x128xf32, #tpu.memory_space<vmem>> -> memref<128x128xf32, #tpu.memory_space<vmem>>
        %gather3A_601 = tpu.vector_load_idx %gather3A_600[%add3A_342, %add3A_596] : memref<128x128xf32, #tpu.memory_space<vmem>>[vector<16xi32>, vector<16xi32>], vector<16xf32>,
        %add3A_602 = arith.addi %shift_left3A_371, %and3A_589 : vector<16xi32>
        %gather3A_603 = arith.constant 0 : i32
        %gather3A_604 = arith.constant 0 : i32
        %gather3A_605 = tpu.memref_slice %arg20[%scan3A_109, %gather3A_603, %gather3A_604] : memref<2x128x128xf32, #tpu.memory_space<vmem>> -> memref<1x128x128xf32, #tpu.memory_space<vmem>>
        %gather3A_606 = tpu.memref_squeeze %gather3A_605 : memref<1x128x128xf32, #tpu.memory_space<vmem>> -> memref<128x128xf32, #tpu.memory_space<vmem>>
        %gather3A_607 = tpu.vector_load_idx %gather3A_606[%add3A_342, %add3A_602] : memref<128x128xf32, #tpu.memory_space<vmem>>[vector<16xi32>, vector<16xi32>], vector<16xf32>,
        %sub3A_608 = arith.subf %gather3A_607, %gather3A_601 : vector<16xf32>
        %mul3A_609 = arith.mulf %gather3A_595, %sub3A_608 : vector<16xf32>
        %add3A_610 = arith.addf %add3A_478, %mul3A_609 : vector<16xf32>
        %mul3A_611 = arith.mulf %gather3A_595, %gather3A_595 : vector<16xf32>
        %add3A_612 = arith.addf %add3A_546, %mul3A_611 : vector<16xf32>
        %mul3A_613 = arith.mulf %gather3A_601, %gather3A_601 : vector<16xf32>
        %add3A_614 = arith.addf %add3A_548, %mul3A_613 : vector<16xf32>
        %mul3A_615 = arith.mulf %gather3A_607, %gather3A_607 : vector<16xf32>
        %add3A_616 = arith.addf %add3A_550, %mul3A_615 : vector<16xf32>
        %add3A_617 = arith.constant 6 : i32
        %add3A_618 = vector.broadcast %add3A_617 : i32 to vector<16xi32>
        %add3A_619 = arith.addi %add3A_420, %add3A_618 : vector<16xi32>
        %and3A_620 = arith.constant 63 : i32
        %and3A_621 = vector.broadcast %and3A_620 : i32 to vector<16xi32>
        %and3A_622 = arith.andi %add3A_619, %and3A_621 : vector<16xi32>
        %add3A_623 = arith.addi %shift_left3A_351, %and3A_622 : vector<16xi32>
        %gather3A_624 = arith.constant 0 : i32
        %gather3A_625 = arith.constant 0 : i32
        %gather3A_626 = tpu.memref_slice %arg18[%scan3A, %gather3A_624, %gather3A_625] : memref<2x128x128xf32, #tpu.memory_space<vmem>> -> memref<1x128x128xf32, #tpu.memory_space<vmem>>
        %gather3A_627 = tpu.memref_squeeze %gather3A_626 : memref<1x128x128xf32, #tpu.memory_space<vmem>> -> memref<128x128xf32, #tpu.memory_space<vmem>>
        %gather3A_628 = tpu.vector_load_idx %gather3A_627[%add3A_342, %add3A_623] : memref<128x128xf32, #tpu.memory_space<vmem>>[vector<16xi32>, vector<16xi32>], vector<16xf32>,
        %add3A_629 = arith.addi %shift_left3A_361, %and3A_622 : vector<16xi32>
        %gather3A_630 = arith.constant 0 : i32
        %gather3A_631 = arith.constant 0 : i32
        %gather3A_632 = tpu.memref_slice %arg19[%scan3A_108, %gather3A_630, %gather3A_631] : memref<2x128x128xf32, #tpu.memory_space<vmem>> -> memref<1x128x128xf32, #tpu.memory_space<vmem>>
        %gather3A_633 = tpu.memref_squeeze %gather3A_632 : memref<1x128x128xf32, #tpu.memory_space<vmem>> -> memref<128x128xf32, #tpu.memory_space<vmem>>
        %gather3A_634 = tpu.vector_load_idx %gather3A_633[%add3A_342, %add3A_629] : memref<128x128xf32, #tpu.memory_space<vmem>>[vector<16xi32>, vector<16xi32>], vector<16xf32>,
        %add3A_635 = arith.addi %shift_left3A_371, %and3A_622 : vector<16xi32>
        %gather3A_636 = arith.constant 0 : i32
        %gather3A_637 = arith.constant 0 : i32
        %gather3A_638 = tpu.memref_slice %arg20[%scan3A_109, %gather3A_636, %gather3A_637] : memref<2x128x128xf32, #tpu.memory_space<vmem>> -> memref<1x128x128xf32, #tpu.memory_space<vmem>>
        %gather3A_639 = tpu.memref_squeeze %gather3A_638 : memref<1x128x128xf32, #tpu.memory_space<vmem>> -> memref<128x128xf32, #tpu.memory_space<vmem>>
        %gather3A_640 = tpu.vector_load_idx %gather3A_639[%add3A_342, %add3A_635] : memref<128x128xf32, #tpu.memory_space<vmem>>[vector<16xi32>, vector<16xi32>], vector<16xf32>,
        %sub3A_641 = arith.subf %gather3A_640, %gather3A_634 : vector<16xf32>
        %mul3A_642 = arith.mulf %gather3A_628, %sub3A_641 : vector<16xf32>
        %add3A_643 = arith.addf %add3A_511, %mul3A_642 : vector<16xf32>
        %mul3A_644 = arith.mulf %gather3A_628, %gather3A_628 : vector<16xf32>
        %add3A_645 = arith.addf %add3A_579, %mul3A_644 : vector<16xf32>
        %mul3A_646 = arith.mulf %gather3A_634, %gather3A_634 : vector<16xf32>
        %add3A_647 = arith.addf %add3A_581, %mul3A_646 : vector<16xf32>
        %mul3A_648 = arith.mulf %gather3A_640, %gather3A_640 : vector<16xf32>
        %add3A_649 = arith.addf %add3A_583, %mul3A_648 : vector<16xf32>
        %add3A_650 = arith.constant 7 : i32
        %add3A_651 = vector.broadcast %add3A_650 : i32 to vector<16xi32>
        %add3A_652 = arith.addi %add3A_420, %add3A_651 : vector<16xi32>
        %and3A_653 = arith.constant 63 : i32
        %and3A_654 = vector.broadcast %and3A_653 : i32 to vector<16xi32>
        %and3A_655 = arith.andi %add3A_652, %and3A_654 : vector<16xi32>
        %add3A_656 = arith.addi %shift_left3A_351, %and3A_655 : vector<16xi32>
        %gather3A_657 = arith.constant 0 : i32
        %gather3A_658 = arith.constant 0 : i32
        %gather3A_659 = tpu.memref_slice %arg18[%scan3A, %gather3A_657, %gather3A_658] : memref<2x128x128xf32, #tpu.memory_space<vmem>> -> memref<1x128x128xf32, #tpu.memory_space<vmem>>
        %gather3A_660 = tpu.memref_squeeze %gather3A_659 : memref<1x128x128xf32, #tpu.memory_space<vmem>> -> memref<128x128xf32, #tpu.memory_space<vmem>>
        %gather3A_661 = tpu.vector_load_idx %gather3A_660[%add3A_342, %add3A_656] : memref<128x128xf32, #tpu.memory_space<vmem>>[vector<16xi32>, vector<16xi32>], vector<16xf32>,
        %add3A_662 = arith.addi %shift_left3A_361, %and3A_655 : vector<16xi32>
        %gather3A_663 = arith.constant 0 : i32
        %gather3A_664 = arith.constant 0 : i32
        %gather3A_665 = tpu.memref_slice %arg19[%scan3A_108, %gather3A_663, %gather3A_664] : memref<2x128x128xf32, #tpu.memory_space<vmem>> -> memref<1x128x128xf32, #tpu.memory_space<vmem>>
        %gather3A_666 = tpu.memref_squeeze %gather3A_665 : memref<1x128x128xf32, #tpu.memory_space<vmem>> -> memref<128x128xf32, #tpu.memory_space<vmem>>
        %gather3A_667 = tpu.vector_load_idx %gather3A_666[%add3A_342, %add3A_662] : memref<128x128xf32, #tpu.memory_space<vmem>>[vector<16xi32>, vector<16xi32>], vector<16xf32>,
        %add3A_668 = arith.addi %shift_left3A_371, %and3A_655 : vector<16xi32>
        %gather3A_669 = arith.constant 0 : i32
        %gather3A_670 = arith.constant 0 : i32
        %gather3A_671 = tpu.memref_slice %arg20[%scan3A_109, %gather3A_669, %gather3A_670] : memref<2x128x128xf32, #tpu.memory_space<vmem>> -> memref<1x128x128xf32, #tpu.memory_space<vmem>>
        %gather3A_672 = tpu.memref_squeeze %gather3A_671 : memref<1x128x128xf32, #tpu.memory_space<vmem>> -> memref<128x128xf32, #tpu.memory_space<vmem>>
        %gather3A_673 = tpu.vector_load_idx %gather3A_672[%add3A_342, %add3A_668] : memref<128x128xf32, #tpu.memory_space<vmem>>[vector<16xi32>, vector<16xi32>], vector<16xf32>,
        %sub3A_674 = arith.subf %gather3A_673, %gather3A_667 : vector<16xf32>
        %mul3A_675 = arith.mulf %gather3A_661, %sub3A_674 : vector<16xf32>
        %add3A_676 = arith.addf %add3A_544, %mul3A_675 : vector<16xf32>
        %mul3A_677 = arith.mulf %gather3A_661, %gather3A_661 : vector<16xf32>
        %add3A_678 = arith.addf %add3A_612, %mul3A_677 : vector<16xf32>
        %mul3A_679 = arith.mulf %gather3A_667, %gather3A_667 : vector<16xf32>
        %add3A_680 = arith.addf %add3A_614, %mul3A_679 : vector<16xf32>
        %mul3A_681 = arith.mulf %gather3A_673, %gather3A_673 : vector<16xf32>
        %add3A_682 = arith.addf %add3A_616, %mul3A_681 : vector<16xf32>
        %add3A_683 = arith.constant 8 : i32
        %add3A_684 = vector.broadcast %add3A_683 : i32 to vector<16xi32>
        %add3A_685 = arith.addi %add3A_420, %add3A_684 : vector<16xi32>
        %and3A_686 = arith.constant 63 : i32
        %and3A_687 = vector.broadcast %and3A_686 : i32 to vector<16xi32>
        %and3A_688 = arith.andi %add3A_685, %and3A_687 : vector<16xi32>
        %add3A_689 = arith.addi %shift_left3A_351, %and3A_688 : vector<16xi32>
        %gather3A_690 = arith.constant 0 : i32
        %gather3A_691 = arith.constant 0 : i32
        %gather3A_692 = tpu.memref_slice %arg18[%scan3A, %gather3A_690, %gather3A_691] : memref<2x128x128xf32, #tpu.memory_space<vmem>> -> memref<1x128x128xf32, #tpu.memory_space<vmem>>
        %gather3A_693 = tpu.memref_squeeze %gather3A_692 : memref<1x128x128xf32, #tpu.memory_space<vmem>> -> memref<128x128xf32, #tpu.memory_space<vmem>>
        %gather3A_694 = tpu.vector_load_idx %gather3A_693[%add3A_342, %add3A_689] : memref<128x128xf32, #tpu.memory_space<vmem>>[vector<16xi32>, vector<16xi32>], vector<16xf32>,
        %add3A_695 = arith.addi %shift_left3A_361, %and3A_688 : vector<16xi32>
        %gather3A_696 = arith.constant 0 : i32
        %gather3A_697 = arith.constant 0 : i32
        %gather3A_698 = tpu.memref_slice %arg19[%scan3A_108, %gather3A_696, %gather3A_697] : memref<2x128x128xf32, #tpu.memory_space<vmem>> -> memref<1x128x128xf32, #tpu.memory_space<vmem>>
        %gather3A_699 = tpu.memref_squeeze %gather3A_698 : memref<1x128x128xf32, #tpu.memory_space<vmem>> -> memref<128x128xf32, #tpu.memory_space<vmem>>
        %gather3A_700 = tpu.vector_load_idx %gather3A_699[%add3A_342, %add3A_695] : memref<128x128xf32, #tpu.memory_space<vmem>>[vector<16xi32>, vector<16xi32>], vector<16xf32>,
        %add3A_701 = arith.addi %shift_left3A_371, %and3A_688 : vector<16xi32>
        %gather3A_702 = arith.constant 0 : i32
        %gather3A_703 = arith.constant 0 : i32
        %gather3A_704 = tpu.memref_slice %arg20[%scan3A_109, %gather3A_702, %gather3A_703] : memref<2x128x128xf32, #tpu.memory_space<vmem>> -> memref<1x128x128xf32, #tpu.memory_space<vmem>>
        %gather3A_705 = tpu.memref_squeeze %gather3A_704 : memref<1x128x128xf32, #tpu.memory_space<vmem>> -> memref<128x128xf32, #tpu.memory_space<vmem>>
        %gather3A_706 = tpu.vector_load_idx %gather3A_705[%add3A_342, %add3A_701] : memref<128x128xf32, #tpu.memory_space<vmem>>[vector<16xi32>, vector<16xi32>], vector<16xf32>,
        %sub3A_707 = arith.subf %gather3A_706, %gather3A_700 : vector<16xf32>
        %mul3A_708 = arith.mulf %gather3A_694, %sub3A_707 : vector<16xf32>
        %add3A_709 = arith.addf %add3A_577, %mul3A_708 : vector<16xf32>
        %mul3A_710 = arith.mulf %gather3A_694, %gather3A_694 : vector<16xf32>
        %add3A_711 = arith.addf %add3A_645, %mul3A_710 : vector<16xf32>
        %mul3A_712 = arith.mulf %gather3A_700, %gather3A_700 : vector<16xf32>
        %add3A_713 = arith.addf %add3A_647, %mul3A_712 : vector<16xf32>
        %mul3A_714 = arith.mulf %gather3A_706, %gather3A_706 : vector<16xf32>
        %add3A_715 = arith.addf %add3A_649, %mul3A_714 : vector<16xf32>
        %add3A_716 = arith.constant 9 : i32
        %add3A_717 = vector.broadcast %add3A_716 : i32 to vector<16xi32>
        %add3A_718 = arith.addi %add3A_420, %add3A_717 : vector<16xi32>
        %and3A_719 = arith.constant 63 : i32
        %and3A_720 = vector.broadcast %and3A_719 : i32 to vector<16xi32>
        %and3A_721 = arith.andi %add3A_718, %and3A_720 : vector<16xi32>
        %add3A_722 = arith.addi %shift_left3A_351, %and3A_721 : vector<16xi32>
        %gather3A_723 = arith.constant 0 : i32
        %gather3A_724 = arith.constant 0 : i32
        %gather3A_725 = tpu.memref_slice %arg18[%scan3A, %gather3A_723, %gather3A_724] : memref<2x128x128xf32, #tpu.memory_space<vmem>> -> memref<1x128x128xf32, #tpu.memory_space<vmem>>
        %gather3A_726 = tpu.memref_squeeze %gather3A_725 : memref<1x128x128xf32, #tpu.memory_space<vmem>> -> memref<128x128xf32, #tpu.memory_space<vmem>>
        %gather3A_727 = tpu.vector_load_idx %gather3A_726[%add3A_342, %add3A_722] : memref<128x128xf32, #tpu.memory_space<vmem>>[vector<16xi32>, vector<16xi32>], vector<16xf32>,
        %add3A_728 = arith.addi %shift_left3A_361, %and3A_721 : vector<16xi32>
        %gather3A_729 = arith.constant 0 : i32
        %gather3A_730 = arith.constant 0 : i32
        %gather3A_731 = tpu.memref_slice %arg19[%scan3A_108, %gather3A_729, %gather3A_730] : memref<2x128x128xf32, #tpu.memory_space<vmem>> -> memref<1x128x128xf32, #tpu.memory_space<vmem>>
        %gather3A_732 = tpu.memref_squeeze %gather3A_731 : memref<1x128x128xf32, #tpu.memory_space<vmem>> -> memref<128x128xf32, #tpu.memory_space<vmem>>
        %gather3A_733 = tpu.vector_load_idx %gather3A_732[%add3A_342, %add3A_728] : memref<128x128xf32, #tpu.memory_space<vmem>>[vector<16xi32>, vector<16xi32>], vector<16xf32>,
        %add3A_734 = arith.addi %shift_left3A_371, %and3A_721 : vector<16xi32>
        %gather3A_735 = arith.constant 0 : i32
        %gather3A_736 = arith.constant 0 : i32
        %gather3A_737 = tpu.memref_slice %arg20[%scan3A_109, %gather3A_735, %gather3A_736] : memref<2x128x128xf32, #tpu.memory_space<vmem>> -> memref<1x128x128xf32, #tpu.memory_space<vmem>>
        %gather3A_738 = tpu.memref_squeeze %gather3A_737 : memref<1x128x128xf32, #tpu.memory_space<vmem>> -> memref<128x128xf32, #tpu.memory_space<vmem>>
        %gather3A_739 = tpu.vector_load_idx %gather3A_738[%add3A_342, %add3A_734] : memref<128x128xf32, #tpu.memory_space<vmem>>[vector<16xi32>, vector<16xi32>], vector<16xf32>,
        %sub3A_740 = arith.subf %gather3A_739, %gather3A_733 : vector<16xf32>
        %mul3A_741 = arith.mulf %gather3A_727, %sub3A_740 : vector<16xf32>
        %add3A_742 = arith.addf %add3A_610, %mul3A_741 : vector<16xf32>
        %mul3A_743 = arith.mulf %gather3A_727, %gather3A_727 : vector<16xf32>
        %add3A_744 = arith.addf %add3A_678, %mul3A_743 : vector<16xf32>
        %mul3A_745 = arith.mulf %gather3A_733, %gather3A_733 : vector<16xf32>
        %add3A_746 = arith.addf %add3A_680, %mul3A_745 : vector<16xf32>
        %mul3A_747 = arith.mulf %gather3A_739, %gather3A_739 : vector<16xf32>
        %add3A_748 = arith.addf %add3A_682, %mul3A_747 : vector<16xf32>
        %add3A_749 = arith.constant 10 : i32
        %add3A_750 = vector.broadcast %add3A_749 : i32 to vector<16xi32>
        %add3A_751 = arith.addi %add3A_420, %add3A_750 : vector<16xi32>
        %and3A_752 = arith.constant 63 : i32
        %and3A_753 = vector.broadcast %and3A_752 : i32 to vector<16xi32>
        %and3A_754 = arith.andi %add3A_751, %and3A_753 : vector<16xi32>
        %add3A_755 = arith.addi %shift_left3A_351, %and3A_754 : vector<16xi32>
        %gather3A_756 = arith.constant 0 : i32
        %gather3A_757 = arith.constant 0 : i32
        %gather3A_758 = tpu.memref_slice %arg18[%scan3A, %gather3A_756, %gather3A_757] : memref<2x128x128xf32, #tpu.memory_space<vmem>> -> memref<1x128x128xf32, #tpu.memory_space<vmem>>
        %gather3A_759 = tpu.memref_squeeze %gather3A_758 : memref<1x128x128xf32, #tpu.memory_space<vmem>> -> memref<128x128xf32, #tpu.memory_space<vmem>>
        %gather3A_760 = tpu.vector_load_idx %gather3A_759[%add3A_342, %add3A_755] : memref<128x128xf32, #tpu.memory_space<vmem>>[vector<16xi32>, vector<16xi32>], vector<16xf32>,
        %add3A_761 = arith.addi %shift_left3A_361, %and3A_754 : vector<16xi32>
        %gather3A_762 = arith.constant 0 : i32
        %gather3A_763 = arith.constant 0 : i32
        %gather3A_764 = tpu.memref_slice %arg19[%scan3A_108, %gather3A_762, %gather3A_763] : memref<2x128x128xf32, #tpu.memory_space<vmem>> -> memref<1x128x128xf32, #tpu.memory_space<vmem>>
        %gather3A_765 = tpu.memref_squeeze %gather3A_764 : memref<1x128x128xf32, #tpu.memory_space<vmem>> -> memref<128x128xf32, #tpu.memory_space<vmem>>
        %gather3A_766 = tpu.vector_load_idx %gather3A_765[%add3A_342, %add3A_761] : memref<128x128xf32, #tpu.memory_space<vmem>>[vector<16xi32>, vector<16xi32>], vector<16xf32>,
        %add3A_767 = arith.addi %shift_left3A_371, %and3A_754 : vector<16xi32>
        %gather3A_768 = arith.constant 0 : i32
        %gather3A_769 = arith.constant 0 : i32
        %gather3A_770 = tpu.memref_slice %arg20[%scan3A_109, %gather3A_768, %gather3A_769] : memref<2x128x128xf32, #tpu.memory_space<vmem>> -> memref<1x128x128xf32, #tpu.memory_space<vmem>>
        %gather3A_771 = tpu.memref_squeeze %gather3A_770 : memref<1x128x128xf32, #tpu.memory_space<vmem>> -> memref<128x128xf32, #tpu.memory_space<vmem>>
        %gather3A_772 = tpu.vector_load_idx %gather3A_771[%add3A_342, %add3A_767] : memref<128x128xf32, #tpu.memory_space<vmem>>[vector<16xi32>, vector<16xi32>], vector<16xf32>,
        %sub3A_773 = arith.subf %gather3A_772, %gather3A_766 : vector<16xf32>
        %mul3A_774 = arith.mulf %gather3A_760, %sub3A_773 : vector<16xf32>
        %add3A_775 = arith.addf %add3A_643, %mul3A_774 : vector<16xf32>
        %mul3A_776 = arith.mulf %gather3A_760, %gather3A_760 : vector<16xf32>
        %add3A_777 = arith.addf %add3A_711, %mul3A_776 : vector<16xf32>
        %mul3A_778 = arith.mulf %gather3A_766, %gather3A_766 : vector<16xf32>
        %add3A_779 = arith.addf %add3A_713, %mul3A_778 : vector<16xf32>
        %mul3A_780 = arith.mulf %gather3A_772, %gather3A_772 : vector<16xf32>
        %add3A_781 = arith.addf %add3A_715, %mul3A_780 : vector<16xf32>
        %add3A_782 = arith.constant 11 : i32
        %add3A_783 = vector.broadcast %add3A_782 : i32 to vector<16xi32>
        %add3A_784 = arith.addi %add3A_420, %add3A_783 : vector<16xi32>
        %and3A_785 = arith.constant 63 : i32
        %and3A_786 = vector.broadcast %and3A_785 : i32 to vector<16xi32>
        %and3A_787 = arith.andi %add3A_784, %and3A_786 : vector<16xi32>
        %add3A_788 = arith.addi %shift_left3A_351, %and3A_787 : vector<16xi32>
        %gather3A_789 = arith.constant 0 : i32
        %gather3A_790 = arith.constant 0 : i32
        %gather3A_791 = tpu.memref_slice %arg18[%scan3A, %gather3A_789, %gather3A_790] : memref<2x128x128xf32, #tpu.memory_space<vmem>> -> memref<1x128x128xf32, #tpu.memory_space<vmem>>
        %gather3A_792 = tpu.memref_squeeze %gather3A_791 : memref<1x128x128xf32, #tpu.memory_space<vmem>> -> memref<128x128xf32, #tpu.memory_space<vmem>>
        %gather3A_793 = tpu.vector_load_idx %gather3A_792[%add3A_342, %add3A_788] : memref<128x128xf32, #tpu.memory_space<vmem>>[vector<16xi32>, vector<16xi32>], vector<16xf32>,
        %add3A_794 = arith.addi %shift_left3A_361, %and3A_787 : vector<16xi32>
        %gather3A_795 = arith.constant 0 : i32
        %gather3A_796 = arith.constant 0 : i32
        %gather3A_797 = tpu.memref_slice %arg19[%scan3A_108, %gather3A_795, %gather3A_796] : memref<2x128x128xf32, #tpu.memory_space<vmem>> -> memref<1x128x128xf32, #tpu.memory_space<vmem>>
        %gather3A_798 = tpu.memref_squeeze %gather3A_797 : memref<1x128x128xf32, #tpu.memory_space<vmem>> -> memref<128x128xf32, #tpu.memory_space<vmem>>
        %gather3A_799 = tpu.vector_load_idx %gather3A_798[%add3A_342, %add3A_794] : memref<128x128xf32, #tpu.memory_space<vmem>>[vector<16xi32>, vector<16xi32>], vector<16xf32>,
        %add3A_800 = arith.addi %shift_left3A_371, %and3A_787 : vector<16xi32>
        %gather3A_801 = arith.constant 0 : i32
        %gather3A_802 = arith.constant 0 : i32
        %gather3A_803 = tpu.memref_slice %arg20[%scan3A_109, %gather3A_801, %gather3A_802] : memref<2x128x128xf32, #tpu.memory_space<vmem>> -> memref<1x128x128xf32, #tpu.memory_space<vmem>>
        %gather3A_804 = tpu.memref_squeeze %gather3A_803 : memref<1x128x128xf32, #tpu.memory_space<vmem>> -> memref<128x128xf32, #tpu.memory_space<vmem>>
        %gather3A_805 = tpu.vector_load_idx %gather3A_804[%add3A_342, %add3A_800] : memref<128x128xf32, #tpu.memory_space<vmem>>[vector<16xi32>, vector<16xi32>], vector<16xf32>,
        %sub3A_806 = arith.subf %gather3A_805, %gather3A_799 : vector<16xf32>
        %mul3A_807 = arith.mulf %gather3A_793, %sub3A_806 : vector<16xf32>
        %add3A_808 = arith.addf %add3A_676, %mul3A_807 : vector<16xf32>
        %mul3A_809 = arith.mulf %gather3A_793, %gather3A_793 : vector<16xf32>
        %add3A_810 = arith.addf %add3A_744, %mul3A_809 : vector<16xf32>
        %mul3A_811 = arith.mulf %gather3A_799, %gather3A_799 : vector<16xf32>
        %add3A_812 = arith.addf %add3A_746, %mul3A_811 : vector<16xf32>
        %mul3A_813 = arith.mulf %gather3A_805, %gather3A_805 : vector<16xf32>
        %add3A_814 = arith.addf %add3A_748, %mul3A_813 : vector<16xf32>
        %add3A_815 = arith.constant 12 : i32
        %add3A_816 = vector.broadcast %add3A_815 : i32 to vector<16xi32>
        %add3A_817 = arith.addi %add3A_420, %add3A_816 : vector<16xi32>
        %and3A_818 = arith.constant 63 : i32
        %and3A_819 = vector.broadcast %and3A_818 : i32 to vector<16xi32>
        %and3A_820 = arith.andi %add3A_817, %and3A_819 : vector<16xi32>
        %add3A_821 = arith.addi %shift_left3A_351, %and3A_820 : vector<16xi32>
        %gather3A_822 = arith.constant 0 : i32
        %gather3A_823 = arith.constant 0 : i32
        %gather3A_824 = tpu.memref_slice %arg18[%scan3A, %gather3A_822, %gather3A_823] : memref<2x128x128xf32, #tpu.memory_space<vmem>> -> memref<1x128x128xf32, #tpu.memory_space<vmem>>
        %gather3A_825 = tpu.memref_squeeze %gather3A_824 : memref<1x128x128xf32, #tpu.memory_space<vmem>> -> memref<128x128xf32, #tpu.memory_space<vmem>>
        %gather3A_826 = tpu.vector_load_idx %gather3A_825[%add3A_342, %add3A_821] : memref<128x128xf32, #tpu.memory_space<vmem>>[vector<16xi32>, vector<16xi32>], vector<16xf32>,
        %add3A_827 = arith.addi %shift_left3A_361, %and3A_820 : vector<16xi32>
        %gather3A_828 = arith.constant 0 : i32
        %gather3A_829 = arith.constant 0 : i32
        %gather3A_830 = tpu.memref_slice %arg19[%scan3A_108, %gather3A_828, %gather3A_829] : memref<2x128x128xf32, #tpu.memory_space<vmem>> -> memref<1x128x128xf32, #tpu.memory_space<vmem>>
        %gather3A_831 = tpu.memref_squeeze %gather3A_830 : memref<1x128x128xf32, #tpu.memory_space<vmem>> -> memref<128x128xf32, #tpu.memory_space<vmem>>
        %gather3A_832 = tpu.vector_load_idx %gather3A_831[%add3A_342, %add3A_827] : memref<128x128xf32, #tpu.memory_space<vmem>>[vector<16xi32>, vector<16xi32>], vector<16xf32>,
        %add3A_833 = arith.addi %shift_left3A_371, %and3A_820 : vector<16xi32>
        %gather3A_834 = arith.constant 0 : i32
        %gather3A_835 = arith.constant 0 : i32
        %gather3A_836 = tpu.memref_slice %arg20[%scan3A_109, %gather3A_834, %gather3A_835] : memref<2x128x128xf32, #tpu.memory_space<vmem>> -> memref<1x128x128xf32, #tpu.memory_space<vmem>>
        %gather3A_837 = tpu.memref_squeeze %gather3A_836 : memref<1x128x128xf32, #tpu.memory_space<vmem>> -> memref<128x128xf32, #tpu.memory_space<vmem>>
        %gather3A_838 = tpu.vector_load_idx %gather3A_837[%add3A_342, %add3A_833] : memref<128x128xf32, #tpu.memory_space<vmem>>[vector<16xi32>, vector<16xi32>], vector<16xf32>,
        %sub3A_839 = arith.subf %gather3A_838, %gather3A_832 : vector<16xf32>
        %mul3A_840 = arith.mulf %gather3A_826, %sub3A_839 : vector<16xf32>
        %add3A_841 = arith.addf %add3A_709, %mul3A_840 : vector<16xf32>
        %mul3A_842 = arith.mulf %gather3A_826, %gather3A_826 : vector<16xf32>
        %add3A_843 = arith.addf %add3A_777, %mul3A_842 : vector<16xf32>
        %mul3A_844 = arith.mulf %gather3A_832, %gather3A_832 : vector<16xf32>
        %add3A_845 = arith.addf %add3A_779, %mul3A_844 : vector<16xf32>
        %mul3A_846 = arith.mulf %gather3A_838, %gather3A_838 : vector<16xf32>
        %add3A_847 = arith.addf %add3A_781, %mul3A_846 : vector<16xf32>
        %add3A_848 = arith.constant 13 : i32
        %add3A_849 = vector.broadcast %add3A_848 : i32 to vector<16xi32>
        %add3A_850 = arith.addi %add3A_420, %add3A_849 : vector<16xi32>
        %and3A_851 = arith.constant 63 : i32
        %and3A_852 = vector.broadcast %and3A_851 : i32 to vector<16xi32>
        %and3A_853 = arith.andi %add3A_850, %and3A_852 : vector<16xi32>
        %add3A_854 = arith.addi %shift_left3A_351, %and3A_853 : vector<16xi32>
        %gather3A_855 = arith.constant 0 : i32
        %gather3A_856 = arith.constant 0 : i32
        %gather3A_857 = tpu.memref_slice %arg18[%scan3A, %gather3A_855, %gather3A_856] : memref<2x128x128xf32, #tpu.memory_space<vmem>> -> memref<1x128x128xf32, #tpu.memory_space<vmem>>
        %gather3A_858 = tpu.memref_squeeze %gather3A_857 : memref<1x128x128xf32, #tpu.memory_space<vmem>> -> memref<128x128xf32, #tpu.memory_space<vmem>>
        %gather3A_859 = tpu.vector_load_idx %gather3A_858[%add3A_342, %add3A_854] : memref<128x128xf32, #tpu.memory_space<vmem>>[vector<16xi32>, vector<16xi32>], vector<16xf32>,
        %add3A_860 = arith.addi %shift_left3A_361, %and3A_853 : vector<16xi32>
        %gather3A_861 = arith.constant 0 : i32
        %gather3A_862 = arith.constant 0 : i32
        %gather3A_863 = tpu.memref_slice %arg19[%scan3A_108, %gather3A_861, %gather3A_862] : memref<2x128x128xf32, #tpu.memory_space<vmem>> -> memref<1x128x128xf32, #tpu.memory_space<vmem>>
        %gather3A_864 = tpu.memref_squeeze %gather3A_863 : memref<1x128x128xf32, #tpu.memory_space<vmem>> -> memref<128x128xf32, #tpu.memory_space<vmem>>
        %gather3A_865 = tpu.vector_load_idx %gather3A_864[%add3A_342, %add3A_860] : memref<128x128xf32, #tpu.memory_space<vmem>>[vector<16xi32>, vector<16xi32>], vector<16xf32>,
        %add3A_866 = arith.addi %shift_left3A_371, %and3A_853 : vector<16xi32>
        %gather3A_867 = arith.constant 0 : i32
        %gather3A_868 = arith.constant 0 : i32
        %gather3A_869 = tpu.memref_slice %arg20[%scan3A_109, %gather3A_867, %gather3A_868] : memref<2x128x128xf32, #tpu.memory_space<vmem>> -> memref<1x128x128xf32, #tpu.memory_space<vmem>>
        %gather3A_870 = tpu.memref_squeeze %gather3A_869 : memref<1x128x128xf32, #tpu.memory_space<vmem>> -> memref<128x128xf32, #tpu.memory_space<vmem>>
        %gather3A_871 = tpu.vector_load_idx %gather3A_870[%add3A_342, %add3A_866] : memref<128x128xf32, #tpu.memory_space<vmem>>[vector<16xi32>, vector<16xi32>], vector<16xf32>,
        %sub3A_872 = arith.subf %gather3A_871, %gather3A_865 : vector<16xf32>
        %mul3A_873 = arith.mulf %gather3A_859, %sub3A_872 : vector<16xf32>
        %add3A_874 = arith.addf %add3A_742, %mul3A_873 : vector<16xf32>
        %mul3A_875 = arith.mulf %gather3A_859, %gather3A_859 : vector<16xf32>
        %add3A_876 = arith.addf %add3A_810, %mul3A_875 : vector<16xf32>
        %mul3A_877 = arith.mulf %gather3A_865, %gather3A_865 : vector<16xf32>
        %add3A_878 = arith.addf %add3A_812, %mul3A_877 : vector<16xf32>
        %mul3A_879 = arith.mulf %gather3A_871, %gather3A_871 : vector<16xf32>
        %add3A_880 = arith.addf %add3A_814, %mul3A_879 : vector<16xf32>
        %add3A_881 = arith.constant 14 : i32
        %add3A_882 = vector.broadcast %add3A_881 : i32 to vector<16xi32>
        %add3A_883 = arith.addi %add3A_420, %add3A_882 : vector<16xi32>
        %and3A_884 = arith.constant 63 : i32
        %and3A_885 = vector.broadcast %and3A_884 : i32 to vector<16xi32>
        %and3A_886 = arith.andi %add3A_883, %and3A_885 : vector<16xi32>
        %add3A_887 = arith.addi %shift_left3A_351, %and3A_886 : vector<16xi32>
        %gather3A_888 = arith.constant 0 : i32
        %gather3A_889 = arith.constant 0 : i32
        %gather3A_890 = tpu.memref_slice %arg18[%scan3A, %gather3A_888, %gather3A_889] : memref<2x128x128xf32, #tpu.memory_space<vmem>> -> memref<1x128x128xf32, #tpu.memory_space<vmem>>
        %gather3A_891 = tpu.memref_squeeze %gather3A_890 : memref<1x128x128xf32, #tpu.memory_space<vmem>> -> memref<128x128xf32, #tpu.memory_space<vmem>>
        %gather3A_892 = tpu.vector_load_idx %gather3A_891[%add3A_342, %add3A_887] : memref<128x128xf32, #tpu.memory_space<vmem>>[vector<16xi32>, vector<16xi32>], vector<16xf32>,
        %add3A_893 = arith.addi %shift_left3A_361, %and3A_886 : vector<16xi32>
        %gather3A_894 = arith.constant 0 : i32
        %gather3A_895 = arith.constant 0 : i32
        %gather3A_896 = tpu.memref_slice %arg19[%scan3A_108, %gather3A_894, %gather3A_895] : memref<2x128x128xf32, #tpu.memory_space<vmem>> -> memref<1x128x128xf32, #tpu.memory_space<vmem>>
        %gather3A_897 = tpu.memref_squeeze %gather3A_896 : memref<1x128x128xf32, #tpu.memory_space<vmem>> -> memref<128x128xf32, #tpu.memory_space<vmem>>
        %gather3A_898 = tpu.vector_load_idx %gather3A_897[%add3A_342, %add3A_893] : memref<128x128xf32, #tpu.memory_space<vmem>>[vector<16xi32>, vector<16xi32>], vector<16xf32>,
        %add3A_899 = arith.addi %shift_left3A_371, %and3A_886 : vector<16xi32>
        %gather3A_900 = arith.constant 0 : i32
        %gather3A_901 = arith.constant 0 : i32
        %gather3A_902 = tpu.memref_slice %arg20[%scan3A_109, %gather3A_900, %gather3A_901] : memref<2x128x128xf32, #tpu.memory_space<vmem>> -> memref<1x128x128xf32, #tpu.memory_space<vmem>>
        %gather3A_903 = tpu.memref_squeeze %gather3A_902 : memref<1x128x128xf32, #tpu.memory_space<vmem>> -> memref<128x128xf32, #tpu.memory_space<vmem>>
        %gather3A_904 = tpu.vector_load_idx %gather3A_903[%add3A_342, %add3A_899] : memref<128x128xf32, #tpu.memory_space<vmem>>[vector<16xi32>, vector<16xi32>], vector<16xf32>,
        %sub3A_905 = arith.subf %gather3A_904, %gather3A_898 : vector<16xf32>
        %mul3A_906 = arith.mulf %gather3A_892, %sub3A_905 : vector<16xf32>
        %add3A_907 = arith.addf %add3A_775, %mul3A_906 : vector<16xf32>
        %mul3A_908 = arith.mulf %gather3A_892, %gather3A_892 : vector<16xf32>
        %add3A_909 = arith.addf %add3A_843, %mul3A_908 : vector<16xf32>
        %mul3A_910 = arith.mulf %gather3A_898, %gather3A_898 : vector<16xf32>
        %add3A_911 = arith.addf %add3A_845, %mul3A_910 : vector<16xf32>
        %mul3A_912 = arith.mulf %gather3A_904, %gather3A_904 : vector<16xf32>
        %add3A_913 = arith.addf %add3A_847, %mul3A_912 : vector<16xf32>
        %add3A_914 = arith.constant 15 : i32
        %add3A_915 = vector.broadcast %add3A_914 : i32 to vector<16xi32>
        %add3A_916 = arith.addi %add3A_420, %add3A_915 : vector<16xi32>
        %and3A_917 = arith.constant 63 : i32
        %and3A_918 = vector.broadcast %and3A_917 : i32 to vector<16xi32>
        %and3A_919 = arith.andi %add3A_916, %and3A_918 : vector<16xi32>
        %add3A_920 = arith.addi %shift_left3A_351, %and3A_919 : vector<16xi32>
        %gather3A_921 = arith.constant 0 : i32
        %gather3A_922 = arith.constant 0 : i32
        %gather3A_923 = tpu.memref_slice %arg18[%scan3A, %gather3A_921, %gather3A_922] : memref<2x128x128xf32, #tpu.memory_space<vmem>> -> memref<1x128x128xf32, #tpu.memory_space<vmem>>
        %gather3A_924 = tpu.memref_squeeze %gather3A_923 : memref<1x128x128xf32, #tpu.memory_space<vmem>> -> memref<128x128xf32, #tpu.memory_space<vmem>>
        %gather3A_925 = tpu.vector_load_idx %gather3A_924[%add3A_342, %add3A_920] : memref<128x128xf32, #tpu.memory_space<vmem>>[vector<16xi32>, vector<16xi32>], vector<16xf32>,
        %add3A_926 = arith.addi %shift_left3A_361, %and3A_919 : vector<16xi32>
        %gather3A_927 = arith.constant 0 : i32
        %gather3A_928 = arith.constant 0 : i32
        %gather3A_929 = tpu.memref_slice %arg19[%scan3A_108, %gather3A_927, %gather3A_928] : memref<2x128x128xf32, #tpu.memory_space<vmem>> -> memref<1x128x128xf32, #tpu.memory_space<vmem>>
        %gather3A_930 = tpu.memref_squeeze %gather3A_929 : memref<1x128x128xf32, #tpu.memory_space<vmem>> -> memref<128x128xf32, #tpu.memory_space<vmem>>
        %gather3A_931 = tpu.vector_load_idx %gather3A_930[%add3A_342, %add3A_926] : memref<128x128xf32, #tpu.memory_space<vmem>>[vector<16xi32>, vector<16xi32>], vector<16xf32>,
        %add3A_932 = arith.addi %shift_left3A_371, %and3A_919 : vector<16xi32>
        %gather3A_933 = arith.constant 0 : i32
        %gather3A_934 = arith.constant 0 : i32
        %gather3A_935 = tpu.memref_slice %arg20[%scan3A_109, %gather3A_933, %gather3A_934] : memref<2x128x128xf32, #tpu.memory_space<vmem>> -> memref<1x128x128xf32, #tpu.memory_space<vmem>>
        %gather3A_936 = tpu.memref_squeeze %gather3A_935 : memref<1x128x128xf32, #tpu.memory_space<vmem>> -> memref<128x128xf32, #tpu.memory_space<vmem>>
        %gather3A_937 = tpu.vector_load_idx %gather3A_936[%add3A_342, %add3A_932] : memref<128x128xf32, #tpu.memory_space<vmem>>[vector<16xi32>, vector<16xi32>], vector<16xf32>,
        %sub3A_938 = arith.subf %gather3A_937, %gather3A_931 : vector<16xf32>
        %mul3A_939 = arith.mulf %gather3A_925, %sub3A_938 : vector<16xf32>
        %add3A_940 = arith.addf %add3A_808, %mul3A_939 : vector<16xf32>
        %mul3A_941 = arith.mulf %gather3A_925, %gather3A_925 : vector<16xf32>
        %add3A_942 = arith.addf %add3A_876, %mul3A_941 : vector<16xf32>
        %mul3A_943 = arith.mulf %gather3A_931, %gather3A_931 : vector<16xf32>
        %add3A_944 = arith.addf %add3A_878, %mul3A_943 : vector<16xf32>
        %mul3A_945 = arith.mulf %gather3A_937, %gather3A_937 : vector<16xf32>
        %add3A_946 = arith.addf %add3A_880, %mul3A_945 : vector<16xf32>
        scf.yield %add3A_841, %add3A_874, %add3A_907, %add3A_940, %add3A_909, %add3A_942, %add3A_911, %add3A_944, %add3A_913, %add3A_946 : vector<16xf32>, vector<16xf32>, vector<16xf32>, vector<16xf32>, vector<16xf32>, vector<16xf32>, vector<16xf32>, vector<16xf32>, vector<16xf32>, vector<16xf32>
      }
      %scan3A_377 = arith.constant 4 : i32
      %add3A_378 = arith.addf %scan3A_376#0, %scan3A_376#1 : vector<16xf32>
      %add3A_379 = arith.addf %scan3A_376#2, %scan3A_376#3 : vector<16xf32>
      %add3A_380 = arith.addf %add3A_378, %add3A_379 : vector<16xf32>
      %abs3A = math.absf %add3A_380 : vector<16xf32>
      %neg3A = arith.constant 0.000000e+00 : f32
      %neg3A_381 = vector.broadcast %neg3A : f32 to vector<16xf32>
      %neg3A_382 = arith.subf %neg3A_381, %abs3A : vector<16xf32>
      %exp3A = math.exp %neg3A_382 : vector<16xf32>
      %add3A_383 = arith.constant 2.000000e+00 : f32
      %add3A_384 = vector.broadcast %add3A_383 : f32 to vector<16xf32>
      %add3A_385 = arith.addf %add3A_384, %exp3A : vector<16xf32>
      %div3A = arith.divf %exp3A, %add3A_385 : vector<16xf32>
      %mul3A_386 = arith.mulf %div3A, %div3A : vector<16xf32>
      %mul3A_387 = arith.constant 0.285714298 : f32
      %mul3A_388 = vector.broadcast %mul3A_387 : f32 to vector<16xf32>
      %mul3A_389 = arith.mulf %mul3A_386, %mul3A_388 : vector<16xf32>
      %add3A_390 = arith.constant 4.000000e-01 : f32
      %add3A_391 = vector.broadcast %add3A_390 : f32 to vector<16xf32>
      %add3A_392 = arith.addf %add3A_391, %mul3A_389 : vector<16xf32>
      %mul3A_393 = arith.mulf %mul3A_386, %add3A_392 : vector<16xf32>
      %add3A_394 = arith.constant 0.666666686 : f32
      %add3A_395 = vector.broadcast %add3A_394 : f32 to vector<16xf32>
      %add3A_396 = arith.addf %add3A_395, %mul3A_393 : vector<16xf32>
      %mul3A_397 = arith.mulf %mul3A_386, %add3A_396 : vector<16xf32>
      %add3A_398 = arith.constant 2.000000e+00 : f32
      %add3A_399 = vector.broadcast %add3A_398 : f32 to vector<16xf32>
      %add3A_400 = arith.addf %add3A_399, %mul3A_397 : vector<16xf32>
      %mul3A_401 = arith.mulf %div3A, %add3A_400 : vector<16xf32>
      %max3A = arith.constant 0.000000e+00 : f32
      %max3A_402 = vector.broadcast %max3A : f32 to vector<16xf32>
      %max3A_403 = arith.maximumf %add3A_380, %max3A_402 : vector<16xf32>
      %add3A_404 = arith.addf %max3A_403, %mul3A_401 : vector<16xf32>
      %add3A_405 = arith.addf %scan3A_332, %add3A_404 : vector<16xf32>
      scf.yield %add3A_405, %scan3A_376#4, %scan3A_376#5, %scan3A_376#6, %scan3A_376#7, %scan3A_376#8, %scan3A_376#9 : vector<16xf32>, vector<16xf32>, vector<16xf32>, vector<16xf32>, vector<16xf32>, vector<16xf32>, vector<16xf32>
    }
    %scan3A_115 = arith.constant 8 : i32
    %dma_start3A_116 = arith.constant 2 : i32
    %dma_start3A_117 = arith.constant 0 : i32
    %dma_start3A_118 = arith.constant 0 : i32
    %dma_start3A_119 = arith.constant 0 : i32
    %dma_start3A_120 = tpu.memref_slice %arg18[%dma_start3A_117, %dma_start3A_118, %dma_start3A_119] : memref<2x128x128xf32, #tpu.memory_space<vmem>> -> memref<1x128x128xf32, #tpu.memory_space<vmem>>
    %dma_start3A_121 = tpu.memref_squeeze %dma_start3A_120 : memref<1x128x128xf32, #tpu.memory_space<vmem>> -> memref<128x128xf32, #tpu.memory_space<vmem>>
    %dma_start3A_122 = arith.constant 0 : i32
    %dma_start3A_123 = tpu.memref_slice %arg12[%dma_start3A_116, %dma_start3A_122] : memref<4x128xi32, #tpu.memory_space<vmem>> -> memref<1x128xi32, #tpu.memory_space<vmem>>
    %dma_start3A_124 = tpu.memref_squeeze %dma_start3A_123 : memref<1x128xi32, #tpu.memory_space<vmem>> -> memref<128xi32, #tpu.memory_space<vmem>>
    %dma_start3A_125 = arith.constant 0 : i32
    %dma_start3A_126 = arith.constant 0 : i32
    %dma_start3A_127 = tpu.memref_slice %arg8[%dma_start3A_125, %dma_start3A_126] : memref<500000x128xf32, #tpu.memory_space<hbm>> -> memref<500000x128xf32, #tpu.memory_space<hbm>>
    tpu.enqueue_indirect_dma source(%dma_start3A_127 : memref<500000x128xf32, #tpu.memory_space<hbm>>) target(%dma_start3A_121 : memref<128x128xf32, #tpu.memory_space<vmem>>) offsets(%dma_start3A_124 : memref<128xi32, #tpu.memory_space<vmem>>) semaphore(%arg23 : memref<!tpu.dma_semaphore, #tpu.memory_space<semaphore_mem>>)
    %dma_start3A_128 = arith.constant 2 : i32
    %dma_start3A_129 = arith.constant 0 : i32
    %dma_start3A_130 = arith.constant 0 : i32
    %dma_start3A_131 = arith.constant 0 : i32
    %dma_start3A_132 = tpu.memref_slice %arg19[%dma_start3A_129, %dma_start3A_130, %dma_start3A_131] : memref<2x128x128xf32, #tpu.memory_space<vmem>> -> memref<1x128x128xf32, #tpu.memory_space<vmem>>
    %dma_start3A_133 = tpu.memref_squeeze %dma_start3A_132 : memref<1x128x128xf32, #tpu.memory_space<vmem>> -> memref<128x128xf32, #tpu.memory_space<vmem>>
    %dma_start3A_134 = arith.constant 0 : i32
    %dma_start3A_135 = tpu.memref_slice %arg13[%dma_start3A_128, %dma_start3A_134] : memref<4x128xi32, #tpu.memory_space<vmem>> -> memref<1x128xi32, #tpu.memory_space<vmem>>
    %dma_start3A_136 = tpu.memref_squeeze %dma_start3A_135 : memref<1x128xi32, #tpu.memory_space<vmem>> -> memref<128xi32, #tpu.memory_space<vmem>>
    %dma_start3A_137 = arith.constant 0 : i32
    %dma_start3A_138 = arith.constant 0 : i32
    %dma_start3A_139 = tpu.memref_slice %arg9[%dma_start3A_137, %dma_start3A_138] : memref<500000x128xf32, #tpu.memory_space<hbm>> -> memref<500000x128xf32, #tpu.memory_space<hbm>>
    tpu.enqueue_indirect_dma source(%dma_start3A_139 : memref<500000x128xf32, #tpu.memory_space<hbm>>) target(%dma_start3A_133 : memref<128x128xf32, #tpu.memory_space<vmem>>) offsets(%dma_start3A_136 : memref<128xi32, #tpu.memory_space<vmem>>) semaphore(%arg23 : memref<!tpu.dma_semaphore, #tpu.memory_space<semaphore_mem>>)
    %dma_start3A_140 = arith.constant 2 : i32
    %dma_start3A_141 = arith.constant 0 : i32
    %dma_start3A_142 = arith.constant 0 : i32
    %dma_start3A_143 = arith.constant 0 : i32
    %dma_start3A_144 = tpu.memref_slice %arg20[%dma_start3A_141, %dma_start3A_142, %dma_start3A_143] : memref<2x128x128xf32, #tpu.memory_space<vmem>> -> memref<1x128x128xf32, #tpu.memory_space<vmem>>
    %dma_start3A_145 = tpu.memref_squeeze %dma_start3A_144 : memref<1x128x128xf32, #tpu.memory_space<vmem>> -> memref<128x128xf32, #tpu.memory_space<vmem>>
    %dma_start3A_146 = arith.constant 0 : i32
    %dma_start3A_147 = tpu.memref_slice %arg14[%dma_start3A_140, %dma_start3A_146] : memref<4x128xi32, #tpu.memory_space<vmem>> -> memref<1x128xi32, #tpu.memory_space<vmem>>
    %dma_start3A_148 = tpu.memref_squeeze %dma_start3A_147 : memref<1x128xi32, #tpu.memory_space<vmem>> -> memref<128xi32, #tpu.memory_space<vmem>>
    %dma_start3A_149 = arith.constant 0 : i32
    %dma_start3A_150 = arith.constant 0 : i32
    %dma_start3A_151 = tpu.memref_slice %arg9[%dma_start3A_149, %dma_start3A_150] : memref<500000x128xf32, #tpu.memory_space<hbm>> -> memref<500000x128xf32, #tpu.memory_space<hbm>>
    tpu.enqueue_indirect_dma source(%dma_start3A_151 : memref<500000x128xf32, #tpu.memory_space<hbm>>) target(%dma_start3A_145 : memref<128x128xf32, #tpu.memory_space<vmem>>) offsets(%dma_start3A_148 : memref<128xi32, #tpu.memory_space<vmem>>) semaphore(%arg23 : memref<!tpu.dma_semaphore, #tpu.memory_space<semaphore_mem>>)
    %dma_wait3A_152 = arith.constant 1 : i32
    %dma_wait3A_153 = arith.constant 1 : i32
    %dma_wait3A_154 = arith.constant 0 : i32
    %dma_wait3A_155 = arith.constant 0 : i32
    %dma_wait3A_156 = tpu.memref_slice %arg18[%dma_wait3A_153, %dma_wait3A_154, %dma_wait3A_155] : memref<2x128x128xf32, #tpu.memory_space<vmem>> -> memref<1x128x128xf32, #tpu.memory_space<vmem>>
    %dma_wait3A_157 = tpu.memref_squeeze %dma_wait3A_156 : memref<1x128x128xf32, #tpu.memory_space<vmem>> -> memref<128x128xf32, #tpu.memory_space<vmem>>
    %dma_wait3A_158 = arith.constant 0 : i32
    %dma_wait3A_159 = tpu.memref_slice %arg12[%dma_wait3A_152, %dma_wait3A_158] : memref<4x128xi32, #tpu.memory_space<vmem>> -> memref<1x128xi32, #tpu.memory_space<vmem>>
    %dma_wait3A_160 = tpu.memref_squeeze %dma_wait3A_159 : memref<1x128xi32, #tpu.memory_space<vmem>> -> memref<128xi32, #tpu.memory_space<vmem>>
    %dma_wait3A_161 = arith.constant 0 : i32
    %dma_wait3A_162 = arith.constant 0 : i32
    %dma_wait3A_163 = tpu.memref_slice %arg8[%dma_wait3A_161, %dma_wait3A_162] : memref<500000x128xf32, #tpu.memory_space<hbm>> -> memref<500000x128xf32, #tpu.memory_space<hbm>>
    tpu.wait_indirect_dma semaphore(%arg24 : memref<!tpu.dma_semaphore, #tpu.memory_space<semaphore_mem>>) src(%dma_wait3A_163 : memref<500000x128xf32, #tpu.memory_space<hbm>>) dst(%dma_wait3A_157 : memref<128x128xf32, #tpu.memory_space<vmem>>)
    %dma_wait3A_164 = arith.constant 1 : i32
    %dma_wait3A_165 = arith.constant 1 : i32
    %dma_wait3A_166 = arith.constant 0 : i32
    %dma_wait3A_167 = arith.constant 0 : i32
    %dma_wait3A_168 = tpu.memref_slice %arg19[%dma_wait3A_165, %dma_wait3A_166, %dma_wait3A_167] : memref<2x128x128xf32, #tpu.memory_space<vmem>> -> memref<1x128x128xf32, #tpu.memory_space<vmem>>
    %dma_wait3A_169 = tpu.memref_squeeze %dma_wait3A_168 : memref<1x128x128xf32, #tpu.memory_space<vmem>> -> memref<128x128xf32, #tpu.memory_space<vmem>>
    %dma_wait3A_170 = arith.constant 0 : i32
    %dma_wait3A_171 = tpu.memref_slice %arg13[%dma_wait3A_164, %dma_wait3A_170] : memref<4x128xi32, #tpu.memory_space<vmem>> -> memref<1x128xi32, #tpu.memory_space<vmem>>
    %dma_wait3A_172 = tpu.memref_squeeze %dma_wait3A_171 : memref<1x128xi32, #tpu.memory_space<vmem>> -> memref<128xi32, #tpu.memory_space<vmem>>
    %dma_wait3A_173 = arith.constant 0 : i32
    %dma_wait3A_174 = arith.constant 0 : i32
    %dma_wait3A_175 = tpu.memref_slice %arg9[%dma_wait3A_173, %dma_wait3A_174] : memref<500000x128xf32, #tpu.memory_space<hbm>> -> memref<500000x128xf32, #tpu.memory_space<hbm>>
    tpu.wait_indirect_dma semaphore(%arg24 : memref<!tpu.dma_semaphore, #tpu.memory_space<semaphore_mem>>) src(%dma_wait3A_175 : memref<500000x128xf32, #tpu.memory_space<hbm>>) dst(%dma_wait3A_169 : memref<128x128xf32, #tpu.memory_space<vmem>>)
    %dma_wait3A_176 = arith.constant 1 : i32
    %dma_wait3A_177 = arith.constant 1 : i32
    %dma_wait3A_178 = arith.constant 0 : i32
    %dma_wait3A_179 = arith.constant 0 : i32
    %dma_wait3A_180 = tpu.memref_slice %arg20[%dma_wait3A_177, %dma_wait3A_178, %dma_wait3A_179] : memref<2x128x128xf32, #tpu.memory_space<vmem>> -> memref<1x128x128xf32, #tpu.memory_space<vmem>>
    %dma_wait3A_181 = tpu.memref_squeeze %dma_wait3A_180 : memref<1x128x128xf32, #tpu.memory_space<vmem>> -> memref<128x128xf32, #tpu.memory_space<vmem>>
    %dma_wait3A_182 = arith.constant 0 : i32
    %dma_wait3A_183 = tpu.memref_slice %arg14[%dma_wait3A_176, %dma_wait3A_182] : memref<4x128xi32, #tpu.memory_space<vmem>> -> memref<1x128xi32, #tpu.memory_space<vmem>>
    %dma_wait3A_184 = tpu.memref_squeeze %dma_wait3A_183 : memref<1x128xi32, #tpu.memory_space<vmem>> -> memref<128xi32, #tpu.memory_space<vmem>>
    %dma_wait3A_185 = arith.constant 0 : i32
    %dma_wait3A_186 = arith.constant 0 : i32
    %dma_wait3A_187 = tpu.memref_slice %arg9[%dma_wait3A_185, %dma_wait3A_186] : memref<500000x128xf32, #tpu.memory_space<hbm>> -> memref<500000x128xf32, #tpu.memory_space<hbm>>
    tpu.wait_indirect_dma semaphore(%arg24 : memref<!tpu.dma_semaphore, #tpu.memory_space<semaphore_mem>>) src(%dma_wait3A_187 : memref<500000x128xf32, #tpu.memory_space<hbm>>) dst(%dma_wait3A_181 : memref<128x128xf32, #tpu.memory_space<vmem>>)
    %scan3A_188 = arith.constant 1 : i32
    %scan3A_189 = arith.constant 1 : i32
    %scan3A_190 = arith.constant 1 : i32
    %scan3A_191 = arith.constant 0 : i32
    %scan3A_192 = arith.constant 8 : i32
    %scan3A_193 = arith.addi %scan3A_191, %scan3A_192 : i32
    %scan3A_194 = arith.constant 1 : i32
    %scan3A_195:7 = scf.for %scan3A_331 = %scan3A_191 to %scan3A_193 step %scan3A_194 iter_args(%scan3A_332 = %scan3A_114#0, %scan3A_333 = %scan3A_114#1, %scan3A_334 = %scan3A_114#2, %scan3A_335 = %scan3A_114#3, %scan3A_336 = %scan3A_114#4, %scan3A_337 = %scan3A_114#5, %scan3A_338 = %scan3A_114#6) -> (vector<16xf32>, vector<16xf32>, vector<16xf32>, vector<16xf32>, vector<16xf32>, vector<16xf32>, vector<16xf32>)  : i32 {
      %mul3A_339 = arith.constant 16 : i32
      %mul3A_340 = arith.muli %scan3A_331, %mul3A_339 : i32
      %add3A_341 = vector.broadcast %mul3A_340 : i32 to vector<16xi32>
      %add3A_342 = arith.addi %add3A_341, %iota3A : vector<16xi32>
      %mul3A_343 = arith.constant 16 : i32
      %mul3A_344 = arith.muli %scan3A_331, %mul3A_343 : i32
      %get3A = arith.constant 1 : i32
      %get3A_345 = arith.index_cast %get3A : i32 to index
      %get3A_346 = arith.index_cast %mul3A_344 : i32 to index
      %get3A_347 = tpu.vector_load %arg15[%get3A_345, %get3A_346] {strides = array<i32>} : memref<4x128xi32, #tpu.memory_space<vmem>>, vector<16xi32>,
      %and3A = arith.constant 1 : i32
      %and3A_348 = vector.broadcast %and3A : i32 to vector<16xi32>
      %and3A_349 = arith.andi %get3A_347, %and3A_348 : vector<16xi32>
      %shift_left3A = arith.constant 6 : i32
      %shift_left3A_350 = vector.broadcast %shift_left3A : i32 to vector<16xi32>
      %shift_left3A_351 = arith.shli %and3A_349, %shift_left3A_350 : vector<16xi32>
      %get3A_352 = arith.constant 1 : i32
      %get3A_353 = arith.index_cast %get3A_352 : i32 to index
      %get3A_354 = arith.index_cast %mul3A_344 : i32 to index
      %get3A_355 = tpu.vector_load %arg16[%get3A_353, %get3A_354] {strides = array<i32>} : memref<4x128xi32, #tpu.memory_space<vmem>>, vector<16xi32>,
      %and3A_356 = arith.constant 1 : i32
      %and3A_357 = vector.broadcast %and3A_356 : i32 to vector<16xi32>
      %and3A_358 = arith.andi %get3A_355, %and3A_357 : vector<16xi32>
      %shift_left3A_359 = arith.constant 6 : i32
      %shift_left3A_360 = vector.broadcast %shift_left3A_359 : i32 to vector<16xi32>
      %shift_left3A_361 = arith.shli %and3A_358, %shift_left3A_360 : vector<16xi32>
      %get3A_362 = arith.constant 1 : i32
      %get3A_363 = arith.index_cast %get3A_362 : i32 to index
      %get3A_364 = arith.index_cast %mul3A_344 : i32 to index
      %get3A_365 = tpu.vector_load %arg17[%get3A_363, %get3A_364] {strides = array<i32>} : memref<4x128xi32, #tpu.memory_space<vmem>>, vector<16xi32>,
      %and3A_366 = arith.constant 1 : i32
      %and3A_367 = vector.broadcast %and3A_366 : i32 to vector<16xi32>
      %and3A_368 = arith.andi %get3A_365, %and3A_367 : vector<16xi32>
      %shift_left3A_369 = arith.constant 6 : i32
      %shift_left3A_370 = vector.broadcast %shift_left3A_369 : i32 to vector<16xi32>
      %shift_left3A_371 = arith.shli %and3A_368, %shift_left3A_370 : vector<16xi32>
      %scan3A_372 = arith.constant 0 : i32
      %scan3A_373 = arith.constant 4 : i32
      %scan3A_374 = arith.addi %scan3A_372, %scan3A_373 : i32
      %scan3A_375 = arith.constant 1 : i32
      %scan3A_376:10 = scf.for %scan3A_406 = %scan3A_372 to %scan3A_374 step %scan3A_375 iter_args(%scan3A_407 = %broadcast_in_dim3A_1, %scan3A_408 = %broadcast_in_dim3A_1, %scan3A_409 = %broadcast_in_dim3A_1, %scan3A_410 = %broadcast_in_dim3A_1, %scan3A_411 = %scan3A_333, %scan3A_412 = %scan3A_334, %scan3A_413 = %scan3A_335, %scan3A_414 = %scan3A_336, %scan3A_415 = %scan3A_337, %scan3A_416 = %scan3A_338) -> (vector<16xf32>, vector<16xf32>, vector<16xf32>, vector<16xf32>, vector<16xf32>, vector<16xf32>, vector<16xf32>, vector<16xf32>, vector<16xf32>, vector<16xf32>)  : i32 {
        %mul3A_417 = arith.constant 16 : i32
        %mul3A_418 = arith.muli %scan3A_406, %mul3A_417 : i32
        %add3A_419 = vector.broadcast %mul3A_418 : i32 to vector<16xi32>
        %add3A_420 = arith.addi %iota3A, %add3A_419 : vector<16xi32>
        %add3A_421 = arith.constant 0 : i32
        %add3A_422 = vector.broadcast %add3A_421 : i32 to vector<16xi32>
        %add3A_423 = arith.addi %add3A_420, %add3A_422 : vector<16xi32>
        %and3A_424 = arith.constant 63 : i32
        %and3A_425 = vector.broadcast %and3A_424 : i32 to vector<16xi32>
        %and3A_426 = arith.andi %add3A_423, %and3A_425 : vector<16xi32>
        %add3A_427 = arith.addi %shift_left3A_351, %and3A_426 : vector<16xi32>
        %gather3A = arith.constant 0 : i32
        %gather3A_428 = arith.constant 0 : i32
        %gather3A_429 = tpu.memref_slice %arg18[%scan3A_188, %gather3A, %gather3A_428] : memref<2x128x128xf32, #tpu.memory_space<vmem>> -> memref<1x128x128xf32, #tpu.memory_space<vmem>>
        %gather3A_430 = tpu.memref_squeeze %gather3A_429 : memref<1x128x128xf32, #tpu.memory_space<vmem>> -> memref<128x128xf32, #tpu.memory_space<vmem>>
        %gather3A_431 = tpu.vector_load_idx %gather3A_430[%add3A_342, %add3A_427] : memref<128x128xf32, #tpu.memory_space<vmem>>[vector<16xi32>, vector<16xi32>], vector<16xf32>,
        %add3A_432 = arith.addi %shift_left3A_361, %and3A_426 : vector<16xi32>
        %gather3A_433 = arith.constant 0 : i32
        %gather3A_434 = arith.constant 0 : i32
        %gather3A_435 = tpu.memref_slice %arg19[%scan3A_189, %gather3A_433, %gather3A_434] : memref<2x128x128xf32, #tpu.memory_space<vmem>> -> memref<1x128x128xf32, #tpu.memory_space<vmem>>
        %gather3A_436 = tpu.memref_squeeze %gather3A_435 : memref<1x128x128xf32, #tpu.memory_space<vmem>> -> memref<128x128xf32, #tpu.memory_space<vmem>>
        %gather3A_437 = tpu.vector_load_idx %gather3A_436[%add3A_342, %add3A_432] : memref<128x128xf32, #tpu.memory_space<vmem>>[vector<16xi32>, vector<16xi32>], vector<16xf32>,
        %add3A_438 = arith.addi %shift_left3A_371, %and3A_426 : vector<16xi32>
        %gather3A_439 = arith.constant 0 : i32
        %gather3A_440 = arith.constant 0 : i32
        %gather3A_441 = tpu.memref_slice %arg20[%scan3A_190, %gather3A_439, %gather3A_440] : memref<2x128x128xf32, #tpu.memory_space<vmem>> -> memref<1x128x128xf32, #tpu.memory_space<vmem>>
        %gather3A_442 = tpu.memref_squeeze %gather3A_441 : memref<1x128x128xf32, #tpu.memory_space<vmem>> -> memref<128x128xf32, #tpu.memory_space<vmem>>
        %gather3A_443 = tpu.vector_load_idx %gather3A_442[%add3A_342, %add3A_438] : memref<128x128xf32, #tpu.memory_space<vmem>>[vector<16xi32>, vector<16xi32>], vector<16xf32>,
        %sub3A = arith.subf %gather3A_443, %gather3A_437 : vector<16xf32>
        %mul3A_444 = arith.mulf %gather3A_431, %sub3A : vector<16xf32>
        %add3A_445 = arith.addf %scan3A_407, %mul3A_444 : vector<16xf32>
        %mul3A_446 = arith.mulf %gather3A_431, %gather3A_431 : vector<16xf32>
        %add3A_447 = arith.addf %scan3A_411, %mul3A_446 : vector<16xf32>
        %mul3A_448 = arith.mulf %gather3A_437, %gather3A_437 : vector<16xf32>
        %add3A_449 = arith.addf %scan3A_413, %mul3A_448 : vector<16xf32>
        %mul3A_450 = arith.mulf %gather3A_443, %gather3A_443 : vector<16xf32>
        %add3A_451 = arith.addf %scan3A_415, %mul3A_450 : vector<16xf32>
        %add3A_452 = arith.constant 1 : i32
        %add3A_453 = vector.broadcast %add3A_452 : i32 to vector<16xi32>
        %add3A_454 = arith.addi %add3A_420, %add3A_453 : vector<16xi32>
        %and3A_455 = arith.constant 63 : i32
        %and3A_456 = vector.broadcast %and3A_455 : i32 to vector<16xi32>
        %and3A_457 = arith.andi %add3A_454, %and3A_456 : vector<16xi32>
        %add3A_458 = arith.addi %shift_left3A_351, %and3A_457 : vector<16xi32>
        %gather3A_459 = arith.constant 0 : i32
        %gather3A_460 = arith.constant 0 : i32
        %gather3A_461 = tpu.memref_slice %arg18[%scan3A_188, %gather3A_459, %gather3A_460] : memref<2x128x128xf32, #tpu.memory_space<vmem>> -> memref<1x128x128xf32, #tpu.memory_space<vmem>>
        %gather3A_462 = tpu.memref_squeeze %gather3A_461 : memref<1x128x128xf32, #tpu.memory_space<vmem>> -> memref<128x128xf32, #tpu.memory_space<vmem>>
        %gather3A_463 = tpu.vector_load_idx %gather3A_462[%add3A_342, %add3A_458] : memref<128x128xf32, #tpu.memory_space<vmem>>[vector<16xi32>, vector<16xi32>], vector<16xf32>,
        %add3A_464 = arith.addi %shift_left3A_361, %and3A_457 : vector<16xi32>
        %gather3A_465 = arith.constant 0 : i32
        %gather3A_466 = arith.constant 0 : i32
        %gather3A_467 = tpu.memref_slice %arg19[%scan3A_189, %gather3A_465, %gather3A_466] : memref<2x128x128xf32, #tpu.memory_space<vmem>> -> memref<1x128x128xf32, #tpu.memory_space<vmem>>
        %gather3A_468 = tpu.memref_squeeze %gather3A_467 : memref<1x128x128xf32, #tpu.memory_space<vmem>> -> memref<128x128xf32, #tpu.memory_space<vmem>>
        %gather3A_469 = tpu.vector_load_idx %gather3A_468[%add3A_342, %add3A_464] : memref<128x128xf32, #tpu.memory_space<vmem>>[vector<16xi32>, vector<16xi32>], vector<16xf32>,
        %add3A_470 = arith.addi %shift_left3A_371, %and3A_457 : vector<16xi32>
        %gather3A_471 = arith.constant 0 : i32
        %gather3A_472 = arith.constant 0 : i32
        %gather3A_473 = tpu.memref_slice %arg20[%scan3A_190, %gather3A_471, %gather3A_472] : memref<2x128x128xf32, #tpu.memory_space<vmem>> -> memref<1x128x128xf32, #tpu.memory_space<vmem>>
        %gather3A_474 = tpu.memref_squeeze %gather3A_473 : memref<1x128x128xf32, #tpu.memory_space<vmem>> -> memref<128x128xf32, #tpu.memory_space<vmem>>
        %gather3A_475 = tpu.vector_load_idx %gather3A_474[%add3A_342, %add3A_470] : memref<128x128xf32, #tpu.memory_space<vmem>>[vector<16xi32>, vector<16xi32>], vector<16xf32>,
        %sub3A_476 = arith.subf %gather3A_475, %gather3A_469 : vector<16xf32>
        %mul3A_477 = arith.mulf %gather3A_463, %sub3A_476 : vector<16xf32>
        %add3A_478 = arith.addf %scan3A_408, %mul3A_477 : vector<16xf32>
        %mul3A_479 = arith.mulf %gather3A_463, %gather3A_463 : vector<16xf32>
        %add3A_480 = arith.addf %scan3A_412, %mul3A_479 : vector<16xf32>
        %mul3A_481 = arith.mulf %gather3A_469, %gather3A_469 : vector<16xf32>
        %add3A_482 = arith.addf %scan3A_414, %mul3A_481 : vector<16xf32>
        %mul3A_483 = arith.mulf %gather3A_475, %gather3A_475 : vector<16xf32>
        %add3A_484 = arith.addf %scan3A_416, %mul3A_483 : vector<16xf32>
        %add3A_485 = arith.constant 2 : i32
        %add3A_486 = vector.broadcast %add3A_485 : i32 to vector<16xi32>
        %add3A_487 = arith.addi %add3A_420, %add3A_486 : vector<16xi32>
        %and3A_488 = arith.constant 63 : i32
        %and3A_489 = vector.broadcast %and3A_488 : i32 to vector<16xi32>
        %and3A_490 = arith.andi %add3A_487, %and3A_489 : vector<16xi32>
        %add3A_491 = arith.addi %shift_left3A_351, %and3A_490 : vector<16xi32>
        %gather3A_492 = arith.constant 0 : i32
        %gather3A_493 = arith.constant 0 : i32
        %gather3A_494 = tpu.memref_slice %arg18[%scan3A_188, %gather3A_492, %gather3A_493] : memref<2x128x128xf32, #tpu.memory_space<vmem>> -> memref<1x128x128xf32, #tpu.memory_space<vmem>>
        %gather3A_495 = tpu.memref_squeeze %gather3A_494 : memref<1x128x128xf32, #tpu.memory_space<vmem>> -> memref<128x128xf32, #tpu.memory_space<vmem>>
        %gather3A_496 = tpu.vector_load_idx %gather3A_495[%add3A_342, %add3A_491] : memref<128x128xf32, #tpu.memory_space<vmem>>[vector<16xi32>, vector<16xi32>], vector<16xf32>,
        %add3A_497 = arith.addi %shift_left3A_361, %and3A_490 : vector<16xi32>
        %gather3A_498 = arith.constant 0 : i32
        %gather3A_499 = arith.constant 0 : i32
        %gather3A_500 = tpu.memref_slice %arg19[%scan3A_189, %gather3A_498, %gather3A_499] : memref<2x128x128xf32, #tpu.memory_space<vmem>> -> memref<1x128x128xf32, #tpu.memory_space<vmem>>
        %gather3A_501 = tpu.memref_squeeze %gather3A_500 : memref<1x128x128xf32, #tpu.memory_space<vmem>> -> memref<128x128xf32, #tpu.memory_space<vmem>>
        %gather3A_502 = tpu.vector_load_idx %gather3A_501[%add3A_342, %add3A_497] : memref<128x128xf32, #tpu.memory_space<vmem>>[vector<16xi32>, vector<16xi32>], vector<16xf32>,
        %add3A_503 = arith.addi %shift_left3A_371, %and3A_490 : vector<16xi32>
        %gather3A_504 = arith.constant 0 : i32
        %gather3A_505 = arith.constant 0 : i32
        %gather3A_506 = tpu.memref_slice %arg20[%scan3A_190, %gather3A_504, %gather3A_505] : memref<2x128x128xf32, #tpu.memory_space<vmem>> -> memref<1x128x128xf32, #tpu.memory_space<vmem>>
        %gather3A_507 = tpu.memref_squeeze %gather3A_506 : memref<1x128x128xf32, #tpu.memory_space<vmem>> -> memref<128x128xf32, #tpu.memory_space<vmem>>
        %gather3A_508 = tpu.vector_load_idx %gather3A_507[%add3A_342, %add3A_503] : memref<128x128xf32, #tpu.memory_space<vmem>>[vector<16xi32>, vector<16xi32>], vector<16xf32>,
        %sub3A_509 = arith.subf %gather3A_508, %gather3A_502 : vector<16xf32>
        %mul3A_510 = arith.mulf %gather3A_496, %sub3A_509 : vector<16xf32>
        %add3A_511 = arith.addf %scan3A_409, %mul3A_510 : vector<16xf32>
        %mul3A_512 = arith.mulf %gather3A_496, %gather3A_496 : vector<16xf32>
        %add3A_513 = arith.addf %add3A_447, %mul3A_512 : vector<16xf32>
        %mul3A_514 = arith.mulf %gather3A_502, %gather3A_502 : vector<16xf32>
        %add3A_515 = arith.addf %add3A_449, %mul3A_514 : vector<16xf32>
        %mul3A_516 = arith.mulf %gather3A_508, %gather3A_508 : vector<16xf32>
        %add3A_517 = arith.addf %add3A_451, %mul3A_516 : vector<16xf32>
        %add3A_518 = arith.constant 3 : i32
        %add3A_519 = vector.broadcast %add3A_518 : i32 to vector<16xi32>
        %add3A_520 = arith.addi %add3A_420, %add3A_519 : vector<16xi32>
        %and3A_521 = arith.constant 63 : i32
        %and3A_522 = vector.broadcast %and3A_521 : i32 to vector<16xi32>
        %and3A_523 = arith.andi %add3A_520, %and3A_522 : vector<16xi32>
        %add3A_524 = arith.addi %shift_left3A_351, %and3A_523 : vector<16xi32>
        %gather3A_525 = arith.constant 0 : i32
        %gather3A_526 = arith.constant 0 : i32
        %gather3A_527 = tpu.memref_slice %arg18[%scan3A_188, %gather3A_525, %gather3A_526] : memref<2x128x128xf32, #tpu.memory_space<vmem>> -> memref<1x128x128xf32, #tpu.memory_space<vmem>>
        %gather3A_528 = tpu.memref_squeeze %gather3A_527 : memref<1x128x128xf32, #tpu.memory_space<vmem>> -> memref<128x128xf32, #tpu.memory_space<vmem>>
        %gather3A_529 = tpu.vector_load_idx %gather3A_528[%add3A_342, %add3A_524] : memref<128x128xf32, #tpu.memory_space<vmem>>[vector<16xi32>, vector<16xi32>], vector<16xf32>,
        %add3A_530 = arith.addi %shift_left3A_361, %and3A_523 : vector<16xi32>
        %gather3A_531 = arith.constant 0 : i32
        %gather3A_532 = arith.constant 0 : i32
        %gather3A_533 = tpu.memref_slice %arg19[%scan3A_189, %gather3A_531, %gather3A_532] : memref<2x128x128xf32, #tpu.memory_space<vmem>> -> memref<1x128x128xf32, #tpu.memory_space<vmem>>
        %gather3A_534 = tpu.memref_squeeze %gather3A_533 : memref<1x128x128xf32, #tpu.memory_space<vmem>> -> memref<128x128xf32, #tpu.memory_space<vmem>>
        %gather3A_535 = tpu.vector_load_idx %gather3A_534[%add3A_342, %add3A_530] : memref<128x128xf32, #tpu.memory_space<vmem>>[vector<16xi32>, vector<16xi32>], vector<16xf32>,
        %add3A_536 = arith.addi %shift_left3A_371, %and3A_523 : vector<16xi32>
        %gather3A_537 = arith.constant 0 : i32
        %gather3A_538 = arith.constant 0 : i32
        %gather3A_539 = tpu.memref_slice %arg20[%scan3A_190, %gather3A_537, %gather3A_538] : memref<2x128x128xf32, #tpu.memory_space<vmem>> -> memref<1x128x128xf32, #tpu.memory_space<vmem>>
        %gather3A_540 = tpu.memref_squeeze %gather3A_539 : memref<1x128x128xf32, #tpu.memory_space<vmem>> -> memref<128x128xf32, #tpu.memory_space<vmem>>
        %gather3A_541 = tpu.vector_load_idx %gather3A_540[%add3A_342, %add3A_536] : memref<128x128xf32, #tpu.memory_space<vmem>>[vector<16xi32>, vector<16xi32>], vector<16xf32>,
        %sub3A_542 = arith.subf %gather3A_541, %gather3A_535 : vector<16xf32>
        %mul3A_543 = arith.mulf %gather3A_529, %sub3A_542 : vector<16xf32>
        %add3A_544 = arith.addf %scan3A_410, %mul3A_543 : vector<16xf32>
        %mul3A_545 = arith.mulf %gather3A_529, %gather3A_529 : vector<16xf32>
        %add3A_546 = arith.addf %add3A_480, %mul3A_545 : vector<16xf32>
        %mul3A_547 = arith.mulf %gather3A_535, %gather3A_535 : vector<16xf32>
        %add3A_548 = arith.addf %add3A_482, %mul3A_547 : vector<16xf32>
        %mul3A_549 = arith.mulf %gather3A_541, %gather3A_541 : vector<16xf32>
        %add3A_550 = arith.addf %add3A_484, %mul3A_549 : vector<16xf32>
        %add3A_551 = arith.constant 4 : i32
        %add3A_552 = vector.broadcast %add3A_551 : i32 to vector<16xi32>
        %add3A_553 = arith.addi %add3A_420, %add3A_552 : vector<16xi32>
        %and3A_554 = arith.constant 63 : i32
        %and3A_555 = vector.broadcast %and3A_554 : i32 to vector<16xi32>
        %and3A_556 = arith.andi %add3A_553, %and3A_555 : vector<16xi32>
        %add3A_557 = arith.addi %shift_left3A_351, %and3A_556 : vector<16xi32>
        %gather3A_558 = arith.constant 0 : i32
        %gather3A_559 = arith.constant 0 : i32
        %gather3A_560 = tpu.memref_slice %arg18[%scan3A_188, %gather3A_558, %gather3A_559] : memref<2x128x128xf32, #tpu.memory_space<vmem>> -> memref<1x128x128xf32, #tpu.memory_space<vmem>>
        %gather3A_561 = tpu.memref_squeeze %gather3A_560 : memref<1x128x128xf32, #tpu.memory_space<vmem>> -> memref<128x128xf32, #tpu.memory_space<vmem>>
        %gather3A_562 = tpu.vector_load_idx %gather3A_561[%add3A_342, %add3A_557] : memref<128x128xf32, #tpu.memory_space<vmem>>[vector<16xi32>, vector<16xi32>], vector<16xf32>,
        %add3A_563 = arith.addi %shift_left3A_361, %and3A_556 : vector<16xi32>
        %gather3A_564 = arith.constant 0 : i32
        %gather3A_565 = arith.constant 0 : i32
        %gather3A_566 = tpu.memref_slice %arg19[%scan3A_189, %gather3A_564, %gather3A_565] : memref<2x128x128xf32, #tpu.memory_space<vmem>> -> memref<1x128x128xf32, #tpu.memory_space<vmem>>
        %gather3A_567 = tpu.memref_squeeze %gather3A_566 : memref<1x128x128xf32, #tpu.memory_space<vmem>> -> memref<128x128xf32, #tpu.memory_space<vmem>>
        %gather3A_568 = tpu.vector_load_idx %gather3A_567[%add3A_342, %add3A_563] : memref<128x128xf32, #tpu.memory_space<vmem>>[vector<16xi32>, vector<16xi32>], vector<16xf32>,
        %add3A_569 = arith.addi %shift_left3A_371, %and3A_556 : vector<16xi32>
        %gather3A_570 = arith.constant 0 : i32
        %gather3A_571 = arith.constant 0 : i32
        %gather3A_572 = tpu.memref_slice %arg20[%scan3A_190, %gather3A_570, %gather3A_571] : memref<2x128x128xf32, #tpu.memory_space<vmem>> -> memref<1x128x128xf32, #tpu.memory_space<vmem>>
        %gather3A_573 = tpu.memref_squeeze %gather3A_572 : memref<1x128x128xf32, #tpu.memory_space<vmem>> -> memref<128x128xf32, #tpu.memory_space<vmem>>
        %gather3A_574 = tpu.vector_load_idx %gather3A_573[%add3A_342, %add3A_569] : memref<128x128xf32, #tpu.memory_space<vmem>>[vector<16xi32>, vector<16xi32>], vector<16xf32>,
        %sub3A_575 = arith.subf %gather3A_574, %gather3A_568 : vector<16xf32>
        %mul3A_576 = arith.mulf %gather3A_562, %sub3A_575 : vector<16xf32>
        %add3A_577 = arith.addf %add3A_445, %mul3A_576 : vector<16xf32>
        %mul3A_578 = arith.mulf %gather3A_562, %gather3A_562 : vector<16xf32>
        %add3A_579 = arith.addf %add3A_513, %mul3A_578 : vector<16xf32>
        %mul3A_580 = arith.mulf %gather3A_568, %gather3A_568 : vector<16xf32>
        %add3A_581 = arith.addf %add3A_515, %mul3A_580 : vector<16xf32>
        %mul3A_582 = arith.mulf %gather3A_574, %gather3A_574 : vector<16xf32>
        %add3A_583 = arith.addf %add3A_517, %mul3A_582 : vector<16xf32>
        %add3A_584 = arith.constant 5 : i32
        %add3A_585 = vector.broadcast %add3A_584 : i32 to vector<16xi32>
        %add3A_586 = arith.addi %add3A_420, %add3A_585 : vector<16xi32>
        %and3A_587 = arith.constant 63 : i32
        %and3A_588 = vector.broadcast %and3A_587 : i32 to vector<16xi32>
        %and3A_589 = arith.andi %add3A_586, %and3A_588 : vector<16xi32>
        %add3A_590 = arith.addi %shift_left3A_351, %and3A_589 : vector<16xi32>
        %gather3A_591 = arith.constant 0 : i32
        %gather3A_592 = arith.constant 0 : i32
        %gather3A_593 = tpu.memref_slice %arg18[%scan3A_188, %gather3A_591, %gather3A_592] : memref<2x128x128xf32, #tpu.memory_space<vmem>> -> memref<1x128x128xf32, #tpu.memory_space<vmem>>
        %gather3A_594 = tpu.memref_squeeze %gather3A_593 : memref<1x128x128xf32, #tpu.memory_space<vmem>> -> memref<128x128xf32, #tpu.memory_space<vmem>>
        %gather3A_595 = tpu.vector_load_idx %gather3A_594[%add3A_342, %add3A_590] : memref<128x128xf32, #tpu.memory_space<vmem>>[vector<16xi32>, vector<16xi32>], vector<16xf32>,
        %add3A_596 = arith.addi %shift_left3A_361, %and3A_589 : vector<16xi32>
        %gather3A_597 = arith.constant 0 : i32
        %gather3A_598 = arith.constant 0 : i32
        %gather3A_599 = tpu.memref_slice %arg19[%scan3A_189, %gather3A_597, %gather3A_598] : memref<2x128x128xf32, #tpu.memory_space<vmem>> -> memref<1x128x128xf32, #tpu.memory_space<vmem>>
        %gather3A_600 = tpu.memref_squeeze %gather3A_599 : memref<1x128x128xf32, #tpu.memory_space<vmem>> -> memref<128x128xf32, #tpu.memory_space<vmem>>
        %gather3A_601 = tpu.vector_load_idx %gather3A_600[%add3A_342, %add3A_596] : memref<128x128xf32, #tpu.memory_space<vmem>>[vector<16xi32>, vector<16xi32>], vector<16xf32>,
        %add3A_602 = arith.addi %shift_left3A_371, %and3A_589 : vector<16xi32>
        %gather3A_603 = arith.constant 0 : i32
        %gather3A_604 = arith.constant 0 : i32
        %gather3A_605 = tpu.memref_slice %arg20[%scan3A_190, %gather3A_603, %gather3A_604] : memref<2x128x128xf32, #tpu.memory_space<vmem>> -> memref<1x128x128xf32, #tpu.memory_space<vmem>>
        %gather3A_606 = tpu.memref_squeeze %gather3A_605 : memref<1x128x128xf32, #tpu.memory_space<vmem>> -> memref<128x128xf32, #tpu.memory_space<vmem>>
        %gather3A_607 = tpu.vector_load_idx %gather3A_606[%add3A_342, %add3A_602] : memref<128x128xf32, #tpu.memory_space<vmem>>[vector<16xi32>, vector<16xi32>], vector<16xf32>,
        %sub3A_608 = arith.subf %gather3A_607, %gather3A_601 : vector<16xf32>
        %mul3A_609 = arith.mulf %gather3A_595, %sub3A_608 : vector<16xf32>
        %add3A_610 = arith.addf %add3A_478, %mul3A_609 : vector<16xf32>
        %mul3A_611 = arith.mulf %gather3A_595, %gather3A_595 : vector<16xf32>
        %add3A_612 = arith.addf %add3A_546, %mul3A_611 : vector<16xf32>
        %mul3A_613 = arith.mulf %gather3A_601, %gather3A_601 : vector<16xf32>
        %add3A_614 = arith.addf %add3A_548, %mul3A_613 : vector<16xf32>
        %mul3A_615 = arith.mulf %gather3A_607, %gather3A_607 : vector<16xf32>
        %add3A_616 = arith.addf %add3A_550, %mul3A_615 : vector<16xf32>
        %add3A_617 = arith.constant 6 : i32
        %add3A_618 = vector.broadcast %add3A_617 : i32 to vector<16xi32>
        %add3A_619 = arith.addi %add3A_420, %add3A_618 : vector<16xi32>
        %and3A_620 = arith.constant 63 : i32
        %and3A_621 = vector.broadcast %and3A_620 : i32 to vector<16xi32>
        %and3A_622 = arith.andi %add3A_619, %and3A_621 : vector<16xi32>
        %add3A_623 = arith.addi %shift_left3A_351, %and3A_622 : vector<16xi32>
        %gather3A_624 = arith.constant 0 : i32
        %gather3A_625 = arith.constant 0 : i32
        %gather3A_626 = tpu.memref_slice %arg18[%scan3A_188, %gather3A_624, %gather3A_625] : memref<2x128x128xf32, #tpu.memory_space<vmem>> -> memref<1x128x128xf32, #tpu.memory_space<vmem>>
        %gather3A_627 = tpu.memref_squeeze %gather3A_626 : memref<1x128x128xf32, #tpu.memory_space<vmem>> -> memref<128x128xf32, #tpu.memory_space<vmem>>
        %gather3A_628 = tpu.vector_load_idx %gather3A_627[%add3A_342, %add3A_623] : memref<128x128xf32, #tpu.memory_space<vmem>>[vector<16xi32>, vector<16xi32>], vector<16xf32>,
        %add3A_629 = arith.addi %shift_left3A_361, %and3A_622 : vector<16xi32>
        %gather3A_630 = arith.constant 0 : i32
        %gather3A_631 = arith.constant 0 : i32
        %gather3A_632 = tpu.memref_slice %arg19[%scan3A_189, %gather3A_630, %gather3A_631] : memref<2x128x128xf32, #tpu.memory_space<vmem>> -> memref<1x128x128xf32, #tpu.memory_space<vmem>>
        %gather3A_633 = tpu.memref_squeeze %gather3A_632 : memref<1x128x128xf32, #tpu.memory_space<vmem>> -> memref<128x128xf32, #tpu.memory_space<vmem>>
        %gather3A_634 = tpu.vector_load_idx %gather3A_633[%add3A_342, %add3A_629] : memref<128x128xf32, #tpu.memory_space<vmem>>[vector<16xi32>, vector<16xi32>], vector<16xf32>,
        %add3A_635 = arith.addi %shift_left3A_371, %and3A_622 : vector<16xi32>
        %gather3A_636 = arith.constant 0 : i32
        %gather3A_637 = arith.constant 0 : i32
        %gather3A_638 = tpu.memref_slice %arg20[%scan3A_190, %gather3A_636, %gather3A_637] : memref<2x128x128xf32, #tpu.memory_space<vmem>> -> memref<1x128x128xf32, #tpu.memory_space<vmem>>
        %gather3A_639 = tpu.memref_squeeze %gather3A_638 : memref<1x128x128xf32, #tpu.memory_space<vmem>> -> memref<128x128xf32, #tpu.memory_space<vmem>>
        %gather3A_640 = tpu.vector_load_idx %gather3A_639[%add3A_342, %add3A_635] : memref<128x128xf32, #tpu.memory_space<vmem>>[vector<16xi32>, vector<16xi32>], vector<16xf32>,
        %sub3A_641 = arith.subf %gather3A_640, %gather3A_634 : vector<16xf32>
        %mul3A_642 = arith.mulf %gather3A_628, %sub3A_641 : vector<16xf32>
        %add3A_643 = arith.addf %add3A_511, %mul3A_642 : vector<16xf32>
        %mul3A_644 = arith.mulf %gather3A_628, %gather3A_628 : vector<16xf32>
        %add3A_645 = arith.addf %add3A_579, %mul3A_644 : vector<16xf32>
        %mul3A_646 = arith.mulf %gather3A_634, %gather3A_634 : vector<16xf32>
        %add3A_647 = arith.addf %add3A_581, %mul3A_646 : vector<16xf32>
        %mul3A_648 = arith.mulf %gather3A_640, %gather3A_640 : vector<16xf32>
        %add3A_649 = arith.addf %add3A_583, %mul3A_648 : vector<16xf32>
        %add3A_650 = arith.constant 7 : i32
        %add3A_651 = vector.broadcast %add3A_650 : i32 to vector<16xi32>
        %add3A_652 = arith.addi %add3A_420, %add3A_651 : vector<16xi32>
        %and3A_653 = arith.constant 63 : i32
        %and3A_654 = vector.broadcast %and3A_653 : i32 to vector<16xi32>
        %and3A_655 = arith.andi %add3A_652, %and3A_654 : vector<16xi32>
        %add3A_656 = arith.addi %shift_left3A_351, %and3A_655 : vector<16xi32>
        %gather3A_657 = arith.constant 0 : i32
        %gather3A_658 = arith.constant 0 : i32
        %gather3A_659 = tpu.memref_slice %arg18[%scan3A_188, %gather3A_657, %gather3A_658] : memref<2x128x128xf32, #tpu.memory_space<vmem>> -> memref<1x128x128xf32, #tpu.memory_space<vmem>>
        %gather3A_660 = tpu.memref_squeeze %gather3A_659 : memref<1x128x128xf32, #tpu.memory_space<vmem>> -> memref<128x128xf32, #tpu.memory_space<vmem>>
        %gather3A_661 = tpu.vector_load_idx %gather3A_660[%add3A_342, %add3A_656] : memref<128x128xf32, #tpu.memory_space<vmem>>[vector<16xi32>, vector<16xi32>], vector<16xf32>,
        %add3A_662 = arith.addi %shift_left3A_361, %and3A_655 : vector<16xi32>
        %gather3A_663 = arith.constant 0 : i32
        %gather3A_664 = arith.constant 0 : i32
        %gather3A_665 = tpu.memref_slice %arg19[%scan3A_189, %gather3A_663, %gather3A_664] : memref<2x128x128xf32, #tpu.memory_space<vmem>> -> memref<1x128x128xf32, #tpu.memory_space<vmem>>
        %gather3A_666 = tpu.memref_squeeze %gather3A_665 : memref<1x128x128xf32, #tpu.memory_space<vmem>> -> memref<128x128xf32, #tpu.memory_space<vmem>>
        %gather3A_667 = tpu.vector_load_idx %gather3A_666[%add3A_342, %add3A_662] : memref<128x128xf32, #tpu.memory_space<vmem>>[vector<16xi32>, vector<16xi32>], vector<16xf32>,
        %add3A_668 = arith.addi %shift_left3A_371, %and3A_655 : vector<16xi32>
        %gather3A_669 = arith.constant 0 : i32
        %gather3A_670 = arith.constant 0 : i32
        %gather3A_671 = tpu.memref_slice %arg20[%scan3A_190, %gather3A_669, %gather3A_670] : memref<2x128x128xf32, #tpu.memory_space<vmem>> -> memref<1x128x128xf32, #tpu.memory_space<vmem>>
        %gather3A_672 = tpu.memref_squeeze %gather3A_671 : memref<1x128x128xf32, #tpu.memory_space<vmem>> -> memref<128x128xf32, #tpu.memory_space<vmem>>
        %gather3A_673 = tpu.vector_load_idx %gather3A_672[%add3A_342, %add3A_668] : memref<128x128xf32, #tpu.memory_space<vmem>>[vector<16xi32>, vector<16xi32>], vector<16xf32>,
        %sub3A_674 = arith.subf %gather3A_673, %gather3A_667 : vector<16xf32>
        %mul3A_675 = arith.mulf %gather3A_661, %sub3A_674 : vector<16xf32>
        %add3A_676 = arith.addf %add3A_544, %mul3A_675 : vector<16xf32>
        %mul3A_677 = arith.mulf %gather3A_661, %gather3A_661 : vector<16xf32>
        %add3A_678 = arith.addf %add3A_612, %mul3A_677 : vector<16xf32>
        %mul3A_679 = arith.mulf %gather3A_667, %gather3A_667 : vector<16xf32>
        %add3A_680 = arith.addf %add3A_614, %mul3A_679 : vector<16xf32>
        %mul3A_681 = arith.mulf %gather3A_673, %gather3A_673 : vector<16xf32>
        %add3A_682 = arith.addf %add3A_616, %mul3A_681 : vector<16xf32>
        %add3A_683 = arith.constant 8 : i32
        %add3A_684 = vector.broadcast %add3A_683 : i32 to vector<16xi32>
        %add3A_685 = arith.addi %add3A_420, %add3A_684 : vector<16xi32>
        %and3A_686 = arith.constant 63 : i32
        %and3A_687 = vector.broadcast %and3A_686 : i32 to vector<16xi32>
        %and3A_688 = arith.andi %add3A_685, %and3A_687 : vector<16xi32>
        %add3A_689 = arith.addi %shift_left3A_351, %and3A_688 : vector<16xi32>
        %gather3A_690 = arith.constant 0 : i32
        %gather3A_691 = arith.constant 0 : i32
        %gather3A_692 = tpu.memref_slice %arg18[%scan3A_188, %gather3A_690, %gather3A_691] : memref<2x128x128xf32, #tpu.memory_space<vmem>> -> memref<1x128x128xf32, #tpu.memory_space<vmem>>
        %gather3A_693 = tpu.memref_squeeze %gather3A_692 : memref<1x128x128xf32, #tpu.memory_space<vmem>> -> memref<128x128xf32, #tpu.memory_space<vmem>>
        %gather3A_694 = tpu.vector_load_idx %gather3A_693[%add3A_342, %add3A_689] : memref<128x128xf32, #tpu.memory_space<vmem>>[vector<16xi32>, vector<16xi32>], vector<16xf32>,
        %add3A_695 = arith.addi %shift_left3A_361, %and3A_688 : vector<16xi32>
        %gather3A_696 = arith.constant 0 : i32
        %gather3A_697 = arith.constant 0 : i32
        %gather3A_698 = tpu.memref_slice %arg19[%scan3A_189, %gather3A_696, %gather3A_697] : memref<2x128x128xf32, #tpu.memory_space<vmem>> -> memref<1x128x128xf32, #tpu.memory_space<vmem>>
        %gather3A_699 = tpu.memref_squeeze %gather3A_698 : memref<1x128x128xf32, #tpu.memory_space<vmem>> -> memref<128x128xf32, #tpu.memory_space<vmem>>
        %gather3A_700 = tpu.vector_load_idx %gather3A_699[%add3A_342, %add3A_695] : memref<128x128xf32, #tpu.memory_space<vmem>>[vector<16xi32>, vector<16xi32>], vector<16xf32>,
        %add3A_701 = arith.addi %shift_left3A_371, %and3A_688 : vector<16xi32>
        %gather3A_702 = arith.constant 0 : i32
        %gather3A_703 = arith.constant 0 : i32
        %gather3A_704 = tpu.memref_slice %arg20[%scan3A_190, %gather3A_702, %gather3A_703] : memref<2x128x128xf32, #tpu.memory_space<vmem>> -> memref<1x128x128xf32, #tpu.memory_space<vmem>>
        %gather3A_705 = tpu.memref_squeeze %gather3A_704 : memref<1x128x128xf32, #tpu.memory_space<vmem>> -> memref<128x128xf32, #tpu.memory_space<vmem>>
        %gather3A_706 = tpu.vector_load_idx %gather3A_705[%add3A_342, %add3A_701] : memref<128x128xf32, #tpu.memory_space<vmem>>[vector<16xi32>, vector<16xi32>], vector<16xf32>,
        %sub3A_707 = arith.subf %gather3A_706, %gather3A_700 : vector<16xf32>
        %mul3A_708 = arith.mulf %gather3A_694, %sub3A_707 : vector<16xf32>
        %add3A_709 = arith.addf %add3A_577, %mul3A_708 : vector<16xf32>
        %mul3A_710 = arith.mulf %gather3A_694, %gather3A_694 : vector<16xf32>
        %add3A_711 = arith.addf %add3A_645, %mul3A_710 : vector<16xf32>
        %mul3A_712 = arith.mulf %gather3A_700, %gather3A_700 : vector<16xf32>
        %add3A_713 = arith.addf %add3A_647, %mul3A_712 : vector<16xf32>
        %mul3A_714 = arith.mulf %gather3A_706, %gather3A_706 : vector<16xf32>
        %add3A_715 = arith.addf %add3A_649, %mul3A_714 : vector<16xf32>
        %add3A_716 = arith.constant 9 : i32
        %add3A_717 = vector.broadcast %add3A_716 : i32 to vector<16xi32>
        %add3A_718 = arith.addi %add3A_420, %add3A_717 : vector<16xi32>
        %and3A_719 = arith.constant 63 : i32
        %and3A_720 = vector.broadcast %and3A_719 : i32 to vector<16xi32>
        %and3A_721 = arith.andi %add3A_718, %and3A_720 : vector<16xi32>
        %add3A_722 = arith.addi %shift_left3A_351, %and3A_721 : vector<16xi32>
        %gather3A_723 = arith.constant 0 : i32
        %gather3A_724 = arith.constant 0 : i32
        %gather3A_725 = tpu.memref_slice %arg18[%scan3A_188, %gather3A_723, %gather3A_724] : memref<2x128x128xf32, #tpu.memory_space<vmem>> -> memref<1x128x128xf32, #tpu.memory_space<vmem>>
        %gather3A_726 = tpu.memref_squeeze %gather3A_725 : memref<1x128x128xf32, #tpu.memory_space<vmem>> -> memref<128x128xf32, #tpu.memory_space<vmem>>
        %gather3A_727 = tpu.vector_load_idx %gather3A_726[%add3A_342, %add3A_722] : memref<128x128xf32, #tpu.memory_space<vmem>>[vector<16xi32>, vector<16xi32>], vector<16xf32>,
        %add3A_728 = arith.addi %shift_left3A_361, %and3A_721 : vector<16xi32>
        %gather3A_729 = arith.constant 0 : i32
        %gather3A_730 = arith.constant 0 : i32
        %gather3A_731 = tpu.memref_slice %arg19[%scan3A_189, %gather3A_729, %gather3A_730] : memref<2x128x128xf32, #tpu.memory_space<vmem>> -> memref<1x128x128xf32, #tpu.memory_space<vmem>>
        %gather3A_732 = tpu.memref_squeeze %gather3A_731 : memref<1x128x128xf32, #tpu.memory_space<vmem>> -> memref<128x128xf32, #tpu.memory_space<vmem>>
        %gather3A_733 = tpu.vector_load_idx %gather3A_732[%add3A_342, %add3A_728] : memref<128x128xf32, #tpu.memory_space<vmem>>[vector<16xi32>, vector<16xi32>], vector<16xf32>,
        %add3A_734 = arith.addi %shift_left3A_371, %and3A_721 : vector<16xi32>
        %gather3A_735 = arith.constant 0 : i32
        %gather3A_736 = arith.constant 0 : i32
        %gather3A_737 = tpu.memref_slice %arg20[%scan3A_190, %gather3A_735, %gather3A_736] : memref<2x128x128xf32, #tpu.memory_space<vmem>> -> memref<1x128x128xf32, #tpu.memory_space<vmem>>
        %gather3A_738 = tpu.memref_squeeze %gather3A_737 : memref<1x128x128xf32, #tpu.memory_space<vmem>> -> memref<128x128xf32, #tpu.memory_space<vmem>>
        %gather3A_739 = tpu.vector_load_idx %gather3A_738[%add3A_342, %add3A_734] : memref<128x128xf32, #tpu.memory_space<vmem>>[vector<16xi32>, vector<16xi32>], vector<16xf32>,
        %sub3A_740 = arith.subf %gather3A_739, %gather3A_733 : vector<16xf32>
        %mul3A_741 = arith.mulf %gather3A_727, %sub3A_740 : vector<16xf32>
        %add3A_742 = arith.addf %add3A_610, %mul3A_741 : vector<16xf32>
        %mul3A_743 = arith.mulf %gather3A_727, %gather3A_727 : vector<16xf32>
        %add3A_744 = arith.addf %add3A_678, %mul3A_743 : vector<16xf32>
        %mul3A_745 = arith.mulf %gather3A_733, %gather3A_733 : vector<16xf32>
        %add3A_746 = arith.addf %add3A_680, %mul3A_745 : vector<16xf32>
        %mul3A_747 = arith.mulf %gather3A_739, %gather3A_739 : vector<16xf32>
        %add3A_748 = arith.addf %add3A_682, %mul3A_747 : vector<16xf32>
        %add3A_749 = arith.constant 10 : i32
        %add3A_750 = vector.broadcast %add3A_749 : i32 to vector<16xi32>
        %add3A_751 = arith.addi %add3A_420, %add3A_750 : vector<16xi32>
        %and3A_752 = arith.constant 63 : i32
        %and3A_753 = vector.broadcast %and3A_752 : i32 to vector<16xi32>
        %and3A_754 = arith.andi %add3A_751, %and3A_753 : vector<16xi32>
        %add3A_755 = arith.addi %shift_left3A_351, %and3A_754 : vector<16xi32>
        %gather3A_756 = arith.constant 0 : i32
        %gather3A_757 = arith.constant 0 : i32
        %gather3A_758 = tpu.memref_slice %arg18[%scan3A_188, %gather3A_756, %gather3A_757] : memref<2x128x128xf32, #tpu.memory_space<vmem>> -> memref<1x128x128xf32, #tpu.memory_space<vmem>>
        %gather3A_759 = tpu.memref_squeeze %gather3A_758 : memref<1x128x128xf32, #tpu.memory_space<vmem>> -> memref<128x128xf32, #tpu.memory_space<vmem>>
        %gather3A_760 = tpu.vector_load_idx %gather3A_759[%add3A_342, %add3A_755] : memref<128x128xf32, #tpu.memory_space<vmem>>[vector<16xi32>, vector<16xi32>], vector<16xf32>,
        %add3A_761 = arith.addi %shift_left3A_361, %and3A_754 : vector<16xi32>
        %gather3A_762 = arith.constant 0 : i32
        %gather3A_763 = arith.constant 0 : i32
        %gather3A_764 = tpu.memref_slice %arg19[%scan3A_189, %gather3A_762, %gather3A_763] : memref<2x128x128xf32, #tpu.memory_space<vmem>> -> memref<1x128x128xf32, #tpu.memory_space<vmem>>
        %gather3A_765 = tpu.memref_squeeze %gather3A_764 : memref<1x128x128xf32, #tpu.memory_space<vmem>> -> memref<128x128xf32, #tpu.memory_space<vmem>>
        %gather3A_766 = tpu.vector_load_idx %gather3A_765[%add3A_342, %add3A_761] : memref<128x128xf32, #tpu.memory_space<vmem>>[vector<16xi32>, vector<16xi32>], vector<16xf32>,
        %add3A_767 = arith.addi %shift_left3A_371, %and3A_754 : vector<16xi32>
        %gather3A_768 = arith.constant 0 : i32
        %gather3A_769 = arith.constant 0 : i32
        %gather3A_770 = tpu.memref_slice %arg20[%scan3A_190, %gather3A_768, %gather3A_769] : memref<2x128x128xf32, #tpu.memory_space<vmem>> -> memref<1x128x128xf32, #tpu.memory_space<vmem>>
        %gather3A_771 = tpu.memref_squeeze %gather3A_770 : memref<1x128x128xf32, #tpu.memory_space<vmem>> -> memref<128x128xf32, #tpu.memory_space<vmem>>
        %gather3A_772 = tpu.vector_load_idx %gather3A_771[%add3A_342, %add3A_767] : memref<128x128xf32, #tpu.memory_space<vmem>>[vector<16xi32>, vector<16xi32>], vector<16xf32>,
        %sub3A_773 = arith.subf %gather3A_772, %gather3A_766 : vector<16xf32>
        %mul3A_774 = arith.mulf %gather3A_760, %sub3A_773 : vector<16xf32>
        %add3A_775 = arith.addf %add3A_643, %mul3A_774 : vector<16xf32>
        %mul3A_776 = arith.mulf %gather3A_760, %gather3A_760 : vector<16xf32>
        %add3A_777 = arith.addf %add3A_711, %mul3A_776 : vector<16xf32>
        %mul3A_778 = arith.mulf %gather3A_766, %gather3A_766 : vector<16xf32>
        %add3A_779 = arith.addf %add3A_713, %mul3A_778 : vector<16xf32>
        %mul3A_780 = arith.mulf %gather3A_772, %gather3A_772 : vector<16xf32>
        %add3A_781 = arith.addf %add3A_715, %mul3A_780 : vector<16xf32>
        %add3A_782 = arith.constant 11 : i32
        %add3A_783 = vector.broadcast %add3A_782 : i32 to vector<16xi32>
        %add3A_784 = arith.addi %add3A_420, %add3A_783 : vector<16xi32>
        %and3A_785 = arith.constant 63 : i32
        %and3A_786 = vector.broadcast %and3A_785 : i32 to vector<16xi32>
        %and3A_787 = arith.andi %add3A_784, %and3A_786 : vector<16xi32>
        %add3A_788 = arith.addi %shift_left3A_351, %and3A_787 : vector<16xi32>
        %gather3A_789 = arith.constant 0 : i32
        %gather3A_790 = arith.constant 0 : i32
        %gather3A_791 = tpu.memref_slice %arg18[%scan3A_188, %gather3A_789, %gather3A_790] : memref<2x128x128xf32, #tpu.memory_space<vmem>> -> memref<1x128x128xf32, #tpu.memory_space<vmem>>
        %gather3A_792 = tpu.memref_squeeze %gather3A_791 : memref<1x128x128xf32, #tpu.memory_space<vmem>> -> memref<128x128xf32, #tpu.memory_space<vmem>>
        %gather3A_793 = tpu.vector_load_idx %gather3A_792[%add3A_342, %add3A_788] : memref<128x128xf32, #tpu.memory_space<vmem>>[vector<16xi32>, vector<16xi32>], vector<16xf32>,
        %add3A_794 = arith.addi %shift_left3A_361, %and3A_787 : vector<16xi32>
        %gather3A_795 = arith.constant 0 : i32
        %gather3A_796 = arith.constant 0 : i32
        %gather3A_797 = tpu.memref_slice %arg19[%scan3A_189, %gather3A_795, %gather3A_796] : memref<2x128x128xf32, #tpu.memory_space<vmem>> -> memref<1x128x128xf32, #tpu.memory_space<vmem>>
        %gather3A_798 = tpu.memref_squeeze %gather3A_797 : memref<1x128x128xf32, #tpu.memory_space<vmem>> -> memref<128x128xf32, #tpu.memory_space<vmem>>
        %gather3A_799 = tpu.vector_load_idx %gather3A_798[%add3A_342, %add3A_794] : memref<128x128xf32, #tpu.memory_space<vmem>>[vector<16xi32>, vector<16xi32>], vector<16xf32>,
        %add3A_800 = arith.addi %shift_left3A_371, %and3A_787 : vector<16xi32>
        %gather3A_801 = arith.constant 0 : i32
        %gather3A_802 = arith.constant 0 : i32
        %gather3A_803 = tpu.memref_slice %arg20[%scan3A_190, %gather3A_801, %gather3A_802] : memref<2x128x128xf32, #tpu.memory_space<vmem>> -> memref<1x128x128xf32, #tpu.memory_space<vmem>>
        %gather3A_804 = tpu.memref_squeeze %gather3A_803 : memref<1x128x128xf32, #tpu.memory_space<vmem>> -> memref<128x128xf32, #tpu.memory_space<vmem>>
        %gather3A_805 = tpu.vector_load_idx %gather3A_804[%add3A_342, %add3A_800] : memref<128x128xf32, #tpu.memory_space<vmem>>[vector<16xi32>, vector<16xi32>], vector<16xf32>,
        %sub3A_806 = arith.subf %gather3A_805, %gather3A_799 : vector<16xf32>
        %mul3A_807 = arith.mulf %gather3A_793, %sub3A_806 : vector<16xf32>
        %add3A_808 = arith.addf %add3A_676, %mul3A_807 : vector<16xf32>
        %mul3A_809 = arith.mulf %gather3A_793, %gather3A_793 : vector<16xf32>
        %add3A_810 = arith.addf %add3A_744, %mul3A_809 : vector<16xf32>
        %mul3A_811 = arith.mulf %gather3A_799, %gather3A_799 : vector<16xf32>
        %add3A_812 = arith.addf %add3A_746, %mul3A_811 : vector<16xf32>
        %mul3A_813 = arith.mulf %gather3A_805, %gather3A_805 : vector<16xf32>
        %add3A_814 = arith.addf %add3A_748, %mul3A_813 : vector<16xf32>
        %add3A_815 = arith.constant 12 : i32
        %add3A_816 = vector.broadcast %add3A_815 : i32 to vector<16xi32>
        %add3A_817 = arith.addi %add3A_420, %add3A_816 : vector<16xi32>
        %and3A_818 = arith.constant 63 : i32
        %and3A_819 = vector.broadcast %and3A_818 : i32 to vector<16xi32>
        %and3A_820 = arith.andi %add3A_817, %and3A_819 : vector<16xi32>
        %add3A_821 = arith.addi %shift_left3A_351, %and3A_820 : vector<16xi32>
        %gather3A_822 = arith.constant 0 : i32
        %gather3A_823 = arith.constant 0 : i32
        %gather3A_824 = tpu.memref_slice %arg18[%scan3A_188, %gather3A_822, %gather3A_823] : memref<2x128x128xf32, #tpu.memory_space<vmem>> -> memref<1x128x128xf32, #tpu.memory_space<vmem>>
        %gather3A_825 = tpu.memref_squeeze %gather3A_824 : memref<1x128x128xf32, #tpu.memory_space<vmem>> -> memref<128x128xf32, #tpu.memory_space<vmem>>
        %gather3A_826 = tpu.vector_load_idx %gather3A_825[%add3A_342, %add3A_821] : memref<128x128xf32, #tpu.memory_space<vmem>>[vector<16xi32>, vector<16xi32>], vector<16xf32>,
        %add3A_827 = arith.addi %shift_left3A_361, %and3A_820 : vector<16xi32>
        %gather3A_828 = arith.constant 0 : i32
        %gather3A_829 = arith.constant 0 : i32
        %gather3A_830 = tpu.memref_slice %arg19[%scan3A_189, %gather3A_828, %gather3A_829] : memref<2x128x128xf32, #tpu.memory_space<vmem>> -> memref<1x128x128xf32, #tpu.memory_space<vmem>>
        %gather3A_831 = tpu.memref_squeeze %gather3A_830 : memref<1x128x128xf32, #tpu.memory_space<vmem>> -> memref<128x128xf32, #tpu.memory_space<vmem>>
        %gather3A_832 = tpu.vector_load_idx %gather3A_831[%add3A_342, %add3A_827] : memref<128x128xf32, #tpu.memory_space<vmem>>[vector<16xi32>, vector<16xi32>], vector<16xf32>,
        %add3A_833 = arith.addi %shift_left3A_371, %and3A_820 : vector<16xi32>
        %gather3A_834 = arith.constant 0 : i32
        %gather3A_835 = arith.constant 0 : i32
        %gather3A_836 = tpu.memref_slice %arg20[%scan3A_190, %gather3A_834, %gather3A_835] : memref<2x128x128xf32, #tpu.memory_space<vmem>> -> memref<1x128x128xf32, #tpu.memory_space<vmem>>
        %gather3A_837 = tpu.memref_squeeze %gather3A_836 : memref<1x128x128xf32, #tpu.memory_space<vmem>> -> memref<128x128xf32, #tpu.memory_space<vmem>>
        %gather3A_838 = tpu.vector_load_idx %gather3A_837[%add3A_342, %add3A_833] : memref<128x128xf32, #tpu.memory_space<vmem>>[vector<16xi32>, vector<16xi32>], vector<16xf32>,
        %sub3A_839 = arith.subf %gather3A_838, %gather3A_832 : vector<16xf32>
        %mul3A_840 = arith.mulf %gather3A_826, %sub3A_839 : vector<16xf32>
        %add3A_841 = arith.addf %add3A_709, %mul3A_840 : vector<16xf32>
        %mul3A_842 = arith.mulf %gather3A_826, %gather3A_826 : vector<16xf32>
        %add3A_843 = arith.addf %add3A_777, %mul3A_842 : vector<16xf32>
        %mul3A_844 = arith.mulf %gather3A_832, %gather3A_832 : vector<16xf32>
        %add3A_845 = arith.addf %add3A_779, %mul3A_844 : vector<16xf32>
        %mul3A_846 = arith.mulf %gather3A_838, %gather3A_838 : vector<16xf32>
        %add3A_847 = arith.addf %add3A_781, %mul3A_846 : vector<16xf32>
        %add3A_848 = arith.constant 13 : i32
        %add3A_849 = vector.broadcast %add3A_848 : i32 to vector<16xi32>
        %add3A_850 = arith.addi %add3A_420, %add3A_849 : vector<16xi32>
        %and3A_851 = arith.constant 63 : i32
        %and3A_852 = vector.broadcast %and3A_851 : i32 to vector<16xi32>
        %and3A_853 = arith.andi %add3A_850, %and3A_852 : vector<16xi32>
        %add3A_854 = arith.addi %shift_left3A_351, %and3A_853 : vector<16xi32>
        %gather3A_855 = arith.constant 0 : i32
        %gather3A_856 = arith.constant 0 : i32
        %gather3A_857 = tpu.memref_slice %arg18[%scan3A_188, %gather3A_855, %gather3A_856] : memref<2x128x128xf32, #tpu.memory_space<vmem>> -> memref<1x128x128xf32, #tpu.memory_space<vmem>>
        %gather3A_858 = tpu.memref_squeeze %gather3A_857 : memref<1x128x128xf32, #tpu.memory_space<vmem>> -> memref<128x128xf32, #tpu.memory_space<vmem>>
        %gather3A_859 = tpu.vector_load_idx %gather3A_858[%add3A_342, %add3A_854] : memref<128x128xf32, #tpu.memory_space<vmem>>[vector<16xi32>, vector<16xi32>], vector<16xf32>,
        %add3A_860 = arith.addi %shift_left3A_361, %and3A_853 : vector<16xi32>
        %gather3A_861 = arith.constant 0 : i32
        %gather3A_862 = arith.constant 0 : i32
        %gather3A_863 = tpu.memref_slice %arg19[%scan3A_189, %gather3A_861, %gather3A_862] : memref<2x128x128xf32, #tpu.memory_space<vmem>> -> memref<1x128x128xf32, #tpu.memory_space<vmem>>
        %gather3A_864 = tpu.memref_squeeze %gather3A_863 : memref<1x128x128xf32, #tpu.memory_space<vmem>> -> memref<128x128xf32, #tpu.memory_space<vmem>>
        %gather3A_865 = tpu.vector_load_idx %gather3A_864[%add3A_342, %add3A_860] : memref<128x128xf32, #tpu.memory_space<vmem>>[vector<16xi32>, vector<16xi32>], vector<16xf32>,
        %add3A_866 = arith.addi %shift_left3A_371, %and3A_853 : vector<16xi32>
        %gather3A_867 = arith.constant 0 : i32
        %gather3A_868 = arith.constant 0 : i32
        %gather3A_869 = tpu.memref_slice %arg20[%scan3A_190, %gather3A_867, %gather3A_868] : memref<2x128x128xf32, #tpu.memory_space<vmem>> -> memref<1x128x128xf32, #tpu.memory_space<vmem>>
        %gather3A_870 = tpu.memref_squeeze %gather3A_869 : memref<1x128x128xf32, #tpu.memory_space<vmem>> -> memref<128x128xf32, #tpu.memory_space<vmem>>
        %gather3A_871 = tpu.vector_load_idx %gather3A_870[%add3A_342, %add3A_866] : memref<128x128xf32, #tpu.memory_space<vmem>>[vector<16xi32>, vector<16xi32>], vector<16xf32>,
        %sub3A_872 = arith.subf %gather3A_871, %gather3A_865 : vector<16xf32>
        %mul3A_873 = arith.mulf %gather3A_859, %sub3A_872 : vector<16xf32>
        %add3A_874 = arith.addf %add3A_742, %mul3A_873 : vector<16xf32>
        %mul3A_875 = arith.mulf %gather3A_859, %gather3A_859 : vector<16xf32>
        %add3A_876 = arith.addf %add3A_810, %mul3A_875 : vector<16xf32>
        %mul3A_877 = arith.mulf %gather3A_865, %gather3A_865 : vector<16xf32>
        %add3A_878 = arith.addf %add3A_812, %mul3A_877 : vector<16xf32>
        %mul3A_879 = arith.mulf %gather3A_871, %gather3A_871 : vector<16xf32>
        %add3A_880 = arith.addf %add3A_814, %mul3A_879 : vector<16xf32>
        %add3A_881 = arith.constant 14 : i32
        %add3A_882 = vector.broadcast %add3A_881 : i32 to vector<16xi32>
        %add3A_883 = arith.addi %add3A_420, %add3A_882 : vector<16xi32>
        %and3A_884 = arith.constant 63 : i32
        %and3A_885 = vector.broadcast %and3A_884 : i32 to vector<16xi32>
        %and3A_886 = arith.andi %add3A_883, %and3A_885 : vector<16xi32>
        %add3A_887 = arith.addi %shift_left3A_351, %and3A_886 : vector<16xi32>
        %gather3A_888 = arith.constant 0 : i32
        %gather3A_889 = arith.constant 0 : i32
        %gather3A_890 = tpu.memref_slice %arg18[%scan3A_188, %gather3A_888, %gather3A_889] : memref<2x128x128xf32, #tpu.memory_space<vmem>> -> memref<1x128x128xf32, #tpu.memory_space<vmem>>
        %gather3A_891 = tpu.memref_squeeze %gather3A_890 : memref<1x128x128xf32, #tpu.memory_space<vmem>> -> memref<128x128xf32, #tpu.memory_space<vmem>>
        %gather3A_892 = tpu.vector_load_idx %gather3A_891[%add3A_342, %add3A_887] : memref<128x128xf32, #tpu.memory_space<vmem>>[vector<16xi32>, vector<16xi32>], vector<16xf32>,
        %add3A_893 = arith.addi %shift_left3A_361, %and3A_886 : vector<16xi32>
        %gather3A_894 = arith.constant 0 : i32
        %gather3A_895 = arith.constant 0 : i32
        %gather3A_896 = tpu.memref_slice %arg19[%scan3A_189, %gather3A_894, %gather3A_895] : memref<2x128x128xf32, #tpu.memory_space<vmem>> -> memref<1x128x128xf32, #tpu.memory_space<vmem>>
        %gather3A_897 = tpu.memref_squeeze %gather3A_896 : memref<1x128x128xf32, #tpu.memory_space<vmem>> -> memref<128x128xf32, #tpu.memory_space<vmem>>
        %gather3A_898 = tpu.vector_load_idx %gather3A_897[%add3A_342, %add3A_893] : memref<128x128xf32, #tpu.memory_space<vmem>>[vector<16xi32>, vector<16xi32>], vector<16xf32>,
        %add3A_899 = arith.addi %shift_left3A_371, %and3A_886 : vector<16xi32>
        %gather3A_900 = arith.constant 0 : i32
        %gather3A_901 = arith.constant 0 : i32
        %gather3A_902 = tpu.memref_slice %arg20[%scan3A_190, %gather3A_900, %gather3A_901] : memref<2x128x128xf32, #tpu.memory_space<vmem>> -> memref<1x128x128xf32, #tpu.memory_space<vmem>>
        %gather3A_903 = tpu.memref_squeeze %gather3A_902 : memref<1x128x128xf32, #tpu.memory_space<vmem>> -> memref<128x128xf32, #tpu.memory_space<vmem>>
        %gather3A_904 = tpu.vector_load_idx %gather3A_903[%add3A_342, %add3A_899] : memref<128x128xf32, #tpu.memory_space<vmem>>[vector<16xi32>, vector<16xi32>], vector<16xf32>,
        %sub3A_905 = arith.subf %gather3A_904, %gather3A_898 : vector<16xf32>
        %mul3A_906 = arith.mulf %gather3A_892, %sub3A_905 : vector<16xf32>
        %add3A_907 = arith.addf %add3A_775, %mul3A_906 : vector<16xf32>
        %mul3A_908 = arith.mulf %gather3A_892, %gather3A_892 : vector<16xf32>
        %add3A_909 = arith.addf %add3A_843, %mul3A_908 : vector<16xf32>
        %mul3A_910 = arith.mulf %gather3A_898, %gather3A_898 : vector<16xf32>
        %add3A_911 = arith.addf %add3A_845, %mul3A_910 : vector<16xf32>
        %mul3A_912 = arith.mulf %gather3A_904, %gather3A_904 : vector<16xf32>
        %add3A_913 = arith.addf %add3A_847, %mul3A_912 : vector<16xf32>
        %add3A_914 = arith.constant 15 : i32
        %add3A_915 = vector.broadcast %add3A_914 : i32 to vector<16xi32>
        %add3A_916 = arith.addi %add3A_420, %add3A_915 : vector<16xi32>
        %and3A_917 = arith.constant 63 : i32
        %and3A_918 = vector.broadcast %and3A_917 : i32 to vector<16xi32>
        %and3A_919 = arith.andi %add3A_916, %and3A_918 : vector<16xi32>
        %add3A_920 = arith.addi %shift_left3A_351, %and3A_919 : vector<16xi32>
        %gather3A_921 = arith.constant 0 : i32
        %gather3A_922 = arith.constant 0 : i32
        %gather3A_923 = tpu.memref_slice %arg18[%scan3A_188, %gather3A_921, %gather3A_922] : memref<2x128x128xf32, #tpu.memory_space<vmem>> -> memref<1x128x128xf32, #tpu.memory_space<vmem>>
        %gather3A_924 = tpu.memref_squeeze %gather3A_923 : memref<1x128x128xf32, #tpu.memory_space<vmem>> -> memref<128x128xf32, #tpu.memory_space<vmem>>
        %gather3A_925 = tpu.vector_load_idx %gather3A_924[%add3A_342, %add3A_920] : memref<128x128xf32, #tpu.memory_space<vmem>>[vector<16xi32>, vector<16xi32>], vector<16xf32>,
        %add3A_926 = arith.addi %shift_left3A_361, %and3A_919 : vector<16xi32>
        %gather3A_927 = arith.constant 0 : i32
        %gather3A_928 = arith.constant 0 : i32
        %gather3A_929 = tpu.memref_slice %arg19[%scan3A_189, %gather3A_927, %gather3A_928] : memref<2x128x128xf32, #tpu.memory_space<vmem>> -> memref<1x128x128xf32, #tpu.memory_space<vmem>>
        %gather3A_930 = tpu.memref_squeeze %gather3A_929 : memref<1x128x128xf32, #tpu.memory_space<vmem>> -> memref<128x128xf32, #tpu.memory_space<vmem>>
        %gather3A_931 = tpu.vector_load_idx %gather3A_930[%add3A_342, %add3A_926] : memref<128x128xf32, #tpu.memory_space<vmem>>[vector<16xi32>, vector<16xi32>], vector<16xf32>,
        %add3A_932 = arith.addi %shift_left3A_371, %and3A_919 : vector<16xi32>
        %gather3A_933 = arith.constant 0 : i32
        %gather3A_934 = arith.constant 0 : i32
        %gather3A_935 = tpu.memref_slice %arg20[%scan3A_190, %gather3A_933, %gather3A_934] : memref<2x128x128xf32, #tpu.memory_space<vmem>> -> memref<1x128x128xf32, #tpu.memory_space<vmem>>
        %gather3A_936 = tpu.memref_squeeze %gather3A_935 : memref<1x128x128xf32, #tpu.memory_space<vmem>> -> memref<128x128xf32, #tpu.memory_space<vmem>>
        %gather3A_937 = tpu.vector_load_idx %gather3A_936[%add3A_342, %add3A_932] : memref<128x128xf32, #tpu.memory_space<vmem>>[vector<16xi32>, vector<16xi32>], vector<16xf32>,
        %sub3A_938 = arith.subf %gather3A_937, %gather3A_931 : vector<16xf32>
        %mul3A_939 = arith.mulf %gather3A_925, %sub3A_938 : vector<16xf32>
        %add3A_940 = arith.addf %add3A_808, %mul3A_939 : vector<16xf32>
        %mul3A_941 = arith.mulf %gather3A_925, %gather3A_925 : vector<16xf32>
        %add3A_942 = arith.addf %add3A_876, %mul3A_941 : vector<16xf32>
        %mul3A_943 = arith.mulf %gather3A_931, %gather3A_931 : vector<16xf32>
        %add3A_944 = arith.addf %add3A_878, %mul3A_943 : vector<16xf32>
        %mul3A_945 = arith.mulf %gather3A_937, %gather3A_937 : vector<16xf32>
        %add3A_946 = arith.addf %add3A_880, %mul3A_945 : vector<16xf32>
        scf.yield %add3A_841, %add3A_874, %add3A_907, %add3A_940, %add3A_909, %add3A_942, %add3A_911, %add3A_944, %add3A_913, %add3A_946 : vector<16xf32>, vector<16xf32>, vector<16xf32>, vector<16xf32>, vector<16xf32>, vector<16xf32>, vector<16xf32>, vector<16xf32>, vector<16xf32>, vector<16xf32>
      }
      %scan3A_377 = arith.constant 4 : i32
      %add3A_378 = arith.addf %scan3A_376#0, %scan3A_376#1 : vector<16xf32>
      %add3A_379 = arith.addf %scan3A_376#2, %scan3A_376#3 : vector<16xf32>
      %add3A_380 = arith.addf %add3A_378, %add3A_379 : vector<16xf32>
      %abs3A = math.absf %add3A_380 : vector<16xf32>
      %neg3A = arith.constant 0.000000e+00 : f32
      %neg3A_381 = vector.broadcast %neg3A : f32 to vector<16xf32>
      %neg3A_382 = arith.subf %neg3A_381, %abs3A : vector<16xf32>
      %exp3A = math.exp %neg3A_382 : vector<16xf32>
      %add3A_383 = arith.constant 2.000000e+00 : f32
      %add3A_384 = vector.broadcast %add3A_383 : f32 to vector<16xf32>
      %add3A_385 = arith.addf %add3A_384, %exp3A : vector<16xf32>
      %div3A = arith.divf %exp3A, %add3A_385 : vector<16xf32>
      %mul3A_386 = arith.mulf %div3A, %div3A : vector<16xf32>
      %mul3A_387 = arith.constant 0.285714298 : f32
      %mul3A_388 = vector.broadcast %mul3A_387 : f32 to vector<16xf32>
      %mul3A_389 = arith.mulf %mul3A_386, %mul3A_388 : vector<16xf32>
      %add3A_390 = arith.constant 4.000000e-01 : f32
      %add3A_391 = vector.broadcast %add3A_390 : f32 to vector<16xf32>
      %add3A_392 = arith.addf %add3A_391, %mul3A_389 : vector<16xf32>
      %mul3A_393 = arith.mulf %mul3A_386, %add3A_392 : vector<16xf32>
      %add3A_394 = arith.constant 0.666666686 : f32
      %add3A_395 = vector.broadcast %add3A_394 : f32 to vector<16xf32>
      %add3A_396 = arith.addf %add3A_395, %mul3A_393 : vector<16xf32>
      %mul3A_397 = arith.mulf %mul3A_386, %add3A_396 : vector<16xf32>
      %add3A_398 = arith.constant 2.000000e+00 : f32
      %add3A_399 = vector.broadcast %add3A_398 : f32 to vector<16xf32>
      %add3A_400 = arith.addf %add3A_399, %mul3A_397 : vector<16xf32>
      %mul3A_401 = arith.mulf %div3A, %add3A_400 : vector<16xf32>
      %max3A = arith.constant 0.000000e+00 : f32
      %max3A_402 = vector.broadcast %max3A : f32 to vector<16xf32>
      %max3A_403 = arith.maximumf %add3A_380, %max3A_402 : vector<16xf32>
      %add3A_404 = arith.addf %max3A_403, %mul3A_401 : vector<16xf32>
      %add3A_405 = arith.addf %scan3A_332, %add3A_404 : vector<16xf32>
      scf.yield %add3A_405, %scan3A_376#4, %scan3A_376#5, %scan3A_376#6, %scan3A_376#7, %scan3A_376#8, %scan3A_376#9 : vector<16xf32>, vector<16xf32>, vector<16xf32>, vector<16xf32>, vector<16xf32>, vector<16xf32>, vector<16xf32>
    }
    %scan3A_196 = arith.constant 8 : i32
    %dma_start3A_197 = arith.constant 3 : i32
    %dma_start3A_198 = arith.constant 1 : i32
    %dma_start3A_199 = arith.constant 0 : i32
    %dma_start3A_200 = arith.constant 0 : i32
    %dma_start3A_201 = tpu.memref_slice %arg18[%dma_start3A_198, %dma_start3A_199, %dma_start3A_200] : memref<2x128x128xf32, #tpu.memory_space<vmem>> -> memref<1x128x128xf32, #tpu.memory_space<vmem>>
    %dma_start3A_202 = tpu.memref_squeeze %dma_start3A_201 : memref<1x128x128xf32, #tpu.memory_space<vmem>> -> memref<128x128xf32, #tpu.memory_space<vmem>>
    %dma_start3A_203 = arith.constant 0 : i32
    %dma_start3A_204 = tpu.memref_slice %arg12[%dma_start3A_197, %dma_start3A_203] : memref<4x128xi32, #tpu.memory_space<vmem>> -> memref<1x128xi32, #tpu.memory_space<vmem>>
    %dma_start3A_205 = tpu.memref_squeeze %dma_start3A_204 : memref<1x128xi32, #tpu.memory_space<vmem>> -> memref<128xi32, #tpu.memory_space<vmem>>
    %dma_start3A_206 = arith.constant 0 : i32
    %dma_start3A_207 = arith.constant 0 : i32
    %dma_start3A_208 = tpu.memref_slice %arg8[%dma_start3A_206, %dma_start3A_207] : memref<500000x128xf32, #tpu.memory_space<hbm>> -> memref<500000x128xf32, #tpu.memory_space<hbm>>
    tpu.enqueue_indirect_dma source(%dma_start3A_208 : memref<500000x128xf32, #tpu.memory_space<hbm>>) target(%dma_start3A_202 : memref<128x128xf32, #tpu.memory_space<vmem>>) offsets(%dma_start3A_205 : memref<128xi32, #tpu.memory_space<vmem>>) semaphore(%arg24 : memref<!tpu.dma_semaphore, #tpu.memory_space<semaphore_mem>>)
    %dma_start3A_209 = arith.constant 3 : i32
    %dma_start3A_210 = arith.constant 1 : i32
    %dma_start3A_211 = arith.constant 0 : i32
    %dma_start3A_212 = arith.constant 0 : i32
    %dma_start3A_213 = tpu.memref_slice %arg19[%dma_start3A_210, %dma_start3A_211, %dma_start3A_212] : memref<2x128x128xf32, #tpu.memory_space<vmem>> -> memref<1x128x128xf32, #tpu.memory_space<vmem>>
    %dma_start3A_214 = tpu.memref_squeeze %dma_start3A_213 : memref<1x128x128xf32, #tpu.memory_space<vmem>> -> memref<128x128xf32, #tpu.memory_space<vmem>>
    %dma_start3A_215 = arith.constant 0 : i32
    %dma_start3A_216 = tpu.memref_slice %arg13[%dma_start3A_209, %dma_start3A_215] : memref<4x128xi32, #tpu.memory_space<vmem>> -> memref<1x128xi32, #tpu.memory_space<vmem>>
    %dma_start3A_217 = tpu.memref_squeeze %dma_start3A_216 : memref<1x128xi32, #tpu.memory_space<vmem>> -> memref<128xi32, #tpu.memory_space<vmem>>
    %dma_start3A_218 = arith.constant 0 : i32
    %dma_start3A_219 = arith.constant 0 : i32
    %dma_start3A_220 = tpu.memref_slice %arg9[%dma_start3A_218, %dma_start3A_219] : memref<500000x128xf32, #tpu.memory_space<hbm>> -> memref<500000x128xf32, #tpu.memory_space<hbm>>
    tpu.enqueue_indirect_dma source(%dma_start3A_220 : memref<500000x128xf32, #tpu.memory_space<hbm>>) target(%dma_start3A_214 : memref<128x128xf32, #tpu.memory_space<vmem>>) offsets(%dma_start3A_217 : memref<128xi32, #tpu.memory_space<vmem>>) semaphore(%arg24 : memref<!tpu.dma_semaphore, #tpu.memory_space<semaphore_mem>>)
    %dma_start3A_221 = arith.constant 3 : i32
    %dma_start3A_222 = arith.constant 1 : i32
    %dma_start3A_223 = arith.constant 0 : i32
    %dma_start3A_224 = arith.constant 0 : i32
    %dma_start3A_225 = tpu.memref_slice %arg20[%dma_start3A_222, %dma_start3A_223, %dma_start3A_224] : memref<2x128x128xf32, #tpu.memory_space<vmem>> -> memref<1x128x128xf32, #tpu.memory_space<vmem>>
    %dma_start3A_226 = tpu.memref_squeeze %dma_start3A_225 : memref<1x128x128xf32, #tpu.memory_space<vmem>> -> memref<128x128xf32, #tpu.memory_space<vmem>>
    %dma_start3A_227 = arith.constant 0 : i32
    %dma_start3A_228 = tpu.memref_slice %arg14[%dma_start3A_221, %dma_start3A_227] : memref<4x128xi32, #tpu.memory_space<vmem>> -> memref<1x128xi32, #tpu.memory_space<vmem>>
    %dma_start3A_229 = tpu.memref_squeeze %dma_start3A_228 : memref<1x128xi32, #tpu.memory_space<vmem>> -> memref<128xi32, #tpu.memory_space<vmem>>
    %dma_start3A_230 = arith.constant 0 : i32
    %dma_start3A_231 = arith.constant 0 : i32
    %dma_start3A_232 = tpu.memref_slice %arg9[%dma_start3A_230, %dma_start3A_231] : memref<500000x128xf32, #tpu.memory_space<hbm>> -> memref<500000x128xf32, #tpu.memory_space<hbm>>
    tpu.enqueue_indirect_dma source(%dma_start3A_232 : memref<500000x128xf32, #tpu.memory_space<hbm>>) target(%dma_start3A_226 : memref<128x128xf32, #tpu.memory_space<vmem>>) offsets(%dma_start3A_229 : memref<128xi32, #tpu.memory_space<vmem>>) semaphore(%arg24 : memref<!tpu.dma_semaphore, #tpu.memory_space<semaphore_mem>>)
    %dma_wait3A_233 = arith.constant 2 : i32
    %dma_wait3A_234 = arith.constant 0 : i32
    %dma_wait3A_235 = arith.constant 0 : i32
    %dma_wait3A_236 = arith.constant 0 : i32
    %dma_wait3A_237 = tpu.memref_slice %arg18[%dma_wait3A_234, %dma_wait3A_235, %dma_wait3A_236] : memref<2x128x128xf32, #tpu.memory_space<vmem>> -> memref<1x128x128xf32, #tpu.memory_space<vmem>>
    %dma_wait3A_238 = tpu.memref_squeeze %dma_wait3A_237 : memref<1x128x128xf32, #tpu.memory_space<vmem>> -> memref<128x128xf32, #tpu.memory_space<vmem>>
    %dma_wait3A_239 = arith.constant 0 : i32
    %dma_wait3A_240 = tpu.memref_slice %arg12[%dma_wait3A_233, %dma_wait3A_239] : memref<4x128xi32, #tpu.memory_space<vmem>> -> memref<1x128xi32, #tpu.memory_space<vmem>>
    %dma_wait3A_241 = tpu.memref_squeeze %dma_wait3A_240 : memref<1x128xi32, #tpu.memory_space<vmem>> -> memref<128xi32, #tpu.memory_space<vmem>>
    %dma_wait3A_242 = arith.constant 0 : i32
    %dma_wait3A_243 = arith.constant 0 : i32
    %dma_wait3A_244 = tpu.memref_slice %arg8[%dma_wait3A_242, %dma_wait3A_243] : memref<500000x128xf32, #tpu.memory_space<hbm>> -> memref<500000x128xf32, #tpu.memory_space<hbm>>
    tpu.wait_indirect_dma semaphore(%arg23 : memref<!tpu.dma_semaphore, #tpu.memory_space<semaphore_mem>>) src(%dma_wait3A_244 : memref<500000x128xf32, #tpu.memory_space<hbm>>) dst(%dma_wait3A_238 : memref<128x128xf32, #tpu.memory_space<vmem>>)
    %dma_wait3A_245 = arith.constant 2 : i32
    %dma_wait3A_246 = arith.constant 0 : i32
    %dma_wait3A_247 = arith.constant 0 : i32
    %dma_wait3A_248 = arith.constant 0 : i32
    %dma_wait3A_249 = tpu.memref_slice %arg19[%dma_wait3A_246, %dma_wait3A_247, %dma_wait3A_248] : memref<2x128x128xf32, #tpu.memory_space<vmem>> -> memref<1x128x128xf32, #tpu.memory_space<vmem>>
    %dma_wait3A_250 = tpu.memref_squeeze %dma_wait3A_249 : memref<1x128x128xf32, #tpu.memory_space<vmem>> -> memref<128x128xf32, #tpu.memory_space<vmem>>
    %dma_wait3A_251 = arith.constant 0 : i32
    %dma_wait3A_252 = tpu.memref_slice %arg13[%dma_wait3A_245, %dma_wait3A_251] : memref<4x128xi32, #tpu.memory_space<vmem>> -> memref<1x128xi32, #tpu.memory_space<vmem>>
    %dma_wait3A_253 = tpu.memref_squeeze %dma_wait3A_252 : memref<1x128xi32, #tpu.memory_space<vmem>> -> memref<128xi32, #tpu.memory_space<vmem>>
    %dma_wait3A_254 = arith.constant 0 : i32
    %dma_wait3A_255 = arith.constant 0 : i32
    %dma_wait3A_256 = tpu.memref_slice %arg9[%dma_wait3A_254, %dma_wait3A_255] : memref<500000x128xf32, #tpu.memory_space<hbm>> -> memref<500000x128xf32, #tpu.memory_space<hbm>>
    tpu.wait_indirect_dma semaphore(%arg23 : memref<!tpu.dma_semaphore, #tpu.memory_space<semaphore_mem>>) src(%dma_wait3A_256 : memref<500000x128xf32, #tpu.memory_space<hbm>>) dst(%dma_wait3A_250 : memref<128x128xf32, #tpu.memory_space<vmem>>)
    %dma_wait3A_257 = arith.constant 2 : i32
    %dma_wait3A_258 = arith.constant 0 : i32
    %dma_wait3A_259 = arith.constant 0 : i32
    %dma_wait3A_260 = arith.constant 0 : i32
    %dma_wait3A_261 = tpu.memref_slice %arg20[%dma_wait3A_258, %dma_wait3A_259, %dma_wait3A_260] : memref<2x128x128xf32, #tpu.memory_space<vmem>> -> memref<1x128x128xf32, #tpu.memory_space<vmem>>
    %dma_wait3A_262 = tpu.memref_squeeze %dma_wait3A_261 : memref<1x128x128xf32, #tpu.memory_space<vmem>> -> memref<128x128xf32, #tpu.memory_space<vmem>>
    %dma_wait3A_263 = arith.constant 0 : i32
    %dma_wait3A_264 = tpu.memref_slice %arg14[%dma_wait3A_257, %dma_wait3A_263] : memref<4x128xi32, #tpu.memory_space<vmem>> -> memref<1x128xi32, #tpu.memory_space<vmem>>
    %dma_wait3A_265 = tpu.memref_squeeze %dma_wait3A_264 : memref<1x128xi32, #tpu.memory_space<vmem>> -> memref<128xi32, #tpu.memory_space<vmem>>
    %dma_wait3A_266 = arith.constant 0 : i32
    %dma_wait3A_267 = arith.constant 0 : i32
    %dma_wait3A_268 = tpu.memref_slice %arg9[%dma_wait3A_266, %dma_wait3A_267] : memref<500000x128xf32, #tpu.memory_space<hbm>> -> memref<500000x128xf32, #tpu.memory_space<hbm>>
    tpu.wait_indirect_dma semaphore(%arg23 : memref<!tpu.dma_semaphore, #tpu.memory_space<semaphore_mem>>) src(%dma_wait3A_268 : memref<500000x128xf32, #tpu.memory_space<hbm>>) dst(%dma_wait3A_262 : memref<128x128xf32, #tpu.memory_space<vmem>>)
    %scan3A_269 = arith.constant 0 : i32
    %scan3A_270 = arith.constant 0 : i32
    %scan3A_271 = arith.constant 0 : i32
    %scan3A_272 = arith.constant 0 : i32
    %scan3A_273 = arith.constant 8 : i32
    %scan3A_274 = arith.addi %scan3A_272, %scan3A_273 : i32
    %scan3A_275 = arith.constant 1 : i32
    %scan3A_276:7 = scf.for %scan3A_331 = %scan3A_272 to %scan3A_274 step %scan3A_275 iter_args(%scan3A_332 = %scan3A_195#0, %scan3A_333 = %scan3A_195#1, %scan3A_334 = %scan3A_195#2, %scan3A_335 = %scan3A_195#3, %scan3A_336 = %scan3A_195#4, %scan3A_337 = %scan3A_195#5, %scan3A_338 = %scan3A_195#6) -> (vector<16xf32>, vector<16xf32>, vector<16xf32>, vector<16xf32>, vector<16xf32>, vector<16xf32>, vector<16xf32>)  : i32 {
      %mul3A_339 = arith.constant 16 : i32
      %mul3A_340 = arith.muli %scan3A_331, %mul3A_339 : i32
      %add3A_341 = vector.broadcast %mul3A_340 : i32 to vector<16xi32>
      %add3A_342 = arith.addi %add3A_341, %iota3A : vector<16xi32>
      %mul3A_343 = arith.constant 16 : i32
      %mul3A_344 = arith.muli %scan3A_331, %mul3A_343 : i32
      %get3A = arith.constant 2 : i32
      %get3A_345 = arith.index_cast %get3A : i32 to index
      %get3A_346 = arith.index_cast %mul3A_344 : i32 to index
      %get3A_347 = tpu.vector_load %arg15[%get3A_345, %get3A_346] {strides = array<i32>} : memref<4x128xi32, #tpu.memory_space<vmem>>, vector<16xi32>,
      %and3A = arith.constant 1 : i32
      %and3A_348 = vector.broadcast %and3A : i32 to vector<16xi32>
      %and3A_349 = arith.andi %get3A_347, %and3A_348 : vector<16xi32>
      %shift_left3A = arith.constant 6 : i32
      %shift_left3A_350 = vector.broadcast %shift_left3A : i32 to vector<16xi32>
      %shift_left3A_351 = arith.shli %and3A_349, %shift_left3A_350 : vector<16xi32>
      %get3A_352 = arith.constant 2 : i32
      %get3A_353 = arith.index_cast %get3A_352 : i32 to index
      %get3A_354 = arith.index_cast %mul3A_344 : i32 to index
      %get3A_355 = tpu.vector_load %arg16[%get3A_353, %get3A_354] {strides = array<i32>} : memref<4x128xi32, #tpu.memory_space<vmem>>, vector<16xi32>,
      %and3A_356 = arith.constant 1 : i32
      %and3A_357 = vector.broadcast %and3A_356 : i32 to vector<16xi32>
      %and3A_358 = arith.andi %get3A_355, %and3A_357 : vector<16xi32>
      %shift_left3A_359 = arith.constant 6 : i32
      %shift_left3A_360 = vector.broadcast %shift_left3A_359 : i32 to vector<16xi32>
      %shift_left3A_361 = arith.shli %and3A_358, %shift_left3A_360 : vector<16xi32>
      %get3A_362 = arith.constant 2 : i32
      %get3A_363 = arith.index_cast %get3A_362 : i32 to index
      %get3A_364 = arith.index_cast %mul3A_344 : i32 to index
      %get3A_365 = tpu.vector_load %arg17[%get3A_363, %get3A_364] {strides = array<i32>} : memref<4x128xi32, #tpu.memory_space<vmem>>, vector<16xi32>,
      %and3A_366 = arith.constant 1 : i32
      %and3A_367 = vector.broadcast %and3A_366 : i32 to vector<16xi32>
      %and3A_368 = arith.andi %get3A_365, %and3A_367 : vector<16xi32>
      %shift_left3A_369 = arith.constant 6 : i32
      %shift_left3A_370 = vector.broadcast %shift_left3A_369 : i32 to vector<16xi32>
      %shift_left3A_371 = arith.shli %and3A_368, %shift_left3A_370 : vector<16xi32>
      %scan3A_372 = arith.constant 0 : i32
      %scan3A_373 = arith.constant 4 : i32
      %scan3A_374 = arith.addi %scan3A_372, %scan3A_373 : i32
      %scan3A_375 = arith.constant 1 : i32
      %scan3A_376:10 = scf.for %scan3A_406 = %scan3A_372 to %scan3A_374 step %scan3A_375 iter_args(%scan3A_407 = %broadcast_in_dim3A_1, %scan3A_408 = %broadcast_in_dim3A_1, %scan3A_409 = %broadcast_in_dim3A_1, %scan3A_410 = %broadcast_in_dim3A_1, %scan3A_411 = %scan3A_333, %scan3A_412 = %scan3A_334, %scan3A_413 = %scan3A_335, %scan3A_414 = %scan3A_336, %scan3A_415 = %scan3A_337, %scan3A_416 = %scan3A_338) -> (vector<16xf32>, vector<16xf32>, vector<16xf32>, vector<16xf32>, vector<16xf32>, vector<16xf32>, vector<16xf32>, vector<16xf32>, vector<16xf32>, vector<16xf32>)  : i32 {
        %mul3A_417 = arith.constant 16 : i32
        %mul3A_418 = arith.muli %scan3A_406, %mul3A_417 : i32
        %add3A_419 = vector.broadcast %mul3A_418 : i32 to vector<16xi32>
        %add3A_420 = arith.addi %iota3A, %add3A_419 : vector<16xi32>
        %add3A_421 = arith.constant 0 : i32
        %add3A_422 = vector.broadcast %add3A_421 : i32 to vector<16xi32>
        %add3A_423 = arith.addi %add3A_420, %add3A_422 : vector<16xi32>
        %and3A_424 = arith.constant 63 : i32
        %and3A_425 = vector.broadcast %and3A_424 : i32 to vector<16xi32>
        %and3A_426 = arith.andi %add3A_423, %and3A_425 : vector<16xi32>
        %add3A_427 = arith.addi %shift_left3A_351, %and3A_426 : vector<16xi32>
        %gather3A = arith.constant 0 : i32
        %gather3A_428 = arith.constant 0 : i32
        %gather3A_429 = tpu.memref_slice %arg18[%scan3A_269, %gather3A, %gather3A_428] : memref<2x128x128xf32, #tpu.memory_space<vmem>> -> memref<1x128x128xf32, #tpu.memory_space<vmem>>
        %gather3A_430 = tpu.memref_squeeze %gather3A_429 : memref<1x128x128xf32, #tpu.memory_space<vmem>> -> memref<128x128xf32, #tpu.memory_space<vmem>>
        %gather3A_431 = tpu.vector_load_idx %gather3A_430[%add3A_342, %add3A_427] : memref<128x128xf32, #tpu.memory_space<vmem>>[vector<16xi32>, vector<16xi32>], vector<16xf32>,
        %add3A_432 = arith.addi %shift_left3A_361, %and3A_426 : vector<16xi32>
        %gather3A_433 = arith.constant 0 : i32
        %gather3A_434 = arith.constant 0 : i32
        %gather3A_435 = tpu.memref_slice %arg19[%scan3A_270, %gather3A_433, %gather3A_434] : memref<2x128x128xf32, #tpu.memory_space<vmem>> -> memref<1x128x128xf32, #tpu.memory_space<vmem>>
        %gather3A_436 = tpu.memref_squeeze %gather3A_435 : memref<1x128x128xf32, #tpu.memory_space<vmem>> -> memref<128x128xf32, #tpu.memory_space<vmem>>
        %gather3A_437 = tpu.vector_load_idx %gather3A_436[%add3A_342, %add3A_432] : memref<128x128xf32, #tpu.memory_space<vmem>>[vector<16xi32>, vector<16xi32>], vector<16xf32>,
        %add3A_438 = arith.addi %shift_left3A_371, %and3A_426 : vector<16xi32>
        %gather3A_439 = arith.constant 0 : i32
        %gather3A_440 = arith.constant 0 : i32
        %gather3A_441 = tpu.memref_slice %arg20[%scan3A_271, %gather3A_439, %gather3A_440] : memref<2x128x128xf32, #tpu.memory_space<vmem>> -> memref<1x128x128xf32, #tpu.memory_space<vmem>>
        %gather3A_442 = tpu.memref_squeeze %gather3A_441 : memref<1x128x128xf32, #tpu.memory_space<vmem>> -> memref<128x128xf32, #tpu.memory_space<vmem>>
        %gather3A_443 = tpu.vector_load_idx %gather3A_442[%add3A_342, %add3A_438] : memref<128x128xf32, #tpu.memory_space<vmem>>[vector<16xi32>, vector<16xi32>], vector<16xf32>,
        %sub3A = arith.subf %gather3A_443, %gather3A_437 : vector<16xf32>
        %mul3A_444 = arith.mulf %gather3A_431, %sub3A : vector<16xf32>
        %add3A_445 = arith.addf %scan3A_407, %mul3A_444 : vector<16xf32>
        %mul3A_446 = arith.mulf %gather3A_431, %gather3A_431 : vector<16xf32>
        %add3A_447 = arith.addf %scan3A_411, %mul3A_446 : vector<16xf32>
        %mul3A_448 = arith.mulf %gather3A_437, %gather3A_437 : vector<16xf32>
        %add3A_449 = arith.addf %scan3A_413, %mul3A_448 : vector<16xf32>
        %mul3A_450 = arith.mulf %gather3A_443, %gather3A_443 : vector<16xf32>
        %add3A_451 = arith.addf %scan3A_415, %mul3A_450 : vector<16xf32>
        %add3A_452 = arith.constant 1 : i32
        %add3A_453 = vector.broadcast %add3A_452 : i32 to vector<16xi32>
        %add3A_454 = arith.addi %add3A_420, %add3A_453 : vector<16xi32>
        %and3A_455 = arith.constant 63 : i32
        %and3A_456 = vector.broadcast %and3A_455 : i32 to vector<16xi32>
        %and3A_457 = arith.andi %add3A_454, %and3A_456 : vector<16xi32>
        %add3A_458 = arith.addi %shift_left3A_351, %and3A_457 : vector<16xi32>
        %gather3A_459 = arith.constant 0 : i32
        %gather3A_460 = arith.constant 0 : i32
        %gather3A_461 = tpu.memref_slice %arg18[%scan3A_269, %gather3A_459, %gather3A_460] : memref<2x128x128xf32, #tpu.memory_space<vmem>> -> memref<1x128x128xf32, #tpu.memory_space<vmem>>
        %gather3A_462 = tpu.memref_squeeze %gather3A_461 : memref<1x128x128xf32, #tpu.memory_space<vmem>> -> memref<128x128xf32, #tpu.memory_space<vmem>>
        %gather3A_463 = tpu.vector_load_idx %gather3A_462[%add3A_342, %add3A_458] : memref<128x128xf32, #tpu.memory_space<vmem>>[vector<16xi32>, vector<16xi32>], vector<16xf32>,
        %add3A_464 = arith.addi %shift_left3A_361, %and3A_457 : vector<16xi32>
        %gather3A_465 = arith.constant 0 : i32
        %gather3A_466 = arith.constant 0 : i32
        %gather3A_467 = tpu.memref_slice %arg19[%scan3A_270, %gather3A_465, %gather3A_466] : memref<2x128x128xf32, #tpu.memory_space<vmem>> -> memref<1x128x128xf32, #tpu.memory_space<vmem>>
        %gather3A_468 = tpu.memref_squeeze %gather3A_467 : memref<1x128x128xf32, #tpu.memory_space<vmem>> -> memref<128x128xf32, #tpu.memory_space<vmem>>
        %gather3A_469 = tpu.vector_load_idx %gather3A_468[%add3A_342, %add3A_464] : memref<128x128xf32, #tpu.memory_space<vmem>>[vector<16xi32>, vector<16xi32>], vector<16xf32>,
        %add3A_470 = arith.addi %shift_left3A_371, %and3A_457 : vector<16xi32>
        %gather3A_471 = arith.constant 0 : i32
        %gather3A_472 = arith.constant 0 : i32
        %gather3A_473 = tpu.memref_slice %arg20[%scan3A_271, %gather3A_471, %gather3A_472] : memref<2x128x128xf32, #tpu.memory_space<vmem>> -> memref<1x128x128xf32, #tpu.memory_space<vmem>>
        %gather3A_474 = tpu.memref_squeeze %gather3A_473 : memref<1x128x128xf32, #tpu.memory_space<vmem>> -> memref<128x128xf32, #tpu.memory_space<vmem>>
        %gather3A_475 = tpu.vector_load_idx %gather3A_474[%add3A_342, %add3A_470] : memref<128x128xf32, #tpu.memory_space<vmem>>[vector<16xi32>, vector<16xi32>], vector<16xf32>,
        %sub3A_476 = arith.subf %gather3A_475, %gather3A_469 : vector<16xf32>
        %mul3A_477 = arith.mulf %gather3A_463, %sub3A_476 : vector<16xf32>
        %add3A_478 = arith.addf %scan3A_408, %mul3A_477 : vector<16xf32>
        %mul3A_479 = arith.mulf %gather3A_463, %gather3A_463 : vector<16xf32>
        %add3A_480 = arith.addf %scan3A_412, %mul3A_479 : vector<16xf32>
        %mul3A_481 = arith.mulf %gather3A_469, %gather3A_469 : vector<16xf32>
        %add3A_482 = arith.addf %scan3A_414, %mul3A_481 : vector<16xf32>
        %mul3A_483 = arith.mulf %gather3A_475, %gather3A_475 : vector<16xf32>
        %add3A_484 = arith.addf %scan3A_416, %mul3A_483 : vector<16xf32>
        %add3A_485 = arith.constant 2 : i32
        %add3A_486 = vector.broadcast %add3A_485 : i32 to vector<16xi32>
        %add3A_487 = arith.addi %add3A_420, %add3A_486 : vector<16xi32>
        %and3A_488 = arith.constant 63 : i32
        %and3A_489 = vector.broadcast %and3A_488 : i32 to vector<16xi32>
        %and3A_490 = arith.andi %add3A_487, %and3A_489 : vector<16xi32>
        %add3A_491 = arith.addi %shift_left3A_351, %and3A_490 : vector<16xi32>
        %gather3A_492 = arith.constant 0 : i32
        %gather3A_493 = arith.constant 0 : i32
        %gather3A_494 = tpu.memref_slice %arg18[%scan3A_269, %gather3A_492, %gather3A_493] : memref<2x128x128xf32, #tpu.memory_space<vmem>> -> memref<1x128x128xf32, #tpu.memory_space<vmem>>
        %gather3A_495 = tpu.memref_squeeze %gather3A_494 : memref<1x128x128xf32, #tpu.memory_space<vmem>> -> memref<128x128xf32, #tpu.memory_space<vmem>>
        %gather3A_496 = tpu.vector_load_idx %gather3A_495[%add3A_342, %add3A_491] : memref<128x128xf32, #tpu.memory_space<vmem>>[vector<16xi32>, vector<16xi32>], vector<16xf32>,
        %add3A_497 = arith.addi %shift_left3A_361, %and3A_490 : vector<16xi32>
        %gather3A_498 = arith.constant 0 : i32
        %gather3A_499 = arith.constant 0 : i32
        %gather3A_500 = tpu.memref_slice %arg19[%scan3A_270, %gather3A_498, %gather3A_499] : memref<2x128x128xf32, #tpu.memory_space<vmem>> -> memref<1x128x128xf32, #tpu.memory_space<vmem>>
        %gather3A_501 = tpu.memref_squeeze %gather3A_500 : memref<1x128x128xf32, #tpu.memory_space<vmem>> -> memref<128x128xf32, #tpu.memory_space<vmem>>
        %gather3A_502 = tpu.vector_load_idx %gather3A_501[%add3A_342, %add3A_497] : memref<128x128xf32, #tpu.memory_space<vmem>>[vector<16xi32>, vector<16xi32>], vector<16xf32>,
        %add3A_503 = arith.addi %shift_left3A_371, %and3A_490 : vector<16xi32>
        %gather3A_504 = arith.constant 0 : i32
        %gather3A_505 = arith.constant 0 : i32
        %gather3A_506 = tpu.memref_slice %arg20[%scan3A_271, %gather3A_504, %gather3A_505] : memref<2x128x128xf32, #tpu.memory_space<vmem>> -> memref<1x128x128xf32, #tpu.memory_space<vmem>>
        %gather3A_507 = tpu.memref_squeeze %gather3A_506 : memref<1x128x128xf32, #tpu.memory_space<vmem>> -> memref<128x128xf32, #tpu.memory_space<vmem>>
        %gather3A_508 = tpu.vector_load_idx %gather3A_507[%add3A_342, %add3A_503] : memref<128x128xf32, #tpu.memory_space<vmem>>[vector<16xi32>, vector<16xi32>], vector<16xf32>,
        %sub3A_509 = arith.subf %gather3A_508, %gather3A_502 : vector<16xf32>
        %mul3A_510 = arith.mulf %gather3A_496, %sub3A_509 : vector<16xf32>
        %add3A_511 = arith.addf %scan3A_409, %mul3A_510 : vector<16xf32>
        %mul3A_512 = arith.mulf %gather3A_496, %gather3A_496 : vector<16xf32>
        %add3A_513 = arith.addf %add3A_447, %mul3A_512 : vector<16xf32>
        %mul3A_514 = arith.mulf %gather3A_502, %gather3A_502 : vector<16xf32>
        %add3A_515 = arith.addf %add3A_449, %mul3A_514 : vector<16xf32>
        %mul3A_516 = arith.mulf %gather3A_508, %gather3A_508 : vector<16xf32>
        %add3A_517 = arith.addf %add3A_451, %mul3A_516 : vector<16xf32>
        %add3A_518 = arith.constant 3 : i32
        %add3A_519 = vector.broadcast %add3A_518 : i32 to vector<16xi32>
        %add3A_520 = arith.addi %add3A_420, %add3A_519 : vector<16xi32>
        %and3A_521 = arith.constant 63 : i32
        %and3A_522 = vector.broadcast %and3A_521 : i32 to vector<16xi32>
        %and3A_523 = arith.andi %add3A_520, %and3A_522 : vector<16xi32>
        %add3A_524 = arith.addi %shift_left3A_351, %and3A_523 : vector<16xi32>
        %gather3A_525 = arith.constant 0 : i32
        %gather3A_526 = arith.constant 0 : i32
        %gather3A_527 = tpu.memref_slice %arg18[%scan3A_269, %gather3A_525, %gather3A_526] : memref<2x128x128xf32, #tpu.memory_space<vmem>> -> memref<1x128x128xf32, #tpu.memory_space<vmem>>
        %gather3A_528 = tpu.memref_squeeze %gather3A_527 : memref<1x128x128xf32, #tpu.memory_space<vmem>> -> memref<128x128xf32, #tpu.memory_space<vmem>>
        %gather3A_529 = tpu.vector_load_idx %gather3A_528[%add3A_342, %add3A_524] : memref<128x128xf32, #tpu.memory_space<vmem>>[vector<16xi32>, vector<16xi32>], vector<16xf32>,
        %add3A_530 = arith.addi %shift_left3A_361, %and3A_523 : vector<16xi32>
        %gather3A_531 = arith.constant 0 : i32
        %gather3A_532 = arith.constant 0 : i32
        %gather3A_533 = tpu.memref_slice %arg19[%scan3A_270, %gather3A_531, %gather3A_532] : memref<2x128x128xf32, #tpu.memory_space<vmem>> -> memref<1x128x128xf32, #tpu.memory_space<vmem>>
        %gather3A_534 = tpu.memref_squeeze %gather3A_533 : memref<1x128x128xf32, #tpu.memory_space<vmem>> -> memref<128x128xf32, #tpu.memory_space<vmem>>
        %gather3A_535 = tpu.vector_load_idx %gather3A_534[%add3A_342, %add3A_530] : memref<128x128xf32, #tpu.memory_space<vmem>>[vector<16xi32>, vector<16xi32>], vector<16xf32>,
        %add3A_536 = arith.addi %shift_left3A_371, %and3A_523 : vector<16xi32>
        %gather3A_537 = arith.constant 0 : i32
        %gather3A_538 = arith.constant 0 : i32
        %gather3A_539 = tpu.memref_slice %arg20[%scan3A_271, %gather3A_537, %gather3A_538] : memref<2x128x128xf32, #tpu.memory_space<vmem>> -> memref<1x128x128xf32, #tpu.memory_space<vmem>>
        %gather3A_540 = tpu.memref_squeeze %gather3A_539 : memref<1x128x128xf32, #tpu.memory_space<vmem>> -> memref<128x128xf32, #tpu.memory_space<vmem>>
        %gather3A_541 = tpu.vector_load_idx %gather3A_540[%add3A_342, %add3A_536] : memref<128x128xf32, #tpu.memory_space<vmem>>[vector<16xi32>, vector<16xi32>], vector<16xf32>,
        %sub3A_542 = arith.subf %gather3A_541, %gather3A_535 : vector<16xf32>
        %mul3A_543 = arith.mulf %gather3A_529, %sub3A_542 : vector<16xf32>
        %add3A_544 = arith.addf %scan3A_410, %mul3A_543 : vector<16xf32>
        %mul3A_545 = arith.mulf %gather3A_529, %gather3A_529 : vector<16xf32>
        %add3A_546 = arith.addf %add3A_480, %mul3A_545 : vector<16xf32>
        %mul3A_547 = arith.mulf %gather3A_535, %gather3A_535 : vector<16xf32>
        %add3A_548 = arith.addf %add3A_482, %mul3A_547 : vector<16xf32>
        %mul3A_549 = arith.mulf %gather3A_541, %gather3A_541 : vector<16xf32>
        %add3A_550 = arith.addf %add3A_484, %mul3A_549 : vector<16xf32>
        %add3A_551 = arith.constant 4 : i32
        %add3A_552 = vector.broadcast %add3A_551 : i32 to vector<16xi32>
        %add3A_553 = arith.addi %add3A_420, %add3A_552 : vector<16xi32>
        %and3A_554 = arith.constant 63 : i32
        %and3A_555 = vector.broadcast %and3A_554 : i32 to vector<16xi32>
        %and3A_556 = arith.andi %add3A_553, %and3A_555 : vector<16xi32>
        %add3A_557 = arith.addi %shift_left3A_351, %and3A_556 : vector<16xi32>
        %gather3A_558 = arith.constant 0 : i32
        %gather3A_559 = arith.constant 0 : i32
        %gather3A_560 = tpu.memref_slice %arg18[%scan3A_269, %gather3A_558, %gather3A_559] : memref<2x128x128xf32, #tpu.memory_space<vmem>> -> memref<1x128x128xf32, #tpu.memory_space<vmem>>
        %gather3A_561 = tpu.memref_squeeze %gather3A_560 : memref<1x128x128xf32, #tpu.memory_space<vmem>> -> memref<128x128xf32, #tpu.memory_space<vmem>>
        %gather3A_562 = tpu.vector_load_idx %gather3A_561[%add3A_342, %add3A_557] : memref<128x128xf32, #tpu.memory_space<vmem>>[vector<16xi32>, vector<16xi32>], vector<16xf32>,
        %add3A_563 = arith.addi %shift_left3A_361, %and3A_556 : vector<16xi32>
        %gather3A_564 = arith.constant 0 : i32
        %gather3A_565 = arith.constant 0 : i32
        %gather3A_566 = tpu.memref_slice %arg19[%scan3A_270, %gather3A_564, %gather3A_565] : memref<2x128x128xf32, #tpu.memory_space<vmem>> -> memref<1x128x128xf32, #tpu.memory_space<vmem>>
        %gather3A_567 = tpu.memref_squeeze %gather3A_566 : memref<1x128x128xf32, #tpu.memory_space<vmem>> -> memref<128x128xf32, #tpu.memory_space<vmem>>
        %gather3A_568 = tpu.vector_load_idx %gather3A_567[%add3A_342, %add3A_563] : memref<128x128xf32, #tpu.memory_space<vmem>>[vector<16xi32>, vector<16xi32>], vector<16xf32>,
        %add3A_569 = arith.addi %shift_left3A_371, %and3A_556 : vector<16xi32>
        %gather3A_570 = arith.constant 0 : i32
        %gather3A_571 = arith.constant 0 : i32
        %gather3A_572 = tpu.memref_slice %arg20[%scan3A_271, %gather3A_570, %gather3A_571] : memref<2x128x128xf32, #tpu.memory_space<vmem>> -> memref<1x128x128xf32, #tpu.memory_space<vmem>>
        %gather3A_573 = tpu.memref_squeeze %gather3A_572 : memref<1x128x128xf32, #tpu.memory_space<vmem>> -> memref<128x128xf32, #tpu.memory_space<vmem>>
        %gather3A_574 = tpu.vector_load_idx %gather3A_573[%add3A_342, %add3A_569] : memref<128x128xf32, #tpu.memory_space<vmem>>[vector<16xi32>, vector<16xi32>], vector<16xf32>,
        %sub3A_575 = arith.subf %gather3A_574, %gather3A_568 : vector<16xf32>
        %mul3A_576 = arith.mulf %gather3A_562, %sub3A_575 : vector<16xf32>
        %add3A_577 = arith.addf %add3A_445, %mul3A_576 : vector<16xf32>
        %mul3A_578 = arith.mulf %gather3A_562, %gather3A_562 : vector<16xf32>
        %add3A_579 = arith.addf %add3A_513, %mul3A_578 : vector<16xf32>
        %mul3A_580 = arith.mulf %gather3A_568, %gather3A_568 : vector<16xf32>
        %add3A_581 = arith.addf %add3A_515, %mul3A_580 : vector<16xf32>
        %mul3A_582 = arith.mulf %gather3A_574, %gather3A_574 : vector<16xf32>
        %add3A_583 = arith.addf %add3A_517, %mul3A_582 : vector<16xf32>
        %add3A_584 = arith.constant 5 : i32
        %add3A_585 = vector.broadcast %add3A_584 : i32 to vector<16xi32>
        %add3A_586 = arith.addi %add3A_420, %add3A_585 : vector<16xi32>
        %and3A_587 = arith.constant 63 : i32
        %and3A_588 = vector.broadcast %and3A_587 : i32 to vector<16xi32>
        %and3A_589 = arith.andi %add3A_586, %and3A_588 : vector<16xi32>
        %add3A_590 = arith.addi %shift_left3A_351, %and3A_589 : vector<16xi32>
        %gather3A_591 = arith.constant 0 : i32
        %gather3A_592 = arith.constant 0 : i32
        %gather3A_593 = tpu.memref_slice %arg18[%scan3A_269, %gather3A_591, %gather3A_592] : memref<2x128x128xf32, #tpu.memory_space<vmem>> -> memref<1x128x128xf32, #tpu.memory_space<vmem>>
        %gather3A_594 = tpu.memref_squeeze %gather3A_593 : memref<1x128x128xf32, #tpu.memory_space<vmem>> -> memref<128x128xf32, #tpu.memory_space<vmem>>
        %gather3A_595 = tpu.vector_load_idx %gather3A_594[%add3A_342, %add3A_590] : memref<128x128xf32, #tpu.memory_space<vmem>>[vector<16xi32>, vector<16xi32>], vector<16xf32>,
        %add3A_596 = arith.addi %shift_left3A_361, %and3A_589 : vector<16xi32>
        %gather3A_597 = arith.constant 0 : i32
        %gather3A_598 = arith.constant 0 : i32
        %gather3A_599 = tpu.memref_slice %arg19[%scan3A_270, %gather3A_597, %gather3A_598] : memref<2x128x128xf32, #tpu.memory_space<vmem>> -> memref<1x128x128xf32, #tpu.memory_space<vmem>>
        %gather3A_600 = tpu.memref_squeeze %gather3A_599 : memref<1x128x128xf32, #tpu.memory_space<vmem>> -> memref<128x128xf32, #tpu.memory_space<vmem>>
        %gather3A_601 = tpu.vector_load_idx %gather3A_600[%add3A_342, %add3A_596] : memref<128x128xf32, #tpu.memory_space<vmem>>[vector<16xi32>, vector<16xi32>], vector<16xf32>,
        %add3A_602 = arith.addi %shift_left3A_371, %and3A_589 : vector<16xi32>
        %gather3A_603 = arith.constant 0 : i32
        %gather3A_604 = arith.constant 0 : i32
        %gather3A_605 = tpu.memref_slice %arg20[%scan3A_271, %gather3A_603, %gather3A_604] : memref<2x128x128xf32, #tpu.memory_space<vmem>> -> memref<1x128x128xf32, #tpu.memory_space<vmem>>
        %gather3A_606 = tpu.memref_squeeze %gather3A_605 : memref<1x128x128xf32, #tpu.memory_space<vmem>> -> memref<128x128xf32, #tpu.memory_space<vmem>>
        %gather3A_607 = tpu.vector_load_idx %gather3A_606[%add3A_342, %add3A_602] : memref<128x128xf32, #tpu.memory_space<vmem>>[vector<16xi32>, vector<16xi32>], vector<16xf32>,
        %sub3A_608 = arith.subf %gather3A_607, %gather3A_601 : vector<16xf32>
        %mul3A_609 = arith.mulf %gather3A_595, %sub3A_608 : vector<16xf32>
        %add3A_610 = arith.addf %add3A_478, %mul3A_609 : vector<16xf32>
        %mul3A_611 = arith.mulf %gather3A_595, %gather3A_595 : vector<16xf32>
        %add3A_612 = arith.addf %add3A_546, %mul3A_611 : vector<16xf32>
        %mul3A_613 = arith.mulf %gather3A_601, %gather3A_601 : vector<16xf32>
        %add3A_614 = arith.addf %add3A_548, %mul3A_613 : vector<16xf32>
        %mul3A_615 = arith.mulf %gather3A_607, %gather3A_607 : vector<16xf32>
        %add3A_616 = arith.addf %add3A_550, %mul3A_615 : vector<16xf32>
        %add3A_617 = arith.constant 6 : i32
        %add3A_618 = vector.broadcast %add3A_617 : i32 to vector<16xi32>
        %add3A_619 = arith.addi %add3A_420, %add3A_618 : vector<16xi32>
        %and3A_620 = arith.constant 63 : i32
        %and3A_621 = vector.broadcast %and3A_620 : i32 to vector<16xi32>
        %and3A_622 = arith.andi %add3A_619, %and3A_621 : vector<16xi32>
        %add3A_623 = arith.addi %shift_left3A_351, %and3A_622 : vector<16xi32>
        %gather3A_624 = arith.constant 0 : i32
        %gather3A_625 = arith.constant 0 : i32
        %gather3A_626 = tpu.memref_slice %arg18[%scan3A_269, %gather3A_624, %gather3A_625] : memref<2x128x128xf32, #tpu.memory_space<vmem>> -> memref<1x128x128xf32, #tpu.memory_space<vmem>>
        %gather3A_627 = tpu.memref_squeeze %gather3A_626 : memref<1x128x128xf32, #tpu.memory_space<vmem>> -> memref<128x128xf32, #tpu.memory_space<vmem>>
        %gather3A_628 = tpu.vector_load_idx %gather3A_627[%add3A_342, %add3A_623] : memref<128x128xf32, #tpu.memory_space<vmem>>[vector<16xi32>, vector<16xi32>], vector<16xf32>,
        %add3A_629 = arith.addi %shift_left3A_361, %and3A_622 : vector<16xi32>
        %gather3A_630 = arith.constant 0 : i32
        %gather3A_631 = arith.constant 0 : i32
        %gather3A_632 = tpu.memref_slice %arg19[%scan3A_270, %gather3A_630, %gather3A_631] : memref<2x128x128xf32, #tpu.memory_space<vmem>> -> memref<1x128x128xf32, #tpu.memory_space<vmem>>
        %gather3A_633 = tpu.memref_squeeze %gather3A_632 : memref<1x128x128xf32, #tpu.memory_space<vmem>> -> memref<128x128xf32, #tpu.memory_space<vmem>>
        %gather3A_634 = tpu.vector_load_idx %gather3A_633[%add3A_342, %add3A_629] : memref<128x128xf32, #tpu.memory_space<vmem>>[vector<16xi32>, vector<16xi32>], vector<16xf32>,
        %add3A_635 = arith.addi %shift_left3A_371, %and3A_622 : vector<16xi32>
        %gather3A_636 = arith.constant 0 : i32
        %gather3A_637 = arith.constant 0 : i32
        %gather3A_638 = tpu.memref_slice %arg20[%scan3A_271, %gather3A_636, %gather3A_637] : memref<2x128x128xf32, #tpu.memory_space<vmem>> -> memref<1x128x128xf32, #tpu.memory_space<vmem>>
        %gather3A_639 = tpu.memref_squeeze %gather3A_638 : memref<1x128x128xf32, #tpu.memory_space<vmem>> -> memref<128x128xf32, #tpu.memory_space<vmem>>
        %gather3A_640 = tpu.vector_load_idx %gather3A_639[%add3A_342, %add3A_635] : memref<128x128xf32, #tpu.memory_space<vmem>>[vector<16xi32>, vector<16xi32>], vector<16xf32>,
        %sub3A_641 = arith.subf %gather3A_640, %gather3A_634 : vector<16xf32>
        %mul3A_642 = arith.mulf %gather3A_628, %sub3A_641 : vector<16xf32>
        %add3A_643 = arith.addf %add3A_511, %mul3A_642 : vector<16xf32>
        %mul3A_644 = arith.mulf %gather3A_628, %gather3A_628 : vector<16xf32>
        %add3A_645 = arith.addf %add3A_579, %mul3A_644 : vector<16xf32>
        %mul3A_646 = arith.mulf %gather3A_634, %gather3A_634 : vector<16xf32>
        %add3A_647 = arith.addf %add3A_581, %mul3A_646 : vector<16xf32>
        %mul3A_648 = arith.mulf %gather3A_640, %gather3A_640 : vector<16xf32>
        %add3A_649 = arith.addf %add3A_583, %mul3A_648 : vector<16xf32>
        %add3A_650 = arith.constant 7 : i32
        %add3A_651 = vector.broadcast %add3A_650 : i32 to vector<16xi32>
        %add3A_652 = arith.addi %add3A_420, %add3A_651 : vector<16xi32>
        %and3A_653 = arith.constant 63 : i32
        %and3A_654 = vector.broadcast %and3A_653 : i32 to vector<16xi32>
        %and3A_655 = arith.andi %add3A_652, %and3A_654 : vector<16xi32>
        %add3A_656 = arith.addi %shift_left3A_351, %and3A_655 : vector<16xi32>
        %gather3A_657 = arith.constant 0 : i32
        %gather3A_658 = arith.constant 0 : i32
        %gather3A_659 = tpu.memref_slice %arg18[%scan3A_269, %gather3A_657, %gather3A_658] : memref<2x128x128xf32, #tpu.memory_space<vmem>> -> memref<1x128x128xf32, #tpu.memory_space<vmem>>
        %gather3A_660 = tpu.memref_squeeze %gather3A_659 : memref<1x128x128xf32, #tpu.memory_space<vmem>> -> memref<128x128xf32, #tpu.memory_space<vmem>>
        %gather3A_661 = tpu.vector_load_idx %gather3A_660[%add3A_342, %add3A_656] : memref<128x128xf32, #tpu.memory_space<vmem>>[vector<16xi32>, vector<16xi32>], vector<16xf32>,
        %add3A_662 = arith.addi %shift_left3A_361, %and3A_655 : vector<16xi32>
        %gather3A_663 = arith.constant 0 : i32
        %gather3A_664 = arith.constant 0 : i32
        %gather3A_665 = tpu.memref_slice %arg19[%scan3A_270, %gather3A_663, %gather3A_664] : memref<2x128x128xf32, #tpu.memory_space<vmem>> -> memref<1x128x128xf32, #tpu.memory_space<vmem>>
        %gather3A_666 = tpu.memref_squeeze %gather3A_665 : memref<1x128x128xf32, #tpu.memory_space<vmem>> -> memref<128x128xf32, #tpu.memory_space<vmem>>
        %gather3A_667 = tpu.vector_load_idx %gather3A_666[%add3A_342, %add3A_662] : memref<128x128xf32, #tpu.memory_space<vmem>>[vector<16xi32>, vector<16xi32>], vector<16xf32>,
        %add3A_668 = arith.addi %shift_left3A_371, %and3A_655 : vector<16xi32>
        %gather3A_669 = arith.constant 0 : i32
        %gather3A_670 = arith.constant 0 : i32
        %gather3A_671 = tpu.memref_slice %arg20[%scan3A_271, %gather3A_669, %gather3A_670] : memref<2x128x128xf32, #tpu.memory_space<vmem>> -> memref<1x128x128xf32, #tpu.memory_space<vmem>>
        %gather3A_672 = tpu.memref_squeeze %gather3A_671 : memref<1x128x128xf32, #tpu.memory_space<vmem>> -> memref<128x128xf32, #tpu.memory_space<vmem>>
        %gather3A_673 = tpu.vector_load_idx %gather3A_672[%add3A_342, %add3A_668] : memref<128x128xf32, #tpu.memory_space<vmem>>[vector<16xi32>, vector<16xi32>], vector<16xf32>,
        %sub3A_674 = arith.subf %gather3A_673, %gather3A_667 : vector<16xf32>
        %mul3A_675 = arith.mulf %gather3A_661, %sub3A_674 : vector<16xf32>
        %add3A_676 = arith.addf %add3A_544, %mul3A_675 : vector<16xf32>
        %mul3A_677 = arith.mulf %gather3A_661, %gather3A_661 : vector<16xf32>
        %add3A_678 = arith.addf %add3A_612, %mul3A_677 : vector<16xf32>
        %mul3A_679 = arith.mulf %gather3A_667, %gather3A_667 : vector<16xf32>
        %add3A_680 = arith.addf %add3A_614, %mul3A_679 : vector<16xf32>
        %mul3A_681 = arith.mulf %gather3A_673, %gather3A_673 : vector<16xf32>
        %add3A_682 = arith.addf %add3A_616, %mul3A_681 : vector<16xf32>
        %add3A_683 = arith.constant 8 : i32
        %add3A_684 = vector.broadcast %add3A_683 : i32 to vector<16xi32>
        %add3A_685 = arith.addi %add3A_420, %add3A_684 : vector<16xi32>
        %and3A_686 = arith.constant 63 : i32
        %and3A_687 = vector.broadcast %and3A_686 : i32 to vector<16xi32>
        %and3A_688 = arith.andi %add3A_685, %and3A_687 : vector<16xi32>
        %add3A_689 = arith.addi %shift_left3A_351, %and3A_688 : vector<16xi32>
        %gather3A_690 = arith.constant 0 : i32
        %gather3A_691 = arith.constant 0 : i32
        %gather3A_692 = tpu.memref_slice %arg18[%scan3A_269, %gather3A_690, %gather3A_691] : memref<2x128x128xf32, #tpu.memory_space<vmem>> -> memref<1x128x128xf32, #tpu.memory_space<vmem>>
        %gather3A_693 = tpu.memref_squeeze %gather3A_692 : memref<1x128x128xf32, #tpu.memory_space<vmem>> -> memref<128x128xf32, #tpu.memory_space<vmem>>
        %gather3A_694 = tpu.vector_load_idx %gather3A_693[%add3A_342, %add3A_689] : memref<128x128xf32, #tpu.memory_space<vmem>>[vector<16xi32>, vector<16xi32>], vector<16xf32>,
        %add3A_695 = arith.addi %shift_left3A_361, %and3A_688 : vector<16xi32>
        %gather3A_696 = arith.constant 0 : i32
        %gather3A_697 = arith.constant 0 : i32
        %gather3A_698 = tpu.memref_slice %arg19[%scan3A_270, %gather3A_696, %gather3A_697] : memref<2x128x128xf32, #tpu.memory_space<vmem>> -> memref<1x128x128xf32, #tpu.memory_space<vmem>>
        %gather3A_699 = tpu.memref_squeeze %gather3A_698 : memref<1x128x128xf32, #tpu.memory_space<vmem>> -> memref<128x128xf32, #tpu.memory_space<vmem>>
        %gather3A_700 = tpu.vector_load_idx %gather3A_699[%add3A_342, %add3A_695] : memref<128x128xf32, #tpu.memory_space<vmem>>[vector<16xi32>, vector<16xi32>], vector<16xf32>,
        %add3A_701 = arith.addi %shift_left3A_371, %and3A_688 : vector<16xi32>
        %gather3A_702 = arith.constant 0 : i32
        %gather3A_703 = arith.constant 0 : i32
        %gather3A_704 = tpu.memref_slice %arg20[%scan3A_271, %gather3A_702, %gather3A_703] : memref<2x128x128xf32, #tpu.memory_space<vmem>> -> memref<1x128x128xf32, #tpu.memory_space<vmem>>
        %gather3A_705 = tpu.memref_squeeze %gather3A_704 : memref<1x128x128xf32, #tpu.memory_space<vmem>> -> memref<128x128xf32, #tpu.memory_space<vmem>>
        %gather3A_706 = tpu.vector_load_idx %gather3A_705[%add3A_342, %add3A_701] : memref<128x128xf32, #tpu.memory_space<vmem>>[vector<16xi32>, vector<16xi32>], vector<16xf32>,
        %sub3A_707 = arith.subf %gather3A_706, %gather3A_700 : vector<16xf32>
        %mul3A_708 = arith.mulf %gather3A_694, %sub3A_707 : vector<16xf32>
        %add3A_709 = arith.addf %add3A_577, %mul3A_708 : vector<16xf32>
        %mul3A_710 = arith.mulf %gather3A_694, %gather3A_694 : vector<16xf32>
        %add3A_711 = arith.addf %add3A_645, %mul3A_710 : vector<16xf32>
        %mul3A_712 = arith.mulf %gather3A_700, %gather3A_700 : vector<16xf32>
        %add3A_713 = arith.addf %add3A_647, %mul3A_712 : vector<16xf32>
        %mul3A_714 = arith.mulf %gather3A_706, %gather3A_706 : vector<16xf32>
        %add3A_715 = arith.addf %add3A_649, %mul3A_714 : vector<16xf32>
        %add3A_716 = arith.constant 9 : i32
        %add3A_717 = vector.broadcast %add3A_716 : i32 to vector<16xi32>
        %add3A_718 = arith.addi %add3A_420, %add3A_717 : vector<16xi32>
        %and3A_719 = arith.constant 63 : i32
        %and3A_720 = vector.broadcast %and3A_719 : i32 to vector<16xi32>
        %and3A_721 = arith.andi %add3A_718, %and3A_720 : vector<16xi32>
        %add3A_722 = arith.addi %shift_left3A_351, %and3A_721 : vector<16xi32>
        %gather3A_723 = arith.constant 0 : i32
        %gather3A_724 = arith.constant 0 : i32
        %gather3A_725 = tpu.memref_slice %arg18[%scan3A_269, %gather3A_723, %gather3A_724] : memref<2x128x128xf32, #tpu.memory_space<vmem>> -> memref<1x128x128xf32, #tpu.memory_space<vmem>>
        %gather3A_726 = tpu.memref_squeeze %gather3A_725 : memref<1x128x128xf32, #tpu.memory_space<vmem>> -> memref<128x128xf32, #tpu.memory_space<vmem>>
        %gather3A_727 = tpu.vector_load_idx %gather3A_726[%add3A_342, %add3A_722] : memref<128x128xf32, #tpu.memory_space<vmem>>[vector<16xi32>, vector<16xi32>], vector<16xf32>,
        %add3A_728 = arith.addi %shift_left3A_361, %and3A_721 : vector<16xi32>
        %gather3A_729 = arith.constant 0 : i32
        %gather3A_730 = arith.constant 0 : i32
        %gather3A_731 = tpu.memref_slice %arg19[%scan3A_270, %gather3A_729, %gather3A_730] : memref<2x128x128xf32, #tpu.memory_space<vmem>> -> memref<1x128x128xf32, #tpu.memory_space<vmem>>
        %gather3A_732 = tpu.memref_squeeze %gather3A_731 : memref<1x128x128xf32, #tpu.memory_space<vmem>> -> memref<128x128xf32, #tpu.memory_space<vmem>>
        %gather3A_733 = tpu.vector_load_idx %gather3A_732[%add3A_342, %add3A_728] : memref<128x128xf32, #tpu.memory_space<vmem>>[vector<16xi32>, vector<16xi32>], vector<16xf32>,
        %add3A_734 = arith.addi %shift_left3A_371, %and3A_721 : vector<16xi32>
        %gather3A_735 = arith.constant 0 : i32
        %gather3A_736 = arith.constant 0 : i32
        %gather3A_737 = tpu.memref_slice %arg20[%scan3A_271, %gather3A_735, %gather3A_736] : memref<2x128x128xf32, #tpu.memory_space<vmem>> -> memref<1x128x128xf32, #tpu.memory_space<vmem>>
        %gather3A_738 = tpu.memref_squeeze %gather3A_737 : memref<1x128x128xf32, #tpu.memory_space<vmem>> -> memref<128x128xf32, #tpu.memory_space<vmem>>
        %gather3A_739 = tpu.vector_load_idx %gather3A_738[%add3A_342, %add3A_734] : memref<128x128xf32, #tpu.memory_space<vmem>>[vector<16xi32>, vector<16xi32>], vector<16xf32>,
        %sub3A_740 = arith.subf %gather3A_739, %gather3A_733 : vector<16xf32>
        %mul3A_741 = arith.mulf %gather3A_727, %sub3A_740 : vector<16xf32>
        %add3A_742 = arith.addf %add3A_610, %mul3A_741 : vector<16xf32>
        %mul3A_743 = arith.mulf %gather3A_727, %gather3A_727 : vector<16xf32>
        %add3A_744 = arith.addf %add3A_678, %mul3A_743 : vector<16xf32>
        %mul3A_745 = arith.mulf %gather3A_733, %gather3A_733 : vector<16xf32>
        %add3A_746 = arith.addf %add3A_680, %mul3A_745 : vector<16xf32>
        %mul3A_747 = arith.mulf %gather3A_739, %gather3A_739 : vector<16xf32>
        %add3A_748 = arith.addf %add3A_682, %mul3A_747 : vector<16xf32>
        %add3A_749 = arith.constant 10 : i32
        %add3A_750 = vector.broadcast %add3A_749 : i32 to vector<16xi32>
        %add3A_751 = arith.addi %add3A_420, %add3A_750 : vector<16xi32>
        %and3A_752 = arith.constant 63 : i32
        %and3A_753 = vector.broadcast %and3A_752 : i32 to vector<16xi32>
        %and3A_754 = arith.andi %add3A_751, %and3A_753 : vector<16xi32>
        %add3A_755 = arith.addi %shift_left3A_351, %and3A_754 : vector<16xi32>
        %gather3A_756 = arith.constant 0 : i32
        %gather3A_757 = arith.constant 0 : i32
        %gather3A_758 = tpu.memref_slice %arg18[%scan3A_269, %gather3A_756, %gather3A_757] : memref<2x128x128xf32, #tpu.memory_space<vmem>> -> memref<1x128x128xf32, #tpu.memory_space<vmem>>
        %gather3A_759 = tpu.memref_squeeze %gather3A_758 : memref<1x128x128xf32, #tpu.memory_space<vmem>> -> memref<128x128xf32, #tpu.memory_space<vmem>>
        %gather3A_760 = tpu.vector_load_idx %gather3A_759[%add3A_342, %add3A_755] : memref<128x128xf32, #tpu.memory_space<vmem>>[vector<16xi32>, vector<16xi32>], vector<16xf32>,
        %add3A_761 = arith.addi %shift_left3A_361, %and3A_754 : vector<16xi32>
        %gather3A_762 = arith.constant 0 : i32
        %gather3A_763 = arith.constant 0 : i32
        %gather3A_764 = tpu.memref_slice %arg19[%scan3A_270, %gather3A_762, %gather3A_763] : memref<2x128x128xf32, #tpu.memory_space<vmem>> -> memref<1x128x128xf32, #tpu.memory_space<vmem>>
        %gather3A_765 = tpu.memref_squeeze %gather3A_764 : memref<1x128x128xf32, #tpu.memory_space<vmem>> -> memref<128x128xf32, #tpu.memory_space<vmem>>
        %gather3A_766 = tpu.vector_load_idx %gather3A_765[%add3A_342, %add3A_761] : memref<128x128xf32, #tpu.memory_space<vmem>>[vector<16xi32>, vector<16xi32>], vector<16xf32>,
        %add3A_767 = arith.addi %shift_left3A_371, %and3A_754 : vector<16xi32>
        %gather3A_768 = arith.constant 0 : i32
        %gather3A_769 = arith.constant 0 : i32
        %gather3A_770 = tpu.memref_slice %arg20[%scan3A_271, %gather3A_768, %gather3A_769] : memref<2x128x128xf32, #tpu.memory_space<vmem>> -> memref<1x128x128xf32, #tpu.memory_space<vmem>>
        %gather3A_771 = tpu.memref_squeeze %gather3A_770 : memref<1x128x128xf32, #tpu.memory_space<vmem>> -> memref<128x128xf32, #tpu.memory_space<vmem>>
        %gather3A_772 = tpu.vector_load_idx %gather3A_771[%add3A_342, %add3A_767] : memref<128x128xf32, #tpu.memory_space<vmem>>[vector<16xi32>, vector<16xi32>], vector<16xf32>,
        %sub3A_773 = arith.subf %gather3A_772, %gather3A_766 : vector<16xf32>
        %mul3A_774 = arith.mulf %gather3A_760, %sub3A_773 : vector<16xf32>
        %add3A_775 = arith.addf %add3A_643, %mul3A_774 : vector<16xf32>
        %mul3A_776 = arith.mulf %gather3A_760, %gather3A_760 : vector<16xf32>
        %add3A_777 = arith.addf %add3A_711, %mul3A_776 : vector<16xf32>
        %mul3A_778 = arith.mulf %gather3A_766, %gather3A_766 : vector<16xf32>
        %add3A_779 = arith.addf %add3A_713, %mul3A_778 : vector<16xf32>
        %mul3A_780 = arith.mulf %gather3A_772, %gather3A_772 : vector<16xf32>
        %add3A_781 = arith.addf %add3A_715, %mul3A_780 : vector<16xf32>
        %add3A_782 = arith.constant 11 : i32
        %add3A_783 = vector.broadcast %add3A_782 : i32 to vector<16xi32>
        %add3A_784 = arith.addi %add3A_420, %add3A_783 : vector<16xi32>
        %and3A_785 = arith.constant 63 : i32
        %and3A_786 = vector.broadcast %and3A_785 : i32 to vector<16xi32>
        %and3A_787 = arith.andi %add3A_784, %and3A_786 : vector<16xi32>
        %add3A_788 = arith.addi %shift_left3A_351, %and3A_787 : vector<16xi32>
        %gather3A_789 = arith.constant 0 : i32
        %gather3A_790 = arith.constant 0 : i32
        %gather3A_791 = tpu.memref_slice %arg18[%scan3A_269, %gather3A_789, %gather3A_790] : memref<2x128x128xf32, #tpu.memory_space<vmem>> -> memref<1x128x128xf32, #tpu.memory_space<vmem>>
        %gather3A_792 = tpu.memref_squeeze %gather3A_791 : memref<1x128x128xf32, #tpu.memory_space<vmem>> -> memref<128x128xf32, #tpu.memory_space<vmem>>
        %gather3A_793 = tpu.vector_load_idx %gather3A_792[%add3A_342, %add3A_788] : memref<128x128xf32, #tpu.memory_space<vmem>>[vector<16xi32>, vector<16xi32>], vector<16xf32>,
        %add3A_794 = arith.addi %shift_left3A_361, %and3A_787 : vector<16xi32>
        %gather3A_795 = arith.constant 0 : i32
        %gather3A_796 = arith.constant 0 : i32
        %gather3A_797 = tpu.memref_slice %arg19[%scan3A_270, %gather3A_795, %gather3A_796] : memref<2x128x128xf32, #tpu.memory_space<vmem>> -> memref<1x128x128xf32, #tpu.memory_space<vmem>>
        %gather3A_798 = tpu.memref_squeeze %gather3A_797 : memref<1x128x128xf32, #tpu.memory_space<vmem>> -> memref<128x128xf32, #tpu.memory_space<vmem>>
        %gather3A_799 = tpu.vector_load_idx %gather3A_798[%add3A_342, %add3A_794] : memref<128x128xf32, #tpu.memory_space<vmem>>[vector<16xi32>, vector<16xi32>], vector<16xf32>,
        %add3A_800 = arith.addi %shift_left3A_371, %and3A_787 : vector<16xi32>
        %gather3A_801 = arith.constant 0 : i32
        %gather3A_802 = arith.constant 0 : i32
        %gather3A_803 = tpu.memref_slice %arg20[%scan3A_271, %gather3A_801, %gather3A_802] : memref<2x128x128xf32, #tpu.memory_space<vmem>> -> memref<1x128x128xf32, #tpu.memory_space<vmem>>
        %gather3A_804 = tpu.memref_squeeze %gather3A_803 : memref<1x128x128xf32, #tpu.memory_space<vmem>> -> memref<128x128xf32, #tpu.memory_space<vmem>>
        %gather3A_805 = tpu.vector_load_idx %gather3A_804[%add3A_342, %add3A_800] : memref<128x128xf32, #tpu.memory_space<vmem>>[vector<16xi32>, vector<16xi32>], vector<16xf32>,
        %sub3A_806 = arith.subf %gather3A_805, %gather3A_799 : vector<16xf32>
        %mul3A_807 = arith.mulf %gather3A_793, %sub3A_806 : vector<16xf32>
        %add3A_808 = arith.addf %add3A_676, %mul3A_807 : vector<16xf32>
        %mul3A_809 = arith.mulf %gather3A_793, %gather3A_793 : vector<16xf32>
        %add3A_810 = arith.addf %add3A_744, %mul3A_809 : vector<16xf32>
        %mul3A_811 = arith.mulf %gather3A_799, %gather3A_799 : vector<16xf32>
        %add3A_812 = arith.addf %add3A_746, %mul3A_811 : vector<16xf32>
        %mul3A_813 = arith.mulf %gather3A_805, %gather3A_805 : vector<16xf32>
        %add3A_814 = arith.addf %add3A_748, %mul3A_813 : vector<16xf32>
        %add3A_815 = arith.constant 12 : i32
        %add3A_816 = vector.broadcast %add3A_815 : i32 to vector<16xi32>
        %add3A_817 = arith.addi %add3A_420, %add3A_816 : vector<16xi32>
        %and3A_818 = arith.constant 63 : i32
        %and3A_819 = vector.broadcast %and3A_818 : i32 to vector<16xi32>
        %and3A_820 = arith.andi %add3A_817, %and3A_819 : vector<16xi32>
        %add3A_821 = arith.addi %shift_left3A_351, %and3A_820 : vector<16xi32>
        %gather3A_822 = arith.constant 0 : i32
        %gather3A_823 = arith.constant 0 : i32
        %gather3A_824 = tpu.memref_slice %arg18[%scan3A_269, %gather3A_822, %gather3A_823] : memref<2x128x128xf32, #tpu.memory_space<vmem>> -> memref<1x128x128xf32, #tpu.memory_space<vmem>>
        %gather3A_825 = tpu.memref_squeeze %gather3A_824 : memref<1x128x128xf32, #tpu.memory_space<vmem>> -> memref<128x128xf32, #tpu.memory_space<vmem>>
        %gather3A_826 = tpu.vector_load_idx %gather3A_825[%add3A_342, %add3A_821] : memref<128x128xf32, #tpu.memory_space<vmem>>[vector<16xi32>, vector<16xi32>], vector<16xf32>,
        %add3A_827 = arith.addi %shift_left3A_361, %and3A_820 : vector<16xi32>
        %gather3A_828 = arith.constant 0 : i32
        %gather3A_829 = arith.constant 0 : i32
        %gather3A_830 = tpu.memref_slice %arg19[%scan3A_270, %gather3A_828, %gather3A_829] : memref<2x128x128xf32, #tpu.memory_space<vmem>> -> memref<1x128x128xf32, #tpu.memory_space<vmem>>
        %gather3A_831 = tpu.memref_squeeze %gather3A_830 : memref<1x128x128xf32, #tpu.memory_space<vmem>> -> memref<128x128xf32, #tpu.memory_space<vmem>>
        %gather3A_832 = tpu.vector_load_idx %gather3A_831[%add3A_342, %add3A_827] : memref<128x128xf32, #tpu.memory_space<vmem>>[vector<16xi32>, vector<16xi32>], vector<16xf32>,
        %add3A_833 = arith.addi %shift_left3A_371, %and3A_820 : vector<16xi32>
        %gather3A_834 = arith.constant 0 : i32
        %gather3A_835 = arith.constant 0 : i32
        %gather3A_836 = tpu.memref_slice %arg20[%scan3A_271, %gather3A_834, %gather3A_835] : memref<2x128x128xf32, #tpu.memory_space<vmem>> -> memref<1x128x128xf32, #tpu.memory_space<vmem>>
        %gather3A_837 = tpu.memref_squeeze %gather3A_836 : memref<1x128x128xf32, #tpu.memory_space<vmem>> -> memref<128x128xf32, #tpu.memory_space<vmem>>
        %gather3A_838 = tpu.vector_load_idx %gather3A_837[%add3A_342, %add3A_833] : memref<128x128xf32, #tpu.memory_space<vmem>>[vector<16xi32>, vector<16xi32>], vector<16xf32>,
        %sub3A_839 = arith.subf %gather3A_838, %gather3A_832 : vector<16xf32>
        %mul3A_840 = arith.mulf %gather3A_826, %sub3A_839 : vector<16xf32>
        %add3A_841 = arith.addf %add3A_709, %mul3A_840 : vector<16xf32>
        %mul3A_842 = arith.mulf %gather3A_826, %gather3A_826 : vector<16xf32>
        %add3A_843 = arith.addf %add3A_777, %mul3A_842 : vector<16xf32>
        %mul3A_844 = arith.mulf %gather3A_832, %gather3A_832 : vector<16xf32>
        %add3A_845 = arith.addf %add3A_779, %mul3A_844 : vector<16xf32>
        %mul3A_846 = arith.mulf %gather3A_838, %gather3A_838 : vector<16xf32>
        %add3A_847 = arith.addf %add3A_781, %mul3A_846 : vector<16xf32>
        %add3A_848 = arith.constant 13 : i32
        %add3A_849 = vector.broadcast %add3A_848 : i32 to vector<16xi32>
        %add3A_850 = arith.addi %add3A_420, %add3A_849 : vector<16xi32>
        %and3A_851 = arith.constant 63 : i32
        %and3A_852 = vector.broadcast %and3A_851 : i32 to vector<16xi32>
        %and3A_853 = arith.andi %add3A_850, %and3A_852 : vector<16xi32>
        %add3A_854 = arith.addi %shift_left3A_351, %and3A_853 : vector<16xi32>
        %gather3A_855 = arith.constant 0 : i32
        %gather3A_856 = arith.constant 0 : i32
        %gather3A_857 = tpu.memref_slice %arg18[%scan3A_269, %gather3A_855, %gather3A_856] : memref<2x128x128xf32, #tpu.memory_space<vmem>> -> memref<1x128x128xf32, #tpu.memory_space<vmem>>
        %gather3A_858 = tpu.memref_squeeze %gather3A_857 : memref<1x128x128xf32, #tpu.memory_space<vmem>> -> memref<128x128xf32, #tpu.memory_space<vmem>>
        %gather3A_859 = tpu.vector_load_idx %gather3A_858[%add3A_342, %add3A_854] : memref<128x128xf32, #tpu.memory_space<vmem>>[vector<16xi32>, vector<16xi32>], vector<16xf32>,
        %add3A_860 = arith.addi %shift_left3A_361, %and3A_853 : vector<16xi32>
        %gather3A_861 = arith.constant 0 : i32
        %gather3A_862 = arith.constant 0 : i32
        %gather3A_863 = tpu.memref_slice %arg19[%scan3A_270, %gather3A_861, %gather3A_862] : memref<2x128x128xf32, #tpu.memory_space<vmem>> -> memref<1x128x128xf32, #tpu.memory_space<vmem>>
        %gather3A_864 = tpu.memref_squeeze %gather3A_863 : memref<1x128x128xf32, #tpu.memory_space<vmem>> -> memref<128x128xf32, #tpu.memory_space<vmem>>
        %gather3A_865 = tpu.vector_load_idx %gather3A_864[%add3A_342, %add3A_860] : memref<128x128xf32, #tpu.memory_space<vmem>>[vector<16xi32>, vector<16xi32>], vector<16xf32>,
        %add3A_866 = arith.addi %shift_left3A_371, %and3A_853 : vector<16xi32>
        %gather3A_867 = arith.constant 0 : i32
        %gather3A_868 = arith.constant 0 : i32
        %gather3A_869 = tpu.memref_slice %arg20[%scan3A_271, %gather3A_867, %gather3A_868] : memref<2x128x128xf32, #tpu.memory_space<vmem>> -> memref<1x128x128xf32, #tpu.memory_space<vmem>>
        %gather3A_870 = tpu.memref_squeeze %gather3A_869 : memref<1x128x128xf32, #tpu.memory_space<vmem>> -> memref<128x128xf32, #tpu.memory_space<vmem>>
        %gather3A_871 = tpu.vector_load_idx %gather3A_870[%add3A_342, %add3A_866] : memref<128x128xf32, #tpu.memory_space<vmem>>[vector<16xi32>, vector<16xi32>], vector<16xf32>,
        %sub3A_872 = arith.subf %gather3A_871, %gather3A_865 : vector<16xf32>
        %mul3A_873 = arith.mulf %gather3A_859, %sub3A_872 : vector<16xf32>
        %add3A_874 = arith.addf %add3A_742, %mul3A_873 : vector<16xf32>
        %mul3A_875 = arith.mulf %gather3A_859, %gather3A_859 : vector<16xf32>
        %add3A_876 = arith.addf %add3A_810, %mul3A_875 : vector<16xf32>
        %mul3A_877 = arith.mulf %gather3A_865, %gather3A_865 : vector<16xf32>
        %add3A_878 = arith.addf %add3A_812, %mul3A_877 : vector<16xf32>
        %mul3A_879 = arith.mulf %gather3A_871, %gather3A_871 : vector<16xf32>
        %add3A_880 = arith.addf %add3A_814, %mul3A_879 : vector<16xf32>
        %add3A_881 = arith.constant 14 : i32
        %add3A_882 = vector.broadcast %add3A_881 : i32 to vector<16xi32>
        %add3A_883 = arith.addi %add3A_420, %add3A_882 : vector<16xi32>
        %and3A_884 = arith.constant 63 : i32
        %and3A_885 = vector.broadcast %and3A_884 : i32 to vector<16xi32>
        %and3A_886 = arith.andi %add3A_883, %and3A_885 : vector<16xi32>
        %add3A_887 = arith.addi %shift_left3A_351, %and3A_886 : vector<16xi32>
        %gather3A_888 = arith.constant 0 : i32
        %gather3A_889 = arith.constant 0 : i32
        %gather3A_890 = tpu.memref_slice %arg18[%scan3A_269, %gather3A_888, %gather3A_889] : memref<2x128x128xf32, #tpu.memory_space<vmem>> -> memref<1x128x128xf32, #tpu.memory_space<vmem>>
        %gather3A_891 = tpu.memref_squeeze %gather3A_890 : memref<1x128x128xf32, #tpu.memory_space<vmem>> -> memref<128x128xf32, #tpu.memory_space<vmem>>
        %gather3A_892 = tpu.vector_load_idx %gather3A_891[%add3A_342, %add3A_887] : memref<128x128xf32, #tpu.memory_space<vmem>>[vector<16xi32>, vector<16xi32>], vector<16xf32>,
        %add3A_893 = arith.addi %shift_left3A_361, %and3A_886 : vector<16xi32>
        %gather3A_894 = arith.constant 0 : i32
        %gather3A_895 = arith.constant 0 : i32
        %gather3A_896 = tpu.memref_slice %arg19[%scan3A_270, %gather3A_894, %gather3A_895] : memref<2x128x128xf32, #tpu.memory_space<vmem>> -> memref<1x128x128xf32, #tpu.memory_space<vmem>>
        %gather3A_897 = tpu.memref_squeeze %gather3A_896 : memref<1x128x128xf32, #tpu.memory_space<vmem>> -> memref<128x128xf32, #tpu.memory_space<vmem>>
        %gather3A_898 = tpu.vector_load_idx %gather3A_897[%add3A_342, %add3A_893] : memref<128x128xf32, #tpu.memory_space<vmem>>[vector<16xi32>, vector<16xi32>], vector<16xf32>,
        %add3A_899 = arith.addi %shift_left3A_371, %and3A_886 : vector<16xi32>
        %gather3A_900 = arith.constant 0 : i32
        %gather3A_901 = arith.constant 0 : i32
        %gather3A_902 = tpu.memref_slice %arg20[%scan3A_271, %gather3A_900, %gather3A_901] : memref<2x128x128xf32, #tpu.memory_space<vmem>> -> memref<1x128x128xf32, #tpu.memory_space<vmem>>
        %gather3A_903 = tpu.memref_squeeze %gather3A_902 : memref<1x128x128xf32, #tpu.memory_space<vmem>> -> memref<128x128xf32, #tpu.memory_space<vmem>>
        %gather3A_904 = tpu.vector_load_idx %gather3A_903[%add3A_342, %add3A_899] : memref<128x128xf32, #tpu.memory_space<vmem>>[vector<16xi32>, vector<16xi32>], vector<16xf32>,
        %sub3A_905 = arith.subf %gather3A_904, %gather3A_898 : vector<16xf32>
        %mul3A_906 = arith.mulf %gather3A_892, %sub3A_905 : vector<16xf32>
        %add3A_907 = arith.addf %add3A_775, %mul3A_906 : vector<16xf32>
        %mul3A_908 = arith.mulf %gather3A_892, %gather3A_892 : vector<16xf32>
        %add3A_909 = arith.addf %add3A_843, %mul3A_908 : vector<16xf32>
        %mul3A_910 = arith.mulf %gather3A_898, %gather3A_898 : vector<16xf32>
        %add3A_911 = arith.addf %add3A_845, %mul3A_910 : vector<16xf32>
        %mul3A_912 = arith.mulf %gather3A_904, %gather3A_904 : vector<16xf32>
        %add3A_913 = arith.addf %add3A_847, %mul3A_912 : vector<16xf32>
        %add3A_914 = arith.constant 15 : i32
        %add3A_915 = vector.broadcast %add3A_914 : i32 to vector<16xi32>
        %add3A_916 = arith.addi %add3A_420, %add3A_915 : vector<16xi32>
        %and3A_917 = arith.constant 63 : i32
        %and3A_918 = vector.broadcast %and3A_917 : i32 to vector<16xi32>
        %and3A_919 = arith.andi %add3A_916, %and3A_918 : vector<16xi32>
        %add3A_920 = arith.addi %shift_left3A_351, %and3A_919 : vector<16xi32>
        %gather3A_921 = arith.constant 0 : i32
        %gather3A_922 = arith.constant 0 : i32
        %gather3A_923 = tpu.memref_slice %arg18[%scan3A_269, %gather3A_921, %gather3A_922] : memref<2x128x128xf32, #tpu.memory_space<vmem>> -> memref<1x128x128xf32, #tpu.memory_space<vmem>>
        %gather3A_924 = tpu.memref_squeeze %gather3A_923 : memref<1x128x128xf32, #tpu.memory_space<vmem>> -> memref<128x128xf32, #tpu.memory_space<vmem>>
        %gather3A_925 = tpu.vector_load_idx %gather3A_924[%add3A_342, %add3A_920] : memref<128x128xf32, #tpu.memory_space<vmem>>[vector<16xi32>, vector<16xi32>], vector<16xf32>,
        %add3A_926 = arith.addi %shift_left3A_361, %and3A_919 : vector<16xi32>
        %gather3A_927 = arith.constant 0 : i32
        %gather3A_928 = arith.constant 0 : i32
        %gather3A_929 = tpu.memref_slice %arg19[%scan3A_270, %gather3A_927, %gather3A_928] : memref<2x128x128xf32, #tpu.memory_space<vmem>> -> memref<1x128x128xf32, #tpu.memory_space<vmem>>
        %gather3A_930 = tpu.memref_squeeze %gather3A_929 : memref<1x128x128xf32, #tpu.memory_space<vmem>> -> memref<128x128xf32, #tpu.memory_space<vmem>>
        %gather3A_931 = tpu.vector_load_idx %gather3A_930[%add3A_342, %add3A_926] : memref<128x128xf32, #tpu.memory_space<vmem>>[vector<16xi32>, vector<16xi32>], vector<16xf32>,
        %add3A_932 = arith.addi %shift_left3A_371, %and3A_919 : vector<16xi32>
        %gather3A_933 = arith.constant 0 : i32
        %gather3A_934 = arith.constant 0 : i32
        %gather3A_935 = tpu.memref_slice %arg20[%scan3A_271, %gather3A_933, %gather3A_934] : memref<2x128x128xf32, #tpu.memory_space<vmem>> -> memref<1x128x128xf32, #tpu.memory_space<vmem>>
        %gather3A_936 = tpu.memref_squeeze %gather3A_935 : memref<1x128x128xf32, #tpu.memory_space<vmem>> -> memref<128x128xf32, #tpu.memory_space<vmem>>
        %gather3A_937 = tpu.vector_load_idx %gather3A_936[%add3A_342, %add3A_932] : memref<128x128xf32, #tpu.memory_space<vmem>>[vector<16xi32>, vector<16xi32>], vector<16xf32>,
        %sub3A_938 = arith.subf %gather3A_937, %gather3A_931 : vector<16xf32>
        %mul3A_939 = arith.mulf %gather3A_925, %sub3A_938 : vector<16xf32>
        %add3A_940 = arith.addf %add3A_808, %mul3A_939 : vector<16xf32>
        %mul3A_941 = arith.mulf %gather3A_925, %gather3A_925 : vector<16xf32>
        %add3A_942 = arith.addf %add3A_876, %mul3A_941 : vector<16xf32>
        %mul3A_943 = arith.mulf %gather3A_931, %gather3A_931 : vector<16xf32>
        %add3A_944 = arith.addf %add3A_878, %mul3A_943 : vector<16xf32>
        %mul3A_945 = arith.mulf %gather3A_937, %gather3A_937 : vector<16xf32>
        %add3A_946 = arith.addf %add3A_880, %mul3A_945 : vector<16xf32>
        scf.yield %add3A_841, %add3A_874, %add3A_907, %add3A_940, %add3A_909, %add3A_942, %add3A_911, %add3A_944, %add3A_913, %add3A_946 : vector<16xf32>, vector<16xf32>, vector<16xf32>, vector<16xf32>, vector<16xf32>, vector<16xf32>, vector<16xf32>, vector<16xf32>, vector<16xf32>, vector<16xf32>
      }
      %scan3A_377 = arith.constant 4 : i32
      %add3A_378 = arith.addf %scan3A_376#0, %scan3A_376#1 : vector<16xf32>
      %add3A_379 = arith.addf %scan3A_376#2, %scan3A_376#3 : vector<16xf32>
      %add3A_380 = arith.addf %add3A_378, %add3A_379 : vector<16xf32>
      %abs3A = math.absf %add3A_380 : vector<16xf32>
      %neg3A = arith.constant 0.000000e+00 : f32
      %neg3A_381 = vector.broadcast %neg3A : f32 to vector<16xf32>
      %neg3A_382 = arith.subf %neg3A_381, %abs3A : vector<16xf32>
      %exp3A = math.exp %neg3A_382 : vector<16xf32>
      %add3A_383 = arith.constant 2.000000e+00 : f32
      %add3A_384 = vector.broadcast %add3A_383 : f32 to vector<16xf32>
      %add3A_385 = arith.addf %add3A_384, %exp3A : vector<16xf32>
      %div3A = arith.divf %exp3A, %add3A_385 : vector<16xf32>
      %mul3A_386 = arith.mulf %div3A, %div3A : vector<16xf32>
      %mul3A_387 = arith.constant 0.285714298 : f32
      %mul3A_388 = vector.broadcast %mul3A_387 : f32 to vector<16xf32>
      %mul3A_389 = arith.mulf %mul3A_386, %mul3A_388 : vector<16xf32>
      %add3A_390 = arith.constant 4.000000e-01 : f32
      %add3A_391 = vector.broadcast %add3A_390 : f32 to vector<16xf32>
      %add3A_392 = arith.addf %add3A_391, %mul3A_389 : vector<16xf32>
      %mul3A_393 = arith.mulf %mul3A_386, %add3A_392 : vector<16xf32>
      %add3A_394 = arith.constant 0.666666686 : f32
      %add3A_395 = vector.broadcast %add3A_394 : f32 to vector<16xf32>
      %add3A_396 = arith.addf %add3A_395, %mul3A_393 : vector<16xf32>
      %mul3A_397 = arith.mulf %mul3A_386, %add3A_396 : vector<16xf32>
      %add3A_398 = arith.constant 2.000000e+00 : f32
      %add3A_399 = vector.broadcast %add3A_398 : f32 to vector<16xf32>
      %add3A_400 = arith.addf %add3A_399, %mul3A_397 : vector<16xf32>
      %mul3A_401 = arith.mulf %div3A, %add3A_400 : vector<16xf32>
      %max3A = arith.constant 0.000000e+00 : f32
      %max3A_402 = vector.broadcast %max3A : f32 to vector<16xf32>
      %max3A_403 = arith.maximumf %add3A_380, %max3A_402 : vector<16xf32>
      %add3A_404 = arith.addf %max3A_403, %mul3A_401 : vector<16xf32>
      %add3A_405 = arith.addf %scan3A_332, %add3A_404 : vector<16xf32>
      scf.yield %add3A_405, %scan3A_376#4, %scan3A_376#5, %scan3A_376#6, %scan3A_376#7, %scan3A_376#8, %scan3A_376#9 : vector<16xf32>, vector<16xf32>, vector<16xf32>, vector<16xf32>, vector<16xf32>, vector<16xf32>, vector<16xf32>
    }
    %scan3A_277 = arith.constant 8 : i32
    %dma_wait3A_278 = arith.constant 3 : i32
    %dma_wait3A_279 = arith.constant 1 : i32
    %dma_wait3A_280 = arith.constant 0 : i32
    %dma_wait3A_281 = arith.constant 0 : i32
    %dma_wait3A_282 = tpu.memref_slice %arg18[%dma_wait3A_279, %dma_wait3A_280, %dma_wait3A_281] : memref<2x128x128xf32, #tpu.memory_space<vmem>> -> memref<1x128x128xf32, #tpu.memory_space<vmem>>
    %dma_wait3A_283 = tpu.memref_squeeze %dma_wait3A_282 : memref<1x128x128xf32, #tpu.memory_space<vmem>> -> memref<128x128xf32, #tpu.memory_space<vmem>>
    %dma_wait3A_284 = arith.constant 0 : i32
    %dma_wait3A_285 = tpu.memref_slice %arg12[%dma_wait3A_278, %dma_wait3A_284] : memref<4x128xi32, #tpu.memory_space<vmem>> -> memref<1x128xi32, #tpu.memory_space<vmem>>
    %dma_wait3A_286 = tpu.memref_squeeze %dma_wait3A_285 : memref<1x128xi32, #tpu.memory_space<vmem>> -> memref<128xi32, #tpu.memory_space<vmem>>
    %dma_wait3A_287 = arith.constant 0 : i32
    %dma_wait3A_288 = arith.constant 0 : i32
    %dma_wait3A_289 = tpu.memref_slice %arg8[%dma_wait3A_287, %dma_wait3A_288] : memref<500000x128xf32, #tpu.memory_space<hbm>> -> memref<500000x128xf32, #tpu.memory_space<hbm>>
    tpu.wait_indirect_dma semaphore(%arg24 : memref<!tpu.dma_semaphore, #tpu.memory_space<semaphore_mem>>) src(%dma_wait3A_289 : memref<500000x128xf32, #tpu.memory_space<hbm>>) dst(%dma_wait3A_283 : memref<128x128xf32, #tpu.memory_space<vmem>>)
    %dma_wait3A_290 = arith.constant 3 : i32
    %dma_wait3A_291 = arith.constant 1 : i32
    %dma_wait3A_292 = arith.constant 0 : i32
    %dma_wait3A_293 = arith.constant 0 : i32
    %dma_wait3A_294 = tpu.memref_slice %arg19[%dma_wait3A_291, %dma_wait3A_292, %dma_wait3A_293] : memref<2x128x128xf32, #tpu.memory_space<vmem>> -> memref<1x128x128xf32, #tpu.memory_space<vmem>>
    %dma_wait3A_295 = tpu.memref_squeeze %dma_wait3A_294 : memref<1x128x128xf32, #tpu.memory_space<vmem>> -> memref<128x128xf32, #tpu.memory_space<vmem>>
    %dma_wait3A_296 = arith.constant 0 : i32
    %dma_wait3A_297 = tpu.memref_slice %arg13[%dma_wait3A_290, %dma_wait3A_296] : memref<4x128xi32, #tpu.memory_space<vmem>> -> memref<1x128xi32, #tpu.memory_space<vmem>>
    %dma_wait3A_298 = tpu.memref_squeeze %dma_wait3A_297 : memref<1x128xi32, #tpu.memory_space<vmem>> -> memref<128xi32, #tpu.memory_space<vmem>>
    %dma_wait3A_299 = arith.constant 0 : i32
    %dma_wait3A_300 = arith.constant 0 : i32
    %dma_wait3A_301 = tpu.memref_slice %arg9[%dma_wait3A_299, %dma_wait3A_300] : memref<500000x128xf32, #tpu.memory_space<hbm>> -> memref<500000x128xf32, #tpu.memory_space<hbm>>
    tpu.wait_indirect_dma semaphore(%arg24 : memref<!tpu.dma_semaphore, #tpu.memory_space<semaphore_mem>>) src(%dma_wait3A_301 : memref<500000x128xf32, #tpu.memory_space<hbm>>) dst(%dma_wait3A_295 : memref<128x128xf32, #tpu.memory_space<vmem>>)
    %dma_wait3A_302 = arith.constant 3 : i32
    %dma_wait3A_303 = arith.constant 1 : i32
    %dma_wait3A_304 = arith.constant 0 : i32
    %dma_wait3A_305 = arith.constant 0 : i32
    %dma_wait3A_306 = tpu.memref_slice %arg20[%dma_wait3A_303, %dma_wait3A_304, %dma_wait3A_305] : memref<2x128x128xf32, #tpu.memory_space<vmem>> -> memref<1x128x128xf32, #tpu.memory_space<vmem>>
    %dma_wait3A_307 = tpu.memref_squeeze %dma_wait3A_306 : memref<1x128x128xf32, #tpu.memory_space<vmem>> -> memref<128x128xf32, #tpu.memory_space<vmem>>
    %dma_wait3A_308 = arith.constant 0 : i32
    %dma_wait3A_309 = tpu.memref_slice %arg14[%dma_wait3A_302, %dma_wait3A_308] : memref<4x128xi32, #tpu.memory_space<vmem>> -> memref<1x128xi32, #tpu.memory_space<vmem>>
    %dma_wait3A_310 = tpu.memref_squeeze %dma_wait3A_309 : memref<1x128xi32, #tpu.memory_space<vmem>> -> memref<128xi32, #tpu.memory_space<vmem>>
    %dma_wait3A_311 = arith.constant 0 : i32
    %dma_wait3A_312 = arith.constant 0 : i32
    %dma_wait3A_313 = tpu.memref_slice %arg9[%dma_wait3A_311, %dma_wait3A_312] : memref<500000x128xf32, #tpu.memory_space<hbm>> -> memref<500000x128xf32, #tpu.memory_space<hbm>>
    tpu.wait_indirect_dma semaphore(%arg24 : memref<!tpu.dma_semaphore, #tpu.memory_space<semaphore_mem>>) src(%dma_wait3A_313 : memref<500000x128xf32, #tpu.memory_space<hbm>>) dst(%dma_wait3A_307 : memref<128x128xf32, #tpu.memory_space<vmem>>)
    %scan3A_314 = arith.constant 1 : i32
    %scan3A_315 = arith.constant 1 : i32
    %scan3A_316 = arith.constant 1 : i32
    %scan3A_317 = arith.constant 0 : i32
    %scan3A_318 = arith.constant 8 : i32
    %scan3A_319 = arith.addi %scan3A_317, %scan3A_318 : i32
    %scan3A_320 = arith.constant 1 : i32
    %scan3A_321:7 = scf.for %scan3A_331 = %scan3A_317 to %scan3A_319 step %scan3A_320 iter_args(%scan3A_332 = %scan3A_276#0, %scan3A_333 = %scan3A_276#1, %scan3A_334 = %scan3A_276#2, %scan3A_335 = %scan3A_276#3, %scan3A_336 = %scan3A_276#4, %scan3A_337 = %scan3A_276#5, %scan3A_338 = %scan3A_276#6) -> (vector<16xf32>, vector<16xf32>, vector<16xf32>, vector<16xf32>, vector<16xf32>, vector<16xf32>, vector<16xf32>)  : i32 {
      %mul3A_339 = arith.constant 16 : i32
      %mul3A_340 = arith.muli %scan3A_331, %mul3A_339 : i32
      %add3A_341 = vector.broadcast %mul3A_340 : i32 to vector<16xi32>
      %add3A_342 = arith.addi %add3A_341, %iota3A : vector<16xi32>
      %mul3A_343 = arith.constant 16 : i32
      %mul3A_344 = arith.muli %scan3A_331, %mul3A_343 : i32
      %get3A = arith.constant 3 : i32
      %get3A_345 = arith.index_cast %get3A : i32 to index
      %get3A_346 = arith.index_cast %mul3A_344 : i32 to index
      %get3A_347 = tpu.vector_load %arg15[%get3A_345, %get3A_346] {strides = array<i32>} : memref<4x128xi32, #tpu.memory_space<vmem>>, vector<16xi32>,
      %and3A = arith.constant 1 : i32
      %and3A_348 = vector.broadcast %and3A : i32 to vector<16xi32>
      %and3A_349 = arith.andi %get3A_347, %and3A_348 : vector<16xi32>
      %shift_left3A = arith.constant 6 : i32
      %shift_left3A_350 = vector.broadcast %shift_left3A : i32 to vector<16xi32>
      %shift_left3A_351 = arith.shli %and3A_349, %shift_left3A_350 : vector<16xi32>
      %get3A_352 = arith.constant 3 : i32
      %get3A_353 = arith.index_cast %get3A_352 : i32 to index
      %get3A_354 = arith.index_cast %mul3A_344 : i32 to index
      %get3A_355 = tpu.vector_load %arg16[%get3A_353, %get3A_354] {strides = array<i32>} : memref<4x128xi32, #tpu.memory_space<vmem>>, vector<16xi32>,
      %and3A_356 = arith.constant 1 : i32
      %and3A_357 = vector.broadcast %and3A_356 : i32 to vector<16xi32>
      %and3A_358 = arith.andi %get3A_355, %and3A_357 : vector<16xi32>
      %shift_left3A_359 = arith.constant 6 : i32
      %shift_left3A_360 = vector.broadcast %shift_left3A_359 : i32 to vector<16xi32>
      %shift_left3A_361 = arith.shli %and3A_358, %shift_left3A_360 : vector<16xi32>
      %get3A_362 = arith.constant 3 : i32
      %get3A_363 = arith.index_cast %get3A_362 : i32 to index
      %get3A_364 = arith.index_cast %mul3A_344 : i32 to index
      %get3A_365 = tpu.vector_load %arg17[%get3A_363, %get3A_364] {strides = array<i32>} : memref<4x128xi32, #tpu.memory_space<vmem>>, vector<16xi32>,
      %and3A_366 = arith.constant 1 : i32
      %and3A_367 = vector.broadcast %and3A_366 : i32 to vector<16xi32>
      %and3A_368 = arith.andi %get3A_365, %and3A_367 : vector<16xi32>
      %shift_left3A_369 = arith.constant 6 : i32
      %shift_left3A_370 = vector.broadcast %shift_left3A_369 : i32 to vector<16xi32>
      %shift_left3A_371 = arith.shli %and3A_368, %shift_left3A_370 : vector<16xi32>
      %scan3A_372 = arith.constant 0 : i32
      %scan3A_373 = arith.constant 4 : i32
      %scan3A_374 = arith.addi %scan3A_372, %scan3A_373 : i32
      %scan3A_375 = arith.constant 1 : i32
      %scan3A_376:10 = scf.for %scan3A_406 = %scan3A_372 to %scan3A_374 step %scan3A_375 iter_args(%scan3A_407 = %broadcast_in_dim3A_1, %scan3A_408 = %broadcast_in_dim3A_1, %scan3A_409 = %broadcast_in_dim3A_1, %scan3A_410 = %broadcast_in_dim3A_1, %scan3A_411 = %scan3A_333, %scan3A_412 = %scan3A_334, %scan3A_413 = %scan3A_335, %scan3A_414 = %scan3A_336, %scan3A_415 = %scan3A_337, %scan3A_416 = %scan3A_338) -> (vector<16xf32>, vector<16xf32>, vector<16xf32>, vector<16xf32>, vector<16xf32>, vector<16xf32>, vector<16xf32>, vector<16xf32>, vector<16xf32>, vector<16xf32>)  : i32 {
        %mul3A_417 = arith.constant 16 : i32
        %mul3A_418 = arith.muli %scan3A_406, %mul3A_417 : i32
        %add3A_419 = vector.broadcast %mul3A_418 : i32 to vector<16xi32>
        %add3A_420 = arith.addi %iota3A, %add3A_419 : vector<16xi32>
        %add3A_421 = arith.constant 0 : i32
        %add3A_422 = vector.broadcast %add3A_421 : i32 to vector<16xi32>
        %add3A_423 = arith.addi %add3A_420, %add3A_422 : vector<16xi32>
        %and3A_424 = arith.constant 63 : i32
        %and3A_425 = vector.broadcast %and3A_424 : i32 to vector<16xi32>
        %and3A_426 = arith.andi %add3A_423, %and3A_425 : vector<16xi32>
        %add3A_427 = arith.addi %shift_left3A_351, %and3A_426 : vector<16xi32>
        %gather3A = arith.constant 0 : i32
        %gather3A_428 = arith.constant 0 : i32
        %gather3A_429 = tpu.memref_slice %arg18[%scan3A_314, %gather3A, %gather3A_428] : memref<2x128x128xf32, #tpu.memory_space<vmem>> -> memref<1x128x128xf32, #tpu.memory_space<vmem>>
        %gather3A_430 = tpu.memref_squeeze %gather3A_429 : memref<1x128x128xf32, #tpu.memory_space<vmem>> -> memref<128x128xf32, #tpu.memory_space<vmem>>
        %gather3A_431 = tpu.vector_load_idx %gather3A_430[%add3A_342, %add3A_427] : memref<128x128xf32, #tpu.memory_space<vmem>>[vector<16xi32>, vector<16xi32>], vector<16xf32>,
        %add3A_432 = arith.addi %shift_left3A_361, %and3A_426 : vector<16xi32>
        %gather3A_433 = arith.constant 0 : i32
        %gather3A_434 = arith.constant 0 : i32
        %gather3A_435 = tpu.memref_slice %arg19[%scan3A_315, %gather3A_433, %gather3A_434] : memref<2x128x128xf32, #tpu.memory_space<vmem>> -> memref<1x128x128xf32, #tpu.memory_space<vmem>>
        %gather3A_436 = tpu.memref_squeeze %gather3A_435 : memref<1x128x128xf32, #tpu.memory_space<vmem>> -> memref<128x128xf32, #tpu.memory_space<vmem>>
        %gather3A_437 = tpu.vector_load_idx %gather3A_436[%add3A_342, %add3A_432] : memref<128x128xf32, #tpu.memory_space<vmem>>[vector<16xi32>, vector<16xi32>], vector<16xf32>,
        %add3A_438 = arith.addi %shift_left3A_371, %and3A_426 : vector<16xi32>
        %gather3A_439 = arith.constant 0 : i32
        %gather3A_440 = arith.constant 0 : i32
        %gather3A_441 = tpu.memref_slice %arg20[%scan3A_316, %gather3A_439, %gather3A_440] : memref<2x128x128xf32, #tpu.memory_space<vmem>> -> memref<1x128x128xf32, #tpu.memory_space<vmem>>
        %gather3A_442 = tpu.memref_squeeze %gather3A_441 : memref<1x128x128xf32, #tpu.memory_space<vmem>> -> memref<128x128xf32, #tpu.memory_space<vmem>>
        %gather3A_443 = tpu.vector_load_idx %gather3A_442[%add3A_342, %add3A_438] : memref<128x128xf32, #tpu.memory_space<vmem>>[vector<16xi32>, vector<16xi32>], vector<16xf32>,
        %sub3A = arith.subf %gather3A_443, %gather3A_437 : vector<16xf32>
        %mul3A_444 = arith.mulf %gather3A_431, %sub3A : vector<16xf32>
        %add3A_445 = arith.addf %scan3A_407, %mul3A_444 : vector<16xf32>
        %mul3A_446 = arith.mulf %gather3A_431, %gather3A_431 : vector<16xf32>
        %add3A_447 = arith.addf %scan3A_411, %mul3A_446 : vector<16xf32>
        %mul3A_448 = arith.mulf %gather3A_437, %gather3A_437 : vector<16xf32>
        %add3A_449 = arith.addf %scan3A_413, %mul3A_448 : vector<16xf32>
        %mul3A_450 = arith.mulf %gather3A_443, %gather3A_443 : vector<16xf32>
        %add3A_451 = arith.addf %scan3A_415, %mul3A_450 : vector<16xf32>
        %add3A_452 = arith.constant 1 : i32
        %add3A_453 = vector.broadcast %add3A_452 : i32 to vector<16xi32>
        %add3A_454 = arith.addi %add3A_420, %add3A_453 : vector<16xi32>
        %and3A_455 = arith.constant 63 : i32
        %and3A_456 = vector.broadcast %and3A_455 : i32 to vector<16xi32>
        %and3A_457 = arith.andi %add3A_454, %and3A_456 : vector<16xi32>
        %add3A_458 = arith.addi %shift_left3A_351, %and3A_457 : vector<16xi32>
        %gather3A_459 = arith.constant 0 : i32
        %gather3A_460 = arith.constant 0 : i32
        %gather3A_461 = tpu.memref_slice %arg18[%scan3A_314, %gather3A_459, %gather3A_460] : memref<2x128x128xf32, #tpu.memory_space<vmem>> -> memref<1x128x128xf32, #tpu.memory_space<vmem>>
        %gather3A_462 = tpu.memref_squeeze %gather3A_461 : memref<1x128x128xf32, #tpu.memory_space<vmem>> -> memref<128x128xf32, #tpu.memory_space<vmem>>
        %gather3A_463 = tpu.vector_load_idx %gather3A_462[%add3A_342, %add3A_458] : memref<128x128xf32, #tpu.memory_space<vmem>>[vector<16xi32>, vector<16xi32>], vector<16xf32>,
        %add3A_464 = arith.addi %shift_left3A_361, %and3A_457 : vector<16xi32>
        %gather3A_465 = arith.constant 0 : i32
        %gather3A_466 = arith.constant 0 : i32
        %gather3A_467 = tpu.memref_slice %arg19[%scan3A_315, %gather3A_465, %gather3A_466] : memref<2x128x128xf32, #tpu.memory_space<vmem>> -> memref<1x128x128xf32, #tpu.memory_space<vmem>>
        %gather3A_468 = tpu.memref_squeeze %gather3A_467 : memref<1x128x128xf32, #tpu.memory_space<vmem>> -> memref<128x128xf32, #tpu.memory_space<vmem>>
        %gather3A_469 = tpu.vector_load_idx %gather3A_468[%add3A_342, %add3A_464] : memref<128x128xf32, #tpu.memory_space<vmem>>[vector<16xi32>, vector<16xi32>], vector<16xf32>,
        %add3A_470 = arith.addi %shift_left3A_371, %and3A_457 : vector<16xi32>
        %gather3A_471 = arith.constant 0 : i32
        %gather3A_472 = arith.constant 0 : i32
        %gather3A_473 = tpu.memref_slice %arg20[%scan3A_316, %gather3A_471, %gather3A_472] : memref<2x128x128xf32, #tpu.memory_space<vmem>> -> memref<1x128x128xf32, #tpu.memory_space<vmem>>
        %gather3A_474 = tpu.memref_squeeze %gather3A_473 : memref<1x128x128xf32, #tpu.memory_space<vmem>> -> memref<128x128xf32, #tpu.memory_space<vmem>>
        %gather3A_475 = tpu.vector_load_idx %gather3A_474[%add3A_342, %add3A_470] : memref<128x128xf32, #tpu.memory_space<vmem>>[vector<16xi32>, vector<16xi32>], vector<16xf32>,
        %sub3A_476 = arith.subf %gather3A_475, %gather3A_469 : vector<16xf32>
        %mul3A_477 = arith.mulf %gather3A_463, %sub3A_476 : vector<16xf32>
        %add3A_478 = arith.addf %scan3A_408, %mul3A_477 : vector<16xf32>
        %mul3A_479 = arith.mulf %gather3A_463, %gather3A_463 : vector<16xf32>
        %add3A_480 = arith.addf %scan3A_412, %mul3A_479 : vector<16xf32>
        %mul3A_481 = arith.mulf %gather3A_469, %gather3A_469 : vector<16xf32>
        %add3A_482 = arith.addf %scan3A_414, %mul3A_481 : vector<16xf32>
        %mul3A_483 = arith.mulf %gather3A_475, %gather3A_475 : vector<16xf32>
        %add3A_484 = arith.addf %scan3A_416, %mul3A_483 : vector<16xf32>
        %add3A_485 = arith.constant 2 : i32
        %add3A_486 = vector.broadcast %add3A_485 : i32 to vector<16xi32>
        %add3A_487 = arith.addi %add3A_420, %add3A_486 : vector<16xi32>
        %and3A_488 = arith.constant 63 : i32
        %and3A_489 = vector.broadcast %and3A_488 : i32 to vector<16xi32>
        %and3A_490 = arith.andi %add3A_487, %and3A_489 : vector<16xi32>
        %add3A_491 = arith.addi %shift_left3A_351, %and3A_490 : vector<16xi32>
        %gather3A_492 = arith.constant 0 : i32
        %gather3A_493 = arith.constant 0 : i32
        %gather3A_494 = tpu.memref_slice %arg18[%scan3A_314, %gather3A_492, %gather3A_493] : memref<2x128x128xf32, #tpu.memory_space<vmem>> -> memref<1x128x128xf32, #tpu.memory_space<vmem>>
        %gather3A_495 = tpu.memref_squeeze %gather3A_494 : memref<1x128x128xf32, #tpu.memory_space<vmem>> -> memref<128x128xf32, #tpu.memory_space<vmem>>
        %gather3A_496 = tpu.vector_load_idx %gather3A_495[%add3A_342, %add3A_491] : memref<128x128xf32, #tpu.memory_space<vmem>>[vector<16xi32>, vector<16xi32>], vector<16xf32>,
        %add3A_497 = arith.addi %shift_left3A_361, %and3A_490 : vector<16xi32>
        %gather3A_498 = arith.constant 0 : i32
        %gather3A_499 = arith.constant 0 : i32
        %gather3A_500 = tpu.memref_slice %arg19[%scan3A_315, %gather3A_498, %gather3A_499] : memref<2x128x128xf32, #tpu.memory_space<vmem>> -> memref<1x128x128xf32, #tpu.memory_space<vmem>>
        %gather3A_501 = tpu.memref_squeeze %gather3A_500 : memref<1x128x128xf32, #tpu.memory_space<vmem>> -> memref<128x128xf32, #tpu.memory_space<vmem>>
        %gather3A_502 = tpu.vector_load_idx %gather3A_501[%add3A_342, %add3A_497] : memref<128x128xf32, #tpu.memory_space<vmem>>[vector<16xi32>, vector<16xi32>], vector<16xf32>,
        %add3A_503 = arith.addi %shift_left3A_371, %and3A_490 : vector<16xi32>
        %gather3A_504 = arith.constant 0 : i32
        %gather3A_505 = arith.constant 0 : i32
        %gather3A_506 = tpu.memref_slice %arg20[%scan3A_316, %gather3A_504, %gather3A_505] : memref<2x128x128xf32, #tpu.memory_space<vmem>> -> memref<1x128x128xf32, #tpu.memory_space<vmem>>
        %gather3A_507 = tpu.memref_squeeze %gather3A_506 : memref<1x128x128xf32, #tpu.memory_space<vmem>> -> memref<128x128xf32, #tpu.memory_space<vmem>>
        %gather3A_508 = tpu.vector_load_idx %gather3A_507[%add3A_342, %add3A_503] : memref<128x128xf32, #tpu.memory_space<vmem>>[vector<16xi32>, vector<16xi32>], vector<16xf32>,
        %sub3A_509 = arith.subf %gather3A_508, %gather3A_502 : vector<16xf32>
        %mul3A_510 = arith.mulf %gather3A_496, %sub3A_509 : vector<16xf32>
        %add3A_511 = arith.addf %scan3A_409, %mul3A_510 : vector<16xf32>
        %mul3A_512 = arith.mulf %gather3A_496, %gather3A_496 : vector<16xf32>
        %add3A_513 = arith.addf %add3A_447, %mul3A_512 : vector<16xf32>
        %mul3A_514 = arith.mulf %gather3A_502, %gather3A_502 : vector<16xf32>
        %add3A_515 = arith.addf %add3A_449, %mul3A_514 : vector<16xf32>
        %mul3A_516 = arith.mulf %gather3A_508, %gather3A_508 : vector<16xf32>
        %add3A_517 = arith.addf %add3A_451, %mul3A_516 : vector<16xf32>
        %add3A_518 = arith.constant 3 : i32
        %add3A_519 = vector.broadcast %add3A_518 : i32 to vector<16xi32>
        %add3A_520 = arith.addi %add3A_420, %add3A_519 : vector<16xi32>
        %and3A_521 = arith.constant 63 : i32
        %and3A_522 = vector.broadcast %and3A_521 : i32 to vector<16xi32>
        %and3A_523 = arith.andi %add3A_520, %and3A_522 : vector<16xi32>
        %add3A_524 = arith.addi %shift_left3A_351, %and3A_523 : vector<16xi32>
        %gather3A_525 = arith.constant 0 : i32
        %gather3A_526 = arith.constant 0 : i32
        %gather3A_527 = tpu.memref_slice %arg18[%scan3A_314, %gather3A_525, %gather3A_526] : memref<2x128x128xf32, #tpu.memory_space<vmem>> -> memref<1x128x128xf32, #tpu.memory_space<vmem>>
        %gather3A_528 = tpu.memref_squeeze %gather3A_527 : memref<1x128x128xf32, #tpu.memory_space<vmem>> -> memref<128x128xf32, #tpu.memory_space<vmem>>
        %gather3A_529 = tpu.vector_load_idx %gather3A_528[%add3A_342, %add3A_524] : memref<128x128xf32, #tpu.memory_space<vmem>>[vector<16xi32>, vector<16xi32>], vector<16xf32>,
        %add3A_530 = arith.addi %shift_left3A_361, %and3A_523 : vector<16xi32>
        %gather3A_531 = arith.constant 0 : i32
        %gather3A_532 = arith.constant 0 : i32
        %gather3A_533 = tpu.memref_slice %arg19[%scan3A_315, %gather3A_531, %gather3A_532] : memref<2x128x128xf32, #tpu.memory_space<vmem>> -> memref<1x128x128xf32, #tpu.memory_space<vmem>>
        %gather3A_534 = tpu.memref_squeeze %gather3A_533 : memref<1x128x128xf32, #tpu.memory_space<vmem>> -> memref<128x128xf32, #tpu.memory_space<vmem>>
        %gather3A_535 = tpu.vector_load_idx %gather3A_534[%add3A_342, %add3A_530] : memref<128x128xf32, #tpu.memory_space<vmem>>[vector<16xi32>, vector<16xi32>], vector<16xf32>,
        %add3A_536 = arith.addi %shift_left3A_371, %and3A_523 : vector<16xi32>
        %gather3A_537 = arith.constant 0 : i32
        %gather3A_538 = arith.constant 0 : i32
        %gather3A_539 = tpu.memref_slice %arg20[%scan3A_316, %gather3A_537, %gather3A_538] : memref<2x128x128xf32, #tpu.memory_space<vmem>> -> memref<1x128x128xf32, #tpu.memory_space<vmem>>
        %gather3A_540 = tpu.memref_squeeze %gather3A_539 : memref<1x128x128xf32, #tpu.memory_space<vmem>> -> memref<128x128xf32, #tpu.memory_space<vmem>>
        %gather3A_541 = tpu.vector_load_idx %gather3A_540[%add3A_342, %add3A_536] : memref<128x128xf32, #tpu.memory_space<vmem>>[vector<16xi32>, vector<16xi32>], vector<16xf32>,
        %sub3A_542 = arith.subf %gather3A_541, %gather3A_535 : vector<16xf32>
        %mul3A_543 = arith.mulf %gather3A_529, %sub3A_542 : vector<16xf32>
        %add3A_544 = arith.addf %scan3A_410, %mul3A_543 : vector<16xf32>
        %mul3A_545 = arith.mulf %gather3A_529, %gather3A_529 : vector<16xf32>
        %add3A_546 = arith.addf %add3A_480, %mul3A_545 : vector<16xf32>
        %mul3A_547 = arith.mulf %gather3A_535, %gather3A_535 : vector<16xf32>
        %add3A_548 = arith.addf %add3A_482, %mul3A_547 : vector<16xf32>
        %mul3A_549 = arith.mulf %gather3A_541, %gather3A_541 : vector<16xf32>
        %add3A_550 = arith.addf %add3A_484, %mul3A_549 : vector<16xf32>
        %add3A_551 = arith.constant 4 : i32
        %add3A_552 = vector.broadcast %add3A_551 : i32 to vector<16xi32>
        %add3A_553 = arith.addi %add3A_420, %add3A_552 : vector<16xi32>
        %and3A_554 = arith.constant 63 : i32
        %and3A_555 = vector.broadcast %and3A_554 : i32 to vector<16xi32>
        %and3A_556 = arith.andi %add3A_553, %and3A_555 : vector<16xi32>
        %add3A_557 = arith.addi %shift_left3A_351, %and3A_556 : vector<16xi32>
        %gather3A_558 = arith.constant 0 : i32
        %gather3A_559 = arith.constant 0 : i32
        %gather3A_560 = tpu.memref_slice %arg18[%scan3A_314, %gather3A_558, %gather3A_559] : memref<2x128x128xf32, #tpu.memory_space<vmem>> -> memref<1x128x128xf32, #tpu.memory_space<vmem>>
        %gather3A_561 = tpu.memref_squeeze %gather3A_560 : memref<1x128x128xf32, #tpu.memory_space<vmem>> -> memref<128x128xf32, #tpu.memory_space<vmem>>
        %gather3A_562 = tpu.vector_load_idx %gather3A_561[%add3A_342, %add3A_557] : memref<128x128xf32, #tpu.memory_space<vmem>>[vector<16xi32>, vector<16xi32>], vector<16xf32>,
        %add3A_563 = arith.addi %shift_left3A_361, %and3A_556 : vector<16xi32>
        %gather3A_564 = arith.constant 0 : i32
        %gather3A_565 = arith.constant 0 : i32
        %gather3A_566 = tpu.memref_slice %arg19[%scan3A_315, %gather3A_564, %gather3A_565] : memref<2x128x128xf32, #tpu.memory_space<vmem>> -> memref<1x128x128xf32, #tpu.memory_space<vmem>>
        %gather3A_567 = tpu.memref_squeeze %gather3A_566 : memref<1x128x128xf32, #tpu.memory_space<vmem>> -> memref<128x128xf32, #tpu.memory_space<vmem>>
        %gather3A_568 = tpu.vector_load_idx %gather3A_567[%add3A_342, %add3A_563] : memref<128x128xf32, #tpu.memory_space<vmem>>[vector<16xi32>, vector<16xi32>], vector<16xf32>,
        %add3A_569 = arith.addi %shift_left3A_371, %and3A_556 : vector<16xi32>
        %gather3A_570 = arith.constant 0 : i32
        %gather3A_571 = arith.constant 0 : i32
        %gather3A_572 = tpu.memref_slice %arg20[%scan3A_316, %gather3A_570, %gather3A_571] : memref<2x128x128xf32, #tpu.memory_space<vmem>> -> memref<1x128x128xf32, #tpu.memory_space<vmem>>
        %gather3A_573 = tpu.memref_squeeze %gather3A_572 : memref<1x128x128xf32, #tpu.memory_space<vmem>> -> memref<128x128xf32, #tpu.memory_space<vmem>>
        %gather3A_574 = tpu.vector_load_idx %gather3A_573[%add3A_342, %add3A_569] : memref<128x128xf32, #tpu.memory_space<vmem>>[vector<16xi32>, vector<16xi32>], vector<16xf32>,
        %sub3A_575 = arith.subf %gather3A_574, %gather3A_568 : vector<16xf32>
        %mul3A_576 = arith.mulf %gather3A_562, %sub3A_575 : vector<16xf32>
        %add3A_577 = arith.addf %add3A_445, %mul3A_576 : vector<16xf32>
        %mul3A_578 = arith.mulf %gather3A_562, %gather3A_562 : vector<16xf32>
        %add3A_579 = arith.addf %add3A_513, %mul3A_578 : vector<16xf32>
        %mul3A_580 = arith.mulf %gather3A_568, %gather3A_568 : vector<16xf32>
        %add3A_581 = arith.addf %add3A_515, %mul3A_580 : vector<16xf32>
        %mul3A_582 = arith.mulf %gather3A_574, %gather3A_574 : vector<16xf32>
        %add3A_583 = arith.addf %add3A_517, %mul3A_582 : vector<16xf32>
        %add3A_584 = arith.constant 5 : i32
        %add3A_585 = vector.broadcast %add3A_584 : i32 to vector<16xi32>
        %add3A_586 = arith.addi %add3A_420, %add3A_585 : vector<16xi32>
        %and3A_587 = arith.constant 63 : i32
        %and3A_588 = vector.broadcast %and3A_587 : i32 to vector<16xi32>
        %and3A_589 = arith.andi %add3A_586, %and3A_588 : vector<16xi32>
        %add3A_590 = arith.addi %shift_left3A_351, %and3A_589 : vector<16xi32>
        %gather3A_591 = arith.constant 0 : i32
        %gather3A_592 = arith.constant 0 : i32
        %gather3A_593 = tpu.memref_slice %arg18[%scan3A_314, %gather3A_591, %gather3A_592] : memref<2x128x128xf32, #tpu.memory_space<vmem>> -> memref<1x128x128xf32, #tpu.memory_space<vmem>>
        %gather3A_594 = tpu.memref_squeeze %gather3A_593 : memref<1x128x128xf32, #tpu.memory_space<vmem>> -> memref<128x128xf32, #tpu.memory_space<vmem>>
        %gather3A_595 = tpu.vector_load_idx %gather3A_594[%add3A_342, %add3A_590] : memref<128x128xf32, #tpu.memory_space<vmem>>[vector<16xi32>, vector<16xi32>], vector<16xf32>,
        %add3A_596 = arith.addi %shift_left3A_361, %and3A_589 : vector<16xi32>
        %gather3A_597 = arith.constant 0 : i32
        %gather3A_598 = arith.constant 0 : i32
        %gather3A_599 = tpu.memref_slice %arg19[%scan3A_315, %gather3A_597, %gather3A_598] : memref<2x128x128xf32, #tpu.memory_space<vmem>> -> memref<1x128x128xf32, #tpu.memory_space<vmem>>
        %gather3A_600 = tpu.memref_squeeze %gather3A_599 : memref<1x128x128xf32, #tpu.memory_space<vmem>> -> memref<128x128xf32, #tpu.memory_space<vmem>>
        %gather3A_601 = tpu.vector_load_idx %gather3A_600[%add3A_342, %add3A_596] : memref<128x128xf32, #tpu.memory_space<vmem>>[vector<16xi32>, vector<16xi32>], vector<16xf32>,
        %add3A_602 = arith.addi %shift_left3A_371, %and3A_589 : vector<16xi32>
        %gather3A_603 = arith.constant 0 : i32
        %gather3A_604 = arith.constant 0 : i32
        %gather3A_605 = tpu.memref_slice %arg20[%scan3A_316, %gather3A_603, %gather3A_604] : memref<2x128x128xf32, #tpu.memory_space<vmem>> -> memref<1x128x128xf32, #tpu.memory_space<vmem>>
        %gather3A_606 = tpu.memref_squeeze %gather3A_605 : memref<1x128x128xf32, #tpu.memory_space<vmem>> -> memref<128x128xf32, #tpu.memory_space<vmem>>
        %gather3A_607 = tpu.vector_load_idx %gather3A_606[%add3A_342, %add3A_602] : memref<128x128xf32, #tpu.memory_space<vmem>>[vector<16xi32>, vector<16xi32>], vector<16xf32>,
        %sub3A_608 = arith.subf %gather3A_607, %gather3A_601 : vector<16xf32>
        %mul3A_609 = arith.mulf %gather3A_595, %sub3A_608 : vector<16xf32>
        %add3A_610 = arith.addf %add3A_478, %mul3A_609 : vector<16xf32>
        %mul3A_611 = arith.mulf %gather3A_595, %gather3A_595 : vector<16xf32>
        %add3A_612 = arith.addf %add3A_546, %mul3A_611 : vector<16xf32>
        %mul3A_613 = arith.mulf %gather3A_601, %gather3A_601 : vector<16xf32>
        %add3A_614 = arith.addf %add3A_548, %mul3A_613 : vector<16xf32>
        %mul3A_615 = arith.mulf %gather3A_607, %gather3A_607 : vector<16xf32>
        %add3A_616 = arith.addf %add3A_550, %mul3A_615 : vector<16xf32>
        %add3A_617 = arith.constant 6 : i32
        %add3A_618 = vector.broadcast %add3A_617 : i32 to vector<16xi32>
        %add3A_619 = arith.addi %add3A_420, %add3A_618 : vector<16xi32>
        %and3A_620 = arith.constant 63 : i32
        %and3A_621 = vector.broadcast %and3A_620 : i32 to vector<16xi32>
        %and3A_622 = arith.andi %add3A_619, %and3A_621 : vector<16xi32>
        %add3A_623 = arith.addi %shift_left3A_351, %and3A_622 : vector<16xi32>
        %gather3A_624 = arith.constant 0 : i32
        %gather3A_625 = arith.constant 0 : i32
        %gather3A_626 = tpu.memref_slice %arg18[%scan3A_314, %gather3A_624, %gather3A_625] : memref<2x128x128xf32, #tpu.memory_space<vmem>> -> memref<1x128x128xf32, #tpu.memory_space<vmem>>
        %gather3A_627 = tpu.memref_squeeze %gather3A_626 : memref<1x128x128xf32, #tpu.memory_space<vmem>> -> memref<128x128xf32, #tpu.memory_space<vmem>>
        %gather3A_628 = tpu.vector_load_idx %gather3A_627[%add3A_342, %add3A_623] : memref<128x128xf32, #tpu.memory_space<vmem>>[vector<16xi32>, vector<16xi32>], vector<16xf32>,
        %add3A_629 = arith.addi %shift_left3A_361, %and3A_622 : vector<16xi32>
        %gather3A_630 = arith.constant 0 : i32
        %gather3A_631 = arith.constant 0 : i32
        %gather3A_632 = tpu.memref_slice %arg19[%scan3A_315, %gather3A_630, %gather3A_631] : memref<2x128x128xf32, #tpu.memory_space<vmem>> -> memref<1x128x128xf32, #tpu.memory_space<vmem>>
        %gather3A_633 = tpu.memref_squeeze %gather3A_632 : memref<1x128x128xf32, #tpu.memory_space<vmem>> -> memref<128x128xf32, #tpu.memory_space<vmem>>
        %gather3A_634 = tpu.vector_load_idx %gather3A_633[%add3A_342, %add3A_629] : memref<128x128xf32, #tpu.memory_space<vmem>>[vector<16xi32>, vector<16xi32>], vector<16xf32>,
        %add3A_635 = arith.addi %shift_left3A_371, %and3A_622 : vector<16xi32>
        %gather3A_636 = arith.constant 0 : i32
        %gather3A_637 = arith.constant 0 : i32
        %gather3A_638 = tpu.memref_slice %arg20[%scan3A_316, %gather3A_636, %gather3A_637] : memref<2x128x128xf32, #tpu.memory_space<vmem>> -> memref<1x128x128xf32, #tpu.memory_space<vmem>>
        %gather3A_639 = tpu.memref_squeeze %gather3A_638 : memref<1x128x128xf32, #tpu.memory_space<vmem>> -> memref<128x128xf32, #tpu.memory_space<vmem>>
        %gather3A_640 = tpu.vector_load_idx %gather3A_639[%add3A_342, %add3A_635] : memref<128x128xf32, #tpu.memory_space<vmem>>[vector<16xi32>, vector<16xi32>], vector<16xf32>,
        %sub3A_641 = arith.subf %gather3A_640, %gather3A_634 : vector<16xf32>
        %mul3A_642 = arith.mulf %gather3A_628, %sub3A_641 : vector<16xf32>
        %add3A_643 = arith.addf %add3A_511, %mul3A_642 : vector<16xf32>
        %mul3A_644 = arith.mulf %gather3A_628, %gather3A_628 : vector<16xf32>
        %add3A_645 = arith.addf %add3A_579, %mul3A_644 : vector<16xf32>
        %mul3A_646 = arith.mulf %gather3A_634, %gather3A_634 : vector<16xf32>
        %add3A_647 = arith.addf %add3A_581, %mul3A_646 : vector<16xf32>
        %mul3A_648 = arith.mulf %gather3A_640, %gather3A_640 : vector<16xf32>
        %add3A_649 = arith.addf %add3A_583, %mul3A_648 : vector<16xf32>
        %add3A_650 = arith.constant 7 : i32
        %add3A_651 = vector.broadcast %add3A_650 : i32 to vector<16xi32>
        %add3A_652 = arith.addi %add3A_420, %add3A_651 : vector<16xi32>
        %and3A_653 = arith.constant 63 : i32
        %and3A_654 = vector.broadcast %and3A_653 : i32 to vector<16xi32>
        %and3A_655 = arith.andi %add3A_652, %and3A_654 : vector<16xi32>
        %add3A_656 = arith.addi %shift_left3A_351, %and3A_655 : vector<16xi32>
        %gather3A_657 = arith.constant 0 : i32
        %gather3A_658 = arith.constant 0 : i32
        %gather3A_659 = tpu.memref_slice %arg18[%scan3A_314, %gather3A_657, %gather3A_658] : memref<2x128x128xf32, #tpu.memory_space<vmem>> -> memref<1x128x128xf32, #tpu.memory_space<vmem>>
        %gather3A_660 = tpu.memref_squeeze %gather3A_659 : memref<1x128x128xf32, #tpu.memory_space<vmem>> -> memref<128x128xf32, #tpu.memory_space<vmem>>
        %gather3A_661 = tpu.vector_load_idx %gather3A_660[%add3A_342, %add3A_656] : memref<128x128xf32, #tpu.memory_space<vmem>>[vector<16xi32>, vector<16xi32>], vector<16xf32>,
        %add3A_662 = arith.addi %shift_left3A_361, %and3A_655 : vector<16xi32>
        %gather3A_663 = arith.constant 0 : i32
        %gather3A_664 = arith.constant 0 : i32
        %gather3A_665 = tpu.memref_slice %arg19[%scan3A_315, %gather3A_663, %gather3A_664] : memref<2x128x128xf32, #tpu.memory_space<vmem>> -> memref<1x128x128xf32, #tpu.memory_space<vmem>>
        %gather3A_666 = tpu.memref_squeeze %gather3A_665 : memref<1x128x128xf32, #tpu.memory_space<vmem>> -> memref<128x128xf32, #tpu.memory_space<vmem>>
        %gather3A_667 = tpu.vector_load_idx %gather3A_666[%add3A_342, %add3A_662] : memref<128x128xf32, #tpu.memory_space<vmem>>[vector<16xi32>, vector<16xi32>], vector<16xf32>,
        %add3A_668 = arith.addi %shift_left3A_371, %and3A_655 : vector<16xi32>
        %gather3A_669 = arith.constant 0 : i32
        %gather3A_670 = arith.constant 0 : i32
        %gather3A_671 = tpu.memref_slice %arg20[%scan3A_316, %gather3A_669, %gather3A_670] : memref<2x128x128xf32, #tpu.memory_space<vmem>> -> memref<1x128x128xf32, #tpu.memory_space<vmem>>
        %gather3A_672 = tpu.memref_squeeze %gather3A_671 : memref<1x128x128xf32, #tpu.memory_space<vmem>> -> memref<128x128xf32, #tpu.memory_space<vmem>>
        %gather3A_673 = tpu.vector_load_idx %gather3A_672[%add3A_342, %add3A_668] : memref<128x128xf32, #tpu.memory_space<vmem>>[vector<16xi32>, vector<16xi32>], vector<16xf32>,
        %sub3A_674 = arith.subf %gather3A_673, %gather3A_667 : vector<16xf32>
        %mul3A_675 = arith.mulf %gather3A_661, %sub3A_674 : vector<16xf32>
        %add3A_676 = arith.addf %add3A_544, %mul3A_675 : vector<16xf32>
        %mul3A_677 = arith.mulf %gather3A_661, %gather3A_661 : vector<16xf32>
        %add3A_678 = arith.addf %add3A_612, %mul3A_677 : vector<16xf32>
        %mul3A_679 = arith.mulf %gather3A_667, %gather3A_667 : vector<16xf32>
        %add3A_680 = arith.addf %add3A_614, %mul3A_679 : vector<16xf32>
        %mul3A_681 = arith.mulf %gather3A_673, %gather3A_673 : vector<16xf32>
        %add3A_682 = arith.addf %add3A_616, %mul3A_681 : vector<16xf32>
        %add3A_683 = arith.constant 8 : i32
        %add3A_684 = vector.broadcast %add3A_683 : i32 to vector<16xi32>
        %add3A_685 = arith.addi %add3A_420, %add3A_684 : vector<16xi32>
        %and3A_686 = arith.constant 63 : i32
        %and3A_687 = vector.broadcast %and3A_686 : i32 to vector<16xi32>
        %and3A_688 = arith.andi %add3A_685, %and3A_687 : vector<16xi32>
        %add3A_689 = arith.addi %shift_left3A_351, %and3A_688 : vector<16xi32>
        %gather3A_690 = arith.constant 0 : i32
        %gather3A_691 = arith.constant 0 : i32
        %gather3A_692 = tpu.memref_slice %arg18[%scan3A_314, %gather3A_690, %gather3A_691] : memref<2x128x128xf32, #tpu.memory_space<vmem>> -> memref<1x128x128xf32, #tpu.memory_space<vmem>>
        %gather3A_693 = tpu.memref_squeeze %gather3A_692 : memref<1x128x128xf32, #tpu.memory_space<vmem>> -> memref<128x128xf32, #tpu.memory_space<vmem>>
        %gather3A_694 = tpu.vector_load_idx %gather3A_693[%add3A_342, %add3A_689] : memref<128x128xf32, #tpu.memory_space<vmem>>[vector<16xi32>, vector<16xi32>], vector<16xf32>,
        %add3A_695 = arith.addi %shift_left3A_361, %and3A_688 : vector<16xi32>
        %gather3A_696 = arith.constant 0 : i32
        %gather3A_697 = arith.constant 0 : i32
        %gather3A_698 = tpu.memref_slice %arg19[%scan3A_315, %gather3A_696, %gather3A_697] : memref<2x128x128xf32, #tpu.memory_space<vmem>> -> memref<1x128x128xf32, #tpu.memory_space<vmem>>
        %gather3A_699 = tpu.memref_squeeze %gather3A_698 : memref<1x128x128xf32, #tpu.memory_space<vmem>> -> memref<128x128xf32, #tpu.memory_space<vmem>>
        %gather3A_700 = tpu.vector_load_idx %gather3A_699[%add3A_342, %add3A_695] : memref<128x128xf32, #tpu.memory_space<vmem>>[vector<16xi32>, vector<16xi32>], vector<16xf32>,
        %add3A_701 = arith.addi %shift_left3A_371, %and3A_688 : vector<16xi32>
        %gather3A_702 = arith.constant 0 : i32
        %gather3A_703 = arith.constant 0 : i32
        %gather3A_704 = tpu.memref_slice %arg20[%scan3A_316, %gather3A_702, %gather3A_703] : memref<2x128x128xf32, #tpu.memory_space<vmem>> -> memref<1x128x128xf32, #tpu.memory_space<vmem>>
        %gather3A_705 = tpu.memref_squeeze %gather3A_704 : memref<1x128x128xf32, #tpu.memory_space<vmem>> -> memref<128x128xf32, #tpu.memory_space<vmem>>
        %gather3A_706 = tpu.vector_load_idx %gather3A_705[%add3A_342, %add3A_701] : memref<128x128xf32, #tpu.memory_space<vmem>>[vector<16xi32>, vector<16xi32>], vector<16xf32>,
        %sub3A_707 = arith.subf %gather3A_706, %gather3A_700 : vector<16xf32>
        %mul3A_708 = arith.mulf %gather3A_694, %sub3A_707 : vector<16xf32>
        %add3A_709 = arith.addf %add3A_577, %mul3A_708 : vector<16xf32>
        %mul3A_710 = arith.mulf %gather3A_694, %gather3A_694 : vector<16xf32>
        %add3A_711 = arith.addf %add3A_645, %mul3A_710 : vector<16xf32>
        %mul3A_712 = arith.mulf %gather3A_700, %gather3A_700 : vector<16xf32>
        %add3A_713 = arith.addf %add3A_647, %mul3A_712 : vector<16xf32>
        %mul3A_714 = arith.mulf %gather3A_706, %gather3A_706 : vector<16xf32>
        %add3A_715 = arith.addf %add3A_649, %mul3A_714 : vector<16xf32>
        %add3A_716 = arith.constant 9 : i32
        %add3A_717 = vector.broadcast %add3A_716 : i32 to vector<16xi32>
        %add3A_718 = arith.addi %add3A_420, %add3A_717 : vector<16xi32>
        %and3A_719 = arith.constant 63 : i32
        %and3A_720 = vector.broadcast %and3A_719 : i32 to vector<16xi32>
        %and3A_721 = arith.andi %add3A_718, %and3A_720 : vector<16xi32>
        %add3A_722 = arith.addi %shift_left3A_351, %and3A_721 : vector<16xi32>
        %gather3A_723 = arith.constant 0 : i32
        %gather3A_724 = arith.constant 0 : i32
        %gather3A_725 = tpu.memref_slice %arg18[%scan3A_314, %gather3A_723, %gather3A_724] : memref<2x128x128xf32, #tpu.memory_space<vmem>> -> memref<1x128x128xf32, #tpu.memory_space<vmem>>
        %gather3A_726 = tpu.memref_squeeze %gather3A_725 : memref<1x128x128xf32, #tpu.memory_space<vmem>> -> memref<128x128xf32, #tpu.memory_space<vmem>>
        %gather3A_727 = tpu.vector_load_idx %gather3A_726[%add3A_342, %add3A_722] : memref<128x128xf32, #tpu.memory_space<vmem>>[vector<16xi32>, vector<16xi32>], vector<16xf32>,
        %add3A_728 = arith.addi %shift_left3A_361, %and3A_721 : vector<16xi32>
        %gather3A_729 = arith.constant 0 : i32
        %gather3A_730 = arith.constant 0 : i32
        %gather3A_731 = tpu.memref_slice %arg19[%scan3A_315, %gather3A_729, %gather3A_730] : memref<2x128x128xf32, #tpu.memory_space<vmem>> -> memref<1x128x128xf32, #tpu.memory_space<vmem>>
        %gather3A_732 = tpu.memref_squeeze %gather3A_731 : memref<1x128x128xf32, #tpu.memory_space<vmem>> -> memref<128x128xf32, #tpu.memory_space<vmem>>
        %gather3A_733 = tpu.vector_load_idx %gather3A_732[%add3A_342, %add3A_728] : memref<128x128xf32, #tpu.memory_space<vmem>>[vector<16xi32>, vector<16xi32>], vector<16xf32>,
        %add3A_734 = arith.addi %shift_left3A_371, %and3A_721 : vector<16xi32>
        %gather3A_735 = arith.constant 0 : i32
        %gather3A_736 = arith.constant 0 : i32
        %gather3A_737 = tpu.memref_slice %arg20[%scan3A_316, %gather3A_735, %gather3A_736] : memref<2x128x128xf32, #tpu.memory_space<vmem>> -> memref<1x128x128xf32, #tpu.memory_space<vmem>>
        %gather3A_738 = tpu.memref_squeeze %gather3A_737 : memref<1x128x128xf32, #tpu.memory_space<vmem>> -> memref<128x128xf32, #tpu.memory_space<vmem>>
        %gather3A_739 = tpu.vector_load_idx %gather3A_738[%add3A_342, %add3A_734] : memref<128x128xf32, #tpu.memory_space<vmem>>[vector<16xi32>, vector<16xi32>], vector<16xf32>,
        %sub3A_740 = arith.subf %gather3A_739, %gather3A_733 : vector<16xf32>
        %mul3A_741 = arith.mulf %gather3A_727, %sub3A_740 : vector<16xf32>
        %add3A_742 = arith.addf %add3A_610, %mul3A_741 : vector<16xf32>
        %mul3A_743 = arith.mulf %gather3A_727, %gather3A_727 : vector<16xf32>
        %add3A_744 = arith.addf %add3A_678, %mul3A_743 : vector<16xf32>
        %mul3A_745 = arith.mulf %gather3A_733, %gather3A_733 : vector<16xf32>
        %add3A_746 = arith.addf %add3A_680, %mul3A_745 : vector<16xf32>
        %mul3A_747 = arith.mulf %gather3A_739, %gather3A_739 : vector<16xf32>
        %add3A_748 = arith.addf %add3A_682, %mul3A_747 : vector<16xf32>
        %add3A_749 = arith.constant 10 : i32
        %add3A_750 = vector.broadcast %add3A_749 : i32 to vector<16xi32>
        %add3A_751 = arith.addi %add3A_420, %add3A_750 : vector<16xi32>
        %and3A_752 = arith.constant 63 : i32
        %and3A_753 = vector.broadcast %and3A_752 : i32 to vector<16xi32>
        %and3A_754 = arith.andi %add3A_751, %and3A_753 : vector<16xi32>
        %add3A_755 = arith.addi %shift_left3A_351, %and3A_754 : vector<16xi32>
        %gather3A_756 = arith.constant 0 : i32
        %gather3A_757 = arith.constant 0 : i32
        %gather3A_758 = tpu.memref_slice %arg18[%scan3A_314, %gather3A_756, %gather3A_757] : memref<2x128x128xf32, #tpu.memory_space<vmem>> -> memref<1x128x128xf32, #tpu.memory_space<vmem>>
        %gather3A_759 = tpu.memref_squeeze %gather3A_758 : memref<1x128x128xf32, #tpu.memory_space<vmem>> -> memref<128x128xf32, #tpu.memory_space<vmem>>
        %gather3A_760 = tpu.vector_load_idx %gather3A_759[%add3A_342, %add3A_755] : memref<128x128xf32, #tpu.memory_space<vmem>>[vector<16xi32>, vector<16xi32>], vector<16xf32>,
        %add3A_761 = arith.addi %shift_left3A_361, %and3A_754 : vector<16xi32>
        %gather3A_762 = arith.constant 0 : i32
        %gather3A_763 = arith.constant 0 : i32
        %gather3A_764 = tpu.memref_slice %arg19[%scan3A_315, %gather3A_762, %gather3A_763] : memref<2x128x128xf32, #tpu.memory_space<vmem>> -> memref<1x128x128xf32, #tpu.memory_space<vmem>>
        %gather3A_765 = tpu.memref_squeeze %gather3A_764 : memref<1x128x128xf32, #tpu.memory_space<vmem>> -> memref<128x128xf32, #tpu.memory_space<vmem>>
        %gather3A_766 = tpu.vector_load_idx %gather3A_765[%add3A_342, %add3A_761] : memref<128x128xf32, #tpu.memory_space<vmem>>[vector<16xi32>, vector<16xi32>], vector<16xf32>,
        %add3A_767 = arith.addi %shift_left3A_371, %and3A_754 : vector<16xi32>
        %gather3A_768 = arith.constant 0 : i32
        %gather3A_769 = arith.constant 0 : i32
        %gather3A_770 = tpu.memref_slice %arg20[%scan3A_316, %gather3A_768, %gather3A_769] : memref<2x128x128xf32, #tpu.memory_space<vmem>> -> memref<1x128x128xf32, #tpu.memory_space<vmem>>
        %gather3A_771 = tpu.memref_squeeze %gather3A_770 : memref<1x128x128xf32, #tpu.memory_space<vmem>> -> memref<128x128xf32, #tpu.memory_space<vmem>>
        %gather3A_772 = tpu.vector_load_idx %gather3A_771[%add3A_342, %add3A_767] : memref<128x128xf32, #tpu.memory_space<vmem>>[vector<16xi32>, vector<16xi32>], vector<16xf32>,
        %sub3A_773 = arith.subf %gather3A_772, %gather3A_766 : vector<16xf32>
        %mul3A_774 = arith.mulf %gather3A_760, %sub3A_773 : vector<16xf32>
        %add3A_775 = arith.addf %add3A_643, %mul3A_774 : vector<16xf32>
        %mul3A_776 = arith.mulf %gather3A_760, %gather3A_760 : vector<16xf32>
        %add3A_777 = arith.addf %add3A_711, %mul3A_776 : vector<16xf32>
        %mul3A_778 = arith.mulf %gather3A_766, %gather3A_766 : vector<16xf32>
        %add3A_779 = arith.addf %add3A_713, %mul3A_778 : vector<16xf32>
        %mul3A_780 = arith.mulf %gather3A_772, %gather3A_772 : vector<16xf32>
        %add3A_781 = arith.addf %add3A_715, %mul3A_780 : vector<16xf32>
        %add3A_782 = arith.constant 11 : i32
        %add3A_783 = vector.broadcast %add3A_782 : i32 to vector<16xi32>
        %add3A_784 = arith.addi %add3A_420, %add3A_783 : vector<16xi32>
        %and3A_785 = arith.constant 63 : i32
        %and3A_786 = vector.broadcast %and3A_785 : i32 to vector<16xi32>
        %and3A_787 = arith.andi %add3A_784, %and3A_786 : vector<16xi32>
        %add3A_788 = arith.addi %shift_left3A_351, %and3A_787 : vector<16xi32>
        %gather3A_789 = arith.constant 0 : i32
        %gather3A_790 = arith.constant 0 : i32
        %gather3A_791 = tpu.memref_slice %arg18[%scan3A_314, %gather3A_789, %gather3A_790] : memref<2x128x128xf32, #tpu.memory_space<vmem>> -> memref<1x128x128xf32, #tpu.memory_space<vmem>>
        %gather3A_792 = tpu.memref_squeeze %gather3A_791 : memref<1x128x128xf32, #tpu.memory_space<vmem>> -> memref<128x128xf32, #tpu.memory_space<vmem>>
        %gather3A_793 = tpu.vector_load_idx %gather3A_792[%add3A_342, %add3A_788] : memref<128x128xf32, #tpu.memory_space<vmem>>[vector<16xi32>, vector<16xi32>], vector<16xf32>,
        %add3A_794 = arith.addi %shift_left3A_361, %and3A_787 : vector<16xi32>
        %gather3A_795 = arith.constant 0 : i32
        %gather3A_796 = arith.constant 0 : i32
        %gather3A_797 = tpu.memref_slice %arg19[%scan3A_315, %gather3A_795, %gather3A_796] : memref<2x128x128xf32, #tpu.memory_space<vmem>> -> memref<1x128x128xf32, #tpu.memory_space<vmem>>
        %gather3A_798 = tpu.memref_squeeze %gather3A_797 : memref<1x128x128xf32, #tpu.memory_space<vmem>> -> memref<128x128xf32, #tpu.memory_space<vmem>>
        %gather3A_799 = tpu.vector_load_idx %gather3A_798[%add3A_342, %add3A_794] : memref<128x128xf32, #tpu.memory_space<vmem>>[vector<16xi32>, vector<16xi32>], vector<16xf32>,
        %add3A_800 = arith.addi %shift_left3A_371, %and3A_787 : vector<16xi32>
        %gather3A_801 = arith.constant 0 : i32
        %gather3A_802 = arith.constant 0 : i32
        %gather3A_803 = tpu.memref_slice %arg20[%scan3A_316, %gather3A_801, %gather3A_802] : memref<2x128x128xf32, #tpu.memory_space<vmem>> -> memref<1x128x128xf32, #tpu.memory_space<vmem>>
        %gather3A_804 = tpu.memref_squeeze %gather3A_803 : memref<1x128x128xf32, #tpu.memory_space<vmem>> -> memref<128x128xf32, #tpu.memory_space<vmem>>
        %gather3A_805 = tpu.vector_load_idx %gather3A_804[%add3A_342, %add3A_800] : memref<128x128xf32, #tpu.memory_space<vmem>>[vector<16xi32>, vector<16xi32>], vector<16xf32>,
        %sub3A_806 = arith.subf %gather3A_805, %gather3A_799 : vector<16xf32>
        %mul3A_807 = arith.mulf %gather3A_793, %sub3A_806 : vector<16xf32>
        %add3A_808 = arith.addf %add3A_676, %mul3A_807 : vector<16xf32>
        %mul3A_809 = arith.mulf %gather3A_793, %gather3A_793 : vector<16xf32>
        %add3A_810 = arith.addf %add3A_744, %mul3A_809 : vector<16xf32>
        %mul3A_811 = arith.mulf %gather3A_799, %gather3A_799 : vector<16xf32>
        %add3A_812 = arith.addf %add3A_746, %mul3A_811 : vector<16xf32>
        %mul3A_813 = arith.mulf %gather3A_805, %gather3A_805 : vector<16xf32>
        %add3A_814 = arith.addf %add3A_748, %mul3A_813 : vector<16xf32>
        %add3A_815 = arith.constant 12 : i32
        %add3A_816 = vector.broadcast %add3A_815 : i32 to vector<16xi32>
        %add3A_817 = arith.addi %add3A_420, %add3A_816 : vector<16xi32>
        %and3A_818 = arith.constant 63 : i32
        %and3A_819 = vector.broadcast %and3A_818 : i32 to vector<16xi32>
        %and3A_820 = arith.andi %add3A_817, %and3A_819 : vector<16xi32>
        %add3A_821 = arith.addi %shift_left3A_351, %and3A_820 : vector<16xi32>
        %gather3A_822 = arith.constant 0 : i32
        %gather3A_823 = arith.constant 0 : i32
        %gather3A_824 = tpu.memref_slice %arg18[%scan3A_314, %gather3A_822, %gather3A_823] : memref<2x128x128xf32, #tpu.memory_space<vmem>> -> memref<1x128x128xf32, #tpu.memory_space<vmem>>
        %gather3A_825 = tpu.memref_squeeze %gather3A_824 : memref<1x128x128xf32, #tpu.memory_space<vmem>> -> memref<128x128xf32, #tpu.memory_space<vmem>>
        %gather3A_826 = tpu.vector_load_idx %gather3A_825[%add3A_342, %add3A_821] : memref<128x128xf32, #tpu.memory_space<vmem>>[vector<16xi32>, vector<16xi32>], vector<16xf32>,
        %add3A_827 = arith.addi %shift_left3A_361, %and3A_820 : vector<16xi32>
        %gather3A_828 = arith.constant 0 : i32
        %gather3A_829 = arith.constant 0 : i32
        %gather3A_830 = tpu.memref_slice %arg19[%scan3A_315, %gather3A_828, %gather3A_829] : memref<2x128x128xf32, #tpu.memory_space<vmem>> -> memref<1x128x128xf32, #tpu.memory_space<vmem>>
        %gather3A_831 = tpu.memref_squeeze %gather3A_830 : memref<1x128x128xf32, #tpu.memory_space<vmem>> -> memref<128x128xf32, #tpu.memory_space<vmem>>
        %gather3A_832 = tpu.vector_load_idx %gather3A_831[%add3A_342, %add3A_827] : memref<128x128xf32, #tpu.memory_space<vmem>>[vector<16xi32>, vector<16xi32>], vector<16xf32>,
        %add3A_833 = arith.addi %shift_left3A_371, %and3A_820 : vector<16xi32>
        %gather3A_834 = arith.constant 0 : i32
        %gather3A_835 = arith.constant 0 : i32
        %gather3A_836 = tpu.memref_slice %arg20[%scan3A_316, %gather3A_834, %gather3A_835] : memref<2x128x128xf32, #tpu.memory_space<vmem>> -> memref<1x128x128xf32, #tpu.memory_space<vmem>>
        %gather3A_837 = tpu.memref_squeeze %gather3A_836 : memref<1x128x128xf32, #tpu.memory_space<vmem>> -> memref<128x128xf32, #tpu.memory_space<vmem>>
        %gather3A_838 = tpu.vector_load_idx %gather3A_837[%add3A_342, %add3A_833] : memref<128x128xf32, #tpu.memory_space<vmem>>[vector<16xi32>, vector<16xi32>], vector<16xf32>,
        %sub3A_839 = arith.subf %gather3A_838, %gather3A_832 : vector<16xf32>
        %mul3A_840 = arith.mulf %gather3A_826, %sub3A_839 : vector<16xf32>
        %add3A_841 = arith.addf %add3A_709, %mul3A_840 : vector<16xf32>
        %mul3A_842 = arith.mulf %gather3A_826, %gather3A_826 : vector<16xf32>
        %add3A_843 = arith.addf %add3A_777, %mul3A_842 : vector<16xf32>
        %mul3A_844 = arith.mulf %gather3A_832, %gather3A_832 : vector<16xf32>
        %add3A_845 = arith.addf %add3A_779, %mul3A_844 : vector<16xf32>
        %mul3A_846 = arith.mulf %gather3A_838, %gather3A_838 : vector<16xf32>
        %add3A_847 = arith.addf %add3A_781, %mul3A_846 : vector<16xf32>
        %add3A_848 = arith.constant 13 : i32
        %add3A_849 = vector.broadcast %add3A_848 : i32 to vector<16xi32>
        %add3A_850 = arith.addi %add3A_420, %add3A_849 : vector<16xi32>
        %and3A_851 = arith.constant 63 : i32
        %and3A_852 = vector.broadcast %and3A_851 : i32 to vector<16xi32>
        %and3A_853 = arith.andi %add3A_850, %and3A_852 : vector<16xi32>
        %add3A_854 = arith.addi %shift_left3A_351, %and3A_853 : vector<16xi32>
        %gather3A_855 = arith.constant 0 : i32
        %gather3A_856 = arith.constant 0 : i32
        %gather3A_857 = tpu.memref_slice %arg18[%scan3A_314, %gather3A_855, %gather3A_856] : memref<2x128x128xf32, #tpu.memory_space<vmem>> -> memref<1x128x128xf32, #tpu.memory_space<vmem>>
        %gather3A_858 = tpu.memref_squeeze %gather3A_857 : memref<1x128x128xf32, #tpu.memory_space<vmem>> -> memref<128x128xf32, #tpu.memory_space<vmem>>
        %gather3A_859 = tpu.vector_load_idx %gather3A_858[%add3A_342, %add3A_854] : memref<128x128xf32, #tpu.memory_space<vmem>>[vector<16xi32>, vector<16xi32>], vector<16xf32>,
        %add3A_860 = arith.addi %shift_left3A_361, %and3A_853 : vector<16xi32>
        %gather3A_861 = arith.constant 0 : i32
        %gather3A_862 = arith.constant 0 : i32
        %gather3A_863 = tpu.memref_slice %arg19[%scan3A_315, %gather3A_861, %gather3A_862] : memref<2x128x128xf32, #tpu.memory_space<vmem>> -> memref<1x128x128xf32, #tpu.memory_space<vmem>>
        %gather3A_864 = tpu.memref_squeeze %gather3A_863 : memref<1x128x128xf32, #tpu.memory_space<vmem>> -> memref<128x128xf32, #tpu.memory_space<vmem>>
        %gather3A_865 = tpu.vector_load_idx %gather3A_864[%add3A_342, %add3A_860] : memref<128x128xf32, #tpu.memory_space<vmem>>[vector<16xi32>, vector<16xi32>], vector<16xf32>,
        %add3A_866 = arith.addi %shift_left3A_371, %and3A_853 : vector<16xi32>
        %gather3A_867 = arith.constant 0 : i32
        %gather3A_868 = arith.constant 0 : i32
        %gather3A_869 = tpu.memref_slice %arg20[%scan3A_316, %gather3A_867, %gather3A_868] : memref<2x128x128xf32, #tpu.memory_space<vmem>> -> memref<1x128x128xf32, #tpu.memory_space<vmem>>
        %gather3A_870 = tpu.memref_squeeze %gather3A_869 : memref<1x128x128xf32, #tpu.memory_space<vmem>> -> memref<128x128xf32, #tpu.memory_space<vmem>>
        %gather3A_871 = tpu.vector_load_idx %gather3A_870[%add3A_342, %add3A_866] : memref<128x128xf32, #tpu.memory_space<vmem>>[vector<16xi32>, vector<16xi32>], vector<16xf32>,
        %sub3A_872 = arith.subf %gather3A_871, %gather3A_865 : vector<16xf32>
        %mul3A_873 = arith.mulf %gather3A_859, %sub3A_872 : vector<16xf32>
        %add3A_874 = arith.addf %add3A_742, %mul3A_873 : vector<16xf32>
        %mul3A_875 = arith.mulf %gather3A_859, %gather3A_859 : vector<16xf32>
        %add3A_876 = arith.addf %add3A_810, %mul3A_875 : vector<16xf32>
        %mul3A_877 = arith.mulf %gather3A_865, %gather3A_865 : vector<16xf32>
        %add3A_878 = arith.addf %add3A_812, %mul3A_877 : vector<16xf32>
        %mul3A_879 = arith.mulf %gather3A_871, %gather3A_871 : vector<16xf32>
        %add3A_880 = arith.addf %add3A_814, %mul3A_879 : vector<16xf32>
        %add3A_881 = arith.constant 14 : i32
        %add3A_882 = vector.broadcast %add3A_881 : i32 to vector<16xi32>
        %add3A_883 = arith.addi %add3A_420, %add3A_882 : vector<16xi32>
        %and3A_884 = arith.constant 63 : i32
        %and3A_885 = vector.broadcast %and3A_884 : i32 to vector<16xi32>
        %and3A_886 = arith.andi %add3A_883, %and3A_885 : vector<16xi32>
        %add3A_887 = arith.addi %shift_left3A_351, %and3A_886 : vector<16xi32>
        %gather3A_888 = arith.constant 0 : i32
        %gather3A_889 = arith.constant 0 : i32
        %gather3A_890 = tpu.memref_slice %arg18[%scan3A_314, %gather3A_888, %gather3A_889] : memref<2x128x128xf32, #tpu.memory_space<vmem>> -> memref<1x128x128xf32, #tpu.memory_space<vmem>>
        %gather3A_891 = tpu.memref_squeeze %gather3A_890 : memref<1x128x128xf32, #tpu.memory_space<vmem>> -> memref<128x128xf32, #tpu.memory_space<vmem>>
        %gather3A_892 = tpu.vector_load_idx %gather3A_891[%add3A_342, %add3A_887] : memref<128x128xf32, #tpu.memory_space<vmem>>[vector<16xi32>, vector<16xi32>], vector<16xf32>,
        %add3A_893 = arith.addi %shift_left3A_361, %and3A_886 : vector<16xi32>
        %gather3A_894 = arith.constant 0 : i32
        %gather3A_895 = arith.constant 0 : i32
        %gather3A_896 = tpu.memref_slice %arg19[%scan3A_315, %gather3A_894, %gather3A_895] : memref<2x128x128xf32, #tpu.memory_space<vmem>> -> memref<1x128x128xf32, #tpu.memory_space<vmem>>
        %gather3A_897 = tpu.memref_squeeze %gather3A_896 : memref<1x128x128xf32, #tpu.memory_space<vmem>> -> memref<128x128xf32, #tpu.memory_space<vmem>>
        %gather3A_898 = tpu.vector_load_idx %gather3A_897[%add3A_342, %add3A_893] : memref<128x128xf32, #tpu.memory_space<vmem>>[vector<16xi32>, vector<16xi32>], vector<16xf32>,
        %add3A_899 = arith.addi %shift_left3A_371, %and3A_886 : vector<16xi32>
        %gather3A_900 = arith.constant 0 : i32
        %gather3A_901 = arith.constant 0 : i32
        %gather3A_902 = tpu.memref_slice %arg20[%scan3A_316, %gather3A_900, %gather3A_901] : memref<2x128x128xf32, #tpu.memory_space<vmem>> -> memref<1x128x128xf32, #tpu.memory_space<vmem>>
        %gather3A_903 = tpu.memref_squeeze %gather3A_902 : memref<1x128x128xf32, #tpu.memory_space<vmem>> -> memref<128x128xf32, #tpu.memory_space<vmem>>
        %gather3A_904 = tpu.vector_load_idx %gather3A_903[%add3A_342, %add3A_899] : memref<128x128xf32, #tpu.memory_space<vmem>>[vector<16xi32>, vector<16xi32>], vector<16xf32>,
        %sub3A_905 = arith.subf %gather3A_904, %gather3A_898 : vector<16xf32>
        %mul3A_906 = arith.mulf %gather3A_892, %sub3A_905 : vector<16xf32>
        %add3A_907 = arith.addf %add3A_775, %mul3A_906 : vector<16xf32>
        %mul3A_908 = arith.mulf %gather3A_892, %gather3A_892 : vector<16xf32>
        %add3A_909 = arith.addf %add3A_843, %mul3A_908 : vector<16xf32>
        %mul3A_910 = arith.mulf %gather3A_898, %gather3A_898 : vector<16xf32>
        %add3A_911 = arith.addf %add3A_845, %mul3A_910 : vector<16xf32>
        %mul3A_912 = arith.mulf %gather3A_904, %gather3A_904 : vector<16xf32>
        %add3A_913 = arith.addf %add3A_847, %mul3A_912 : vector<16xf32>
        %add3A_914 = arith.constant 15 : i32
        %add3A_915 = vector.broadcast %add3A_914 : i32 to vector<16xi32>
        %add3A_916 = arith.addi %add3A_420, %add3A_915 : vector<16xi32>
        %and3A_917 = arith.constant 63 : i32
        %and3A_918 = vector.broadcast %and3A_917 : i32 to vector<16xi32>
        %and3A_919 = arith.andi %add3A_916, %and3A_918 : vector<16xi32>
        %add3A_920 = arith.addi %shift_left3A_351, %and3A_919 : vector<16xi32>
        %gather3A_921 = arith.constant 0 : i32
        %gather3A_922 = arith.constant 0 : i32
        %gather3A_923 = tpu.memref_slice %arg18[%scan3A_314, %gather3A_921, %gather3A_922] : memref<2x128x128xf32, #tpu.memory_space<vmem>> -> memref<1x128x128xf32, #tpu.memory_space<vmem>>
        %gather3A_924 = tpu.memref_squeeze %gather3A_923 : memref<1x128x128xf32, #tpu.memory_space<vmem>> -> memref<128x128xf32, #tpu.memory_space<vmem>>
        %gather3A_925 = tpu.vector_load_idx %gather3A_924[%add3A_342, %add3A_920] : memref<128x128xf32, #tpu.memory_space<vmem>>[vector<16xi32>, vector<16xi32>], vector<16xf32>,
        %add3A_926 = arith.addi %shift_left3A_361, %and3A_919 : vector<16xi32>
        %gather3A_927 = arith.constant 0 : i32
        %gather3A_928 = arith.constant 0 : i32
        %gather3A_929 = tpu.memref_slice %arg19[%scan3A_315, %gather3A_927, %gather3A_928] : memref<2x128x128xf32, #tpu.memory_space<vmem>> -> memref<1x128x128xf32, #tpu.memory_space<vmem>>
        %gather3A_930 = tpu.memref_squeeze %gather3A_929 : memref<1x128x128xf32, #tpu.memory_space<vmem>> -> memref<128x128xf32, #tpu.memory_space<vmem>>
        %gather3A_931 = tpu.vector_load_idx %gather3A_930[%add3A_342, %add3A_926] : memref<128x128xf32, #tpu.memory_space<vmem>>[vector<16xi32>, vector<16xi32>], vector<16xf32>,
        %add3A_932 = arith.addi %shift_left3A_371, %and3A_919 : vector<16xi32>
        %gather3A_933 = arith.constant 0 : i32
        %gather3A_934 = arith.constant 0 : i32
        %gather3A_935 = tpu.memref_slice %arg20[%scan3A_316, %gather3A_933, %gather3A_934] : memref<2x128x128xf32, #tpu.memory_space<vmem>> -> memref<1x128x128xf32, #tpu.memory_space<vmem>>
        %gather3A_936 = tpu.memref_squeeze %gather3A_935 : memref<1x128x128xf32, #tpu.memory_space<vmem>> -> memref<128x128xf32, #tpu.memory_space<vmem>>
        %gather3A_937 = tpu.vector_load_idx %gather3A_936[%add3A_342, %add3A_932] : memref<128x128xf32, #tpu.memory_space<vmem>>[vector<16xi32>, vector<16xi32>], vector<16xf32>,
        %sub3A_938 = arith.subf %gather3A_937, %gather3A_931 : vector<16xf32>
        %mul3A_939 = arith.mulf %gather3A_925, %sub3A_938 : vector<16xf32>
        %add3A_940 = arith.addf %add3A_808, %mul3A_939 : vector<16xf32>
        %mul3A_941 = arith.mulf %gather3A_925, %gather3A_925 : vector<16xf32>
        %add3A_942 = arith.addf %add3A_876, %mul3A_941 : vector<16xf32>
        %mul3A_943 = arith.mulf %gather3A_931, %gather3A_931 : vector<16xf32>
        %add3A_944 = arith.addf %add3A_878, %mul3A_943 : vector<16xf32>
        %mul3A_945 = arith.mulf %gather3A_937, %gather3A_937 : vector<16xf32>
        %add3A_946 = arith.addf %add3A_880, %mul3A_945 : vector<16xf32>
        scf.yield %add3A_841, %add3A_874, %add3A_907, %add3A_940, %add3A_909, %add3A_942, %add3A_911, %add3A_944, %add3A_913, %add3A_946 : vector<16xf32>, vector<16xf32>, vector<16xf32>, vector<16xf32>, vector<16xf32>, vector<16xf32>, vector<16xf32>, vector<16xf32>, vector<16xf32>, vector<16xf32>
      }
      %scan3A_377 = arith.constant 4 : i32
      %add3A_378 = arith.addf %scan3A_376#0, %scan3A_376#1 : vector<16xf32>
      %add3A_379 = arith.addf %scan3A_376#2, %scan3A_376#3 : vector<16xf32>
      %add3A_380 = arith.addf %add3A_378, %add3A_379 : vector<16xf32>
      %abs3A = math.absf %add3A_380 : vector<16xf32>
      %neg3A = arith.constant 0.000000e+00 : f32
      %neg3A_381 = vector.broadcast %neg3A : f32 to vector<16xf32>
      %neg3A_382 = arith.subf %neg3A_381, %abs3A : vector<16xf32>
      %exp3A = math.exp %neg3A_382 : vector<16xf32>
      %add3A_383 = arith.constant 2.000000e+00 : f32
      %add3A_384 = vector.broadcast %add3A_383 : f32 to vector<16xf32>
      %add3A_385 = arith.addf %add3A_384, %exp3A : vector<16xf32>
      %div3A = arith.divf %exp3A, %add3A_385 : vector<16xf32>
      %mul3A_386 = arith.mulf %div3A, %div3A : vector<16xf32>
      %mul3A_387 = arith.constant 0.285714298 : f32
      %mul3A_388 = vector.broadcast %mul3A_387 : f32 to vector<16xf32>
      %mul3A_389 = arith.mulf %mul3A_386, %mul3A_388 : vector<16xf32>
      %add3A_390 = arith.constant 4.000000e-01 : f32
      %add3A_391 = vector.broadcast %add3A_390 : f32 to vector<16xf32>
      %add3A_392 = arith.addf %add3A_391, %mul3A_389 : vector<16xf32>
      %mul3A_393 = arith.mulf %mul3A_386, %add3A_392 : vector<16xf32>
      %add3A_394 = arith.constant 0.666666686 : f32
      %add3A_395 = vector.broadcast %add3A_394 : f32 to vector<16xf32>
      %add3A_396 = arith.addf %add3A_395, %mul3A_393 : vector<16xf32>
      %mul3A_397 = arith.mulf %mul3A_386, %add3A_396 : vector<16xf32>
      %add3A_398 = arith.constant 2.000000e+00 : f32
      %add3A_399 = vector.broadcast %add3A_398 : f32 to vector<16xf32>
      %add3A_400 = arith.addf %add3A_399, %mul3A_397 : vector<16xf32>
      %mul3A_401 = arith.mulf %div3A, %add3A_400 : vector<16xf32>
      %max3A = arith.constant 0.000000e+00 : f32
      %max3A_402 = vector.broadcast %max3A : f32 to vector<16xf32>
      %max3A_403 = arith.maximumf %add3A_380, %max3A_402 : vector<16xf32>
      %add3A_404 = arith.addf %max3A_403, %mul3A_401 : vector<16xf32>
      %add3A_405 = arith.addf %scan3A_332, %add3A_404 : vector<16xf32>
      scf.yield %add3A_405, %scan3A_376#4, %scan3A_376#5, %scan3A_376#6, %scan3A_376#7, %scan3A_376#8, %scan3A_376#9 : vector<16xf32>, vector<16xf32>, vector<16xf32>, vector<16xf32>, vector<16xf32>, vector<16xf32>, vector<16xf32>
    }
    %scan3A_322 = arith.constant 8 : i32
    %add3A_323 = arith.addf %scan3A_321#1, %scan3A_321#2 : vector<16xf32>
    %add3A_324 = arith.addf %scan3A_321#3, %scan3A_321#4 : vector<16xf32>
    %add3A_325 = arith.addf %add3A_323, %add3A_324 : vector<16xf32>
    %add3A_326 = arith.addf %scan3A_321#5, %scan3A_321#6 : vector<16xf32>
    %add3A_327 = arith.addf %add3A_325, %add3A_326 : vector<16xf32>
    %swap3A = arith.constant 0 : index
    %swap3A_328 = tpu.vector_load %arg21[%swap3A] {strides = array<i32>} : memref<16xf32, #tpu.memory_space<vmem>>, vector<16xf32>,
    tpu.vector_store %arg21[%swap3A], %scan3A_321#0 {strides = array<i32>} : memref<16xf32, #tpu.memory_space<vmem>>, vector<16xf32>,
    %swap3A_329 = arith.constant 0 : index
    %swap3A_330 = tpu.vector_load %arg22[%swap3A_329] {strides = array<i32>} : memref<16xf32, #tpu.memory_space<vmem>>, vector<16xf32>,
    tpu.vector_store %arg22[%swap3A_329], %add3A_327 {strides = array<i32>} : memref<16xf32, #tpu.memory_space<vmem>>, vector<16xf32>,
    "tpu.region"() ({
      %run_scoped3A = tpu.sem_alloc : memref<!tpu.dma_semaphore, #tpu.memory_space<semaphore_mem>>
      %dma_start3A_331 = arith.constant 0 : i32
      %dma_start3A_332 = tpu.memref_slice %arg10[%add3A, %dma_start3A_331] : memref<32x16xf32, #tpu.memory_space<hbm>> -> memref<1x16xf32, #tpu.memory_space<hbm>>
      %dma_start3A_333 = tpu.memref_squeeze %dma_start3A_332 : memref<1x16xf32, #tpu.memory_space<hbm>> -> memref<16xf32, #tpu.memory_space<hbm>>
      %dma_start3A_334 = arith.constant 0 : i32
      %dma_start3A_335 = tpu.memref_slice %arg10[%add3A, %dma_start3A_334] : memref<32x16xf32, #tpu.memory_space<hbm>> -> memref<1x16xf32, #tpu.memory_space<hbm>>
      %dma_start3A_336 = tpu.memref_squeeze %dma_start3A_335 : memref<1x16xf32, #tpu.memory_space<hbm>> -> memref<16xf32, #tpu.memory_space<hbm>>
      tpu.enqueue_dma source(%arg21 : memref<16xf32, #tpu.memory_space<vmem>>) target(%dma_start3A_336 : memref<16xf32, #tpu.memory_space<hbm>>) target_semaphore(%run_scoped3A : memref<!tpu.dma_semaphore, #tpu.memory_space<semaphore_mem>>)
      %dma_wait3A_337 = arith.constant 0 : i32
      %dma_wait3A_338 = tpu.memref_slice %arg10[%add3A, %dma_wait3A_337] : memref<32x16xf32, #tpu.memory_space<hbm>> -> memref<1x16xf32, #tpu.memory_space<hbm>>
      %dma_wait3A_339 = tpu.memref_squeeze %dma_wait3A_338 : memref<1x16xf32, #tpu.memory_space<hbm>> -> memref<16xf32, #tpu.memory_space<hbm>>
      %dma_wait3A_340 = arith.constant 0 : i32
      %dma_wait3A_341 = tpu.memref_slice %arg10[%add3A, %dma_wait3A_340] : memref<32x16xf32, #tpu.memory_space<hbm>> -> memref<1x16xf32, #tpu.memory_space<hbm>>
      %dma_wait3A_342 = tpu.memref_squeeze %dma_wait3A_341 : memref<1x16xf32, #tpu.memory_space<hbm>> -> memref<16xf32, #tpu.memory_space<hbm>>
      tpu.wait_dma2 semaphore(%run_scoped3A : memref<!tpu.dma_semaphore, #tpu.memory_space<semaphore_mem>>) src(%arg21 : memref<16xf32, #tpu.memory_space<vmem>>) dst(%dma_wait3A_342 : memref<16xf32, #tpu.memory_space<hbm>>)
      tpu.yield
    }) : () -> ()
    "tpu.region"() ({
      %run_scoped3A = tpu.sem_alloc : memref<!tpu.dma_semaphore, #tpu.memory_space<semaphore_mem>>
      %dma_start3A_331 = arith.constant 0 : i32
      %dma_start3A_332 = tpu.memref_slice %arg11[%add3A, %dma_start3A_331] : memref<32x16xf32, #tpu.memory_space<hbm>> -> memref<1x16xf32, #tpu.memory_space<hbm>>
      %dma_start3A_333 = tpu.memref_squeeze %dma_start3A_332 : memref<1x16xf32, #tpu.memory_space<hbm>> -> memref<16xf32, #tpu.memory_space<hbm>>
      %dma_start3A_334 = arith.constant 0 : i32
      %dma_start3A_335 = tpu.memref_slice %arg11[%add3A, %dma_start3A_334] : memref<32x16xf32, #tpu.memory_space<hbm>> -> memref<1x16xf32, #tpu.memory_space<hbm>>
      %dma_start3A_336 = tpu.memref_squeeze %dma_start3A_335 : memref<1x16xf32, #tpu.memory_space<hbm>> -> memref<16xf32, #tpu.memory_space<hbm>>
      tpu.enqueue_dma source(%arg22 : memref<16xf32, #tpu.memory_space<vmem>>) target(%dma_start3A_336 : memref<16xf32, #tpu.memory_space<hbm>>) target_semaphore(%run_scoped3A : memref<!tpu.dma_semaphore, #tpu.memory_space<semaphore_mem>>)
      %dma_wait3A_337 = arith.constant 0 : i32
      %dma_wait3A_338 = tpu.memref_slice %arg11[%add3A, %dma_wait3A_337] : memref<32x16xf32, #tpu.memory_space<hbm>> -> memref<1x16xf32, #tpu.memory_space<hbm>>
      %dma_wait3A_339 = tpu.memref_squeeze %dma_wait3A_338 : memref<1x16xf32, #tpu.memory_space<hbm>> -> memref<16xf32, #tpu.memory_space<hbm>>
      %dma_wait3A_340 = arith.constant 0 : i32
      %dma_wait3A_341 = tpu.memref_slice %arg11[%add3A, %dma_wait3A_340] : memref<32x16xf32, #tpu.memory_space<hbm>> -> memref<1x16xf32, #tpu.memory_space<hbm>>
      %dma_wait3A_342 = tpu.memref_squeeze %dma_wait3A_341 : memref<1x16xf32, #tpu.memory_space<hbm>> -> memref<16xf32, #tpu.memory_space<hbm>>
      tpu.wait_dma2 semaphore(%run_scoped3A : memref<!tpu.dma_semaphore, #tpu.memory_space<semaphore_mem>>) src(%arg22 : memref<16xf32, #tpu.memory_space<vmem>>) dst(%dma_wait3A_342 : memref<16xf32, #tpu.memory_space<hbm>>)
      tpu.yield
    }) : () -> ()
    return
  }
}

</mosaic_0001>

<sc_bundles>
// kernel: _bpr_call.3.cloned.1.call-start
scs
__scs_entry_jumppad:
0x0: {  	(pc) =	sbr.rel $0x88, $3  }
0x1: {  	(tag) =	ssettag $0x0;
	lr =	simm.s32 $0x1  }
0x2: {  	[smem:$0x3F99] =	sst lr;
	_ =	strace $0xD0000000  }
0x3: {  	_ = 	snop  }
0x4: {  	_ = 	snop  }
0x5: {  	_ = 	snop  }
0x6: {  	_ = 	snop  }
0x7: {  	_ = 	snop  }
__scs_overlays_trampoline_lowered:
0x8: {  	[smem:$0x3FA8] =	sst s0  }
0x9: {  	[smem:$0x3FA9] =	sst s1  }
0xa: {  	[smem:$0x3FAA] =	sst s2  }
0xb: {  	[smem:$0x3FAB] =	sst s3  }
0xc: {  	[smem:$0x3FAC] =	sst s4  }
0xd: {  	[smem:$0x3FAD] =	sst s5  }
0xe: {  	[smem:$0x3FAE] =	sst s6  }
0xf: {  	[smem:$0x3FAF] =	sst s7  }
0x10: {  	[smem:$0x3FB0] =	sst s8  }
0x11: {  	[smem:$0x3FB1] =	sst s9;
	s0 =	simm.s32 @!p0 $0x0  }
0x12: {  	s1 =	sld [smem:$0x3F97];
	s0 =	simm.s32 @p0 $0x1  }
0x13: {  	[smem:$0x3FB2] =	sst s0;
	s0 =	simm.s32 @!p1 $0x0  }
0x14: {  	s2 =	sld [smem:$0x3F96];
	s0 =	simm.s32 @p1 $0x1  }
0x15: {  	[smem:$0x3FB3] =	sst s0;
	s0 =	simm.s32 @!p2 $0x0  }
0x16: {  	s3 =	sld [smem:$0x3FDB];
	s0 =	simm.s32 @p2 $0x1  }
0x17: {  	s4 =	simm.s32 $0x1BF5;
	[smem:$0x3FB5] =	sst s0  }
0x18: {  	s0 =	sld [smem:$0x3F98];
	_ =	swait.ge [sflag:s4], $0x0  }
0x19: {  	s7 =	sld [smem:$0x3F99]  }
0x1a: {  	s8 =	sadd.s32 $0xFFFFE003, lr  }
0x1b: {  	s9 =	sadd.s32 $0xFFFFFEF7, lr;
	s5 =	simm.s32 $0xFFFFFFFF;
	p2 =	slt.u32 s8, $0xFFFFF086  }
0x1c: {  	p1 =	slt.u32 s9, $0xF7A;
	s5 =	simm.s32 @!p2 $0x0  }
0x1d: {  	s5 =	simm.s32 @p1 $0x1;
	p0 =	seq.s32 s7, s2  }
0x1e: {  	s7 =	smul.u32 @!p0 $0xF7A, s2;
	p2 =	seq.s32 @!p0 s5, $0x0  }
0x1f: {  	s9 =	smul.u32 $0xF7A, s1;
	s8 =	simm.s32 @!p0 $0x1BF5;
	p2 =	por !p2, p0  }
0x20: {  	[sflag:s8] =	ssyncset.s32 @!p0 $0xFFFFF086;
	s6 =	sadd.s32 @!p0 s3, s7;
	s7 =	simm.s32 @!p0 $0x108  }
0x21: {  	s3 =	sadd.s32 s3, s9;
	s6 =	sadd.s32 @!p0 $0x88, s6;
	s7 =	simm.s32 @p2 $0x1082  }
0x22: {  	[simem:s7], [sflag:s8] =	dma.local @!p0 [hbm:s6], $0xF7A  }
0x23: {  	s9 =	sor.u32 $0xD0000000, s2;
	s6 =	simm.s32 $0x108;
	_ =	swait.ge @!p0 [sflag:s8], $0x0  }
0x24: {  	s3 =	sadd.s32 $0x88, s3;
	s6 =	simm.s32 @!p1 $0x1082;
	[sflag:s4] =	ssyncset.s32 $0xFFFFF086  }
0x25: {  	[simem:s6], [sflag:s4] =	dma.local [hbm:s3], $0xF7A  }
0x26: {  	[smem:$0x3F99] =	sst s1;
	(tag) =	ssettag s2;
	_ =	strace s9  }
0x27: {  	s1 =	sld [smem:$0x3FA9]  }
0x28: {  	s2 =	sld [smem:$0x3FAA]  }
0x29: {  	s4 =	sld [smem:$0x3FAC]  }
0x2a: {  	p0 =	seq.s32 s5, $0x0;
	s5 =	sld [smem:$0x3FAD]  }
0x2b: {  	s6 =	sld [smem:$0x3FAE]  }
0x2c: {  	s7 =	sld [smem:$0x3FAF]  }
0x2d: {  	s3 =	simm.s32 $0x108;
	s8 =	sld [smem:$0x3FB0]  }
0x2e: {  	s3 =	simm.s32 @!p0 $0x1082;
	s9 =	sld [smem:$0x3FB1]  }
0x2f: {  	lr =	sadd.s32 s0, s3;
	s0 =	sld [smem:$0x3FA8]  }
0x30: {  	s3 =	sld [smem:$0x3FAB]  }
0x31: {  	[smem:$0x3FB4] =	sst s10  }
0x32: {  	s10 =	sld [smem:$0x3FB2];
	_ =	sdelay $0x3  }
0x33: {  	p0 =	seq.s32 s10, $0x1;
	s10 =	sld [smem:$0x3FB4];
	_ =	sdelay $0x3  }
0x34: {  	[smem:$0x3FB4] =	sst s10  }
0x35: {  	s10 =	sld [smem:$0x3FB3];
	_ =	sdelay $0x3  }
0x36: {  	p1 =	seq.s32 s10, $0x1;
	s10 =	sld [smem:$0x3FB4];
	_ =	sdelay $0x3  }
0x37: {  	[smem:$0x3FB4] =	sst s10  }
0x38: {  	s10 =	sld [smem:$0x3FB5]  }
0x39: {  	_ = 	snop;
	(pc) =	sbr.ind lr, $3  }
0x3a: {  	_ = 	snop  }
0x3b: {  	_ = 	snop  }
0x3c: {  	p2 =	seq.s32 s10, $0x1;
	s10 =	sld [smem:$0x3FB4]  }
0x3d: {  	_ =	shalt  }
0x3e: {  	_ =	shalt  }
0x3f: {  	_ =	shalt  }
0x40: {  	_ =	shalt  }
0x41: {  	_ =	shalt  }
0x42: {  	_ =	shalt  }
0x43: {  	_ =	shalt  }
0x44: {  	_ =	shalt  }
0x45: {  	_ =	shalt  }
0x46: {  	_ =	shalt  }
0x47: {  	_ =	shalt  }
0x48: {  	_ =	shalt  }
0x49: {  	_ =	shalt  }
0x4a: {  	_ =	shalt  }
0x4b: {  	_ =	shalt  }
0x4c: {  	_ =	shalt  }
0x4d: {  	_ =	shalt  }
0x4e: {  	_ =	shalt  }
0x4f: {  	_ =	shalt  }
0x50: {  	_ =	shalt  }
0x51: {  	_ =	shalt  }
0x52: {  	_ =	shalt  }
0x53: {  	_ =	shalt  }
0x54: {  	_ =	shalt  }
0x55: {  	_ =	shalt  }
0x56: {  	_ =	shalt  }
0x57: {  	_ =	shalt  }
0x58: {  	_ =	shalt  }
0x59: {  	_ =	shalt  }
0x5a: {  	_ =	shalt  }
0x5b: {  	_ =	shalt  }
0x5c: {  	_ =	shalt  }
0x5d: {  	_ =	shalt  }
0x5e: {  	_ =	shalt  }
0x5f: {  	_ =	shalt  }
0x60: {  	_ =	shalt  }
0x61: {  	_ =	shalt  }
0x62: {  	_ =	shalt  }
0x63: {  	_ =	shalt  }
0x64: {  	_ =	shalt  }
0x65: {  	_ =	shalt  }
0x66: {  	_ =	shalt  }
0x67: {  	_ =	shalt  }
0x68: {  	_ =	shalt  }
0x69: {  	_ =	shalt  }
0x6a: {  	_ =	shalt  }
0x6b: {  	_ =	shalt  }
0x6c: {  	_ =	shalt  }
0x6d: {  	_ =	shalt  }
0x6e: {  	_ =	shalt  }
0x6f: {  	_ =	shalt  }
0x70: {  	_ =	shalt  }
0x71: {  	_ =	shalt  }
0x72: {  	_ =	shalt  }
0x73: {  	_ =	shalt  }
0x74: {  	_ =	shalt  }
0x75: {  	_ =	shalt  }
0x76: {  	_ =	shalt  }
0x77: {  	_ =	shalt  }
0x78: {  	_ =	shalt  }
0x79: {  	_ =	shalt  }
0x7a: {  	_ =	shalt  }
0x7b: {  	_ =	shalt  }
0x7c: {  	_ =	shalt  }
0x7d: {  	_ =	shalt  }
0x7e: {  	_ =	shalt  }
0x7f: {  	_ =	shalt  }
0x80: {  	_ =	shalt  }
0x81: {  	_ =	shalt  }
0x82: {  	_ =	shalt  }
0x83: {  	_ =	shalt  }
0x84: {  	_ =	shalt  }
0x85: {  	_ =	shalt  }
0x86: {  	_ =	shalt  }
0x87: {  	_ =	shalt  }
.Lfunc_end0:
.L_simem_size_0:
called_computation_lowered:
.L_overlay_start_0:
0x88: {  	s2 =	sld [smem:$0x3FD9]  }
0x89: {  	s3 =	sld [smem:$0x3FFE];
	_ =	sdelay $0x1  }
0x8a: {  	s1 =	srdreg.scid  }
0x8b: {  	s0 =	sand.u32 $0x1, s1  }
0x8c: {  	s17 =	sshll.u32 s0, $0xA;
	s2 =	sadd.s32 s3, s2  }
0x8d: {  	s2 =	sadd.s32 s2, s17  }
0x8e: {  	[smem:$0x3FC0] =	sst s2  }
0x8f: {  	_ = 	snop  }
0x90: {  	s2 =	sld [smem:$0x3FC9]  }
0x91: {  	s18 =	sld [smem:$0x3FC8]  }
0x92: {  	s4 =	sld [smem:$0x3FC7]  }
0x93: {  	s5 =	sld [smem:$0x3FC6]  }
0x94: {  	s6 =	sld [smem:$0x3FC5]  }
0x95: {  	s7 =	sld [smem:$0x3FC4];
	(tm) =	ssettm $0x1  }
0x96: {  	s8 =	sld [smem:$0x3FFB];
	_ =	sdelay $0x3  }
0x97: {  	_ =	strace s8  }
0x98: {  	s8 =	sld [smem:$0x3FFC];
	_ =	sdelay $0x3  }
0x99: {  	_ =	strace s8  }
0x9a: {  	s8 =	sld [smem:$0x3FFD];
	_ =	sdelay $0x3  }
0x9b: {  	_ =	strace s8  }
0x9c: {  	_ =	strace $0x8FFFFFFF  }
0x9d: {  	s19 =	sld [smem:$0x3FDB];
	_ =	sdelay $0x1  }
0x9e: {  	s9 =	simm.s32 $_scs_section_size  }
0x9f: {  	s10 =	simm.s32 $_size__tile_overlayer_lowered;
	s11 =	simm.s32 $_tile_overlayer_lowered  }
0xa0: {  	s22 =	simm.s32 $0x1BFF;
	s21 =	sshll.u32 s11, $0x1;
	s8 =	sadd.s32 s9, s19  }
0xa1: {  	s12 =	simm.s32 $0x0;
	s20 =	sshll.u32 s10, $0x1;
	s10 =	sadd.s32 s21, s8  }
0xa2: {  	[timem:s12], [sflag:s22] =	dma.local [hbm:s10], s20  }
0xa3: {  	_ =	swait.ge [sflag:s22], s20  }
0xa4: {  	s9 =	ssub.s32 $0x0, s20;
	[sflag:s22] =	ssyncset.done $0x0  }
0xa5: {  	[sflag:s22] =	ssyncadd.s32 s9;
	_ =	sdelay $0x1  }
0xa6: {  	s23 =	simm.s32 $0x1B8B  }
0xa7: {  	_ =	swait.ge [sflag:s23], $0x1  }
0xa8: {  	[sflag:s23] =	ssyncset.done $0x0  }
0xa9: {  	s25 =	simm.s32 $0x1B8E;
	s24 =	sld [smem:$0x3FFE];
	[sflag:s23] =	ssyncadd.s32 $0xFFFFFFFF  }
0xaa: {  	s26 =	simm.s32 $execute0_lowered;
	[smem:$0x3FD2] =	sst s25  }
0xab: {  	s10 =	sshll.u32 s26, $0x1;
	_ =	strace $0x80000046;
	[dreg:$0x1] =	wrdreg $0xFFFFFFFF  }
0xac: {  	s28 =	simm.s32 $_size_execute0_lowered;
	s8 =	sadd.s32 s8, s10;
	[dreg:$0x0] =	wrdreg $0x0  }
0xad: {  	s10 =	sshll.u32 s28, $0x1;
	[dreg:$0x2] =	wrdreg s8  }
0xae: {  	[dreg:$0x3] =	wrdreg s10  }
0xaf: {  	[dreg:$0x4] =	wrdreg $0xC0  }
0xb0: {  	_ =	task [dreg:s12], $0x5FFFF  }
0xb1: {  	[dreg:$0x1] =	wrdreg $0xFFFFFFFF  }
0xb2: {  	[dreg:$0x0] =	wrdreg $0x60  }
0xb3: {  	[dreg:$0x2] =	wrdreg s2  }
0xb4: {  	[dreg:$0x3] =	wrdreg s18  }
0xb5: {  	[dreg:$0x4] =	wrdreg s4  }
0xb6: {  	[dreg:$0x5] =	wrdreg s5  }
0xb7: {  	[dreg:$0x6] =	wrdreg s6  }
0xb8: {  	[dreg:$0x7] =	wrdreg s7  }
0xb9: {  	[dreg:$0x8] =	wrdreg s24  }
0xba: {  	[dreg:$0x9] =	wrdreg $0x9  }
0xbb: {  	_ =	task.clear_ibuf [dreg:s12], $0xAFFFF;
	_ =	strace $0x90000046  }
0xbc: {  	s29 =	simm.s32 $0x9;
	_ =	strace $0x80000048  }
0xbd: {  	_ =	swait.ge [sflag:s29], $0x1  }
0xbe: {  	[sflag:s29] =	ssyncadd.s32 $0xFFFFFFFF  }
0xbf: {  	_ =	strace $0x90000048  }
0xc0: {  	_ =	sfence  }
0xc1: {  	s30 =	sld [smem:$0x0];
	_ =	sdelay $0x2  }
0xc2: {  	s31 =	sshll.u32 s1, $0xD;
	s1 =	sshrl.u32 s1, $0x2  }
0xc3: {  	s3 =	sand.u32 $0x4000, s31;
	s1 =	sadd.s32 s1, s30  }
0xc4: {  	s0 =	sor.u32 s3, s0;
	s1 =	sshll.u32 s1, $0x11  }
0xc5: {  	s0 =	sor.u32 s1, s0  }
0xc6: {  	s0 =	sadd.s32 $0x8F2B, s0  }
0xc7: {  	[sflag:s0] =	ssyncadd.remote.s32 $0x1  }
0xc8: {  	_ =	sfence.sel $0xFFFF  }
0xc9: {  	[dreg:$0x0] =	wrdreg $0xFFFFFFFF;
	(pc) =	sbr.abs _section_cstart, $3  }
0xca: {  	[dreg:$0x1] =	wrdreg $0xFFFFFFFF  }
0xcb: {  	_ =	task.clear_ibuf [dreg:s12], $0x2FFFF;
	_ =	strace $0x9FFFFFFF  }
0xcc: {  	(tm) =	ssettm $0x7FFFFFFF  }
0xcd: {  	_ =	shalt  }
tec
execute0_lowered:
.L_overlay_start_1:
0x0: {  	(tag) =	ssettag $0x1  }
0x1: {  	s0 =	rddreg [dreg:$0x0]  }
0x2: {  	s1 =	rddreg [dreg:$0x1]  }
0x3: {  	s7 =	rddreg [dreg:$0x2]  }
0x4: {  	s8 =	rddreg [dreg:$0x3]  }
0x5: {  	s10 =	rddreg [dreg:$0x4]  }
0x6: {  	s11 =	rddreg [dreg:$0x5];
	s2 =	simm.s32 $0x0;
	v29 =	vlaneseq.u32  }
0x7: {  	[smem:$0x7FF] =	sst s2;
	v38 =	vadd.s32 $0x2, v29  }
0x8: {  	s9 =	rddreg [dreg:$0x6];
	v5 =	vadd.s32 $0xC, v29;
	_ =	strace $0x80000047;
	[tilespmem:$0x1FF10] =	vst v38  }
0x9: {  	v6 =	vadd.s32 $0xE, v29;
	[tilespmem:$0x1FF20] =	vst v5  }
0xa: {  	v8 =	vadd.s32 $0xA, v29;
	[tilespmem:$0x1FF30] =	vst v6  }
0xb: {  	s3 =	srdreg.scid;
	v12 =	vadd.s32 $0x8, v29;
	[tilespmem:$0x1FF40] =	vst v8  }
0xc: {  	s6 =	stileid.u32;
	s15 =	simm.s32 $0x200;
	s16 =	simm.s32 $0x400;
	v15 =	vadd.s32 $0x6, v29;
	[tilespmem:$0x1FF50] =	vst v12  }
0xd: {  	s20 =	simm.s32 $0x80;
	s21 =	simm.s32 $0xC00;
	s22 =	simm.s32 $0x8C00;
	v18 =	vadd.s32 $0x4, v29;
	[tilespmem:$0x1FF60] =	vst v15  }
0xe: {  	s23 =	simm.s32 $0x10C00;
	s24 =	simm.s32 $0x4C00;
	s29 =	simm.s32 $0x14C00;
	v30 =	vadd.s32 $0xD, v29;
	[tilespmem:$0x1FF70] =	vst v18  }
0xf: {  	s30 =	simm.s32 $0x1;
	s17 =	simm.s32 $0x2;
	s28 =	simm.s32 $0x18C00;
	v31 =	vadd.s32 $0xB, v29;
	[tilespmem:$0x1FF80] =	vst v30  }
0x10: {  	s31 =	simm.s32 $0x18C80;
	s4 =	sand.u32 $0x1, s3;
	s6 =	sshll.u32 s6, $0x1;
	v32 =	vadd.s32 $0xF, v29;
	[tilespmem:$0x1FF90] =	vst v31  }
0x11: {  	s3 =	sadd.s32 $0xF42400, s9;
	v35 =	vadd.s32 $0x9, v29;
	s5 =	ssub.s32 $0x2, s4;
	s13 =	sor.u32 s4, s6;
	[tilespmem:$0x1FFA0] =	vst v32  }
0x12: {  	v39 =	vadd.s32 $0x7, v29;
	s4 =	sadd.s32 $0x16E3600, s9;
	[tilespmem:$0x1FFB0] =	vst v35;
	s12 =	sshrl.u32 s5, $0x1;
	s25 =	sshll.u32 s13, $0x6  }
0x13: {  	v48 =	vadd.s32 $0x5, v29;
	[tilespmem:$0x1FFC0] =	vst v39;
	s26 =	sshll.u32 s13, $0x4;
	s14 =	ssub.s32 s5, s12;
	s5 =	sadd.s32 s0, s25  }
0x14: {  	v40 =	vadd.s32 $0x1, v29;
	[tilespmem:$0x1FFD0] =	vst v48;
	s6 =	sadd.s32 s1, s25;
	s7 =	sadd.s32 s7, s25;
	s8 =	sadd.s32 s8, s25  }
0x15: {  	v0 =	vmul.u32 $0x80, v29;
	v54 =	vadd.s32 $0x3, v29;
	[tilespmem:$0x1FFE0] =	vst v40;
	s9 =	sadd.s32 s9, s26;
	s10 =	sadd.s32 s10, s25;
	s11 =	sadd.s32 s11, s25  }
0x16: {  	[tilespmem:$0x1FFF0] =	vst v54;
	s26 =	simm.s32 $0xCC00;
	s25 =	simm.s32 $0x580;
	s0 =	simm.s32 $0x0  }
0x17: {  	[tilespmem:$0x1FF00] =	vst v0;
	s12 =	sadd.s32 $0x200, s9;
	s13 =	smax.u32 s14, $0x1;
	s14 =	simm.s32 $0x3  }
.LBB2_1:
0x18: {  	[tilespmem:s2], [sflag:$0x3] =	stream.linear.gather [hbm4b:s5+s2], $0x200, $0x38;
	[tilespmem:$0x18D00] =	vst v63  }
0x19: {  	_ =	swait.ge [sflag:s14], $0x200  }
0x1a: {  	[sflag:s14] =	ssyncset.done $0x0  }
0x1b: {  	[sflag:s14] =	ssyncadd.s32 $0xFFFFFE00  }
0x1c: {  	[tilespmem:s15], [sflag:$0x3] =	stream.linear.gather [hbm4b:s6+s2], $0x200, $0x38;
	[tilespmem:$0x18D00] =	vst v63  }
0x1d: {  	_ =	swait.ge [sflag:s14], $0x200  }
0x1e: {  	[sflag:s14] =	ssyncset.done $0x0  }
0x1f: {  	[sflag:s14] =	ssyncadd.s32 $0xFFFFFE00  }
0x20: {  	[tilespmem:s16], [sflag:$0x3] =	stream.linear.gather [hbm4b:s7+s2], $0x200, $0x38;
	[tilespmem:$0x18D00] =	vst v63  }
0x21: {  	_ =	swait.ge [sflag:s14], $0x200  }
0x22: {  	[sflag:s14] =	ssyncset.done $0x0  }
0x23: {  	s1 =	simm.s32 $0x600;
	[sflag:s14] =	ssyncadd.s32 $0xFFFFFE00  }
0x24: {  	[tilespmem:s1], [sflag:$0x3] =	stream.linear.gather [hbm4b:s8+s2], $0x200, $0x38;
	[tilespmem:$0x18D00] =	vst v63  }
0x25: {  	_ =	swait.ge [sflag:s14], $0x200  }
0x26: {  	[sflag:s14] =	ssyncset.done $0x0  }
0x27: {  	s18 =	simm.s32 $0x800;
	[sflag:s14] =	ssyncadd.s32 $0xFFFFFE00  }
0x28: {  	[tilespmem:s18], [sflag:$0x3] =	stream.linear.gather [hbm4b:s10+s2], $0x200, $0x38;
	[tilespmem:$0x18D00] =	vst v63  }
0x29: {  	_ =	swait.ge [sflag:s14], $0x200  }
0x2a: {  	[sflag:s14] =	ssyncset.done $0x0  }
0x2b: {  	s19 =	simm.s32 $0xA00;
	[sflag:s14] =	ssyncadd.s32 $0xFFFFFE00  }
0x2c: {  	[tilespmem:s19], [sflag:$0x3] =	stream.linear.gather [hbm4b:s11+s2], $0x200, $0x38;
	[tilespmem:$0x18D00] =	vst v63  }
0x2d: {  	_ =	swait.ge [sflag:s14], $0x200  }
0x2e: {  	[sflag:s14] =	ssyncset.done $0x0  }
0x2f: {  	[sflag:s14] =	ssyncadd.s32 $0xFFFFFE00  }
0x30: {  	[tilespmem:s21], [sflag:$0x1] =	stream.indirect.gather [hbm4b:s3+s20], $0x80, s2, s20, $0xb8;
	[tilespmem:$0x18D00] =	vst v63  }
0x31: {  	_ = 	snop  }
0x32: {  	[tilespmem:s22], [sflag:$0x1] =	stream.indirect.gather [hbm4b:s4+s20], $0x80, s15, s20, $0xb8;
	[tilespmem:$0x18D00] =	vst v63  }
0x33: {  	_ = 	snop  }
0x34: {  	[tilespmem:s23], [sflag:$0x1] =	stream.indirect.gather [hbm4b:s4+s20], $0x80, s16, s20, $0xb8;
	[tilespmem:$0x18D00] =	vst v63  }
0x35: {  	_ = 	snop  }
0x36: {  	[tilespmem:s24], [sflag:$0x2] =	stream.indirect.gather [hbm4b:s3+s20], $0x80, s20, s20, $0xb8;
	[tilespmem:$0x18D00] =	vst v63  }
0x37: {  	s18 =	simm.s32 $0x280  }
0x38: {  	[tilespmem:s26], [sflag:$0x2] =	stream.indirect.gather [hbm4b:s4+s20], $0x80, s18, s20, $0xb8;
	[tilespmem:$0x18D00] =	vst v63  }
0x39: {  	s19 =	simm.s32 $0x480  }
0x3a: {  	[tilespmem:s29], [sflag:$0x2] =	stream.indirect.gather [hbm4b:s4+s20], $0x80, s19, s20, $0xb8;
	[tilespmem:$0x18D00] =	vst v63  }
0x3b: {  	_ =	swait.ge [sflag:s30], $0x4000  }
0x3c: {  	[sflag:s30] =	ssyncset.done $0x0  }
0x3d: {  	[sflag:s30] =	ssyncadd.s32 $0xFFFFC000  }
0x3e: {  	_ =	swait.ge [sflag:s30], $0x4000  }
0x3f: {  	[sflag:s30] =	ssyncset.done $0x0  }
0x40: {  	[sflag:s30] =	ssyncadd.s32 $0xFFFFC000  }
0x41: {  	v4 =	vimm.f32 $0.0e+00;
	_ =	swait.ge [sflag:s30], $0x4000  }
0x42: {  	v7 =	vimm.f32 $0.0e+00;
	v1 =	vimm.f32 $0.0e+00;
	v14 =	vimm.f32 $0.0e+00;
	[sflag:s30] =	ssyncset.done $0x0  }
0x43: {  	v9 =	vimm.f32 $0.0e+00;
	v16 =	vimm.f32 $0.0e+00;
	v2 =	vimm.f32 $0.0e+00;
	s1 =	simm.s32 $0x0;
	[sflag:s30] =	ssyncadd.s32 $0xFFFFC000  }
.LBB2_2:
0x44: {  	[tilespmem:$0x1FE50] =	vst v4;
	s18 =	sshll.u32 s1, $0x4;
	v4 =	vld [tilespmem:$0x1FF00]  }
0x45: {  	v0 =	vld [tilespmem:s18+$0x600]  }
0x46: {  	[tilespmem:$0x1FE60] =	vst v1;
	v1 =	vld [tilespmem:s18+$0x800]  }
0x47: {  	[tilespmem:$0x1FE70] =	vst v2;
	v2 =	vld [tilespmem:s18+$0xA00];
	_ =	sdelay $0x1  }
0x48: {  	v3 =	vmov s18  }
0x49: {  	v3 =	vshll.u32 v3, $0x7  }
0x4a: {  	v3 =	vor.u32 v4, v3;
	v0 =	vshll.u32 v0, $0x6  }
0x4b: {  	s19 =	simm.s32 $0x0;
	v1 =	vshll.u32 v1, $0x6;
	v2 =	vshll.u32 v2, $0x6;
	v0 =	vand.u32 $0x40, v0  }
0x4c: {  	v1 =	vand.u32 $0x40, v1;
	v25 =	vor.u32 v3, v0;
	v0 =	vor.u32 s19, v29  }
0x4d: {  	v2 =	vand.u32 $0x40, v2;
	v26 =	vor.u32 v3, v1;
	v1 =	vor.u32 v0, v25  }
0x4e: {  	v4 =	vadd.s32 s19, v5;
	v27 =	vor.u32 v3, v2;
	v2 =	vor.u32 v0, v26  }
0x4f: {  	v4 =	vand.u32 $0x3F, v4;
	v0 =	vor.u32 v0, v27  }
0x50: {  	v3 =	vadd.s32 s19, v6;
	v6 =	vor.u32 v4, v25  }
0x51: {  	[tilespmem:$0x1FE40] =	vst v7;
	v8 =	vadd.s32 s19, v8;
	v7 =	vor.u32 v4, v26  }
0x52: {  	v8 =	vand.u32 $0x3F, v8;
	v4 =	vor.u32 v4, v27;
	v1 =	vld.idx.msk [tilespmem:v1+s21+$0x0], $0xffff  }
0x53: {  	v11 =	vor.u32 v8, v25;
	v2 =	vld.idx.msk [tilespmem:v2+s22+$0x0], $0xffff  }
0x54: {  	v12 =	vadd.s32 s19, v12;
	v13 =	vor.u32 v8, v26;
	v0 =	vld.idx.msk [tilespmem:v0+s23+$0x0], $0xffff  }
0x55: {  	v12 =	vand.u32 $0x3F, v12;
	v8 =	vor.u32 v8, v27;
	v6 =	vld.idx.msk [tilespmem:v6+s21+$0x0], $0xffff  }
0x56: {  	[tilespmem:$0x1FEF0] =	vst v14;
	v14 =	vor.u32 v12, v25;
	v7 =	vld.idx.msk [tilespmem:v7+s22+$0x0], $0xffff  }
0x57: {  	[tilespmem:$0x1FEE0] =	vst v16;
	v15 =	vadd.s32 s19, v15;
	v16 =	vor.u32 v12, v26;
	v4 =	vld.idx.msk [tilespmem:v4+s23+$0x0], $0xffff  }
0x58: {  	v15 =	vand.u32 $0x3F, v15;
	v12 =	vor.u32 v12, v27;
	v11 =	vld.idx.msk [tilespmem:v11+s21+$0x0], $0xffff  }
0x59: {  	v17 =	vor.u32 v15, v25;
	v13 =	vld.idx.msk [tilespmem:v13+s22+$0x0], $0xffff  }
0x5a: {  	v18 =	vadd.s32 s19, v18;
	v19 =	vor.u32 v15, v26;
	v8 =	vld.idx.msk [tilespmem:v8+s23+$0x0], $0xffff  }
0x5b: {  	v18 =	vand.u32 $0x3F, v18;
	v15 =	vor.u32 v15, v27;
	v14 =	vld.idx.msk [tilespmem:v14+s21+$0x0], $0xffff  }
0x5c: {  	v21 =	vadd.s32 s19, v38;
	v20 =	vor.u32 v18, v25;
	v16 =	vld.idx.msk [tilespmem:v16+s22+$0x0], $0xffff  }
0x5d: {  	v3 =	vand.u32 $0x3F, v3;
	v23 =	vor.u32 v18, v26;
	v18 =	vor.u32 v18, v27;
	v12 =	vld.idx.msk [tilespmem:v12+s23+$0x0], $0xffff  }
0x5e: {  	[tilespmem:$0x1FE30] =	vst v9;
	v21 =	vand.u32 $0x3F, v21;
	v9 =	vor.u32 v3, v26;
	v24 =	vld.idx.msk [tilespmem:v17+s21+$0x0], $0xffff  }
0x5f: {  	v31 =	vadd.s32 s19, v31;
	v28 =	vor.u32 v21, v26;
	v19 =	vld.idx.msk [tilespmem:v19+s22+$0x0], $0xffff  }
0x60: {  	v47 =	vand.u32 $0x3F, v31;
	v5 =	vor.u32 v3, v25;
	v3 =	vor.u32 v3, v27;
	v15 =	vld.idx.msk [tilespmem:v15+s23+$0x0], $0xffff  }
0x61: {  	v36 =	vor.u32 v47, v27;
	v20 =	vld.idx.msk [tilespmem:v20+s21+$0x0], $0xffff  }
0x62: {  	v18 =	vld.idx.msk [tilespmem:v18+s23+$0x0], $0xffff  }
0x63: {  	v29 =	vadd.s32 s19, v32;
	v17 =	vor.u32 v21, v25;
	v9 =	vld.idx.msk [tilespmem:v9+s22+$0x0], $0xffff  }
0x64: {  	v30 =	vadd.s32 s19, v30;
	v29 =	vand.u32 $0x3F, v29;
	v21 =	vor.u32 v21, v27;
	v28 =	vld.idx.msk [tilespmem:v28+s22+$0x0], $0xffff  }
0x65: {  	v34 =	vand.u32 $0x3F, v30;
	v30 =	vor.u32 v29, v25;
	v3 =	vld.idx.msk [tilespmem:v3+s23+$0x0], $0xffff  }
0x66: {  	v53 =	vor.u32 v47, v26;
	v52 =	vor.u32 v29, v27;
	v36 =	vld.idx.msk [tilespmem:v36+s23+$0x0], $0xffff;
	v33 =	vsub.f32 v0, v2  }
0x67: {  	v38 =	vmul.f32 v2, v2;
	v2 =	vld.idx.msk [tilespmem:v23+s22+$0x0], $0xffff;
	v45 =	vmul.f32 v0, v0;
	v0 =	vor.u32 v34, v27  }
0x68: {  	v23 =	vor.u32 v34, v26;
	v41 =	vld.idx.msk [tilespmem:v17+s21+$0x0], $0xffff;
	v17 =	vor.u32 v29, v26;
	v10 =	vmul.f32 v9, v9  }
0x69: {  	v29 =	vadd.s32 s19, v35;
	v56 =	vld.idx.msk [tilespmem:v21+s23+$0x0], $0xffff;
	v21 =	vsub.f32 v4, v7;
	v7 =	vmul.f32 v7, v7  }
0x6a: {  	v50 =	vld.idx.msk [tilespmem:v30+s21+$0x0], $0xffff;
	v30 =	vadd.s32 s19, v39;
	v42 =	vand.u32 $0x3F, v29;
	[tilespmem:$0x1FE80] =	vst v10;
	v10 =	vmul.f32 v3, v3  }
0x6b: {  	v5 =	vld.idx.msk [tilespmem:v5+s21+$0x0], $0xffff;
	v59 =	vor.u32 v42, v26;
	[tilespmem:$0x1FEB0] =	vst v7;
	v7 =	vand.u32 $0x3F, v30;
	v30 =	vmul.f32 v4, v4  }
0x6c: {  	v4 =	vor.u32 v7, v26;
	[tilespmem:$0x1FE90] =	vst v10;
	v10 =	vmul.f32 v6, v6;
	v31 =	vld.idx.msk [tilespmem:v0+s23+$0x0], $0xffff;
	v0 =	vadd.s32 s19, v48  }
0x6d: {  	v44 =	vld.idx.msk [tilespmem:v52+s23+$0x0], $0xffff;
	v3 =	vsub.f32 v3, v9;
	v9 =	vand.u32 $0x3F, v0;
	v0 =	vadd.s32 s19, v40  }
0x6e: {  	[tilespmem:$0x1FEA0] =	vst v10;
	v10 =	vld.idx.msk [tilespmem:v23+s22+$0x0], $0xffff;
	v23 =	vor.u32 v42, v27;
	v0 =	vand.u32 $0x3F, v0  }
0x6f: {  	v43 =	vadd.s32 s19, v54;
	v35 =	vld.idx.msk [tilespmem:v53+s22+$0x0], $0xffff;
	v53 =	vor.u32 v0, v26  }
0x70: {  	v37 =	vmul.f32 v1, v1;
	v62 =	vsub.f32 v12, v16;
	v17 =	vld.idx.msk [tilespmem:v17+s22+$0x0], $0xffff;
	v54 =	vor.u32 v0, v27  }
0x71: {  	v22 =	vsub.f32 v8, v13;
	v8 =	vmul.f32 v8, v8;
	v51 =	vor.u32 v9, v27;
	v40 =	vld.idx.msk [tilespmem:v59+s22+$0x0], $0xffff  }
0x72: {  	v55 =	vmul.f32 v11, v11;
	v46 =	vmul.f32 v5, v5;
	v49 =	vld.idx.msk [tilespmem:v4+s22+$0x0], $0xffff;
	v4 =	vor.u32 v0, v25  }
0x73: {  	[tilespmem:$0x1FEC0] =	vst v8;
	v48 =	vor.u32 v7, v27;
	v39 =	vmov v10;
	v10 =	vand.u32 $0x3F, v43;
	v43 =	vld.idx.msk [tilespmem:v23+s23+$0x0], $0xffff  }
0x74: {  	v33 =	vmul.f32 v33, v1;
	v5 =	vmul.f32 v3, v5;
	v1 =	vor.u32 v9, v25;
	v59 =	vld.idx.msk [tilespmem:v53+s22+$0x0], $0xffff  }
0x75: {  	v3 =	vsub.f32 v15, v19;
	v8 =	vmul.f32 v2, v2;
	v0 =	vmul.f32 v12, v12;
	v60 =	vld.idx.msk [tilespmem:v54+s23+$0x0], $0xffff  }
0x76: {  	v12 =	vsub.f32 v18, v2;
	v32 =	vmov v17;
	v17 =	vor.u32 v9, v26;
	v54 =	vld.idx.msk [tilespmem:v51+s23+$0x0], $0xffff  }
0x77: {  	[tilespmem:$0x1FED0] =	vst v0;
	v0 =	vmul.f32 v19, v19;
	v19 =	vor.u32 v34, v25;
	v2 =	vld.idx.msk [tilespmem:v4+s21+$0x0], $0xffff  }
0x78: {  	v58 =	vmul.f32 v13, v13;
	v61 =	vmul.f32 v14, v14;
	v23 =	vor.u32 v10, v26;
	v51 =	vld.idx.msk [tilespmem:v48+s23+$0x0], $0xffff  }
0x79: {  	v13 =	vmul.f32 v21, v6;
	v21 =	vor.u32 v42, v25;
	v9 =	vor.u32 v10, v27;
	v4 =	vld.idx.msk [tilespmem:v1+s21+$0x0], $0xffff  }
0x7a: {  	v42 =	vmul.f32 v62, v14;
	v14 =	vmul.f32 v22, v11;
	v22 =	vor.u32 v10, v25;
	v10 =	vld [tilespmem:$0x1FEE0]  }
0x7b: {  	v63 =	vmul.f32 v16, v16;
	v57 =	vmul.f32 v18, v18;
	v29 =	vimm.f32 $0.0e+00;
	v52 =	vld.idx.msk [tilespmem:v17+s22+$0x0], $0xffff  }
0x7c: {  	v6 =	vmul.f32 v20, v20;
	v62 =	vor.u32 v47, v25;
	v16 =	vmul.f32 v3, v24;
	v19 =	vld.idx.msk [tilespmem:v19+s21+$0x0], $0xffff  }
0x7d: {  	v11 =	vsub.f32 v56, v28;
	v12 =	vmul.f32 v12, v20;
	v53 =	vmul.f32 v15, v15;
	v1 =	vld.idx.msk [tilespmem:v23+s22+$0x0], $0xffff  }
0x7e: {  	v47 =	vsub.f32 v44, v32;
	v15 =	vmul.f32 v41, v41;
	v17 =	vmul.f32 v24, v24;
	v24 =	vld.idx.msk [tilespmem:v9+s23+$0x0], $0xffff  }
0x7f: {  	v18 =	vsub.f32 v31, v39;
	v48 =	vmul.f32 v11, v41;
	v3 =	vsub.f32 v60, v59;
	v9 =	vld.idx.msk [tilespmem:v21+s21+$0x0], $0xffff  }
0x80: {  	v11 =	vsub.f32 v43, v40;
	v23 =	vor.u32 v7, v25;
	v7 =	vadd.f32 v33, v29;
	v21 =	vld [tilespmem:$0x1FEF0]  }
0x81: {  	v10 =	vadd.f32 v37, v10;
	v3 =	vmul.f32 v3, v2;
	v20 =	vsub.f32 v54, v52  }
0x82: {  	v41 =	vmul.f32 v28, v28;
	v28 =	vsub.f32 v51, v49;
	v34 =	vadd.f32 v12, v7  }
0x83: {  	v7 =	vld.idx.msk [tilespmem:v62+s21+$0x0], $0xffff;
	v62 =	vmul.f32 v19, v19;
	v33 =	vadd.f32 v3, v29;
	v37 =	vmul.f32 v20, v4  }
0x84: {  	v20 =	vsub.f32 v36, v35;
	v3 =	vmul.f32 v56, v56;
	v56 =	vmul.f32 v50, v50  }
0x85: {  	v12 =	vld.idx.msk [tilespmem:v22+s21+$0x0], $0xffff;
	v29 =	vimm.f32 $0.0e+00;
	v21 =	vadd.f32 v38, v21;
	v38 =	vmul.f32 v11, v9  }
0x86: {  	s18 =	simm.s32 $0x10;
	v11 =	vld.idx.msk [tilespmem:v23+s21+$0x0], $0xffff;
	v23 =	vimm.f32 $0.0e+00;
	v37 =	vadd.f32 v37, v33;
	v33 =	vsub.f32 v24, v1  }
.LBB2_3:
0x87: {  	v34 =	vadd.f32 v42, v34;
	_ =	sdelay $0x1  }
0x88: {  	v37 =	vadd.f32 v38, v37;
	v18 =	vmul.f32 v18, v19;
	v13 =	vadd.f32 v13, v34  }
0x89: {  	v10 =	vadd.f32 v15, v10;
	v15 =	vadd.f32 v41, v21  }
0x8a: {  	[tilespmem:$0x1FDB0] =	vst v13;
	v13 =	vadd.f32 v18, v37  }
0x8b: {  	v6 =	vadd.f32 v6, v10;
	v10 =	vmul.f32 v33, v12;
	v8 =	vadd.f32 v8, v15  }
0x8c: {  	[tilespmem:$0x1FDC0] =	vst v13;
	v13 =	vadd.f32 v48, v23  }
0x8d: {  	v10 =	vadd.f32 v10, v29;
	v0 =	vadd.f32 v0, v8  }
0x8e: {  	v8 =	vmul.f32 v11, v11;
	v11 =	vmul.f32 v28, v11;
	v13 =	vadd.f32 v16, v13  }
0x8f: {  	v6 =	vadd.f32 v17, v6  }
0x90: {  	v10 =	vadd.f32 v11, v10;
	v11 =	vmul.f32 v12, v12;
	v12 =	vadd.f32 v14, v13;
	v13 =	vld [tilespmem:$0x1FEA0]  }
0x91: {  	v6 =	vadd.f32 v61, v6;
	_ =	sdelay $0x1  }
0x92: {  	v6 =	vadd.f32 v55, v6;
	_ =	sdelay $0x1  }
0x93: {  	v6 =	vadd.f32 v13, v6;
	_ =	sdelay $0x1  }
0x94: {  	v13 =	vld [tilespmem:$0x1FEB0];
	v6 =	vadd.f32 v46, v6  }
0x95: {  	v0 =	vadd.f32 v63, v0  }
0x96: {  	[tilespmem:$0x1FDD0] =	vst v6;
	v6 =	vld [tilespmem:$0x1FE80]  }
0x97: {  	v0 =	vadd.f32 v58, v0;
	_ =	sdelay $0x1  }
0x98: {  	v0 =	vadd.f32 v13, v0  }
0x99: {  	v21 =	vmul.f32 v7, v7;
	v7 =	vmul.f32 v20, v7  }
0x9a: {  	v0 =	vadd.f32 v6, v0;
	v6 =	vld [tilespmem:$0x1FE30]  }
0x9b: {  	v7 =	vadd.f32 v7, v10;
	v10 =	vmul.f32 v47, v50;
	v5 =	vadd.f32 v5, v12;
	_ =	sdelay $0x1  }
0x9c: {  	v2 =	vmul.f32 v2, v2;
	[tilespmem:$0x1FE20] =	vst v5;
	v5 =	vadd.f32 v10, v7;
	v7 =	vld [tilespmem:$0x1FE50]  }
0x9d: {  	[tilespmem:$0x1FDF0] =	vst v0;
	v0 =	vld [tilespmem:$0x1FE40]  }
0x9e: {  	v2 =	vadd.f32 v2, v6;
	v6 =	vld [tilespmem:$0x1FE60]  }
0x9f: {  	[tilespmem:$0x1FE10] =	vst v5;
	v5 =	vmul.f32 v60, v60;
	_ =	sdelay $0x1  }
0xa0: {  	v5 =	vadd.f32 v5, v7;
	v7 =	vmul.f32 v24, v24;
	v13 =	vmul.f32 v59, v59  }
0xa1: {  	v0 =	vadd.f32 v45, v0  }
0xa2: {  	v1 =	vmul.f32 v1, v1;
	v5 =	vadd.f32 v7, v5;
	v6 =	vadd.f32 v13, v6  }
0xa3: {  	v4 =	vmul.f32 v4, v4;
	v2 =	vadd.f32 v11, v2;
	v0 =	vadd.f32 v3, v0  }
0xa4: {  	v3 =	vmul.f32 v52, v52;
	v1 =	vadd.f32 v1, v6;
	v6 =	vmul.f32 v54, v54  }
0xa5: {  	v2 =	vadd.f32 v4, v2;
	v4 =	vmul.f32 v49, v49  }
0xa6: {  	v1 =	vadd.f32 v3, v1;
	v3 =	vadd.f32 v6, v5;
	v5 =	vmul.f32 v51, v51;
	_ =	sdelay $0x1  }
0xa7: {  	v6 =	vmul.f32 v40, v40;
	v1 =	vadd.f32 v4, v1;
	v3 =	vadd.f32 v5, v3;
	v5 =	vld [tilespmem:$0x1FED0]  }
0xa8: {  	v0 =	vadd.f32 v57, v0  }
0xa9: {  	v1 =	vadd.f32 v6, v1;
	v6 =	vld [tilespmem:$0x1FEC0]  }
0xaa: {  	v0 =	vadd.f32 v53, v0  }
0xab: {  	v4 =	vmul.f32 v43, v43  }
0xac: {  	v0 =	vadd.f32 v5, v0;
	v5 =	vmul.f32 v35, v35  }
0xad: {  	v3 =	vadd.f32 v4, v3;
	v4 =	vmul.f32 v36, v36  }
0xae: {  	v0 =	vadd.f32 v6, v0;
	v6 =	vmul.f32 v39, v39;
	v1 =	vadd.f32 v5, v1  }
0xaf: {  	v3 =	vadd.f32 v4, v3  }
0xb0: {  	v4 =	vmul.f32 v31, v31;
	v5 =	vmul.f32 v32, v32;
	v1 =	vadd.f32 v6, v1  }
0xb1: {  	v9 =	vmul.f32 v9, v9;
	v2 =	vadd.f32 v8, v2  }
0xb2: {  	v7 =	vld [tilespmem:$0x1FE90];
	v3 =	vadd.f32 v4, v3;
	v4 =	vmul.f32 v44, v44;
	v1 =	vadd.f32 v5, v1  }
0xb3: {  	v2 =	vadd.f32 v9, v2  }
0xb4: {  	[tilespmem:$0x1FE60] =	vst v1;
	v1 =	vadd.f32 v4, v3;
	v4 =	vld [tilespmem:$0x1FF20]  }
0xb5: {  	v2 =	vadd.f32 v21, v2;
	v0 =	vadd.f32 v30, v0;
	_ =	sdelay $0x1  }
0xb6: {  	v2 =	vadd.f32 v62, v2;
	v0 =	vadd.f32 v7, v0;
	_ =	sdelay $0x1  }
0xb7: {  	[tilespmem:$0x1FE40] =	vst v0;
	v0 =	vadd.f32 v56, v2;
	v2 =	vld [tilespmem:$0x1FF30];
	v4 =	vadd.s32 s18, v4  }
0xb8: {  	v4 =	vand.u32 $0x3F, v4  }
0xb9: {  	v8 =	vld [tilespmem:$0x1FF40];
	v7 =	vor.u32 v4, v25;
	_ =	sdelay $0x2  }
0xba: {  	v2 =	vadd.s32 s18, v2  }
0xbb: {  	v5 =	vand.u32 $0x3F, v2  }
0xbc: {  	v8 =	vadd.s32 s18, v8;
	v9 =	vor.u32 v5, v26;
	v62 =	vld.idx.msk [tilespmem:v7+s21+$0x0], $0xffff  }
0xbd: {  	v8 =	vand.u32 $0x3F, v8;
	v7 =	vld [tilespmem:$0x1FF50]  }
0xbe: {  	v10 =	vor.u32 v8, v26;
	v6 =	vlaneseq.u32  }
0xbf: {  	v6 =	vor.u32 s18, v6  }
0xc0: {  	v3 =	vor.u32 v6, v27;
	[tilespmem:$0x1FE30] =	vst v0;
	v0 =	vor.u32 v6, v25  }
0xc1: {  	[tilespmem:$0x1FE50] =	vst v1;
	v1 =	vor.u32 v6, v26;
	v6 =	vor.u32 v5, v25;
	v13 =	vld.idx.msk [tilespmem:v9+s22+$0x0], $0xffff  }
0xc2: {  	v9 =	vld [tilespmem:$0x1FF60];
	v7 =	vadd.s32 s18, v7  }
0xc3: {  	v15 =	vld.idx.msk [tilespmem:v10+s22+$0x0], $0xffff;
	v7 =	vand.u32 $0x3F, v7  }
0xc4: {  	v10 =	vld [tilespmem:$0x1FF70];
	v12 =	vor.u32 v7, v26  }
0xc5: {  	v3 =	vld.idx.msk [tilespmem:v3+s23+$0x0], $0xffff  }
0xc6: {  	v56 =	vld.idx.msk [tilespmem:v6+s21+$0x0], $0xffff;
	v6 =	vor.u32 v8, v25  }
0xc7: {  	v2 =	vld.idx.msk [tilespmem:v0+s21+$0x0], $0xffff;
	v9 =	vadd.s32 s18, v9;
	v11 =	vor.u32 v7, v25  }
0xc8: {  	v0 =	vor.u32 v4, v26;
	v1 =	vld.idx.msk [tilespmem:v1+s22+$0x0], $0xffff;
	v9 =	vand.u32 $0x3F, v9  }
0xc9: {  	v17 =	vor.u32 v9, v27;
	v18 =	vld.idx.msk [tilespmem:v12+s22+$0x0], $0xffff  }
0xca: {  	v10 =	vadd.s32 s18, v10;
	v12 =	vld [tilespmem:$0x1FF10]  }
0xcb: {  	v10 =	vand.u32 $0x3F, v10;
	v14 =	vor.u32 v7, v27;
	v7 =	vld.idx.msk [tilespmem:v6+s21+$0x0], $0xffff;
	v6 =	vor.u32 v9, v25  }
0xcc: {  	v16 =	vor.u32 v9, v26;
	v9 =	vld.idx.msk [tilespmem:v11+s21+$0x0], $0xffff;
	v11 =	vor.u32 v10, v25  }
0xcd: {  	v0 =	vld.idx.msk [tilespmem:v0+s22+$0x0], $0xffff  }
0xce: {  	v19 =	vor.u32 v10, v26;
	v4 =	vor.u32 v4, v27;
	v28 =	vld.idx.msk [tilespmem:v17+s23+$0x0], $0xffff  }
0xcf: {  	v21 =	vor.u32 v10, v27;
	v5 =	vor.u32 v5, v27;
	v10 =	vld [tilespmem:$0x1FFA0];
	v12 =	vadd.s32 s18, v12  }
0xd0: {  	v8 =	vor.u32 v8, v27;
	v20 =	vand.u32 $0x3F, v12;
	v12 =	vld.idx.msk [tilespmem:v6+s21+$0x0], $0xffff  }
0xd1: {  	v6 =	vor.u32 v20, v25;
	v24 =	vor.u32 v20, v26;
	v17 =	vor.u32 v20, v27;
	v20 =	vld.idx.msk [tilespmem:v11+s21+$0x0], $0xffff  }
0xd2: {  	v11 =	vld [tilespmem:$0x1FF80]  }
0xd3: {  	v4 =	vld.idx.msk [tilespmem:v4+s23+$0x0], $0xffff  }
0xd4: {  	v5 =	vld.idx.msk [tilespmem:v5+s23+$0x0], $0xffff;
	v10 =	vadd.s32 s18, v10  }
0xd5: {  	v8 =	vld.idx.msk [tilespmem:v8+s23+$0x0], $0xffff;
	v29 =	vand.u32 $0x3F, v10  }
0xd6: {  	v14 =	vld.idx.msk [tilespmem:v14+s23+$0x0], $0xffff;
	v30 =	vor.u32 v29, v25  }
0xd7: {  	v11 =	vadd.s32 s18, v11;
	v37 =	vld.idx.msk [tilespmem:v6+s21+$0x0], $0xffff  }
0xd8: {  	v10 =	vmul.f32 v2, v2;
	v42 =	vld.idx.msk [tilespmem:v17+s23+$0x0], $0xffff;
	v34 =	vand.u32 $0x3F, v11  }
0xd9: {  	v33 =	vsub.f32 v3, v1;
	v11 =	vmul.f32 v1, v1;
	v1 =	vld.idx.msk [tilespmem:v21+s23+$0x0], $0xffff;
	v21 =	vor.u32 v34, v26  }
0xda: {  	[tilespmem:$0x1FDE0] =	vst v10;
	v17 =	vld [tilespmem:$0x1FFB0]  }
0xdb: {  	v10 =	vmul.f32 v3, v3;
	v6 =	vmul.f32 v56, v56;
	v50 =	vld.idx.msk [tilespmem:v30+s21+$0x0], $0xffff;
	v3 =	vor.u32 v34, v27  }
0xdc: {  	v30 =	vld [tilespmem:$0x1FFF0]  }
0xdd: {  	[tilespmem:$0x1FE00] =	vst v6;
	v6 =	vld [tilespmem:$0x1FF90]  }
0xde: {  	v22 =	vmul.f32 v13, v13;
	v45 =	vld.idx.msk [tilespmem:v21+s22+$0x0], $0xffff  }
0xdf: {  	v58 =	vmul.f32 v15, v15;
	v23 =	vmul.f32 v62, v62;
	v21 =	vld [tilespmem:$0x1FFC0]  }
0xe0: {  	v48 =	vsub.f32 v4, v0;
	v0 =	vmul.f32 v0, v0;
	[tilespmem:$0x1FE80] =	vst v22;
	v17 =	vadd.s32 s18, v17;
	v31 =	vld.idx.msk [tilespmem:v3+s23+$0x0], $0xffff  }
0xe1: {  	v46 =	vmul.f32 v4, v4;
	[tilespmem:$0x1FEA0] =	vst v23;
	v23 =	vsub.f32 v14, v18;
	v22 =	vand.u32 $0x3F, v17;
	v3 =	vld [tilespmem:$0x1FFD0]  }
0xe2: {  	[tilespmem:$0x1FEB0] =	vst v0;
	v38 =	vld.idx.msk [tilespmem:v24+s22+$0x0], $0xffff;
	v24 =	vor.u32 v29, v26;
	v6 =	vadd.s32 s18, v6;
	v0 =	vor.u32 v22, v27  }
0xe3: {  	v47 =	vand.u32 $0x3F, v6;
	v6 =	vmul.f32 v5, v5;
	v5 =	vsub.f32 v5, v13;
	v13 =	vld [tilespmem:$0x1FFE0]  }
0xe4: {  	v53 =	vmul.f32 v28, v28;
	v63 =	vadd.s32 s18, v30;
	v17 =	vor.u32 v47, v27  }
0xe5: {  	v19 =	vld.idx.msk [tilespmem:v19+s22+$0x0], $0xffff;
	v39 =	vand.u32 $0x3F, v63;
	v63 =	vmul.f32 v18, v18;
	v21 =	vadd.s32 s18, v21  }
0xe6: {  	v16 =	vld.idx.msk [tilespmem:v16+s22+$0x0], $0xffff;
	v60 =	vor.u32 v47, v26;
	v3 =	vadd.s32 s18, v3;
	v21 =	vand.u32 $0x3F, v21  }
0xe7: {  	v32 =	vld.idx.msk [tilespmem:v24+s22+$0x0], $0xffff;
	[tilespmem:$0x1FE90] =	vst v6;
	v6 =	vor.u32 v29, v27;
	v3 =	vand.u32 $0x3F, v3;
	v4 =	vor.u32 v21, v26  }
0xe8: {  	v43 =	vld.idx.msk [tilespmem:v0+s23+$0x0], $0xffff;
	v0 =	vmul.f32 v8, v8;
	v13 =	vadd.s32 s18, v13;
	v24 =	vor.u32 v3, v26  }
0xe9: {  	v29 =	vsub.f32 v8, v15;
	v36 =	vld.idx.msk [tilespmem:v17+s23+$0x0], $0xffff;
	v13 =	vand.u32 $0x3F, v13;
	v17 =	vor.u32 v3, v27  }
0xea: {  	[tilespmem:$0x1FEC0] =	vst v0;
	v0 =	vmul.f32 v14, v14;
	v14 =	vor.u32 v39, v27;
	v41 =	vor.u32 v13, v26  }
0xeb: {  	v35 =	vld.idx.msk [tilespmem:v60+s22+$0x0], $0xffff;
	v18 =	vor.u32 v3, v25;
	v3 =	vmul.f32 v42, v42;
	v15 =	vor.u32 v13, v27  }
0xec: {  	v13 =	vor.u32 v13, v25;
	[tilespmem:$0x1FED0] =	vst v0;
	v0 =	vmul.f32 v16, v16;
	v49 =	vld.idx.msk [tilespmem:v4+s22+$0x0], $0xffff  }
0xed: {  	v16 =	vsub.f32 v28, v16;
	v28 =	vsub.f32 v42, v38;
	v42 =	vmul.f32 v23, v9;
	v52 =	vld.idx.msk [tilespmem:v24+s22+$0x0], $0xffff  }
0xee: {  	v23 =	vor.u32 v39, v25;
	v4 =	vor.u32 v39, v26;
	v39 =	vmovc v45;
	v45 =	vmov v10;
	v10 =	vld [tilespmem:$0x1FDB0]  }
0xef: {  	v59 =	vld.idx.msk [tilespmem:v41+s22+$0x0], $0xffff  }
0xf0: {  	v60 =	vld.idx.msk [tilespmem:v15+s23+$0x0], $0xffff  }
0xf1: {  	v30 =	vsub.f32 v1, v19;
	v54 =	vld.idx.msk [tilespmem:v17+s23+$0x0], $0xffff  }
0xf2: {  	v8 =	vmul.f32 v19, v19;
	v19 =	vor.u32 v34, v25;
	v34 =	vmul.f32 v33, v2;
	v2 =	vld.idx.msk [tilespmem:v13+s21+$0x0], $0xffff  }
0xf3: {  	v24 =	vld.idx.msk [tilespmem:v14+s23+$0x0], $0xffff  }
0xf4: {  	v57 =	vmul.f32 v1, v1;
	v34 =	vadd.f32 v34, v10;
	v10 =	vld [tilespmem:$0x1FDC0]  }
0xf5: {  	v16 =	vmul.f32 v16, v12;
	v17 =	vmul.f32 v12, v12;
	v1 =	vld.idx.msk [tilespmem:v4+s22+$0x0], $0xffff;
	v12 =	vsub.f32 v60, v59  }
0xf6: {  	v61 =	vor.u32 v22, v26;
	v22 =	vor.u32 v22, v25;
	v14 =	vmul.f32 v29, v7;
	v4 =	vld.idx.msk [tilespmem:v18+s21+$0x0], $0xffff  }
0xf7: {  	v44 =	vld.idx.msk [tilespmem:v6+s23+$0x0], $0xffff;
	v6 =	vor.u32 v21, v27;
	v29 =	vmul.f32 v30, v20;
	v12 =	vmul.f32 v12, v2  }
0xf8: {  	v30 =	vor.u32 v21, v25;
	v15 =	vmul.f32 v37, v37;
	v13 =	vmul.f32 v48, v62  }
0xf9: {  	v48 =	vmul.f32 v28, v37;
	v21 =	vsub.f32 v54, v52;
	v37 =	vadd.f32 v12, v10;
	v12 =	vld.idx.msk [tilespmem:v23+s21+$0x0], $0xffff  }
0xfa: {  	v10 =	vld [tilespmem:$0x1FDD0]  }
0xfb: {  	v23 =	vmul.f32 v21, v4;
	v21 =	vld [tilespmem:$0x1FDE0];
	_ =	sdelay $0x1  }
0xfc: {  	v40 =	vld.idx.msk [tilespmem:v61+s22+$0x0], $0xffff;
	v33 =	vor.u32 v47, v25  }
0xfd: {  	v61 =	vmul.f32 v9, v9;
	v9 =	vld.idx.msk [tilespmem:v22+s21+$0x0], $0xffff  }
0xfe: {  	v19 =	vld.idx.msk [tilespmem:v19+s21+$0x0], $0xffff  }
0xff: {  	v10 =	vadd.f32 v21, v10;
	v21 =	vld [tilespmem:$0x1FDF0]  }
0x100: {  	p0 =	sne.s32 s18, $0x30;
	v55 =	vmul.f32 v7, v7;
	v51 =	vld.idx.msk [tilespmem:v6+s23+$0x0], $0xffff  }
.Ltmp0:
0x101: {  	v5 =	vmul.f32 v5, v56;
	v56 =	vmul.f32 v50, v50;
	v22 =	vsub.f32 v43, v40;
	v7 =	vld.idx.msk [tilespmem:v33+s21+$0x0], $0xffff;
	(pc) =	sbr.rel @p0 .LBB2_3-.Ltmp0, $4  }
0x102: {  	v6 =	vmul.f32 v20, v20;
	v47 =	vsub.f32 v44, v32;
	v34 =	vadd.f32 v29, v34;
	v29 =	vld [tilespmem:$0x1FE10]  }
0x103: {  	v41 =	vmul.f32 v38, v38;
	v20 =	vsub.f32 v36, v35;
	v37 =	vadd.f32 v23, v37;
	v23 =	vld [tilespmem:$0x1FE20]  }
0x104: {  	v38 =	vmul.f32 v22, v9;
	v18 =	vsub.f32 v31, v39;
	v21 =	vadd.f32 v11, v21;
	v11 =	vld.idx.msk [tilespmem:v30+s21+$0x0], $0xffff  }
0x105: {  	s18 =	sadd.s32 $0x10, s18;
	v62 =	vmul.f32 v19, v19;
	v28 =	vsub.f32 v51, v49;
	v33 =	vsub.f32 v24, v1;
	v30 =	vmovc v46;
	v46 =	vld [tilespmem:$0x1FE00]  }
0x106: {  	_ = 	snop  }
0x107: {  	v22 =	vmul.f32 v33, v12;
	_ =	sdelay $0x1  }
0x108: {  	v23 =	vadd.f32 v48, v23;
	v22 =	vadd.f32 v22, v29;
	v25 =	vmul.f32 v28, v11;
	_ =	sdelay $0x1  }
0x109: {  	v20 =	vmul.f32 v20, v7;
	v16 =	vadd.f32 v16, v23;
	v22 =	vadd.f32 v25, v22  }
0x10a: {  	v42 =	vadd.f32 v42, v34;
	v18 =	vmul.f32 v18, v19;
	v48 =	vadd.f32 v38, v37  }
0x10b: {  	v19 =	vmul.f32 v47, v50;
	v14 =	vadd.f32 v14, v16;
	v16 =	vadd.f32 v20, v22  }
0x10c: {  	v13 =	vadd.f32 v13, v42;
	v18 =	vadd.f32 v18, v48  }
0x10d: {  	v5 =	vadd.f32 v5, v14;
	v14 =	vadd.f32 v19, v16;
	_ =	sdelay $0x1  }
0x10e: {  	v13 =	vadd.f32 v18, v13;
	v5 =	vadd.f32 v14, v5;
	_ =	sdelay $0x1  }
0x10f: {  	v5 =	vadd.f32 v5, v13;
	_ =	sdelay $0x1  }
0x110: {  	v13 =	vand.u32 $0x7FFFFFFF, v5  }
0x111: {  	v13 =	vsub.f32 $0.0e+00, v13;
	_ =	sdelay $0x1  }
0x112: {  	v13 =	vmul.f32 $1.442695020e+00, v13;
	_ =	sdelay $0x1  }
0x113: {  	(erf) = vpow2.f32 v13;
	_ =	sdelay $0x2  }
0x114: {  	v10 =	vadd.f32 v15, v10  }
0x115: {  	v13 =	vadd.f32 v41, v21  }
0x116: {  	v6 =	vadd.f32 v6, v10  }
0x117: {  	v8 =	vadd.f32 v8, v13  }
0x118: {  	v6 =	vadd.f32 v17, v6  }
0x119: {  	v0 =	vadd.f32 v0, v8;
	v8 =	vld [tilespmem:$0x1FEA0]  }
0x11a: {  	v6 =	vadd.f32 v61, v6;
	v10 =	vpop (erf)  }
0x11b: {  	v13 =	vadd.f32 $2.000000000e+00, v10  }
0x11c: {  	v6 =	vadd.f32 v55, v6  }
0x11d: {  	(erf) = vrcp.f32 v13  }
0x11e: {  	v6 =	vadd.f32 v8, v6;
	v8 =	vld [tilespmem:$0x1FEB0]  }
0x11f: {  	v0 =	vadd.f32 v63, v0  }
0x120: {  	v16 =	vadd.f32 v46, v6;
	v6 =	vld [tilespmem:$0x1FE80]  }
0x121: {  	v0 =	vadd.f32 v58, v0;
	v13 =	vld [tilespmem:$0x1FE30];
	_ =	sdelay $0x1  }
0x122: {  	v0 =	vadd.f32 v8, v0  }
0x123: {  	v2 =	vmul.f32 v2, v2;
	v15 =	vld [tilespmem:$0x1FE60]  }
0x124: {  	v14 =	vadd.f32 v6, v0;
	v6 =	vld [tilespmem:$0x1FE40]  }
0x125: {  	v2 =	vadd.f32 v2, v13;
	v13 =	vpop (erf)  }
0x126: {  	v0 =	vmul.f32 v59, v59;
	v10 =	vmul.f32 v13, v10;
	v13 =	vld [tilespmem:$0x1FE50];
	_ =	sdelay $0x1  }
0x127: {  	v1 =	vmul.f32 v1, v1;
	v12 =	vmul.f32 v12, v12;
	v0 =	vadd.f32 v0, v15  }
0x128: {  	v8 =	vmul.f32 v60, v60;
	v6 =	vadd.f32 v45, v6  }
0x129: {  	v2 =	vadd.f32 v12, v2;
	v0 =	vadd.f32 v1, v0;
	v1 =	vmul.f32 v4, v4  }
0x12a: {  	v3 =	vadd.f32 v3, v6;
	v6 =	vmul.f32 v24, v24;
	v8 =	vadd.f32 v8, v13  }
0x12b: {  	v4 =	vmul.f32 v52, v52;
	v12 =	vmul.f32 v10, v10  }
0x12c: {  	v1 =	vadd.f32 v1, v2;
	v2 =	vmul.f32 v54, v54;
	v6 =	vadd.f32 v6, v8  }
0x12d: {  	v0 =	vadd.f32 v4, v0;
	v8 =	vmul.f32 $2.857142980e-01, v12  }
0x12e: {  	v4 =	vmul.f32 v11, v11;
	v2 =	vadd.f32 v2, v6;
	v6 =	vmul.f32 v51, v51  }
0x12f: {  	v11 =	vmul.f32 v49, v49;
	v8 =	vadd.f32 $4.000000060e-01, v8  }
0x130: {  	v1 =	vadd.f32 v4, v1;
	v2 =	vadd.f32 v6, v2;
	v6 =	vmul.f32 v9, v9  }
0x131: {  	v0 =	vadd.f32 v11, v0;
	v4 =	vmul.f32 v8, v12;
	v8 =	vmul.f32 v40, v40;
	v9 =	vld [tilespmem:$0x1FED0]  }
0x132: {  	v3 =	vadd.f32 v57, v3;
	v1 =	vadd.f32 v6, v1  }
0x133: {  	v38 =	vld [tilespmem:$0x1FF10];
	v0 =	vadd.f32 v8, v0;
	v6 =	vmul.f32 v7, v7;
	v7 =	vmul.f32 v35, v35  }
0x134: {  	v3 =	vadd.f32 v53, v3;
	v8 =	vld [tilespmem:$0x1FEC0]  }
0x135: {  	v48 =	vld [tilespmem:$0x1FFD0];
	v4 =	vadd.f32 $6.666666860e-01, v4;
	v0 =	vadd.f32 v7, v0  }
0x136: {  	v18 =	vld [tilespmem:$0x1FF70];
	v7 =	vmul.f32 v39, v39;
	v3 =	vadd.f32 v9, v3;
	v9 =	vmul.f32 v43, v43  }
0x137: {  	v15 =	vld [tilespmem:$0x1FF60];
	v4 =	vmul.f32 v4, v12;
	v1 =	vadd.f32 v6, v1  }
0x138: {  	v6 =	vmul.f32 v36, v36;
	v0 =	vadd.f32 v7, v0;
	v7 =	vld [tilespmem:$0x1FE90];
	v2 =	vadd.f32 v9, v2  }
0x139: {  	v54 =	vld [tilespmem:$0x1FFF0];
	v4 =	vadd.f32 $2.000000000e+00, v4;
	v3 =	vadd.f32 v8, v3  }
0x13a: {  	v40 =	vld [tilespmem:$0x1FFE0];
	v2 =	vadd.f32 v6, v2;
	v6 =	vmul.f32 v31, v31  }
0x13b: {  	v35 =	vld [tilespmem:$0x1FFB0];
	v4 =	vmul.f32 v4, v10;
	v3 =	vadd.f32 v30, v3  }
0x13c: {  	v5 =	vmax.f32 v5, $0.0e+00;
	v39 =	vld [tilespmem:$0x1FFC0];
	v2 =	vadd.f32 v6, v2  }
0x13d: {  	v12 =	vld [tilespmem:$0x1FF50];
	v7 =	vadd.f32 v7, v3;
	v3 =	vadd.f32 v4, v5;
	v4 =	vmul.f32 v44, v44  }
0x13e: {  	s1 =	sadd.s32 $0x1, s1;
	v8 =	vld [tilespmem:$0x1FF40]  }
0x13f: {  	p0 =	sne.s32 s1, $0x8;
	v4 =	vadd.f32 v4, v2;
	v2 =	vld [tilespmem:$0x1FE70]  }
.Ltmp1:
0x140: {  	v31 =	vld [tilespmem:$0x1FF90];
	(pc) =	sbr.rel @p0 .LBB2_2-.Ltmp1, $4  }
0x141: {  	v1 =	vadd.f32 v62, v1;
	v30 =	vld [tilespmem:$0x1FF80]  }
0x142: {  	v6 =	vmul.f32 v32, v32;
	v5 =	vld [tilespmem:$0x1FF20]  }
0x143: {  	v9 =	vadd.f32 v56, v1;
	v32 =	vld [tilespmem:$0x1FFA0]  }
0x144: {  	v29 =	vlaneseq.u32;
	v1 =	vadd.f32 v6, v0;
	v6 =	vld [tilespmem:$0x1FF30];
	v2 =	vadd.f32 v3, v2  }
0x145: {  	s1 =	simm.s32 $0x100  }
0x146: {  	[tilespmem:s21], [sflag:$0x1] =	stream.indirect.gather [hbm4b:s3+s20], $0x80, s1, s20, $0xb8;
	[tilespmem:$0x18D00] =	vst v63  }
0x147: {  	s18 =	simm.s32 $0x300  }
0x148: {  	[tilespmem:s22], [sflag:$0x1] =	stream.indirect.gather [hbm4b:s4+s20], $0x80, s18, s20, $0xb8;
	[tilespmem:$0x18D00] =	vst v63  }
0x149: {  	s19 =	simm.s32 $0x500  }
0x14a: {  	[tilespmem:s23], [sflag:$0x1] =	stream.indirect.gather [hbm4b:s4+s20], $0x80, s19, s20, $0xb8;
	[tilespmem:$0x18D00] =	vst v63  }
0x14b: {  	_ =	swait.ge [sflag:s17], $0x4000  }
0x14c: {  	[sflag:s17] =	ssyncset.done $0x0  }
0x14d: {  	[sflag:s17] =	ssyncadd.s32 $0xFFFFC000  }
0x14e: {  	_ =	swait.ge [sflag:s17], $0x4000  }
0x14f: {  	[sflag:s17] =	ssyncset.done $0x0  }
0x150: {  	[sflag:s17] =	ssyncadd.s32 $0xFFFFC000  }
0x151: {  	_ =	swait.ge [sflag:s17], $0x4000  }
0x152: {  	[sflag:s17] =	ssyncset.done $0x0  }
0x153: {  	s1 =	simm.s32 $0x0;
	s18 =	simm.s32 $0x0;
	[sflag:s17] =	ssyncadd.s32 $0xFFFFC000  }
.LBB2_6:
0x154: {  	[tilespmem:$0x1FE50] =	vst v4;
	s19 =	sshll.u32 s18, $0x4;
	v4 =	vld [tilespmem:$0x1FF00]  }
0x155: {  	v0 =	vld [tilespmem:s19+$0x680]  }
0x156: {  	[tilespmem:$0x1FE60] =	vst v1;
	v1 =	vld [tilespmem:s19+$0x880]  }
0x157: {  	[tilespmem:$0x1FE70] =	vst v2;
	v2 =	vld [tilespmem:s19+$0xA80];
	_ =	sdelay $0x1  }
0x158: {  	v3 =	vmov s19  }
0x159: {  	v3 =	vshll.u32 v3, $0x7  }
0x15a: {  	v3 =	vor.u32 v4, v3;
	v0 =	vshll.u32 v0, $0x6  }
0x15b: {  	v1 =	vshll.u32 v1, $0x6;
	v2 =	vshll.u32 v2, $0x6;
	v0 =	vand.u32 $0x40, v0  }
0x15c: {  	v1 =	vand.u32 $0x40, v1;
	v24 =	vor.u32 v3, v0;
	v0 =	vor.u32 s1, v29  }
0x15d: {  	v2 =	vand.u32 $0x40, v2;
	v25 =	vor.u32 v3, v1;
	v1 =	vor.u32 v0, v24  }
0x15e: {  	v4 =	vadd.s32 s1, v5;
	v26 =	vor.u32 v3, v2;
	v2 =	vor.u32 v0, v25  }
0x15f: {  	v4 =	vand.u32 $0x3F, v4;
	v0 =	vor.u32 v0, v26  }
0x160: {  	v3 =	vadd.s32 s1, v6;
	v6 =	vor.u32 v4, v24  }
0x161: {  	[tilespmem:$0x1FE40] =	vst v7;
	v8 =	vadd.s32 s1, v8;
	v7 =	vor.u32 v4, v25  }
0x162: {  	v8 =	vand.u32 $0x3F, v8;
	v4 =	vor.u32 v4, v26;
	v58 =	vld.idx.msk [tilespmem:v1+s24+$0x0], $0xffff  }
0x163: {  	v10 =	vor.u32 v8, v24;
	v2 =	vld.idx.msk [tilespmem:v2+s26+$0x0], $0xffff  }
0x164: {  	v11 =	vadd.s32 s1, v12;
	v12 =	vor.u32 v8, v25;
	v0 =	vld.idx.msk [tilespmem:v0+s29+$0x0], $0xffff  }
0x165: {  	v11 =	vand.u32 $0x3F, v11;
	v8 =	vor.u32 v8, v26;
	v56 =	vld.idx.msk [tilespmem:v6+s24+$0x0], $0xffff  }
0x166: {  	v13 =	vor.u32 v11, v24;
	v7 =	vld.idx.msk [tilespmem:v7+s26+$0x0], $0xffff  }
0x167: {  	[tilespmem:$0x1FEF0] =	vst v14;
	v14 =	vadd.s32 s1, v15;
	v15 =	vor.u32 v11, v25;
	v4 =	vld.idx.msk [tilespmem:v4+s29+$0x0], $0xffff  }
0x168: {  	v14 =	vand.u32 $0x3F, v14;
	v11 =	vor.u32 v11, v26;
	v10 =	vld.idx.msk [tilespmem:v10+s24+$0x0], $0xffff  }
0x169: {  	[tilespmem:$0x1FEE0] =	vst v16;
	v16 =	vor.u32 v14, v24;
	v12 =	vld.idx.msk [tilespmem:v12+s26+$0x0], $0xffff  }
0x16a: {  	v17 =	vadd.s32 s1, v18;
	v18 =	vor.u32 v14, v25;
	v8 =	vld.idx.msk [tilespmem:v8+s29+$0x0], $0xffff  }
0x16b: {  	v17 =	vand.u32 $0x3F, v17;
	v14 =	vor.u32 v14, v26;
	v19 =	vld.idx.msk [tilespmem:v13+s24+$0x0], $0xffff  }
0x16c: {  	v3 =	vand.u32 $0x3F, v3;
	v21 =	vor.u32 v17, v25;
	v15 =	vld.idx.msk [tilespmem:v15+s26+$0x0], $0xffff  }
0x16d: {  	v5 =	vor.u32 v3, v24;
	v45 =	vld.idx.msk [tilespmem:v11+s29+$0x0], $0xffff  }
0x16e: {  	[tilespmem:$0x1FE30] =	vst v9;
	v9 =	vor.u32 v3, v25;
	v22 =	vld.idx.msk [tilespmem:v16+s24+$0x0], $0xffff  }
0x16f: {  	v20 =	vadd.s32 s1, v38;
	v13 =	vor.u32 v17, v24;
	v18 =	vld.idx.msk [tilespmem:v18+s26+$0x0], $0xffff  }
0x170: {  	v20 =	vand.u32 $0x3F, v20;
	v17 =	vor.u32 v17, v26;
	v14 =	vld.idx.msk [tilespmem:v14+s29+$0x0], $0xffff  }
0x171: {  	v16 =	vor.u32 v20, v24;
	v21 =	vld.idx.msk [tilespmem:v21+s26+$0x0], $0xffff  }
0x172: {  	v27 =	vadd.s32 s1, v32;
	v3 =	vor.u32 v3, v26;
	v5 =	vld.idx.msk [tilespmem:v5+s24+$0x0], $0xffff  }
0x173: {  	v28 =	vadd.s32 s1, v30;
	v30 =	vadd.s32 s1, v39;
	v23 =	vor.u32 v20, v25;
	v9 =	vld.idx.msk [tilespmem:v9+s26+$0x0], $0xffff  }
0x174: {  	v27 =	vand.u32 $0x3F, v27;
	v28 =	vand.u32 $0x3F, v28;
	v20 =	vor.u32 v20, v26;
	v34 =	vld.idx.msk [tilespmem:v13+s24+$0x0], $0xffff  }
0x175: {  	v33 =	vand.u32 $0x3F, v30;
	v52 =	vsub.f32 v0, v2;
	v13 =	vor.u32 v27, v24;
	v46 =	vld.idx.msk [tilespmem:v17+s29+$0x0], $0xffff  }
0x176: {  	v0 =	vmul.f32 v0, v0;
	v17 =	vadd.s32 s1, v31;
	v47 =	vld.idx.msk [tilespmem:v16+s24+$0x0], $0xffff;
	v16 =	vor.u32 v27, v25  }
0x177: {  	v3 =	vld.idx.msk [tilespmem:v3+s29+$0x0], $0xffff;
	v50 =	vsub.f32 v4, v7;
	v6 =	vmul.f32 v7, v7;
	v7 =	vor.u32 v33, v25  }
0x178: {  	v60 =	vld.idx.msk [tilespmem:v23+s26+$0x0], $0xffff;
	v44 =	vmul.f32 v4, v4;
	v55 =	vand.u32 $0x3F, v17;
	v17 =	vor.u32 v27, v26  }
0x179: {  	v20 =	vld.idx.msk [tilespmem:v20+s29+$0x0], $0xffff;
	v4 =	vadd.s32 s1, v48;
	v1 =	vmul.f32 v5, v5;
	[tilespmem:$0x1FD30] =	vst v0;
	v0 =	vor.u32 v28, v26  }
0x17a: {  	v4 =	vand.u32 $0x3F, v4;
	v27 =	vor.u32 v55, v25;
	v49 =	vld.idx.msk [tilespmem:v13+s24+$0x0], $0xffff  }
0x17b: {  	v23 =	vadd.s32 s1, v35;
	v53 =	vor.u32 v4, v26;
	[tilespmem:$0x1FD40] =	vst v1;
	v1 =	vmul.f32 v9, v9;
	v43 =	vld.idx.msk [tilespmem:v16+s26+$0x0], $0xffff  }
0x17c: {  	v41 =	vmul.f32 v2, v2;
	v2 =	vor.u32 v28, v25;
	v59 =	vsub.f32 v3, v9;
	v48 =	vld.idx.msk [tilespmem:v7+s26+$0x0], $0xffff  }
0x17d: {  	v23 =	vand.u32 $0x3F, v23;
	[tilespmem:$0x1FD50] =	vst v1;
	v1 =	vmul.f32 v3, v3;
	v13 =	vor.u32 v55, v26;
	v3 =	vld.idx.msk [tilespmem:v17+s29+$0x0], $0xffff  }
0x17e: {  	v37 =	vmul.f32 v58, v58;
	v32 =	vld.idx.msk [tilespmem:v0+s29+$0x0], $0xffff;
	v0 =	vor.u32 v23, v26  }
0x17f: {  	v62 =	vadd.s32 s1, v54;
	[tilespmem:$0x1FD60] =	vst v1;
	v1 =	vmul.f32 v56, v56;
	v35 =	vld.idx.msk [tilespmem:v27+s26+$0x0], $0xffff;
	v27 =	vor.u32 v4, v25  }
0x180: {  	v63 =	vsub.f32 v8, v12;
	v17 =	vadd.s32 s1, v40;
	v4 =	vor.u32 v4, v24;
	v53 =	vld.idx.msk [tilespmem:v53+s29+$0x0], $0xffff  }
0x181: {  	v54 =	vmul.f32 v10, v10;
	v17 =	vand.u32 $0x3F, v17;
	[tilespmem:$0x1FD70] =	vst v1;
	v1 =	vld.idx.msk [tilespmem:v2+s26+$0x0], $0xffff;
	v2 =	vor.u32 v23, v25  }
0x182: {  	v57 =	vmul.f32 v12, v12;
	[tilespmem:$0x1FD80] =	vst v6;
	v6 =	vand.u32 $0x3F, v62;
	v36 =	vld.idx.msk [tilespmem:v13+s29+$0x0], $0xffff;
	v13 =	vor.u32 v17, v25  }
0x183: {  	v28 =	vor.u32 v28, v24;
	v9 =	vor.u32 v33, v26;
	v12 =	vor.u32 v6, v25;
	v42 =	vld.idx.msk [tilespmem:v0+s29+$0x0], $0xffff  }
0x184: {  	v16 =	vsub.f32 v45, v15;
	v11 =	vsub.f32 v46, v21;
	v0 =	vmul.f32 v8, v8;
	v51 =	vld.idx.msk [tilespmem:v27+s26+$0x0], $0xffff  }
0x185: {  	v27 =	vmul.f32 v52, v58;
	v8 =	vmul.f32 v21, v21;
	v21 =	vor.u32 v23, v24;
	v4 =	vld.idx.msk [tilespmem:v4+s24+$0x0], $0xffff  }
0x186: {  	v31 =	vld.idx.msk [tilespmem:v2+s26+$0x0], $0xffff;
	v2 =	vor.u32 v17, v26;
	v39 =	vmov v1;
	[tilespmem:$0x1FD90] =	vst v0;
	v1 =	vor.u32 v17, v24  }
0x187: {  	v0 =	vmul.f32 v45, v45;
	v17 =	vmul.f32 v18, v18;
	v18 =	vsub.f32 v14, v18;
	v58 =	vld.idx.msk [tilespmem:v13+s26+$0x0], $0xffff  }
0x188: {  	v45 =	vmov v3;
	v3 =	vor.u32 v6, v26;
	v13 =	vmul.f32 v50, v56;
	v50 =	vld.idx.msk [tilespmem:v9+s29+$0x0], $0xffff  }
0x189: {  	[tilespmem:$0x1FDA0] =	vst v0;
	v0 =	vmul.f32 v22, v22;
	v23 =	vmul.f32 v18, v22;
	v22 =	vor.u32 v6, v24;
	v6 =	vld [tilespmem:$0x1FEE0]  }
0x18a: {  	v61 =	vmul.f32 v19, v19;
	v62 =	vmul.f32 v15, v15;
	v9 =	vsub.f32 v20, v60;
	v18 =	vld.idx.msk [tilespmem:v28+s24+$0x0], $0xffff  }
0x18b: {  	v5 =	vmul.f32 v59, v5;
	v7 =	vmul.f32 v34, v34;
	v59 =	vld.idx.msk [tilespmem:v2+s29+$0x0], $0xffff  }
0x18c: {  	v15 =	vmul.f32 v47, v47;
	v47 =	vmul.f32 v9, v47;
	v9 =	vld.idx.msk [tilespmem:v21+s24+$0x0], $0xffff  }
0x18d: {  	v30 =	vimm.f32 $0.0e+00;
	v16 =	vmul.f32 v16, v19;
	v11 =	vmul.f32 v11, v34;
	v2 =	vld.idx.msk [tilespmem:v1+s24+$0x0], $0xffff  }
0x18e: {  	v52 =	vmul.f32 v14, v14;
	v14 =	vmul.f32 v63, v10;
	v27 =	vadd.f32 v27, v30;
	v21 =	vld [tilespmem:$0x1FEF0]  }
0x18f: {  	v19 =	vsub.f32 v32, v39;
	v1 =	vld.idx.msk [tilespmem:v12+s26+$0x0], $0xffff;
	v12 =	vor.u32 v55, v24;
	v55 =	vor.u32 v33, v24  }
0x190: {  	v56 =	vmul.f32 v46, v46;
	v46 =	vsub.f32 v45, v43;
	v10 =	vsub.f32 v59, v58  }
0x191: {  	v40 =	vimm.f32 $0.0e+00;
	v63 =	vld.idx.msk [tilespmem:v3+s29+$0x0], $0xffff;
	v28 =	vsub.f32 v42, v31;
	v33 =	vadd.f32 v11, v27  }
0x192: {  	v3 =	vmul.f32 v10, v2;
	v10 =	vadd.f32 v37, v6;
	v6 =	vsub.f32 v53, v51  }
0x193: {  	v27 =	vsub.f32 v50, v48;
	v21 =	vadd.f32 v41, v21;
	v41 =	vmul.f32 v60, v60  }
0x194: {  	v60 =	vmul.f32 v18, v18;
	v11 =	vld.idx.msk [tilespmem:v55+s24+$0x0], $0xffff;
	v34 =	vadd.f32 v3, v30;
	v37 =	vmul.f32 v6, v4  }
0x195: {  	v55 =	vmul.f32 v49, v49;
	v3 =	vmul.f32 v20, v20;
	v6 =	vld.idx.msk [tilespmem:v12+s24+$0x0], $0xffff;
	v20 =	vsub.f32 v36, v35  }
0x196: {  	s19 =	simm.s32 $0x10;
	v12 =	vld.idx.msk [tilespmem:v22+s24+$0x0], $0xffff;
	v34 =	vadd.f32 v37, v34;
	v37 =	vmul.f32 v28, v9;
	v28 =	vsub.f32 v63, v1  }
.LBB2_7:
0x197: {  	v16 =	vadd.f32 v16, v33  }
0x198: {  	v10 =	vadd.f32 v15, v10;
	v15 =	vadd.f32 v41, v21  }
0x199: {  	v41 =	vadd.f32 v37, v34;
	v18 =	vmul.f32 v19, v18;
	v13 =	vadd.f32 v13, v16;
	_ =	sdelay $0x1  }
0x19a: {  	v7 =	vadd.f32 v7, v10;
	[tilespmem:$0x1FCE0] =	vst v13;
	v13 =	vadd.f32 v18, v41  }
0x19b: {  	v10 =	vmul.f32 v28, v12;
	v8 =	vadd.f32 v8, v15  }
0x19c: {  	v0 =	vadd.f32 v0, v7;
	[tilespmem:$0x1FCF0] =	vst v13;
	v13 =	vadd.f32 v47, v30  }
0x19d: {  	v10 =	vadd.f32 v10, v40;
	v7 =	vadd.f32 v17, v8  }
0x19e: {  	v8 =	vmul.f32 v11, v11;
	v11 =	vmul.f32 v27, v11;
	v13 =	vadd.f32 v23, v13  }
0x19f: {  	v21 =	vmul.f32 v6, v6;
	v6 =	vmul.f32 v20, v6  }
0x1a0: {  	v10 =	vadd.f32 v11, v10;
	v11 =	vmul.f32 v12, v12;
	v12 =	vadd.f32 v14, v13;
	_ =	sdelay $0x1  }
0x1a1: {  	v6 =	vadd.f32 v6, v10;
	v10 =	vmul.f32 v46, v49;
	v13 =	vld [tilespmem:$0x1FD70];
	v5 =	vadd.f32 v5, v12  }
0x1a2: {  	v0 =	vadd.f32 v61, v0  }
0x1a3: {  	[tilespmem:$0x1FD20] =	vst v5;
	v5 =	vadd.f32 v10, v6;
	v6 =	vld [tilespmem:$0x1FD40]  }
0x1a4: {  	v0 =	vadd.f32 v54, v0;
	_ =	sdelay $0x1  }
0x1a5: {  	v0 =	vadd.f32 v13, v0;
	_ =	sdelay $0x1  }
0x1a6: {  	v13 =	vld [tilespmem:$0x1FD80];
	v0 =	vadd.f32 v6, v0  }
0x1a7: {  	v7 =	vadd.f32 v62, v7  }
0x1a8: {  	[tilespmem:$0x1FD00] =	vst v0;
	v0 =	vld [tilespmem:$0x1FD50]  }
0x1a9: {  	v7 =	vadd.f32 v57, v7;
	_ =	sdelay $0x1  }
0x1aa: {  	v7 =	vadd.f32 v13, v7;
	_ =	sdelay $0x1  }
0x1ab: {  	v0 =	vadd.f32 v0, v7  }
0x1ac: {  	v6 =	vld [tilespmem:$0x1FD30]  }
0x1ad: {  	[tilespmem:$0x1FD10] =	vst v0;
	v0 =	vld [tilespmem:$0x1FE40];
	_ =	sdelay $0x4  }
0x1ae: {  	v0 =	vadd.f32 v6, v0;
	v6 =	vld [tilespmem:$0x1FE30];
	_ =	sdelay $0x2  }
0x1af: {  	v2 =	vmul.f32 v2, v2;
	v7 =	vld [tilespmem:$0x1FE50];
	_ =	sdelay $0x1  }
0x1b0: {  	v2 =	vadd.f32 v2, v6;
	v6 =	vld [tilespmem:$0x1FE60]  }
0x1b1: {  	[tilespmem:$0x1FCD0] =	vst v5;
	v5 =	vmul.f32 v59, v59;
	_ =	sdelay $0x1  }
0x1b2: {  	v13 =	vmul.f32 v58, v58;
	v5 =	vadd.f32 v5, v7;
	v7 =	vmul.f32 v63, v63;
	_ =	sdelay $0x1  }
0x1b3: {  	v1 =	vmul.f32 v1, v1;
	v5 =	vadd.f32 v7, v5;
	v6 =	vadd.f32 v13, v6  }
0x1b4: {  	v4 =	vmul.f32 v4, v4;
	v0 =	vadd.f32 v3, v0;
	v2 =	vadd.f32 v11, v2  }
0x1b5: {  	v3 =	vmul.f32 v51, v51;
	v1 =	vadd.f32 v1, v6;
	v6 =	vmul.f32 v53, v53  }
0x1b6: {  	v2 =	vadd.f32 v4, v2;
	v4 =	vmul.f32 v48, v48  }
0x1b7: {  	v1 =	vadd.f32 v3, v1;
	v3 =	vadd.f32 v6, v5;
	v5 =	vmul.f32 v50, v50;
	_ =	sdelay $0x1  }
0x1b8: {  	v6 =	vmul.f32 v31, v31;
	v1 =	vadd.f32 v4, v1;
	v3 =	vadd.f32 v5, v3;
	v5 =	vld [tilespmem:$0x1FDA0]  }
0x1b9: {  	v0 =	vadd.f32 v56, v0  }
0x1ba: {  	v1 =	vadd.f32 v6, v1;
	v6 =	vld [tilespmem:$0x1FD90]  }
0x1bb: {  	v0 =	vadd.f32 v52, v0  }
0x1bc: {  	v4 =	vmul.f32 v42, v42  }
0x1bd: {  	v9 =	vmul.f32 v9, v9;
	v0 =	vadd.f32 v5, v0;
	v5 =	vmul.f32 v35, v35  }
0x1be: {  	v2 =	vadd.f32 v8, v2;
	v3 =	vadd.f32 v4, v3;
	v4 =	vmul.f32 v36, v36  }
0x1bf: {  	v0 =	vadd.f32 v6, v0;
	v6 =	vmul.f32 v39, v39;
	v1 =	vadd.f32 v5, v1  }
0x1c0: {  	v7 =	vld [tilespmem:$0x1FD60];
	v2 =	vadd.f32 v9, v2;
	v3 =	vadd.f32 v4, v3;
	v4 =	vmul.f32 v32, v32  }
0x1c1: {  	v8 =	vld [tilespmem:$0x1FF40];
	v5 =	vmul.f32 v43, v43;
	v1 =	vadd.f32 v6, v1  }
0x1c2: {  	v2 =	vadd.f32 v21, v2;
	v3 =	vadd.f32 v4, v3  }
0x1c3: {  	v4 =	vmul.f32 v45, v45;
	v0 =	vadd.f32 v44, v0;
	v1 =	vadd.f32 v5, v1  }
0x1c4: {  	v2 =	vadd.f32 v60, v2  }
0x1c5: {  	v0 =	vadd.f32 v7, v0;
	[tilespmem:$0x1FE60] =	vst v1;
	v1 =	vadd.f32 v4, v3;
	v4 =	vld [tilespmem:$0x1FF20]  }
0x1c6: {  	v8 =	vadd.s32 s19, v8  }
0x1c7: {  	v8 =	vand.u32 $0x3F, v8;
	[tilespmem:$0x1FE40] =	vst v0;
	v0 =	vadd.f32 v55, v2;
	v2 =	vld [tilespmem:$0x1FF30]  }
0x1c8: {  	v10 =	vor.u32 v8, v25;
	_ =	sdelay $0x1  }
0x1c9: {  	v4 =	vadd.s32 s19, v4  }
0x1ca: {  	v4 =	vand.u32 $0x3F, v4  }
0x1cb: {  	v2 =	vadd.s32 s19, v2;
	v7 =	vor.u32 v4, v24  }
0x1cc: {  	v15 =	vld.idx.msk [tilespmem:v10+s26+$0x0], $0xffff;
	v5 =	vand.u32 $0x3F, v2  }
0x1cd: {  	v10 =	vld [tilespmem:$0x1FF70];
	v9 =	vor.u32 v5, v25;
	_ =	sdelay $0x2  }
0x1ce: {  	v60 =	vld.idx.msk [tilespmem:v7+s24+$0x0], $0xffff  }
0x1cf: {  	v7 =	vld [tilespmem:$0x1FF50]  }
0x1d0: {  	v6 =	vor.u32 s19, v29;
	v10 =	vadd.s32 s19, v10;
	v13 =	vld.idx.msk [tilespmem:v9+s26+$0x0], $0xffff  }
0x1d1: {  	v3 =	vor.u32 v6, v26;
	v10 =	vand.u32 $0x3F, v10;
	v9 =	vld [tilespmem:$0x1FF60]  }
0x1d2: {  	v19 =	vor.u32 v10, v25  }
0x1d3: {  	[tilespmem:$0x1FE30] =	vst v0;
	v0 =	vor.u32 v6, v24  }
0x1d4: {  	[tilespmem:$0x1FE50] =	vst v1;
	v1 =	vor.u32 v6, v25;
	v7 =	vadd.s32 s19, v7  }
0x1d5: {  	v22 =	vld [tilespmem:$0x1FF90];
	v6 =	vor.u32 v5, v24;
	v7 =	vand.u32 $0x3F, v7  }
0x1d6: {  	v3 =	vld.idx.msk [tilespmem:v3+s29+$0x0], $0xffff;
	v9 =	vadd.s32 s19, v9;
	v11 =	vor.u32 v7, v24  }
0x1d7: {  	v19 =	vld.idx.msk [tilespmem:v19+s26+$0x0], $0xffff;
	v9 =	vand.u32 $0x3F, v9;
	v12 =	vor.u32 v7, v25  }
0x1d8: {  	v2 =	vld.idx.msk [tilespmem:v0+s24+$0x0], $0xffff;
	v17 =	vor.u32 v9, v26  }
0x1d9: {  	v1 =	vld.idx.msk [tilespmem:v1+s26+$0x0], $0xffff  }
0x1da: {  	v55 =	vld.idx.msk [tilespmem:v6+s24+$0x0], $0xffff;
	v14 =	vor.u32 v9, v24  }
0x1db: {  	v16 =	vor.u32 v9, v25;
	v9 =	vld.idx.msk [tilespmem:v11+s24+$0x0], $0xffff;
	v11 =	vor.u32 v10, v24  }
0x1dc: {  	v18 =	vld.idx.msk [tilespmem:v12+s26+$0x0], $0xffff  }
0x1dd: {  	v0 =	vor.u32 v4, v25;
	v27 =	vld.idx.msk [tilespmem:v17+s29+$0x0], $0xffff  }
0x1de: {  	v21 =	vor.u32 v10, v26;
	v5 =	vor.u32 v5, v26;
	v12 =	vadd.s32 s19, v38;
	v10 =	vld [tilespmem:$0x1FFA0]  }
0x1df: {  	v4 =	vor.u32 v4, v26;
	v6 =	vor.u32 v8, v24;
	v20 =	vand.u32 $0x3F, v12;
	v12 =	vld.idx.msk [tilespmem:v14+s24+$0x0], $0xffff  }
0x1e0: {  	v14 =	vor.u32 v20, v24;
	v23 =	vor.u32 v20, v25;
	v17 =	vor.u32 v20, v26;
	v20 =	vld.idx.msk [tilespmem:v11+s24+$0x0], $0xffff  }
0x1e1: {  	v11 =	vld [tilespmem:$0x1FF80]  }
0x1e2: {  	v0 =	vld.idx.msk [tilespmem:v0+s26+$0x0], $0xffff  }
0x1e3: {  	v5 =	vld.idx.msk [tilespmem:v5+s29+$0x0], $0xffff  }
0x1e4: {  	v4 =	vld.idx.msk [tilespmem:v4+s29+$0x0], $0xffff  }
0x1e5: {  	v6 =	vld.idx.msk [tilespmem:v6+s24+$0x0], $0xffff;
	v7 =	vor.u32 v7, v26;
	v10 =	vadd.s32 s19, v10  }
0x1e6: {  	v33 =	vsub.f32 v3, v1;
	v28 =	vand.u32 $0x3F, v10;
	v37 =	vld.idx.msk [tilespmem:v14+s24+$0x0], $0xffff;
	v11 =	vadd.s32 s19, v11  }
0x1e7: {  	v29 =	vor.u32 v28, v24;
	v14 =	vmul.f32 v55, v55;
	v46 =	vld.idx.msk [tilespmem:v17+s29+$0x0], $0xffff;
	v34 =	vand.u32 $0x3F, v11  }
0x1e8: {  	v17 =	vmul.f32 v5, v5;
	v11 =	vmul.f32 v1, v1;
	v1 =	vld.idx.msk [tilespmem:v21+s29+$0x0], $0xffff;
	v21 =	vor.u32 v34, v25  }
0x1e9: {  	[tilespmem:$0x1FD40] =	vst v14;
	v14 =	vld.idx.msk [tilespmem:v23+s26+$0x0], $0xffff;
	v23 =	vadd.s32 s19, v22;
	v22 =	vmul.f32 v13, v13  }
0x1ea: {  	v7 =	vld.idx.msk [tilespmem:v7+s29+$0x0], $0xffff;
	[tilespmem:$0x1FD60] =	vst v17  }
0x1eb: {  	v17 =	vor.u32 v28, v26;
	[tilespmem:$0x1FD50] =	vst v22;
	v22 =	vld [tilespmem:$0x1FFB0]  }
0x1ec: {  	v49 =	vld.idx.msk [tilespmem:v29+s24+$0x0], $0xffff  }
0x1ed: {  	v8 =	vor.u32 v8, v26;
	v40 =	vld.idx.msk [tilespmem:v21+s26+$0x0], $0xffff  }
0x1ee: {  	v3 =	vmul.f32 v3, v3;
	v21 =	vld [tilespmem:$0x1FFC0]  }
0x1ef: {  	v31 =	vor.u32 v28, v25;
	v29 =	vld [tilespmem:$0x1FFF0]  }
0x1f0: {  	[tilespmem:$0x1FD30] =	vst v3;
	v3 =	vor.u32 v34, v26;
	v45 =	vld.idx.msk [tilespmem:v17+s29+$0x0], $0xffff  }
0x1f1: {  	v47 =	vsub.f32 v4, v0;
	v23 =	vand.u32 $0x3F, v23;
	v17 =	vld [tilespmem:$0x1FFE0]  }
0x1f2: {  	v8 =	vld.idx.msk [tilespmem:v8+s29+$0x0], $0xffff;
	v0 =	vmul.f32 v0, v0;
	v63 =	vor.u32 v23, v25;
	v28 =	vadd.s32 s19, v22  }
0x1f3: {  	v16 =	vld.idx.msk [tilespmem:v16+s26+$0x0], $0xffff;
	v48 =	vor.u32 v23, v26;
	v28 =	vand.u32 $0x3F, v28;
	v21 =	vadd.s32 s19, v21  }
0x1f4: {  	v38 =	vsub.f32 v7, v18;
	v43 =	vld.idx.msk [tilespmem:v31+s26+$0x0], $0xffff;
	v50 =	vor.u32 v28, v25;
	v21 =	vand.u32 $0x3F, v21  }
0x1f5: {  	v5 =	vsub.f32 v5, v13;
	v32 =	vld.idx.msk [tilespmem:v3+s29+$0x0], $0xffff;
	v53 =	vadd.s32 s19, v29;
	v13 =	vor.u32 v21, v26  }
0x1f6: {  	[tilespmem:$0x1FD80] =	vst v0;
	v3 =	vld [tilespmem:$0x1FFD0];
	v0 =	vor.u32 v28, v26;
	v39 =	vand.u32 $0x3F, v53;
	v17 =	vadd.s32 s19, v17  }
0x1f7: {  	v62 =	vmul.f32 v18, v18;
	v35 =	vld.idx.msk [tilespmem:v63+s26+$0x0], $0xffff;
	v18 =	vor.u32 v39, v26;
	v17 =	vand.u32 $0x3F, v17  }
0x1f8: {  	v36 =	vld.idx.msk [tilespmem:v48+s29+$0x0], $0xffff;
	v56 =	vor.u32 v17, v25  }
0x1f9: {  	v44 =	vmul.f32 v4, v4;
	v31 =	vld.idx.msk [tilespmem:v50+s26+$0x0], $0xffff;
	v4 =	vor.u32 v21, v25  }
0x1fa: {  	v22 =	vmul.f32 v60, v60;
	v50 =	vld.idx.msk [tilespmem:v13+s29+$0x0], $0xffff;
	v13 =	vor.u32 v17, v24  }
0x1fb: {  	v57 =	vmul.f32 v15, v15;
	v3 =	vadd.s32 s19, v3;
	v42 =	vld.idx.msk [tilespmem:v0+s29+$0x0], $0xffff  }
0x1fc: {  	[tilespmem:$0x1FD70] =	vst v22;
	v22 =	vsub.f32 v8, v15;
	v15 =	vor.u32 v17, v26;
	v3 =	vand.u32 $0x3F, v3;
	v63 =	vld.idx.msk [tilespmem:v18+s29+$0x0], $0xffff  }
0x1fd: {  	v41 =	vor.u32 v3, v25;
	v58 =	vld.idx.msk [tilespmem:v56+s26+$0x0], $0xffff  }
0x1fe: {  	v52 =	vor.u32 v3, v26;
	v48 =	vld.idx.msk [tilespmem:v4+s26+$0x0], $0xffff  }
0x1ff: {  	v33 =	vmul.f32 v33, v2;
	v10 =	vmul.f32 v2, v2;
	v4 =	vor.u32 v39, v25;
	v2 =	vld.idx.msk [tilespmem:v13+s24+$0x0], $0xffff  }
0x200: {  	v29 =	vsub.f32 v1, v19;
	v0 =	vmul.f32 v8, v8;
	v13 =	vmul.f32 v47, v60;
	v60 =	vld [tilespmem:$0x1FCE0]  }
0x201: {  	v8 =	vmul.f32 v19, v19;
	v30 =	vor.u32 v3, v24;
	v18 =	vsub.f32 v27, v16;
	v59 =	vld.idx.msk [tilespmem:v15+s29+$0x0], $0xffff  }
0x202: {  	v19 =	vor.u32 v34, v24;
	[tilespmem:$0x1FD90] =	vst v0;
	v0 =	vmul.f32 v7, v7;
	v51 =	vld.idx.msk [tilespmem:v41+s26+$0x0], $0xffff  }
0x203: {  	v34 =	vor.u32 v23, v24;
	v56 =	vmul.f32 v1, v1;
	v23 =	vmul.f32 v18, v12;
	v53 =	vld.idx.msk [tilespmem:v52+s29+$0x0], $0xffff  }
0x204: {  	v52 =	vmul.f32 v27, v27;
	v41 =	vmul.f32 v14, v14;
	v27 =	vsub.f32 v46, v14;
	v1 =	vld.idx.msk [tilespmem:v4+s26+$0x0], $0xffff  }
0x205: {  	v14 =	vmul.f32 v22, v6;
	v22 =	vor.u32 v39, v24;
	v33 =	vadd.f32 v33, v60;
	v60 =	vld [tilespmem:$0x1FCF0]  }
0x206: {  	[tilespmem:$0x1FDA0] =	vst v0;
	v0 =	vmul.f32 v12, v12;
	v12 =	vsub.f32 v59, v58;
	v4 =	vld.idx.msk [tilespmem:v30+s24+$0x0], $0xffff;
	_ =	sdelay $0x1  }
0x207: {  	v12 =	vmul.f32 v12, v2  }
0x208: {  	v54 =	vmul.f32 v6, v6;
	v6 =	vld.idx.msk [tilespmem:v34+s24+$0x0], $0xffff;
	v30 =	vor.u32 v21, v24;
	v21 =	vsub.f32 v53, v51  }
0x209: {  	v28 =	vor.u32 v28, v24;
	v34 =	vadd.f32 v12, v60;
	v12 =	vld.idx.msk [tilespmem:v22+s24+$0x0], $0xffff  }
0x20a: {  	v22 =	vmul.f32 v21, v4;
	v21 =	vld [tilespmem:$0x1FD00];
	_ =	sdelay $0x2  }
0x20b: {  	v61 =	vmul.f32 v9, v9  }
0x20c: {  	v17 =	vmul.f32 v16, v16;
	v16 =	vmul.f32 v38, v9;
	v9 =	vld.idx.msk [tilespmem:v28+s24+$0x0], $0xffff  }
0x20d: {  	v5 =	vmul.f32 v5, v55;
	v29 =	vmul.f32 v29, v20;
	v10 =	vadd.f32 v10, v21;
	v21 =	vld [tilespmem:$0x1FD10]  }
0x20e: {  	p0 =	sne.s32 s19, $0x30;
	v3 =	vmul.f32 v46, v46;
	v7 =	vmul.f32 v20, v20;
	v18 =	vld.idx.msk [tilespmem:v19+s24+$0x0], $0xffff  }
.Ltmp2:
0x20f: {  	v20 =	vsub.f32 v36, v35;
	v15 =	vmul.f32 v37, v37;
	v39 =	vmovc v40;
	v46 =	vsub.f32 v45, v43;
	(pc) =	sbr.rel @p0 .LBB2_7-.Ltmp2, $4  }
0x210: {  	v38 =	vld [tilespmem:$0x1FF10];
	v19 =	vsub.f32 v32, v39;
	v47 =	vmul.f32 v27, v37;
	v37 =	vsub.f32 v42, v31  }
0x211: {  	v55 =	vmul.f32 v49, v49;
	v40 =	vld [tilespmem:$0x1FCD0];
	v27 =	vsub.f32 v50, v48;
	v28 =	vsub.f32 v63, v1  }
0x212: {  	v37 =	vmul.f32 v37, v9;
	v33 =	vadd.f32 v29, v33;
	v21 =	vadd.f32 v11, v21;
	v11 =	vld.idx.msk [tilespmem:v30+s24+$0x0], $0xffff  }
0x213: {  	s19 =	sadd.s32 $0x10, s19;
	v29 =	vlaneseq.u32;
	v60 =	vmul.f32 v18, v18;
	v34 =	vadd.f32 v22, v34;
	v30 =	vld [tilespmem:$0x1FD20]  }
0x214: {  	_ =	sdelay $0x1  }
0x215: {  	v22 =	vmul.f32 v28, v12;
	_ =	sdelay $0x1  }
0x216: {  	v22 =	vadd.f32 v22, v40;
	v25 =	vmul.f32 v27, v11;
	v24 =	vadd.f32 v47, v30;
	_ =	sdelay $0x1  }
0x217: {  	v20 =	vmul.f32 v20, v6;
	v22 =	vadd.f32 v25, v22;
	v23 =	vadd.f32 v23, v24  }
0x218: {  	v16 =	vadd.f32 v16, v33;
	v18 =	vmul.f32 v19, v18;
	v47 =	vadd.f32 v37, v34  }
0x219: {  	v19 =	vadd.f32 v20, v22;
	v20 =	vmul.f32 v46, v49;
	v14 =	vadd.f32 v14, v23  }
0x21a: {  	v13 =	vadd.f32 v13, v16;
	v16 =	vadd.f32 v18, v47  }
0x21b: {  	v5 =	vadd.f32 v5, v14;
	v14 =	vadd.f32 v20, v19;
	_ =	sdelay $0x1  }
0x21c: {  	v13 =	vadd.f32 v16, v13;
	v5 =	vadd.f32 v14, v5;
	_ =	sdelay $0x1  }
0x21d: {  	v5 =	vadd.f32 v5, v13;
	_ =	sdelay $0x1  }
0x21e: {  	v13 =	vand.u32 $0x7FFFFFFF, v5  }
0x21f: {  	v13 =	vsub.f32 $0.0e+00, v13;
	_ =	sdelay $0x1  }
0x220: {  	v13 =	vmul.f32 $1.442695020e+00, v13  }
0x221: {  	v10 =	vadd.f32 v15, v10  }
0x222: {  	(erf) = vpow2.f32 v13;
	v13 =	vadd.f32 v41, v21  }
0x223: {  	v7 =	vadd.f32 v7, v10  }
0x224: {  	v8 =	vadd.f32 v8, v13  }
0x225: {  	v0 =	vadd.f32 v0, v7  }
0x226: {  	v7 =	vadd.f32 v17, v8;
	v8 =	vld [tilespmem:$0x1FD70]  }
0x227: {  	v0 =	vadd.f32 v61, v0;
	_ =	sdelay $0x1  }
0x228: {  	v0 =	vadd.f32 v54, v0;
	_ =	sdelay $0x1  }
0x229: {  	v0 =	vadd.f32 v8, v0;
	v8 =	vld [tilespmem:$0x1FD80]  }
0x22a: {  	v7 =	vadd.f32 v62, v7;
	_ =	sdelay $0x1  }
0x22b: {  	v7 =	vadd.f32 v57, v7  }
0x22c: {  	v10 =	vpop (erf)  }
0x22d: {  	v13 =	vadd.f32 $2.000000000e+00, v10;
	v7 =	vadd.f32 v8, v7;
	v8 =	vld [tilespmem:$0x1FD40];
	_ =	sdelay $0x1  }
0x22e: {  	(erf) = vrcp.f32 v13;
	_ =	sdelay $0x2  }
0x22f: {  	v16 =	vadd.f32 v8, v0;
	v0 =	vld [tilespmem:$0x1FD50]  }
0x230: {  	v13 =	vld [tilespmem:$0x1FE30];
	_ =	sdelay $0x2  }
0x231: {  	v2 =	vmul.f32 v2, v2;
	v8 =	vld [tilespmem:$0x1FD30]  }
0x232: {  	v14 =	vadd.f32 v0, v7;
	v7 =	vld [tilespmem:$0x1FE40]  }
0x233: {  	v15 =	vld [tilespmem:$0x1FE60];
	v2 =	vadd.f32 v2, v13;
	v13 =	vpop (erf)  }
0x234: {  	v10 =	vmul.f32 v13, v10;
	v13 =	vld [tilespmem:$0x1FE50];
	_ =	sdelay $0x1  }
0x235: {  	v12 =	vmul.f32 v12, v12;
	v0 =	vmul.f32 v58, v58  }
0x236: {  	v1 =	vmul.f32 v1, v1;
	v7 =	vadd.f32 v8, v7;
	v8 =	vmul.f32 v59, v59  }
0x237: {  	v2 =	vadd.f32 v12, v2;
	v12 =	vmul.f32 v10, v10;
	v0 =	vadd.f32 v0, v15  }
0x238: {  	v8 =	vadd.f32 v8, v13;
	v3 =	vadd.f32 v3, v7;
	v7 =	vmul.f32 v63, v63  }
0x239: {  	v0 =	vadd.f32 v1, v0;
	v1 =	vmul.f32 v4, v4;
	v4 =	vmul.f32 v51, v51  }
0x23a: {  	v7 =	vadd.f32 v7, v8;
	v8 =	vmul.f32 $2.857142980e-01, v12  }
0x23b: {  	v1 =	vadd.f32 v1, v2;
	v0 =	vadd.f32 v4, v0;
	v2 =	vmul.f32 v53, v53  }
0x23c: {  	v4 =	vmul.f32 v11, v11;
	v11 =	vmul.f32 v48, v48;
	v8 =	vadd.f32 $4.000000060e-01, v8  }
0x23d: {  	v2 =	vadd.f32 v2, v7;
	v7 =	vmul.f32 v50, v50  }
0x23e: {  	v1 =	vadd.f32 v4, v1;
	v0 =	vadd.f32 v11, v0;
	v4 =	vmul.f32 v8, v12  }
0x23f: {  	v2 =	vadd.f32 v7, v2;
	v7 =	vmul.f32 v9, v9;
	v8 =	vmul.f32 v31, v31;
	v9 =	vld [tilespmem:$0x1FDA0]  }
0x240: {  	v3 =	vadd.f32 v56, v3  }
0x241: {  	v1 =	vadd.f32 v7, v1;
	v0 =	vadd.f32 v8, v0;
	v7 =	vmul.f32 v35, v35  }
0x242: {  	v3 =	vadd.f32 v52, v3;
	v8 =	vld [tilespmem:$0x1FD90]  }
0x243: {  	v6 =	vmul.f32 v6, v6;
	v40 =	vld [tilespmem:$0x1FFE0];
	v4 =	vadd.f32 $6.666666860e-01, v4;
	v0 =	vadd.f32 v7, v0  }
0x244: {  	v30 =	vld [tilespmem:$0x1FF80];
	v7 =	vmul.f32 v39, v39;
	v3 =	vadd.f32 v9, v3;
	v9 =	vmul.f32 v42, v42  }
0x245: {  	v18 =	vld [tilespmem:$0x1FF70];
	v4 =	vmul.f32 v4, v12;
	v1 =	vadd.f32 v6, v1  }
0x246: {  	v6 =	vmul.f32 v36, v36;
	v0 =	vadd.f32 v7, v0;
	v7 =	vld [tilespmem:$0x1FD60];
	v2 =	vadd.f32 v9, v2  }
0x247: {  	v54 =	vld [tilespmem:$0x1FFF0];
	v4 =	vadd.f32 $2.000000000e+00, v4;
	v3 =	vadd.f32 v8, v3  }
0x248: {  	v15 =	vld [tilespmem:$0x1FF60];
	v2 =	vadd.f32 v6, v2;
	v6 =	vmul.f32 v32, v32  }
0x249: {  	v48 =	vld [tilespmem:$0x1FFD0];
	v4 =	vmul.f32 v4, v10;
	v3 =	vadd.f32 v44, v3  }
0x24a: {  	v5 =	vmax.f32 v5, $0.0e+00;
	v31 =	vld [tilespmem:$0x1FF90];
	v2 =	vadd.f32 v6, v2  }
0x24b: {  	v35 =	vld [tilespmem:$0x1FFB0];
	v7 =	vadd.f32 v7, v3;
	v3 =	vadd.f32 v4, v5;
	v4 =	vmul.f32 v45, v45  }
0x24c: {  	s18 =	sadd.s32 $0x1, s18;
	v39 =	vld [tilespmem:$0x1FFC0]  }
0x24d: {  	p0 =	sne.s32 s18, $0x8;
	v4 =	vadd.f32 v4, v2;
	v2 =	vld [tilespmem:$0x1FE70]  }
.Ltmp3:
0x24e: {  	v12 =	vld [tilespmem:$0x1FF50];
	(pc) =	sbr.rel @p0 .LBB2_6-.Ltmp3, $4  }
0x24f: {  	v1 =	vadd.f32 v60, v1;
	v8 =	vld [tilespmem:$0x1FF40]  }
0x250: {  	v32 =	vld [tilespmem:$0x1FFA0];
	v6 =	vmul.f32 v43, v43  }
0x251: {  	v9 =	vadd.f32 v55, v1;
	v5 =	vld [tilespmem:$0x1FF20]  }
0x252: {  	v1 =	vadd.f32 v6, v0;
	v6 =	vld [tilespmem:$0x1FF30];
	v2 =	vadd.f32 v3, v2  }
0x253: {  	s1 =	simm.s32 $0x180  }
0x254: {  	[tilespmem:s24], [sflag:$0x2] =	stream.indirect.gather [hbm4b:s3+s20], $0x80, s1, s20, $0xb8;
	[tilespmem:$0x18D00] =	vst v63  }
0x255: {  	s19 =	simm.s32 $0x380  }
0x256: {  	[tilespmem:s26], [sflag:$0x2] =	stream.indirect.gather [hbm4b:s4+s20], $0x80, s19, s20, $0xb8;
	[tilespmem:$0x18D00] =	vst v63  }
0x257: {  	_ = 	snop  }
0x258: {  	[tilespmem:s29], [sflag:$0x2] =	stream.indirect.gather [hbm4b:s4+s20], $0x80, s25, s20, $0xb8;
	[tilespmem:$0x18D00] =	vst v63  }
0x259: {  	_ =	swait.ge [sflag:s30], $0x4000  }
0x25a: {  	[sflag:s30] =	ssyncset.done $0x0  }
0x25b: {  	[sflag:s30] =	ssyncadd.s32 $0xFFFFC000  }
0x25c: {  	_ =	swait.ge [sflag:s30], $0x4000  }
0x25d: {  	[sflag:s30] =	ssyncset.done $0x0  }
0x25e: {  	[sflag:s30] =	ssyncadd.s32 $0xFFFFC000  }
0x25f: {  	_ =	swait.ge [sflag:s30], $0x4000  }
0x260: {  	[sflag:s30] =	ssyncset.done $0x0  }
0x261: {  	s18 =	simm.s32 $0x0;
	s1 =	simm.s32 $0x0;
	[sflag:s30] =	ssyncadd.s32 $0xFFFFC000  }
.LBB2_10:
0x262: {  	[tilespmem:$0x1FE50] =	vst v4;
	s19 =	sshll.u32 s18, $0x4;
	v4 =	vld [tilespmem:$0x1FF00]  }
0x263: {  	v0 =	vld [tilespmem:s19+$0x700]  }
0x264: {  	[tilespmem:$0x1FE60] =	vst v1;
	v1 =	vld [tilespmem:s19+$0x900]  }
0x265: {  	[tilespmem:$0x1FE70] =	vst v2;
	v2 =	vld [tilespmem:s19+$0xB00];
	_ =	sdelay $0x1  }
0x266: {  	v3 =	vmov s19  }
0x267: {  	v3 =	vshll.u32 v3, $0x7  }
0x268: {  	v3 =	vor.u32 v4, v3;
	v0 =	vshll.u32 v0, $0x6  }
0x269: {  	v1 =	vshll.u32 v1, $0x6;
	v2 =	vshll.u32 v2, $0x6;
	v0 =	vand.u32 $0x40, v0  }
0x26a: {  	v1 =	vand.u32 $0x40, v1;
	v24 =	vor.u32 v3, v0;
	v0 =	vor.u32 s1, v29  }
0x26b: {  	v2 =	vand.u32 $0x40, v2;
	v25 =	vor.u32 v3, v1;
	v1 =	vor.u32 v0, v24  }
0x26c: {  	v4 =	vadd.s32 s1, v5;
	v26 =	vor.u32 v3, v2;
	v2 =	vor.u32 v0, v25  }
0x26d: {  	v4 =	vand.u32 $0x3F, v4;
	v0 =	vor.u32 v0, v26  }
0x26e: {  	v3 =	vadd.s32 s1, v6;
	v6 =	vor.u32 v4, v24  }
0x26f: {  	[tilespmem:$0x1FE40] =	vst v7;
	v8 =	vadd.s32 s1, v8;
	v7 =	vor.u32 v4, v25  }
0x270: {  	v8 =	vand.u32 $0x3F, v8;
	v4 =	vor.u32 v4, v26;
	v58 =	vld.idx.msk [tilespmem:v1+s21+$0x0], $0xffff  }
0x271: {  	v10 =	vor.u32 v8, v24;
	v2 =	vld.idx.msk [tilespmem:v2+s22+$0x0], $0xffff  }
0x272: {  	v11 =	vadd.s32 s1, v12;
	v12 =	vor.u32 v8, v25;
	v0 =	vld.idx.msk [tilespmem:v0+s23+$0x0], $0xffff  }
0x273: {  	v11 =	vand.u32 $0x3F, v11;
	v8 =	vor.u32 v8, v26;
	v56 =	vld.idx.msk [tilespmem:v6+s21+$0x0], $0xffff  }
0x274: {  	v13 =	vor.u32 v11, v24;
	v7 =	vld.idx.msk [tilespmem:v7+s22+$0x0], $0xffff  }
0x275: {  	[tilespmem:$0x1FEF0] =	vst v14;
	v14 =	vadd.s32 s1, v15;
	v15 =	vor.u32 v11, v25;
	v4 =	vld.idx.msk [tilespmem:v4+s23+$0x0], $0xffff  }
0x276: {  	v14 =	vand.u32 $0x3F, v14;
	v11 =	vor.u32 v11, v26;
	v10 =	vld.idx.msk [tilespmem:v10+s21+$0x0], $0xffff  }
0x277: {  	[tilespmem:$0x1FEE0] =	vst v16;
	v16 =	vor.u32 v14, v24;
	v12 =	vld.idx.msk [tilespmem:v12+s22+$0x0], $0xffff  }
0x278: {  	v17 =	vadd.s32 s1, v18;
	v18 =	vor.u32 v14, v25;
	v8 =	vld.idx.msk [tilespmem:v8+s23+$0x0], $0xffff  }
0x279: {  	v17 =	vand.u32 $0x3F, v17;
	v14 =	vor.u32 v14, v26;
	v19 =	vld.idx.msk [tilespmem:v13+s21+$0x0], $0xffff  }
0x27a: {  	v3 =	vand.u32 $0x3F, v3;
	v21 =	vor.u32 v17, v25;
	v15 =	vld.idx.msk [tilespmem:v15+s22+$0x0], $0xffff  }
0x27b: {  	v5 =	vor.u32 v3, v24;
	v45 =	vld.idx.msk [tilespmem:v11+s23+$0x0], $0xffff  }
0x27c: {  	[tilespmem:$0x1FE30] =	vst v9;
	v9 =	vor.u32 v3, v25;
	v22 =	vld.idx.msk [tilespmem:v16+s21+$0x0], $0xffff  }
0x27d: {  	v20 =	vadd.s32 s1, v38;
	v13 =	vor.u32 v17, v24;
	v18 =	vld.idx.msk [tilespmem:v18+s22+$0x0], $0xffff  }
0x27e: {  	v20 =	vand.u32 $0x3F, v20;
	v17 =	vor.u32 v17, v26;
	v14 =	vld.idx.msk [tilespmem:v14+s23+$0x0], $0xffff  }
0x27f: {  	v16 =	vor.u32 v20, v24;
	v21 =	vld.idx.msk [tilespmem:v21+s22+$0x0], $0xffff  }
0x280: {  	v27 =	vadd.s32 s1, v32;
	v3 =	vor.u32 v3, v26;
	v5 =	vld.idx.msk [tilespmem:v5+s21+$0x0], $0xffff  }
0x281: {  	v28 =	vadd.s32 s1, v30;
	v30 =	vadd.s32 s1, v39;
	v23 =	vor.u32 v20, v25;
	v9 =	vld.idx.msk [tilespmem:v9+s22+$0x0], $0xffff  }
0x282: {  	v27 =	vand.u32 $0x3F, v27;
	v28 =	vand.u32 $0x3F, v28;
	v20 =	vor.u32 v20, v26;
	v34 =	vld.idx.msk [tilespmem:v13+s21+$0x0], $0xffff  }
0x283: {  	v33 =	vand.u32 $0x3F, v30;
	v52 =	vsub.f32 v0, v2;
	v13 =	vor.u32 v27, v24;
	v46 =	vld.idx.msk [tilespmem:v17+s23+$0x0], $0xffff  }
0x284: {  	v0 =	vmul.f32 v0, v0;
	v17 =	vadd.s32 s1, v31;
	v47 =	vld.idx.msk [tilespmem:v16+s21+$0x0], $0xffff;
	v16 =	vor.u32 v27, v25  }
0x285: {  	v3 =	vld.idx.msk [tilespmem:v3+s23+$0x0], $0xffff;
	v50 =	vsub.f32 v4, v7;
	v6 =	vmul.f32 v7, v7;
	v7 =	vor.u32 v33, v25  }
0x286: {  	v60 =	vld.idx.msk [tilespmem:v23+s22+$0x0], $0xffff;
	v44 =	vmul.f32 v4, v4;
	v55 =	vand.u32 $0x3F, v17;
	v17 =	vor.u32 v27, v26  }
0x287: {  	v20 =	vld.idx.msk [tilespmem:v20+s23+$0x0], $0xffff;
	v4 =	vadd.s32 s1, v48;
	v1 =	vmul.f32 v5, v5;
	[tilespmem:$0x1FC50] =	vst v0;
	v0 =	vor.u32 v28, v26  }
0x288: {  	v4 =	vand.u32 $0x3F, v4;
	v27 =	vor.u32 v55, v25;
	v49 =	vld.idx.msk [tilespmem:v13+s21+$0x0], $0xffff  }
0x289: {  	v23 =	vadd.s32 s1, v35;
	v53 =	vor.u32 v4, v26;
	[tilespmem:$0x1FC60] =	vst v1;
	v1 =	vmul.f32 v9, v9;
	v43 =	vld.idx.msk [tilespmem:v16+s22+$0x0], $0xffff  }
0x28a: {  	v41 =	vmul.f32 v2, v2;
	v2 =	vor.u32 v28, v25;
	v59 =	vsub.f32 v3, v9;
	v48 =	vld.idx.msk [tilespmem:v7+s22+$0x0], $0xffff  }
0x28b: {  	v23 =	vand.u32 $0x3F, v23;
	[tilespmem:$0x1FC70] =	vst v1;
	v1 =	vmul.f32 v3, v3;
	v13 =	vor.u32 v55, v26;
	v3 =	vld.idx.msk [tilespmem:v17+s23+$0x0], $0xffff  }
0x28c: {  	v37 =	vmul.f32 v58, v58;
	v32 =	vld.idx.msk [tilespmem:v0+s23+$0x0], $0xffff;
	v0 =	vor.u32 v23, v26  }
0x28d: {  	v62 =	vadd.s32 s1, v54;
	[tilespmem:$0x1FC80] =	vst v1;
	v1 =	vmul.f32 v56, v56;
	v35 =	vld.idx.msk [tilespmem:v27+s22+$0x0], $0xffff;
	v27 =	vor.u32 v4, v25  }
0x28e: {  	v63 =	vsub.f32 v8, v12;
	v17 =	vadd.s32 s1, v40;
	v4 =	vor.u32 v4, v24;
	v53 =	vld.idx.msk [tilespmem:v53+s23+$0x0], $0xffff  }
0x28f: {  	v54 =	vmul.f32 v10, v10;
	v17 =	vand.u32 $0x3F, v17;
	[tilespmem:$0x1FC90] =	vst v1;
	v1 =	vld.idx.msk [tilespmem:v2+s22+$0x0], $0xffff;
	v2 =	vor.u32 v23, v25  }
0x290: {  	v57 =	vmul.f32 v12, v12;
	[tilespmem:$0x1FCA0] =	vst v6;
	v6 =	vand.u32 $0x3F, v62;
	v36 =	vld.idx.msk [tilespmem:v13+s23+$0x0], $0xffff;
	v13 =	vor.u32 v17, v25  }
0x291: {  	v28 =	vor.u32 v28, v24;
	v9 =	vor.u32 v33, v26;
	v12 =	vor.u32 v6, v25;
	v42 =	vld.idx.msk [tilespmem:v0+s23+$0x0], $0xffff  }
0x292: {  	v16 =	vsub.f32 v45, v15;
	v11 =	vsub.f32 v46, v21;
	v0 =	vmul.f32 v8, v8;
	v51 =	vld.idx.msk [tilespmem:v27+s22+$0x0], $0xffff  }
0x293: {  	v27 =	vmul.f32 v52, v58;
	v8 =	vmul.f32 v21, v21;
	v21 =	vor.u32 v23, v24;
	v4 =	vld.idx.msk [tilespmem:v4+s21+$0x0], $0xffff  }
0x294: {  	v31 =	vld.idx.msk [tilespmem:v2+s22+$0x0], $0xffff;
	v2 =	vor.u32 v17, v26;
	v39 =	vmov v1;
	[tilespmem:$0x1FCB0] =	vst v0;
	v1 =	vor.u32 v17, v24  }
0x295: {  	v0 =	vmul.f32 v45, v45;
	v17 =	vmul.f32 v18, v18;
	v18 =	vsub.f32 v14, v18;
	v58 =	vld.idx.msk [tilespmem:v13+s22+$0x0], $0xffff  }
0x296: {  	v45 =	vmov v3;
	v3 =	vor.u32 v6, v26;
	v13 =	vmul.f32 v50, v56;
	v50 =	vld.idx.msk [tilespmem:v9+s23+$0x0], $0xffff  }
0x297: {  	[tilespmem:$0x1FCC0] =	vst v0;
	v0 =	vmul.f32 v22, v22;
	v23 =	vmul.f32 v18, v22;
	v22 =	vor.u32 v6, v24;
	v6 =	vld [tilespmem:$0x1FEE0]  }
0x298: {  	v61 =	vmul.f32 v19, v19;
	v62 =	vmul.f32 v15, v15;
	v9 =	vsub.f32 v20, v60;
	v18 =	vld.idx.msk [tilespmem:v28+s21+$0x0], $0xffff  }
0x299: {  	v5 =	vmul.f32 v59, v5;
	v7 =	vmul.f32 v34, v34;
	v59 =	vld.idx.msk [tilespmem:v2+s23+$0x0], $0xffff  }
0x29a: {  	v15 =	vmul.f32 v47, v47;
	v47 =	vmul.f32 v9, v47;
	v9 =	vld.idx.msk [tilespmem:v21+s21+$0x0], $0xffff  }
0x29b: {  	v30 =	vimm.f32 $0.0e+00;
	v16 =	vmul.f32 v16, v19;
	v11 =	vmul.f32 v11, v34;
	v2 =	vld.idx.msk [tilespmem:v1+s21+$0x0], $0xffff  }
0x29c: {  	v52 =	vmul.f32 v14, v14;
	v14 =	vmul.f32 v63, v10;
	v27 =	vadd.f32 v27, v30;
	v21 =	vld [tilespmem:$0x1FEF0]  }
0x29d: {  	v19 =	vsub.f32 v32, v39;
	v1 =	vld.idx.msk [tilespmem:v12+s22+$0x0], $0xffff;
	v12 =	vor.u32 v55, v24;
	v55 =	vor.u32 v33, v24  }
0x29e: {  	v56 =	vmul.f32 v46, v46;
	v46 =	vsub.f32 v45, v43;
	v10 =	vsub.f32 v59, v58  }
0x29f: {  	v40 =	vimm.f32 $0.0e+00;
	v63 =	vld.idx.msk [tilespmem:v3+s23+$0x0], $0xffff;
	v28 =	vsub.f32 v42, v31;
	v33 =	vadd.f32 v11, v27  }
0x2a0: {  	v3 =	vmul.f32 v10, v2;
	v10 =	vadd.f32 v37, v6;
	v6 =	vsub.f32 v53, v51  }
0x2a1: {  	v27 =	vsub.f32 v50, v48;
	v21 =	vadd.f32 v41, v21;
	v41 =	vmul.f32 v60, v60  }
0x2a2: {  	v60 =	vmul.f32 v18, v18;
	v11 =	vld.idx.msk [tilespmem:v55+s21+$0x0], $0xffff;
	v34 =	vadd.f32 v3, v30;
	v37 =	vmul.f32 v6, v4  }
0x2a3: {  	v55 =	vmul.f32 v49, v49;
	v3 =	vmul.f32 v20, v20;
	v6 =	vld.idx.msk [tilespmem:v12+s21+$0x0], $0xffff;
	v20 =	vsub.f32 v36, v35  }
0x2a4: {  	s19 =	simm.s32 $0x10;
	v12 =	vld.idx.msk [tilespmem:v22+s21+$0x0], $0xffff;
	v34 =	vadd.f32 v37, v34;
	v37 =	vmul.f32 v28, v9;
	v28 =	vsub.f32 v63, v1  }
.LBB2_11:
0x2a5: {  	v16 =	vadd.f32 v16, v33  }
0x2a6: {  	v10 =	vadd.f32 v15, v10;
	v15 =	vadd.f32 v41, v21  }
0x2a7: {  	v41 =	vadd.f32 v37, v34;
	v18 =	vmul.f32 v19, v18;
	v13 =	vadd.f32 v13, v16;
	_ =	sdelay $0x1  }
0x2a8: {  	v7 =	vadd.f32 v7, v10;
	[tilespmem:$0x1FC00] =	vst v13;
	v13 =	vadd.f32 v18, v41  }
0x2a9: {  	v10 =	vmul.f32 v28, v12;
	v8 =	vadd.f32 v8, v15  }
0x2aa: {  	v0 =	vadd.f32 v0, v7;
	[tilespmem:$0x1FC10] =	vst v13;
	v13 =	vadd.f32 v47, v30  }
0x2ab: {  	v10 =	vadd.f32 v10, v40;
	v7 =	vadd.f32 v17, v8  }
0x2ac: {  	v8 =	vmul.f32 v11, v11;
	v11 =	vmul.f32 v27, v11;
	v13 =	vadd.f32 v23, v13  }
0x2ad: {  	v21 =	vmul.f32 v6, v6;
	v6 =	vmul.f32 v20, v6  }
0x2ae: {  	v10 =	vadd.f32 v11, v10;
	v11 =	vmul.f32 v12, v12;
	v12 =	vadd.f32 v14, v13;
	_ =	sdelay $0x1  }
0x2af: {  	v6 =	vadd.f32 v6, v10;
	v10 =	vmul.f32 v46, v49;
	v13 =	vld [tilespmem:$0x1FC90];
	v5 =	vadd.f32 v5, v12  }
0x2b0: {  	v0 =	vadd.f32 v61, v0  }
0x2b1: {  	[tilespmem:$0x1FC40] =	vst v5;
	v5 =	vadd.f32 v10, v6;
	v6 =	vld [tilespmem:$0x1FC60]  }
0x2b2: {  	v0 =	vadd.f32 v54, v0;
	_ =	sdelay $0x1  }
0x2b3: {  	v0 =	vadd.f32 v13, v0;
	_ =	sdelay $0x1  }
0x2b4: {  	v13 =	vld [tilespmem:$0x1FCA0];
	v0 =	vadd.f32 v6, v0  }
0x2b5: {  	v7 =	vadd.f32 v62, v7  }
0x2b6: {  	[tilespmem:$0x1FC20] =	vst v0;
	v0 =	vld [tilespmem:$0x1FC70]  }
0x2b7: {  	v7 =	vadd.f32 v57, v7;
	_ =	sdelay $0x1  }
0x2b8: {  	v7 =	vadd.f32 v13, v7;
	_ =	sdelay $0x1  }
0x2b9: {  	v0 =	vadd.f32 v0, v7  }
0x2ba: {  	v6 =	vld [tilespmem:$0x1FC50]  }
0x2bb: {  	[tilespmem:$0x1FC30] =	vst v0;
	v0 =	vld [tilespmem:$0x1FE40];
	_ =	sdelay $0x4  }
0x2bc: {  	v0 =	vadd.f32 v6, v0;
	v6 =	vld [tilespmem:$0x1FE30];
	_ =	sdelay $0x2  }
0x2bd: {  	v2 =	vmul.f32 v2, v2;
	v7 =	vld [tilespmem:$0x1FE50];
	_ =	sdelay $0x1  }
0x2be: {  	v2 =	vadd.f32 v2, v6;
	v6 =	vld [tilespmem:$0x1FE60]  }
0x2bf: {  	[tilespmem:$0x1FBF0] =	vst v5;
	v5 =	vmul.f32 v59, v59;
	_ =	sdelay $0x1  }
0x2c0: {  	v13 =	vmul.f32 v58, v58;
	v5 =	vadd.f32 v5, v7;
	v7 =	vmul.f32 v63, v63;
	_ =	sdelay $0x1  }
0x2c1: {  	v1 =	vmul.f32 v1, v1;
	v5 =	vadd.f32 v7, v5;
	v6 =	vadd.f32 v13, v6  }
0x2c2: {  	v4 =	vmul.f32 v4, v4;
	v0 =	vadd.f32 v3, v0;
	v2 =	vadd.f32 v11, v2  }
0x2c3: {  	v3 =	vmul.f32 v51, v51;
	v1 =	vadd.f32 v1, v6;
	v6 =	vmul.f32 v53, v53  }
0x2c4: {  	v2 =	vadd.f32 v4, v2;
	v4 =	vmul.f32 v48, v48  }
0x2c5: {  	v1 =	vadd.f32 v3, v1;
	v3 =	vadd.f32 v6, v5;
	v5 =	vmul.f32 v50, v50;
	_ =	sdelay $0x1  }
0x2c6: {  	v6 =	vmul.f32 v31, v31;
	v1 =	vadd.f32 v4, v1;
	v3 =	vadd.f32 v5, v3;
	v5 =	vld [tilespmem:$0x1FCC0]  }
0x2c7: {  	v0 =	vadd.f32 v56, v0  }
0x2c8: {  	v1 =	vadd.f32 v6, v1;
	v6 =	vld [tilespmem:$0x1FCB0]  }
0x2c9: {  	v0 =	vadd.f32 v52, v0  }
0x2ca: {  	v4 =	vmul.f32 v42, v42  }
0x2cb: {  	v9 =	vmul.f32 v9, v9;
	v0 =	vadd.f32 v5, v0;
	v5 =	vmul.f32 v35, v35  }
0x2cc: {  	v2 =	vadd.f32 v8, v2;
	v3 =	vadd.f32 v4, v3;
	v4 =	vmul.f32 v36, v36  }
0x2cd: {  	v0 =	vadd.f32 v6, v0;
	v6 =	vmul.f32 v39, v39;
	v1 =	vadd.f32 v5, v1  }
0x2ce: {  	v7 =	vld [tilespmem:$0x1FC80];
	v2 =	vadd.f32 v9, v2;
	v3 =	vadd.f32 v4, v3;
	v4 =	vmul.f32 v32, v32  }
0x2cf: {  	v8 =	vld [tilespmem:$0x1FF40];
	v5 =	vmul.f32 v43, v43;
	v1 =	vadd.f32 v6, v1  }
0x2d0: {  	v2 =	vadd.f32 v21, v2;
	v3 =	vadd.f32 v4, v3  }
0x2d1: {  	v4 =	vmul.f32 v45, v45;
	v0 =	vadd.f32 v44, v0;
	v1 =	vadd.f32 v5, v1  }
0x2d2: {  	v2 =	vadd.f32 v60, v2  }
0x2d3: {  	v0 =	vadd.f32 v7, v0;
	[tilespmem:$0x1FE60] =	vst v1;
	v1 =	vadd.f32 v4, v3;
	v4 =	vld [tilespmem:$0x1FF20]  }
0x2d4: {  	v8 =	vadd.s32 s19, v8  }
0x2d5: {  	v8 =	vand.u32 $0x3F, v8;
	[tilespmem:$0x1FE40] =	vst v0;
	v0 =	vadd.f32 v55, v2;
	v2 =	vld [tilespmem:$0x1FF30]  }
0x2d6: {  	v10 =	vor.u32 v8, v25;
	_ =	sdelay $0x1  }
0x2d7: {  	v4 =	vadd.s32 s19, v4  }
0x2d8: {  	v4 =	vand.u32 $0x3F, v4  }
0x2d9: {  	v2 =	vadd.s32 s19, v2;
	v7 =	vor.u32 v4, v24  }
0x2da: {  	v15 =	vld.idx.msk [tilespmem:v10+s22+$0x0], $0xffff;
	v5 =	vand.u32 $0x3F, v2  }
0x2db: {  	v10 =	vld [tilespmem:$0x1FF70];
	v9 =	vor.u32 v5, v25;
	_ =	sdelay $0x2  }
0x2dc: {  	v60 =	vld.idx.msk [tilespmem:v7+s21+$0x0], $0xffff  }
0x2dd: {  	v7 =	vld [tilespmem:$0x1FF50]  }
0x2de: {  	v6 =	vor.u32 s19, v29;
	v10 =	vadd.s32 s19, v10;
	v13 =	vld.idx.msk [tilespmem:v9+s22+$0x0], $0xffff  }
0x2df: {  	v3 =	vor.u32 v6, v26;
	v10 =	vand.u32 $0x3F, v10;
	v9 =	vld [tilespmem:$0x1FF60]  }
0x2e0: {  	v19 =	vor.u32 v10, v25  }
0x2e1: {  	[tilespmem:$0x1FE30] =	vst v0;
	v0 =	vor.u32 v6, v24  }
0x2e2: {  	[tilespmem:$0x1FE50] =	vst v1;
	v1 =	vor.u32 v6, v25;
	v7 =	vadd.s32 s19, v7  }
0x2e3: {  	v22 =	vld [tilespmem:$0x1FF90];
	v6 =	vor.u32 v5, v24;
	v7 =	vand.u32 $0x3F, v7  }
0x2e4: {  	v3 =	vld.idx.msk [tilespmem:v3+s23+$0x0], $0xffff;
	v9 =	vadd.s32 s19, v9;
	v11 =	vor.u32 v7, v24  }
0x2e5: {  	v19 =	vld.idx.msk [tilespmem:v19+s22+$0x0], $0xffff;
	v9 =	vand.u32 $0x3F, v9;
	v12 =	vor.u32 v7, v25  }
0x2e6: {  	v2 =	vld.idx.msk [tilespmem:v0+s21+$0x0], $0xffff;
	v17 =	vor.u32 v9, v26  }
0x2e7: {  	v1 =	vld.idx.msk [tilespmem:v1+s22+$0x0], $0xffff  }
0x2e8: {  	v55 =	vld.idx.msk [tilespmem:v6+s21+$0x0], $0xffff;
	v14 =	vor.u32 v9, v24  }
0x2e9: {  	v16 =	vor.u32 v9, v25;
	v9 =	vld.idx.msk [tilespmem:v11+s21+$0x0], $0xffff;
	v11 =	vor.u32 v10, v24  }
0x2ea: {  	v18 =	vld.idx.msk [tilespmem:v12+s22+$0x0], $0xffff  }
0x2eb: {  	v0 =	vor.u32 v4, v25;
	v27 =	vld.idx.msk [tilespmem:v17+s23+$0x0], $0xffff  }
0x2ec: {  	v21 =	vor.u32 v10, v26;
	v5 =	vor.u32 v5, v26;
	v12 =	vadd.s32 s19, v38;
	v10 =	vld [tilespmem:$0x1FFA0]  }
0x2ed: {  	v4 =	vor.u32 v4, v26;
	v6 =	vor.u32 v8, v24;
	v20 =	vand.u32 $0x3F, v12;
	v12 =	vld.idx.msk [tilespmem:v14+s21+$0x0], $0xffff  }
0x2ee: {  	v14 =	vor.u32 v20, v24;
	v23 =	vor.u32 v20, v25;
	v17 =	vor.u32 v20, v26;
	v20 =	vld.idx.msk [tilespmem:v11+s21+$0x0], $0xffff  }
0x2ef: {  	v11 =	vld [tilespmem:$0x1FF80]  }
0x2f0: {  	v0 =	vld.idx.msk [tilespmem:v0+s22+$0x0], $0xffff  }
0x2f1: {  	v5 =	vld.idx.msk [tilespmem:v5+s23+$0x0], $0xffff  }
0x2f2: {  	v4 =	vld.idx.msk [tilespmem:v4+s23+$0x0], $0xffff  }
0x2f3: {  	v6 =	vld.idx.msk [tilespmem:v6+s21+$0x0], $0xffff;
	v7 =	vor.u32 v7, v26;
	v10 =	vadd.s32 s19, v10  }
0x2f4: {  	v33 =	vsub.f32 v3, v1;
	v28 =	vand.u32 $0x3F, v10;
	v37 =	vld.idx.msk [tilespmem:v14+s21+$0x0], $0xffff;
	v11 =	vadd.s32 s19, v11  }
0x2f5: {  	v29 =	vor.u32 v28, v24;
	v14 =	vmul.f32 v55, v55;
	v46 =	vld.idx.msk [tilespmem:v17+s23+$0x0], $0xffff;
	v34 =	vand.u32 $0x3F, v11  }
0x2f6: {  	v17 =	vmul.f32 v5, v5;
	v11 =	vmul.f32 v1, v1;
	v1 =	vld.idx.msk [tilespmem:v21+s23+$0x0], $0xffff;
	v21 =	vor.u32 v34, v25  }
0x2f7: {  	[tilespmem:$0x1FC60] =	vst v14;
	v14 =	vld.idx.msk [tilespmem:v23+s22+$0x0], $0xffff;
	v23 =	vadd.s32 s19, v22;
	v22 =	vmul.f32 v13, v13  }
0x2f8: {  	v7 =	vld.idx.msk [tilespmem:v7+s23+$0x0], $0xffff;
	[tilespmem:$0x1FC80] =	vst v17  }
0x2f9: {  	v17 =	vor.u32 v28, v26;
	[tilespmem:$0x1FC70] =	vst v22;
	v22 =	vld [tilespmem:$0x1FFB0]  }
0x2fa: {  	v49 =	vld.idx.msk [tilespmem:v29+s21+$0x0], $0xffff  }
0x2fb: {  	v8 =	vor.u32 v8, v26;
	v40 =	vld.idx.msk [tilespmem:v21+s22+$0x0], $0xffff  }
0x2fc: {  	v3 =	vmul.f32 v3, v3;
	v21 =	vld [tilespmem:$0x1FFC0]  }
0x2fd: {  	v31 =	vor.u32 v28, v25;
	v29 =	vld [tilespmem:$0x1FFF0]  }
0x2fe: {  	[tilespmem:$0x1FC50] =	vst v3;
	v3 =	vor.u32 v34, v26;
	v45 =	vld.idx.msk [tilespmem:v17+s23+$0x0], $0xffff  }
0x2ff: {  	v47 =	vsub.f32 v4, v0;
	v23 =	vand.u32 $0x3F, v23;
	v17 =	vld [tilespmem:$0x1FFE0]  }
0x300: {  	v8 =	vld.idx.msk [tilespmem:v8+s23+$0x0], $0xffff;
	v0 =	vmul.f32 v0, v0;
	v63 =	vor.u32 v23, v25;
	v28 =	vadd.s32 s19, v22  }
0x301: {  	v16 =	vld.idx.msk [tilespmem:v16+s22+$0x0], $0xffff;
	v48 =	vor.u32 v23, v26;
	v28 =	vand.u32 $0x3F, v28;
	v21 =	vadd.s32 s19, v21  }
0x302: {  	v38 =	vsub.f32 v7, v18;
	v43 =	vld.idx.msk [tilespmem:v31+s22+$0x0], $0xffff;
	v50 =	vor.u32 v28, v25;
	v21 =	vand.u32 $0x3F, v21  }
0x303: {  	v5 =	vsub.f32 v5, v13;
	v32 =	vld.idx.msk [tilespmem:v3+s23+$0x0], $0xffff;
	v53 =	vadd.s32 s19, v29;
	v13 =	vor.u32 v21, v26  }
0x304: {  	[tilespmem:$0x1FCA0] =	vst v0;
	v3 =	vld [tilespmem:$0x1FFD0];
	v0 =	vor.u32 v28, v26;
	v39 =	vand.u32 $0x3F, v53;
	v17 =	vadd.s32 s19, v17  }
0x305: {  	v62 =	vmul.f32 v18, v18;
	v35 =	vld.idx.msk [tilespmem:v63+s22+$0x0], $0xffff;
	v18 =	vor.u32 v39, v26;
	v17 =	vand.u32 $0x3F, v17  }
0x306: {  	v36 =	vld.idx.msk [tilespmem:v48+s23+$0x0], $0xffff;
	v56 =	vor.u32 v17, v25  }
0x307: {  	v44 =	vmul.f32 v4, v4;
	v31 =	vld.idx.msk [tilespmem:v50+s22+$0x0], $0xffff;
	v4 =	vor.u32 v21, v25  }
0x308: {  	v22 =	vmul.f32 v60, v60;
	v50 =	vld.idx.msk [tilespmem:v13+s23+$0x0], $0xffff;
	v13 =	vor.u32 v17, v24  }
0x309: {  	v57 =	vmul.f32 v15, v15;
	v3 =	vadd.s32 s19, v3;
	v42 =	vld.idx.msk [tilespmem:v0+s23+$0x0], $0xffff  }
0x30a: {  	[tilespmem:$0x1FC90] =	vst v22;
	v22 =	vsub.f32 v8, v15;
	v15 =	vor.u32 v17, v26;
	v3 =	vand.u32 $0x3F, v3;
	v63 =	vld.idx.msk [tilespmem:v18+s23+$0x0], $0xffff  }
0x30b: {  	v41 =	vor.u32 v3, v25;
	v58 =	vld.idx.msk [tilespmem:v56+s22+$0x0], $0xffff  }
0x30c: {  	v52 =	vor.u32 v3, v26;
	v48 =	vld.idx.msk [tilespmem:v4+s22+$0x0], $0xffff  }
0x30d: {  	v33 =	vmul.f32 v33, v2;
	v10 =	vmul.f32 v2, v2;
	v4 =	vor.u32 v39, v25;
	v2 =	vld.idx.msk [tilespmem:v13+s21+$0x0], $0xffff  }
0x30e: {  	v29 =	vsub.f32 v1, v19;
	v0 =	vmul.f32 v8, v8;
	v13 =	vmul.f32 v47, v60;
	v60 =	vld [tilespmem:$0x1FC00]  }
0x30f: {  	v8 =	vmul.f32 v19, v19;
	v30 =	vor.u32 v3, v24;
	v18 =	vsub.f32 v27, v16;
	v59 =	vld.idx.msk [tilespmem:v15+s23+$0x0], $0xffff  }
0x310: {  	v19 =	vor.u32 v34, v24;
	[tilespmem:$0x1FCB0] =	vst v0;
	v0 =	vmul.f32 v7, v7;
	v51 =	vld.idx.msk [tilespmem:v41+s22+$0x0], $0xffff  }
0x311: {  	v34 =	vor.u32 v23, v24;
	v56 =	vmul.f32 v1, v1;
	v23 =	vmul.f32 v18, v12;
	v53 =	vld.idx.msk [tilespmem:v52+s23+$0x0], $0xffff  }
0x312: {  	v52 =	vmul.f32 v27, v27;
	v41 =	vmul.f32 v14, v14;
	v27 =	vsub.f32 v46, v14;
	v1 =	vld.idx.msk [tilespmem:v4+s22+$0x0], $0xffff  }
0x313: {  	v14 =	vmul.f32 v22, v6;
	v22 =	vor.u32 v39, v24;
	v33 =	vadd.f32 v33, v60;
	v60 =	vld [tilespmem:$0x1FC10]  }
0x314: {  	[tilespmem:$0x1FCC0] =	vst v0;
	v0 =	vmul.f32 v12, v12;
	v12 =	vsub.f32 v59, v58;
	v4 =	vld.idx.msk [tilespmem:v30+s21+$0x0], $0xffff;
	_ =	sdelay $0x1  }
0x315: {  	v12 =	vmul.f32 v12, v2  }
0x316: {  	v54 =	vmul.f32 v6, v6;
	v6 =	vld.idx.msk [tilespmem:v34+s21+$0x0], $0xffff;
	v30 =	vor.u32 v21, v24;
	v21 =	vsub.f32 v53, v51  }
0x317: {  	v28 =	vor.u32 v28, v24;
	v34 =	vadd.f32 v12, v60;
	v12 =	vld.idx.msk [tilespmem:v22+s21+$0x0], $0xffff  }
0x318: {  	v22 =	vmul.f32 v21, v4;
	v21 =	vld [tilespmem:$0x1FC20];
	_ =	sdelay $0x2  }
0x319: {  	v61 =	vmul.f32 v9, v9  }
0x31a: {  	v17 =	vmul.f32 v16, v16;
	v16 =	vmul.f32 v38, v9;
	v9 =	vld.idx.msk [tilespmem:v28+s21+$0x0], $0xffff  }
0x31b: {  	v5 =	vmul.f32 v5, v55;
	v29 =	vmul.f32 v29, v20;
	v10 =	vadd.f32 v10, v21;
	v21 =	vld [tilespmem:$0x1FC30]  }
0x31c: {  	p0 =	sne.s32 s19, $0x30;
	v3 =	vmul.f32 v46, v46;
	v7 =	vmul.f32 v20, v20;
	v18 =	vld.idx.msk [tilespmem:v19+s21+$0x0], $0xffff  }
.Ltmp4:
0x31d: {  	v20 =	vsub.f32 v36, v35;
	v15 =	vmul.f32 v37, v37;
	v39 =	vmovc v40;
	v46 =	vsub.f32 v45, v43;
	(pc) =	sbr.rel @p0 .LBB2_11-.Ltmp4, $4  }
0x31e: {  	v38 =	vld [tilespmem:$0x1FF10];
	v19 =	vsub.f32 v32, v39;
	v47 =	vmul.f32 v27, v37;
	v37 =	vsub.f32 v42, v31  }
0x31f: {  	v55 =	vmul.f32 v49, v49;
	v40 =	vld [tilespmem:$0x1FBF0];
	v27 =	vsub.f32 v50, v48;
	v28 =	vsub.f32 v63, v1  }
0x320: {  	v37 =	vmul.f32 v37, v9;
	v33 =	vadd.f32 v29, v33;
	v21 =	vadd.f32 v11, v21;
	v11 =	vld.idx.msk [tilespmem:v30+s21+$0x0], $0xffff  }
0x321: {  	s19 =	sadd.s32 $0x10, s19;
	v29 =	vlaneseq.u32;
	v60 =	vmul.f32 v18, v18;
	v34 =	vadd.f32 v22, v34;
	v30 =	vld [tilespmem:$0x1FC40]  }
0x322: {  	_ =	sdelay $0x1  }
0x323: {  	v22 =	vmul.f32 v28, v12;
	_ =	sdelay $0x1  }
0x324: {  	v22 =	vadd.f32 v22, v40;
	v25 =	vmul.f32 v27, v11;
	v24 =	vadd.f32 v47, v30;
	_ =	sdelay $0x1  }
0x325: {  	v20 =	vmul.f32 v20, v6;
	v22 =	vadd.f32 v25, v22;
	v23 =	vadd.f32 v23, v24  }
0x326: {  	v16 =	vadd.f32 v16, v33;
	v18 =	vmul.f32 v19, v18;
	v47 =	vadd.f32 v37, v34  }
0x327: {  	v19 =	vadd.f32 v20, v22;
	v20 =	vmul.f32 v46, v49;
	v14 =	vadd.f32 v14, v23  }
0x328: {  	v13 =	vadd.f32 v13, v16;
	v16 =	vadd.f32 v18, v47  }
0x329: {  	v5 =	vadd.f32 v5, v14;
	v14 =	vadd.f32 v20, v19;
	_ =	sdelay $0x1  }
0x32a: {  	v13 =	vadd.f32 v16, v13;
	v5 =	vadd.f32 v14, v5;
	_ =	sdelay $0x1  }
0x32b: {  	v5 =	vadd.f32 v5, v13;
	_ =	sdelay $0x1  }
0x32c: {  	v13 =	vand.u32 $0x7FFFFFFF, v5  }
0x32d: {  	v13 =	vsub.f32 $0.0e+00, v13;
	_ =	sdelay $0x1  }
0x32e: {  	v13 =	vmul.f32 $1.442695020e+00, v13  }
0x32f: {  	v10 =	vadd.f32 v15, v10  }
0x330: {  	(erf) = vpow2.f32 v13;
	v13 =	vadd.f32 v41, v21  }
0x331: {  	v7 =	vadd.f32 v7, v10  }
0x332: {  	v8 =	vadd.f32 v8, v13  }
0x333: {  	v0 =	vadd.f32 v0, v7  }
0x334: {  	v7 =	vadd.f32 v17, v8;
	v8 =	vld [tilespmem:$0x1FC90]  }
0x335: {  	v0 =	vadd.f32 v61, v0;
	_ =	sdelay $0x1  }
0x336: {  	v0 =	vadd.f32 v54, v0;
	_ =	sdelay $0x1  }
0x337: {  	v0 =	vadd.f32 v8, v0;
	v8 =	vld [tilespmem:$0x1FCA0]  }
0x338: {  	v7 =	vadd.f32 v62, v7;
	_ =	sdelay $0x1  }
0x339: {  	v7 =	vadd.f32 v57, v7  }
0x33a: {  	v10 =	vpop (erf)  }
0x33b: {  	v13 =	vadd.f32 $2.000000000e+00, v10;
	v7 =	vadd.f32 v8, v7;
	v8 =	vld [tilespmem:$0x1FC60];
	_ =	sdelay $0x1  }
0x33c: {  	(erf) = vrcp.f32 v13;
	_ =	sdelay $0x2  }
0x33d: {  	v16 =	vadd.f32 v8, v0;
	v0 =	vld [tilespmem:$0x1FC70]  }
0x33e: {  	v13 =	vld [tilespmem:$0x1FE30];
	_ =	sdelay $0x2  }
0x33f: {  	v2 =	vmul.f32 v2, v2;
	v8 =	vld [tilespmem:$0x1FC50]  }
0x340: {  	v14 =	vadd.f32 v0, v7;
	v7 =	vld [tilespmem:$0x1FE40]  }
0x341: {  	v15 =	vld [tilespmem:$0x1FE60];
	v2 =	vadd.f32 v2, v13;
	v13 =	vpop (erf)  }
0x342: {  	v10 =	vmul.f32 v13, v10;
	v13 =	vld [tilespmem:$0x1FE50];
	_ =	sdelay $0x1  }
0x343: {  	v12 =	vmul.f32 v12, v12;
	v0 =	vmul.f32 v58, v58  }
0x344: {  	v1 =	vmul.f32 v1, v1;
	v7 =	vadd.f32 v8, v7;
	v8 =	vmul.f32 v59, v59  }
0x345: {  	v2 =	vadd.f32 v12, v2;
	v12 =	vmul.f32 v10, v10;
	v0 =	vadd.f32 v0, v15  }
0x346: {  	v8 =	vadd.f32 v8, v13;
	v3 =	vadd.f32 v3, v7;
	v7 =	vmul.f32 v63, v63  }
0x347: {  	v0 =	vadd.f32 v1, v0;
	v1 =	vmul.f32 v4, v4;
	v4 =	vmul.f32 v51, v51  }
0x348: {  	v7 =	vadd.f32 v7, v8;
	v8 =	vmul.f32 $2.857142980e-01, v12  }
0x349: {  	v1 =	vadd.f32 v1, v2;
	v0 =	vadd.f32 v4, v0;
	v2 =	vmul.f32 v53, v53  }
0x34a: {  	v4 =	vmul.f32 v11, v11;
	v11 =	vmul.f32 v48, v48;
	v8 =	vadd.f32 $4.000000060e-01, v8  }
0x34b: {  	v2 =	vadd.f32 v2, v7;
	v7 =	vmul.f32 v50, v50  }
0x34c: {  	v1 =	vadd.f32 v4, v1;
	v0 =	vadd.f32 v11, v0;
	v4 =	vmul.f32 v8, v12  }
0x34d: {  	v2 =	vadd.f32 v7, v2;
	v7 =	vmul.f32 v9, v9;
	v8 =	vmul.f32 v31, v31;
	v9 =	vld [tilespmem:$0x1FCC0]  }
0x34e: {  	v3 =	vadd.f32 v56, v3  }
0x34f: {  	v1 =	vadd.f32 v7, v1;
	v0 =	vadd.f32 v8, v0;
	v7 =	vmul.f32 v35, v35  }
0x350: {  	v3 =	vadd.f32 v52, v3;
	v8 =	vld [tilespmem:$0x1FCB0]  }
0x351: {  	v6 =	vmul.f32 v6, v6;
	v40 =	vld [tilespmem:$0x1FFE0];
	v4 =	vadd.f32 $6.666666860e-01, v4;
	v0 =	vadd.f32 v7, v0  }
0x352: {  	v30 =	vld [tilespmem:$0x1FF80];
	v7 =	vmul.f32 v39, v39;
	v3 =	vadd.f32 v9, v3;
	v9 =	vmul.f32 v42, v42  }
0x353: {  	v18 =	vld [tilespmem:$0x1FF70];
	v4 =	vmul.f32 v4, v12;
	v1 =	vadd.f32 v6, v1  }
0x354: {  	v6 =	vmul.f32 v36, v36;
	v0 =	vadd.f32 v7, v0;
	v7 =	vld [tilespmem:$0x1FC80];
	v2 =	vadd.f32 v9, v2  }
0x355: {  	v54 =	vld [tilespmem:$0x1FFF0];
	v4 =	vadd.f32 $2.000000000e+00, v4;
	v3 =	vadd.f32 v8, v3  }
0x356: {  	v15 =	vld [tilespmem:$0x1FF60];
	v2 =	vadd.f32 v6, v2;
	v6 =	vmul.f32 v32, v32  }
0x357: {  	v48 =	vld [tilespmem:$0x1FFD0];
	v4 =	vmul.f32 v4, v10;
	v3 =	vadd.f32 v44, v3  }
0x358: {  	v5 =	vmax.f32 v5, $0.0e+00;
	v31 =	vld [tilespmem:$0x1FF90];
	v2 =	vadd.f32 v6, v2  }
0x359: {  	v35 =	vld [tilespmem:$0x1FFB0];
	v7 =	vadd.f32 v7, v3;
	v3 =	vadd.f32 v4, v5;
	v4 =	vmul.f32 v45, v45  }
0x35a: {  	s18 =	sadd.s32 $0x1, s18;
	v39 =	vld [tilespmem:$0x1FFC0]  }
0x35b: {  	p0 =	sne.s32 s18, $0x8;
	v4 =	vadd.f32 v4, v2;
	v2 =	vld [tilespmem:$0x1FE70]  }
.Ltmp5:
0x35c: {  	v12 =	vld [tilespmem:$0x1FF50];
	(pc) =	sbr.rel @p0 .LBB2_10-.Ltmp5, $4  }
0x35d: {  	v1 =	vadd.f32 v60, v1;
	v8 =	vld [tilespmem:$0x1FF40]  }
0x35e: {  	v32 =	vld [tilespmem:$0x1FFA0];
	v6 =	vmul.f32 v43, v43  }
0x35f: {  	v9 =	vadd.f32 v55, v1;
	v5 =	vld [tilespmem:$0x1FF20]  }
0x360: {  	v1 =	vadd.f32 v6, v0;
	v6 =	vld [tilespmem:$0x1FF30];
	v2 =	vadd.f32 v3, v2  }
0x361: {  	_ =	swait.ge [sflag:s17], $0x4000  }
0x362: {  	[sflag:s17] =	ssyncset.done $0x0  }
0x363: {  	[sflag:s17] =	ssyncadd.s32 $0xFFFFC000  }
0x364: {  	_ =	swait.ge [sflag:s17], $0x4000  }
0x365: {  	[sflag:s17] =	ssyncset.done $0x0  }
0x366: {  	[sflag:s17] =	ssyncadd.s32 $0xFFFFC000  }
0x367: {  	_ =	swait.ge [sflag:s17], $0x4000  }
0x368: {  	[sflag:s17] =	ssyncset.done $0x0  }
0x369: {  	s1 =	simm.s32 $0x0;
	s18 =	simm.s32 $0x0;
	[sflag:s17] =	ssyncadd.s32 $0xFFFFC000  }
.LBB2_14:
0x36a: {  	[tilespmem:$0x1FE50] =	vst v4;
	s19 =	sshll.u32 s18, $0x4;
	v4 =	vld [tilespmem:$0x1FF00]  }
0x36b: {  	v0 =	vld [tilespmem:s19+$0x780]  }
0x36c: {  	[tilespmem:$0x1FE60] =	vst v1;
	v1 =	vld [tilespmem:s19+$0x980]  }
0x36d: {  	[tilespmem:$0x1FE70] =	vst v2;
	v2 =	vld [tilespmem:s19+$0xB80];
	_ =	sdelay $0x1  }
0x36e: {  	v3 =	vmov s19  }
0x36f: {  	v3 =	vshll.u32 v3, $0x7  }
0x370: {  	v3 =	vor.u32 v4, v3;
	v0 =	vshll.u32 v0, $0x6  }
0x371: {  	v1 =	vshll.u32 v1, $0x6;
	v2 =	vshll.u32 v2, $0x6;
	v0 =	vand.u32 $0x40, v0  }
0x372: {  	v1 =	vand.u32 $0x40, v1;
	v24 =	vor.u32 v3, v0;
	v0 =	vor.u32 s1, v29  }
0x373: {  	v2 =	vand.u32 $0x40, v2;
	v25 =	vor.u32 v3, v1;
	v1 =	vor.u32 v0, v24  }
0x374: {  	v4 =	vadd.s32 s1, v5;
	v26 =	vor.u32 v3, v2;
	v2 =	vor.u32 v0, v25  }
0x375: {  	v4 =	vand.u32 $0x3F, v4;
	v0 =	vor.u32 v0, v26  }
0x376: {  	v3 =	vadd.s32 s1, v6;
	v6 =	vor.u32 v4, v24  }
0x377: {  	[tilespmem:$0x1FE40] =	vst v7;
	v8 =	vadd.s32 s1, v8;
	v7 =	vor.u32 v4, v25  }
0x378: {  	v8 =	vand.u32 $0x3F, v8;
	v4 =	vor.u32 v4, v26;
	v58 =	vld.idx.msk [tilespmem:v1+s24+$0x0], $0xffff  }
0x379: {  	v10 =	vor.u32 v8, v24;
	v2 =	vld.idx.msk [tilespmem:v2+s26+$0x0], $0xffff  }
0x37a: {  	v11 =	vadd.s32 s1, v12;
	v12 =	vor.u32 v8, v25;
	v0 =	vld.idx.msk [tilespmem:v0+s29+$0x0], $0xffff  }
0x37b: {  	v11 =	vand.u32 $0x3F, v11;
	v8 =	vor.u32 v8, v26;
	v56 =	vld.idx.msk [tilespmem:v6+s24+$0x0], $0xffff  }
0x37c: {  	v13 =	vor.u32 v11, v24;
	v7 =	vld.idx.msk [tilespmem:v7+s26+$0x0], $0xffff  }
0x37d: {  	[tilespmem:$0x1FEF0] =	vst v14;
	v14 =	vadd.s32 s1, v15;
	v15 =	vor.u32 v11, v25;
	v4 =	vld.idx.msk [tilespmem:v4+s29+$0x0], $0xffff  }
0x37e: {  	v14 =	vand.u32 $0x3F, v14;
	v11 =	vor.u32 v11, v26;
	v10 =	vld.idx.msk [tilespmem:v10+s24+$0x0], $0xffff  }
0x37f: {  	[tilespmem:$0x1FEE0] =	vst v16;
	v16 =	vor.u32 v14, v24;
	v12 =	vld.idx.msk [tilespmem:v12+s26+$0x0], $0xffff  }
0x380: {  	v17 =	vadd.s32 s1, v18;
	v18 =	vor.u32 v14, v25;
	v8 =	vld.idx.msk [tilespmem:v8+s29+$0x0], $0xffff  }
0x381: {  	v17 =	vand.u32 $0x3F, v17;
	v14 =	vor.u32 v14, v26;
	v19 =	vld.idx.msk [tilespmem:v13+s24+$0x0], $0xffff  }
0x382: {  	v3 =	vand.u32 $0x3F, v3;
	v21 =	vor.u32 v17, v25;
	v15 =	vld.idx.msk [tilespmem:v15+s26+$0x0], $0xffff  }
0x383: {  	v5 =	vor.u32 v3, v24;
	v45 =	vld.idx.msk [tilespmem:v11+s29+$0x0], $0xffff  }
0x384: {  	[tilespmem:$0x1FE30] =	vst v9;
	v9 =	vor.u32 v3, v25;
	v22 =	vld.idx.msk [tilespmem:v16+s24+$0x0], $0xffff  }
0x385: {  	v20 =	vadd.s32 s1, v38;
	v13 =	vor.u32 v17, v24;
	v18 =	vld.idx.msk [tilespmem:v18+s26+$0x0], $0xffff  }
0x386: {  	v20 =	vand.u32 $0x3F, v20;
	v17 =	vor.u32 v17, v26;
	v14 =	vld.idx.msk [tilespmem:v14+s29+$0x0], $0xffff  }
0x387: {  	v16 =	vor.u32 v20, v24;
	v21 =	vld.idx.msk [tilespmem:v21+s26+$0x0], $0xffff  }
0x388: {  	v27 =	vadd.s32 s1, v32;
	v3 =	vor.u32 v3, v26;
	v5 =	vld.idx.msk [tilespmem:v5+s24+$0x0], $0xffff  }
0x389: {  	v28 =	vadd.s32 s1, v30;
	v30 =	vadd.s32 s1, v39;
	v23 =	vor.u32 v20, v25;
	v9 =	vld.idx.msk [tilespmem:v9+s26+$0x0], $0xffff  }
0x38a: {  	v27 =	vand.u32 $0x3F, v27;
	v28 =	vand.u32 $0x3F, v28;
	v20 =	vor.u32 v20, v26;
	v34 =	vld.idx.msk [tilespmem:v13+s24+$0x0], $0xffff  }
0x38b: {  	v33 =	vand.u32 $0x3F, v30;
	v52 =	vsub.f32 v0, v2;
	v13 =	vor.u32 v27, v24;
	v46 =	vld.idx.msk [tilespmem:v17+s29+$0x0], $0xffff  }
0x38c: {  	v0 =	vmul.f32 v0, v0;
	v17 =	vadd.s32 s1, v31;
	v47 =	vld.idx.msk [tilespmem:v16+s24+$0x0], $0xffff;
	v16 =	vor.u32 v27, v25  }
0x38d: {  	v3 =	vld.idx.msk [tilespmem:v3+s29+$0x0], $0xffff;
	v50 =	vsub.f32 v4, v7;
	v6 =	vmul.f32 v7, v7;
	v7 =	vor.u32 v33, v25  }
0x38e: {  	v60 =	vld.idx.msk [tilespmem:v23+s26+$0x0], $0xffff;
	v44 =	vmul.f32 v4, v4;
	v55 =	vand.u32 $0x3F, v17;
	v17 =	vor.u32 v27, v26  }
0x38f: {  	v20 =	vld.idx.msk [tilespmem:v20+s29+$0x0], $0xffff;
	v4 =	vadd.s32 s1, v48;
	v1 =	vmul.f32 v5, v5;
	[tilespmem:$0x1FB70] =	vst v0;
	v0 =	vor.u32 v28, v26  }
0x390: {  	v4 =	vand.u32 $0x3F, v4;
	v27 =	vor.u32 v55, v25;
	v49 =	vld.idx.msk [tilespmem:v13+s24+$0x0], $0xffff  }
0x391: {  	v23 =	vadd.s32 s1, v35;
	v53 =	vor.u32 v4, v26;
	[tilespmem:$0x1FB80] =	vst v1;
	v1 =	vmul.f32 v9, v9;
	v43 =	vld.idx.msk [tilespmem:v16+s26+$0x0], $0xffff  }
0x392: {  	v41 =	vmul.f32 v2, v2;
	v2 =	vor.u32 v28, v25;
	v59 =	vsub.f32 v3, v9;
	v48 =	vld.idx.msk [tilespmem:v7+s26+$0x0], $0xffff  }
0x393: {  	v23 =	vand.u32 $0x3F, v23;
	[tilespmem:$0x1FB90] =	vst v1;
	v1 =	vmul.f32 v3, v3;
	v13 =	vor.u32 v55, v26;
	v3 =	vld.idx.msk [tilespmem:v17+s29+$0x0], $0xffff  }
0x394: {  	v37 =	vmul.f32 v58, v58;
	v32 =	vld.idx.msk [tilespmem:v0+s29+$0x0], $0xffff;
	v0 =	vor.u32 v23, v26  }
0x395: {  	v62 =	vadd.s32 s1, v54;
	[tilespmem:$0x1FBA0] =	vst v1;
	v1 =	vmul.f32 v56, v56;
	v35 =	vld.idx.msk [tilespmem:v27+s26+$0x0], $0xffff;
	v27 =	vor.u32 v4, v25  }
0x396: {  	v63 =	vsub.f32 v8, v12;
	v17 =	vadd.s32 s1, v40;
	v4 =	vor.u32 v4, v24;
	v53 =	vld.idx.msk [tilespmem:v53+s29+$0x0], $0xffff  }
0x397: {  	v54 =	vmul.f32 v10, v10;
	v17 =	vand.u32 $0x3F, v17;
	[tilespmem:$0x1FBB0] =	vst v1;
	v1 =	vld.idx.msk [tilespmem:v2+s26+$0x0], $0xffff;
	v2 =	vor.u32 v23, v25  }
0x398: {  	v57 =	vmul.f32 v12, v12;
	[tilespmem:$0x1FBC0] =	vst v6;
	v6 =	vand.u32 $0x3F, v62;
	v36 =	vld.idx.msk [tilespmem:v13+s29+$0x0], $0xffff;
	v13 =	vor.u32 v17, v25  }
0x399: {  	v28 =	vor.u32 v28, v24;
	v9 =	vor.u32 v33, v26;
	v12 =	vor.u32 v6, v25;
	v42 =	vld.idx.msk [tilespmem:v0+s29+$0x0], $0xffff  }
0x39a: {  	v16 =	vsub.f32 v45, v15;
	v11 =	vsub.f32 v46, v21;
	v0 =	vmul.f32 v8, v8;
	v51 =	vld.idx.msk [tilespmem:v27+s26+$0x0], $0xffff  }
0x39b: {  	v27 =	vmul.f32 v52, v58;
	v8 =	vmul.f32 v21, v21;
	v21 =	vor.u32 v23, v24;
	v4 =	vld.idx.msk [tilespmem:v4+s24+$0x0], $0xffff  }
0x39c: {  	v31 =	vld.idx.msk [tilespmem:v2+s26+$0x0], $0xffff;
	v2 =	vor.u32 v17, v26;
	v39 =	vmov v1;
	[tilespmem:$0x1FBD0] =	vst v0;
	v1 =	vor.u32 v17, v24  }
0x39d: {  	v0 =	vmul.f32 v45, v45;
	v17 =	vmul.f32 v18, v18;
	v18 =	vsub.f32 v14, v18;
	v58 =	vld.idx.msk [tilespmem:v13+s26+$0x0], $0xffff  }
0x39e: {  	v45 =	vmov v3;
	v3 =	vor.u32 v6, v26;
	v13 =	vmul.f32 v50, v56;
	v50 =	vld.idx.msk [tilespmem:v9+s29+$0x0], $0xffff  }
0x39f: {  	[tilespmem:$0x1FBE0] =	vst v0;
	v0 =	vmul.f32 v22, v22;
	v23 =	vmul.f32 v18, v22;
	v22 =	vor.u32 v6, v24;
	v6 =	vld [tilespmem:$0x1FEE0]  }
0x3a0: {  	v61 =	vmul.f32 v19, v19;
	v62 =	vmul.f32 v15, v15;
	v9 =	vsub.f32 v20, v60;
	v18 =	vld.idx.msk [tilespmem:v28+s24+$0x0], $0xffff  }
0x3a1: {  	v5 =	vmul.f32 v59, v5;
	v7 =	vmul.f32 v34, v34;
	v59 =	vld.idx.msk [tilespmem:v2+s29+$0x0], $0xffff  }
0x3a2: {  	v15 =	vmul.f32 v47, v47;
	v47 =	vmul.f32 v9, v47;
	v9 =	vld.idx.msk [tilespmem:v21+s24+$0x0], $0xffff  }
0x3a3: {  	v30 =	vimm.f32 $0.0e+00;
	v16 =	vmul.f32 v16, v19;
	v11 =	vmul.f32 v11, v34;
	v2 =	vld.idx.msk [tilespmem:v1+s24+$0x0], $0xffff  }
0x3a4: {  	v52 =	vmul.f32 v14, v14;
	v14 =	vmul.f32 v63, v10;
	v27 =	vadd.f32 v27, v30;
	v21 =	vld [tilespmem:$0x1FEF0]  }
0x3a5: {  	v19 =	vsub.f32 v32, v39;
	v1 =	vld.idx.msk [tilespmem:v12+s26+$0x0], $0xffff;
	v12 =	vor.u32 v55, v24;
	v55 =	vor.u32 v33, v24  }
0x3a6: {  	v56 =	vmul.f32 v46, v46;
	v46 =	vsub.f32 v45, v43;
	v10 =	vsub.f32 v59, v58  }
0x3a7: {  	v40 =	vimm.f32 $0.0e+00;
	v63 =	vld.idx.msk [tilespmem:v3+s29+$0x0], $0xffff;
	v28 =	vsub.f32 v42, v31;
	v33 =	vadd.f32 v11, v27  }
0x3a8: {  	v3 =	vmul.f32 v10, v2;
	v10 =	vadd.f32 v37, v6;
	v6 =	vsub.f32 v53, v51  }
0x3a9: {  	v27 =	vsub.f32 v50, v48;
	v21 =	vadd.f32 v41, v21;
	v41 =	vmul.f32 v60, v60  }
0x3aa: {  	v60 =	vmul.f32 v18, v18;
	v11 =	vld.idx.msk [tilespmem:v55+s24+$0x0], $0xffff;
	v34 =	vadd.f32 v3, v30;
	v37 =	vmul.f32 v6, v4  }
0x3ab: {  	v55 =	vmul.f32 v49, v49;
	v3 =	vmul.f32 v20, v20;
	v6 =	vld.idx.msk [tilespmem:v12+s24+$0x0], $0xffff;
	v20 =	vsub.f32 v36, v35  }
0x3ac: {  	s19 =	simm.s32 $0x10;
	v12 =	vld.idx.msk [tilespmem:v22+s24+$0x0], $0xffff;
	v34 =	vadd.f32 v37, v34;
	v37 =	vmul.f32 v28, v9;
	v28 =	vsub.f32 v63, v1  }
.LBB2_15:
0x3ad: {  	v16 =	vadd.f32 v16, v33  }
0x3ae: {  	v10 =	vadd.f32 v15, v10;
	v15 =	vadd.f32 v41, v21  }
0x3af: {  	v41 =	vadd.f32 v37, v34;
	v18 =	vmul.f32 v19, v18;
	v13 =	vadd.f32 v13, v16;
	_ =	sdelay $0x1  }
0x3b0: {  	v7 =	vadd.f32 v7, v10;
	[tilespmem:$0x1FB20] =	vst v13;
	v13 =	vadd.f32 v18, v41  }
0x3b1: {  	v10 =	vmul.f32 v28, v12;
	v8 =	vadd.f32 v8, v15  }
0x3b2: {  	v0 =	vadd.f32 v0, v7;
	[tilespmem:$0x1FB30] =	vst v13;
	v13 =	vadd.f32 v47, v30  }
0x3b3: {  	v10 =	vadd.f32 v10, v40;
	v7 =	vadd.f32 v17, v8  }
0x3b4: {  	v8 =	vmul.f32 v11, v11;
	v11 =	vmul.f32 v27, v11;
	v13 =	vadd.f32 v23, v13  }
0x3b5: {  	v21 =	vmul.f32 v6, v6;
	v6 =	vmul.f32 v20, v6  }
0x3b6: {  	v10 =	vadd.f32 v11, v10;
	v11 =	vmul.f32 v12, v12;
	v12 =	vadd.f32 v14, v13;
	_ =	sdelay $0x1  }
0x3b7: {  	v6 =	vadd.f32 v6, v10;
	v10 =	vmul.f32 v46, v49;
	v13 =	vld [tilespmem:$0x1FBB0];
	v5 =	vadd.f32 v5, v12  }
0x3b8: {  	v0 =	vadd.f32 v61, v0  }
0x3b9: {  	[tilespmem:$0x1FB60] =	vst v5;
	v5 =	vadd.f32 v10, v6;
	v6 =	vld [tilespmem:$0x1FB80]  }
0x3ba: {  	v0 =	vadd.f32 v54, v0;
	_ =	sdelay $0x1  }
0x3bb: {  	v0 =	vadd.f32 v13, v0;
	_ =	sdelay $0x1  }
0x3bc: {  	v13 =	vld [tilespmem:$0x1FBC0];
	v0 =	vadd.f32 v6, v0  }
0x3bd: {  	v7 =	vadd.f32 v62, v7  }
0x3be: {  	[tilespmem:$0x1FB40] =	vst v0;
	v0 =	vld [tilespmem:$0x1FB90]  }
0x3bf: {  	v7 =	vadd.f32 v57, v7;
	_ =	sdelay $0x1  }
0x3c0: {  	v7 =	vadd.f32 v13, v7;
	_ =	sdelay $0x1  }
0x3c1: {  	v0 =	vadd.f32 v0, v7  }
0x3c2: {  	v6 =	vld [tilespmem:$0x1FB70]  }
0x3c3: {  	[tilespmem:$0x1FB50] =	vst v0;
	v0 =	vld [tilespmem:$0x1FE40];
	_ =	sdelay $0x4  }
0x3c4: {  	v0 =	vadd.f32 v6, v0;
	v6 =	vld [tilespmem:$0x1FE30];
	_ =	sdelay $0x2  }
0x3c5: {  	v2 =	vmul.f32 v2, v2;
	v7 =	vld [tilespmem:$0x1FE50];
	_ =	sdelay $0x1  }
0x3c6: {  	v2 =	vadd.f32 v2, v6;
	v6 =	vld [tilespmem:$0x1FE60]  }
0x3c7: {  	[tilespmem:$0x1FB10] =	vst v5;
	v5 =	vmul.f32 v59, v59;
	_ =	sdelay $0x1  }
0x3c8: {  	v13 =	vmul.f32 v58, v58;
	v5 =	vadd.f32 v5, v7;
	v7 =	vmul.f32 v63, v63;
	_ =	sdelay $0x1  }
0x3c9: {  	v1 =	vmul.f32 v1, v1;
	v5 =	vadd.f32 v7, v5;
	v6 =	vadd.f32 v13, v6  }
0x3ca: {  	v4 =	vmul.f32 v4, v4;
	v0 =	vadd.f32 v3, v0;
	v2 =	vadd.f32 v11, v2  }
0x3cb: {  	v3 =	vmul.f32 v51, v51;
	v1 =	vadd.f32 v1, v6;
	v6 =	vmul.f32 v53, v53  }
0x3cc: {  	v2 =	vadd.f32 v4, v2;
	v4 =	vmul.f32 v48, v48  }
0x3cd: {  	v1 =	vadd.f32 v3, v1;
	v3 =	vadd.f32 v6, v5;
	v5 =	vmul.f32 v50, v50;
	_ =	sdelay $0x1  }
0x3ce: {  	v6 =	vmul.f32 v31, v31;
	v1 =	vadd.f32 v4, v1;
	v3 =	vadd.f32 v5, v3;
	v5 =	vld [tilespmem:$0x1FBE0]  }
0x3cf: {  	v0 =	vadd.f32 v56, v0  }
0x3d0: {  	v1 =	vadd.f32 v6, v1;
	v6 =	vld [tilespmem:$0x1FBD0]  }
0x3d1: {  	v0 =	vadd.f32 v52, v0  }
0x3d2: {  	v4 =	vmul.f32 v42, v42  }
0x3d3: {  	v9 =	vmul.f32 v9, v9;
	v0 =	vadd.f32 v5, v0;
	v5 =	vmul.f32 v35, v35  }
0x3d4: {  	v2 =	vadd.f32 v8, v2;
	v3 =	vadd.f32 v4, v3;
	v4 =	vmul.f32 v36, v36  }
0x3d5: {  	v0 =	vadd.f32 v6, v0;
	v6 =	vmul.f32 v39, v39;
	v1 =	vadd.f32 v5, v1  }
0x3d6: {  	v7 =	vld [tilespmem:$0x1FBA0];
	v2 =	vadd.f32 v9, v2;
	v3 =	vadd.f32 v4, v3;
	v4 =	vmul.f32 v32, v32  }
0x3d7: {  	v8 =	vld [tilespmem:$0x1FF40];
	v5 =	vmul.f32 v43, v43;
	v1 =	vadd.f32 v6, v1  }
0x3d8: {  	v2 =	vadd.f32 v21, v2;
	v3 =	vadd.f32 v4, v3  }
0x3d9: {  	v4 =	vmul.f32 v45, v45;
	v0 =	vadd.f32 v44, v0;
	v1 =	vadd.f32 v5, v1  }
0x3da: {  	v2 =	vadd.f32 v60, v2  }
0x3db: {  	v0 =	vadd.f32 v7, v0;
	[tilespmem:$0x1FE60] =	vst v1;
	v1 =	vadd.f32 v4, v3;
	v4 =	vld [tilespmem:$0x1FF20]  }
0x3dc: {  	v8 =	vadd.s32 s19, v8  }
0x3dd: {  	v8 =	vand.u32 $0x3F, v8;
	[tilespmem:$0x1FE40] =	vst v0;
	v0 =	vadd.f32 v55, v2;
	v2 =	vld [tilespmem:$0x1FF30]  }
0x3de: {  	v10 =	vor.u32 v8, v25;
	_ =	sdelay $0x1  }
0x3df: {  	v4 =	vadd.s32 s19, v4  }
0x3e0: {  	v4 =	vand.u32 $0x3F, v4  }
0x3e1: {  	v2 =	vadd.s32 s19, v2;
	v7 =	vor.u32 v4, v24  }
0x3e2: {  	v15 =	vld.idx.msk [tilespmem:v10+s26+$0x0], $0xffff;
	v5 =	vand.u32 $0x3F, v2  }
0x3e3: {  	v10 =	vld [tilespmem:$0x1FF70];
	v9 =	vor.u32 v5, v25;
	_ =	sdelay $0x2  }
0x3e4: {  	v60 =	vld.idx.msk [tilespmem:v7+s24+$0x0], $0xffff  }
0x3e5: {  	v7 =	vld [tilespmem:$0x1FF50]  }
0x3e6: {  	v6 =	vor.u32 s19, v29;
	v10 =	vadd.s32 s19, v10;
	v13 =	vld.idx.msk [tilespmem:v9+s26+$0x0], $0xffff  }
0x3e7: {  	v3 =	vor.u32 v6, v26;
	v10 =	vand.u32 $0x3F, v10;
	v9 =	vld [tilespmem:$0x1FF60]  }
0x3e8: {  	v19 =	vor.u32 v10, v25  }
0x3e9: {  	[tilespmem:$0x1FE30] =	vst v0;
	v0 =	vor.u32 v6, v24  }
0x3ea: {  	[tilespmem:$0x1FE50] =	vst v1;
	v1 =	vor.u32 v6, v25;
	v7 =	vadd.s32 s19, v7  }
0x3eb: {  	v22 =	vld [tilespmem:$0x1FF90];
	v6 =	vor.u32 v5, v24;
	v7 =	vand.u32 $0x3F, v7  }
0x3ec: {  	v3 =	vld.idx.msk [tilespmem:v3+s29+$0x0], $0xffff;
	v9 =	vadd.s32 s19, v9;
	v11 =	vor.u32 v7, v24  }
0x3ed: {  	v19 =	vld.idx.msk [tilespmem:v19+s26+$0x0], $0xffff;
	v9 =	vand.u32 $0x3F, v9;
	v12 =	vor.u32 v7, v25  }
0x3ee: {  	v2 =	vld.idx.msk [tilespmem:v0+s24+$0x0], $0xffff;
	v17 =	vor.u32 v9, v26  }
0x3ef: {  	v1 =	vld.idx.msk [tilespmem:v1+s26+$0x0], $0xffff  }
0x3f0: {  	v55 =	vld.idx.msk [tilespmem:v6+s24+$0x0], $0xffff;
	v14 =	vor.u32 v9, v24  }
0x3f1: {  	v16 =	vor.u32 v9, v25;
	v9 =	vld.idx.msk [tilespmem:v11+s24+$0x0], $0xffff;
	v11 =	vor.u32 v10, v24  }
0x3f2: {  	v18 =	vld.idx.msk [tilespmem:v12+s26+$0x0], $0xffff  }
0x3f3: {  	v0 =	vor.u32 v4, v25;
	v27 =	vld.idx.msk [tilespmem:v17+s29+$0x0], $0xffff  }
0x3f4: {  	v21 =	vor.u32 v10, v26;
	v5 =	vor.u32 v5, v26;
	v12 =	vadd.s32 s19, v38;
	v10 =	vld [tilespmem:$0x1FFA0]  }
0x3f5: {  	v4 =	vor.u32 v4, v26;
	v6 =	vor.u32 v8, v24;
	v20 =	vand.u32 $0x3F, v12;
	v12 =	vld.idx.msk [tilespmem:v14+s24+$0x0], $0xffff  }
0x3f6: {  	v14 =	vor.u32 v20, v24;
	v23 =	vor.u32 v20, v25;
	v17 =	vor.u32 v20, v26;
	v20 =	vld.idx.msk [tilespmem:v11+s24+$0x0], $0xffff  }
0x3f7: {  	v11 =	vld [tilespmem:$0x1FF80]  }
0x3f8: {  	v0 =	vld.idx.msk [tilespmem:v0+s26+$0x0], $0xffff  }
0x3f9: {  	v5 =	vld.idx.msk [tilespmem:v5+s29+$0x0], $0xffff  }
0x3fa: {  	v4 =	vld.idx.msk [tilespmem:v4+s29+$0x0], $0xffff  }
0x3fb: {  	v6 =	vld.idx.msk [tilespmem:v6+s24+$0x0], $0xffff;
	v7 =	vor.u32 v7, v26;
	v10 =	vadd.s32 s19, v10  }
0x3fc: {  	v33 =	vsub.f32 v3, v1;
	v28 =	vand.u32 $0x3F, v10;
	v37 =	vld.idx.msk [tilespmem:v14+s24+$0x0], $0xffff;
	v11 =	vadd.s32 s19, v11  }
0x3fd: {  	v29 =	vor.u32 v28, v24;
	v14 =	vmul.f32 v55, v55;
	v46 =	vld.idx.msk [tilespmem:v17+s29+$0x0], $0xffff;
	v34 =	vand.u32 $0x3F, v11  }
0x3fe: {  	v17 =	vmul.f32 v5, v5;
	v11 =	vmul.f32 v1, v1;
	v1 =	vld.idx.msk [tilespmem:v21+s29+$0x0], $0xffff;
	v21 =	vor.u32 v34, v25  }
0x3ff: {  	[tilespmem:$0x1FB80] =	vst v14;
	v14 =	vld.idx.msk [tilespmem:v23+s26+$0x0], $0xffff;
	v23 =	vadd.s32 s19, v22;
	v22 =	vmul.f32 v13, v13  }
0x400: {  	v7 =	vld.idx.msk [tilespmem:v7+s29+$0x0], $0xffff;
	[tilespmem:$0x1FBA0] =	vst v17  }
0x401: {  	v17 =	vor.u32 v28, v26;
	[tilespmem:$0x1FB90] =	vst v22;
	v22 =	vld [tilespmem:$0x1FFB0]  }
0x402: {  	v49 =	vld.idx.msk [tilespmem:v29+s24+$0x0], $0xffff  }
0x403: {  	v8 =	vor.u32 v8, v26;
	v40 =	vld.idx.msk [tilespmem:v21+s26+$0x0], $0xffff  }
0x404: {  	v3 =	vmul.f32 v3, v3;
	v21 =	vld [tilespmem:$0x1FFC0]  }
0x405: {  	v31 =	vor.u32 v28, v25;
	v29 =	vld [tilespmem:$0x1FFF0]  }
0x406: {  	[tilespmem:$0x1FB70] =	vst v3;
	v3 =	vor.u32 v34, v26;
	v45 =	vld.idx.msk [tilespmem:v17+s29+$0x0], $0xffff  }
0x407: {  	v47 =	vsub.f32 v4, v0;
	v23 =	vand.u32 $0x3F, v23;
	v17 =	vld [tilespmem:$0x1FFE0]  }
0x408: {  	v8 =	vld.idx.msk [tilespmem:v8+s29+$0x0], $0xffff;
	v0 =	vmul.f32 v0, v0;
	v63 =	vor.u32 v23, v25;
	v28 =	vadd.s32 s19, v22  }
0x409: {  	v16 =	vld.idx.msk [tilespmem:v16+s26+$0x0], $0xffff;
	v48 =	vor.u32 v23, v26;
	v28 =	vand.u32 $0x3F, v28;
	v21 =	vadd.s32 s19, v21  }
0x40a: {  	v38 =	vsub.f32 v7, v18;
	v43 =	vld.idx.msk [tilespmem:v31+s26+$0x0], $0xffff;
	v50 =	vor.u32 v28, v25;
	v21 =	vand.u32 $0x3F, v21  }
0x40b: {  	v5 =	vsub.f32 v5, v13;
	v32 =	vld.idx.msk [tilespmem:v3+s29+$0x0], $0xffff;
	v53 =	vadd.s32 s19, v29;
	v13 =	vor.u32 v21, v26  }
0x40c: {  	[tilespmem:$0x1FBC0] =	vst v0;
	v3 =	vld [tilespmem:$0x1FFD0];
	v0 =	vor.u32 v28, v26;
	v39 =	vand.u32 $0x3F, v53;
	v17 =	vadd.s32 s19, v17  }
0x40d: {  	v62 =	vmul.f32 v18, v18;
	v35 =	vld.idx.msk [tilespmem:v63+s26+$0x0], $0xffff;
	v18 =	vor.u32 v39, v26;
	v17 =	vand.u32 $0x3F, v17  }
0x40e: {  	v36 =	vld.idx.msk [tilespmem:v48+s29+$0x0], $0xffff;
	v56 =	vor.u32 v17, v25  }
0x40f: {  	v44 =	vmul.f32 v4, v4;
	v31 =	vld.idx.msk [tilespmem:v50+s26+$0x0], $0xffff;
	v4 =	vor.u32 v21, v25  }
0x410: {  	v22 =	vmul.f32 v60, v60;
	v50 =	vld.idx.msk [tilespmem:v13+s29+$0x0], $0xffff;
	v13 =	vor.u32 v17, v24  }
0x411: {  	v57 =	vmul.f32 v15, v15;
	v3 =	vadd.s32 s19, v3;
	v42 =	vld.idx.msk [tilespmem:v0+s29+$0x0], $0xffff  }
0x412: {  	[tilespmem:$0x1FBB0] =	vst v22;
	v22 =	vsub.f32 v8, v15;
	v15 =	vor.u32 v17, v26;
	v3 =	vand.u32 $0x3F, v3;
	v63 =	vld.idx.msk [tilespmem:v18+s29+$0x0], $0xffff  }
0x413: {  	v41 =	vor.u32 v3, v25;
	v58 =	vld.idx.msk [tilespmem:v56+s26+$0x0], $0xffff  }
0x414: {  	v52 =	vor.u32 v3, v26;
	v48 =	vld.idx.msk [tilespmem:v4+s26+$0x0], $0xffff  }
0x415: {  	v33 =	vmul.f32 v33, v2;
	v10 =	vmul.f32 v2, v2;
	v4 =	vor.u32 v39, v25;
	v2 =	vld.idx.msk [tilespmem:v13+s24+$0x0], $0xffff  }
0x416: {  	v29 =	vsub.f32 v1, v19;
	v0 =	vmul.f32 v8, v8;
	v13 =	vmul.f32 v47, v60;
	v60 =	vld [tilespmem:$0x1FB20]  }
0x417: {  	v8 =	vmul.f32 v19, v19;
	v30 =	vor.u32 v3, v24;
	v18 =	vsub.f32 v27, v16;
	v59 =	vld.idx.msk [tilespmem:v15+s29+$0x0], $0xffff  }
0x418: {  	v19 =	vor.u32 v34, v24;
	[tilespmem:$0x1FBD0] =	vst v0;
	v0 =	vmul.f32 v7, v7;
	v51 =	vld.idx.msk [tilespmem:v41+s26+$0x0], $0xffff  }
0x419: {  	v34 =	vor.u32 v23, v24;
	v56 =	vmul.f32 v1, v1;
	v23 =	vmul.f32 v18, v12;
	v53 =	vld.idx.msk [tilespmem:v52+s29+$0x0], $0xffff  }
0x41a: {  	v52 =	vmul.f32 v27, v27;
	v41 =	vmul.f32 v14, v14;
	v27 =	vsub.f32 v46, v14;
	v1 =	vld.idx.msk [tilespmem:v4+s26+$0x0], $0xffff  }
0x41b: {  	v14 =	vmul.f32 v22, v6;
	v22 =	vor.u32 v39, v24;
	v33 =	vadd.f32 v33, v60;
	v60 =	vld [tilespmem:$0x1FB30]  }
0x41c: {  	[tilespmem:$0x1FBE0] =	vst v0;
	v0 =	vmul.f32 v12, v12;
	v12 =	vsub.f32 v59, v58;
	v4 =	vld.idx.msk [tilespmem:v30+s24+$0x0], $0xffff;
	_ =	sdelay $0x1  }
0x41d: {  	v12 =	vmul.f32 v12, v2  }
0x41e: {  	v54 =	vmul.f32 v6, v6;
	v6 =	vld.idx.msk [tilespmem:v34+s24+$0x0], $0xffff;
	v30 =	vor.u32 v21, v24;
	v21 =	vsub.f32 v53, v51  }
0x41f: {  	v28 =	vor.u32 v28, v24;
	v34 =	vadd.f32 v12, v60;
	v12 =	vld.idx.msk [tilespmem:v22+s24+$0x0], $0xffff  }
0x420: {  	v22 =	vmul.f32 v21, v4;
	v21 =	vld [tilespmem:$0x1FB40];
	_ =	sdelay $0x2  }
0x421: {  	v61 =	vmul.f32 v9, v9  }
0x422: {  	v17 =	vmul.f32 v16, v16;
	v16 =	vmul.f32 v38, v9;
	v9 =	vld.idx.msk [tilespmem:v28+s24+$0x0], $0xffff  }
0x423: {  	v5 =	vmul.f32 v5, v55;
	v29 =	vmul.f32 v29, v20;
	v10 =	vadd.f32 v10, v21;
	v21 =	vld [tilespmem:$0x1FB50]  }
0x424: {  	p0 =	sne.s32 s19, $0x30;
	v3 =	vmul.f32 v46, v46;
	v7 =	vmul.f32 v20, v20;
	v18 =	vld.idx.msk [tilespmem:v19+s24+$0x0], $0xffff  }
.Ltmp6:
0x425: {  	v20 =	vsub.f32 v36, v35;
	v15 =	vmul.f32 v37, v37;
	v39 =	vmovc v40;
	v46 =	vsub.f32 v45, v43;
	(pc) =	sbr.rel @p0 .LBB2_15-.Ltmp6, $4  }
0x426: {  	v38 =	vld [tilespmem:$0x1FF10];
	v19 =	vsub.f32 v32, v39;
	v47 =	vmul.f32 v27, v37;
	v37 =	vsub.f32 v42, v31  }
0x427: {  	v55 =	vmul.f32 v49, v49;
	v40 =	vld [tilespmem:$0x1FB10];
	v27 =	vsub.f32 v50, v48;
	v28 =	vsub.f32 v63, v1  }
0x428: {  	v37 =	vmul.f32 v37, v9;
	v33 =	vadd.f32 v29, v33;
	v21 =	vadd.f32 v11, v21;
	v11 =	vld.idx.msk [tilespmem:v30+s24+$0x0], $0xffff  }
0x429: {  	s19 =	sadd.s32 $0x10, s19;
	v29 =	vlaneseq.u32;
	v60 =	vmul.f32 v18, v18;
	v34 =	vadd.f32 v22, v34;
	v30 =	vld [tilespmem:$0x1FB60]  }
0x42a: {  	_ =	sdelay $0x1  }
0x42b: {  	v22 =	vmul.f32 v28, v12;
	_ =	sdelay $0x1  }
0x42c: {  	v22 =	vadd.f32 v22, v40;
	v25 =	vmul.f32 v27, v11;
	v24 =	vadd.f32 v47, v30;
	_ =	sdelay $0x1  }
0x42d: {  	v20 =	vmul.f32 v20, v6;
	v22 =	vadd.f32 v25, v22;
	v23 =	vadd.f32 v23, v24  }
0x42e: {  	v16 =	vadd.f32 v16, v33;
	v18 =	vmul.f32 v19, v18;
	v47 =	vadd.f32 v37, v34  }
0x42f: {  	v19 =	vadd.f32 v20, v22;
	v20 =	vmul.f32 v46, v49;
	v14 =	vadd.f32 v14, v23  }
0x430: {  	v13 =	vadd.f32 v13, v16;
	v16 =	vadd.f32 v18, v47  }
0x431: {  	v5 =	vadd.f32 v5, v14;
	v14 =	vadd.f32 v20, v19;
	_ =	sdelay $0x1  }
0x432: {  	v13 =	vadd.f32 v16, v13;
	v5 =	vadd.f32 v14, v5;
	_ =	sdelay $0x1  }
0x433: {  	v5 =	vadd.f32 v5, v13;
	_ =	sdelay $0x1  }
0x434: {  	v13 =	vand.u32 $0x7FFFFFFF, v5  }
0x435: {  	v13 =	vsub.f32 $0.0e+00, v13;
	_ =	sdelay $0x1  }
0x436: {  	v13 =	vmul.f32 $1.442695020e+00, v13  }
0x437: {  	v10 =	vadd.f32 v15, v10  }
0x438: {  	(erf) = vpow2.f32 v13;
	v13 =	vadd.f32 v41, v21  }
0x439: {  	v7 =	vadd.f32 v7, v10  }
0x43a: {  	v8 =	vadd.f32 v8, v13  }
0x43b: {  	v0 =	vadd.f32 v0, v7  }
0x43c: {  	v7 =	vadd.f32 v17, v8;
	v8 =	vld [tilespmem:$0x1FBB0]  }
0x43d: {  	v0 =	vadd.f32 v61, v0;
	_ =	sdelay $0x1  }
0x43e: {  	v0 =	vadd.f32 v54, v0;
	_ =	sdelay $0x1  }
0x43f: {  	v0 =	vadd.f32 v8, v0;
	v8 =	vld [tilespmem:$0x1FBC0]  }
0x440: {  	v7 =	vadd.f32 v62, v7;
	_ =	sdelay $0x1  }
0x441: {  	v7 =	vadd.f32 v57, v7  }
0x442: {  	v10 =	vpop (erf)  }
0x443: {  	v13 =	vadd.f32 $2.000000000e+00, v10;
	v7 =	vadd.f32 v8, v7;
	v8 =	vld [tilespmem:$0x1FB80];
	_ =	sdelay $0x1  }
0x444: {  	(erf) = vrcp.f32 v13;
	_ =	sdelay $0x2  }
0x445: {  	v16 =	vadd.f32 v8, v0;
	v0 =	vld [tilespmem:$0x1FB90]  }
0x446: {  	v13 =	vld [tilespmem:$0x1FE30];
	_ =	sdelay $0x2  }
0x447: {  	v2 =	vmul.f32 v2, v2;
	v8 =	vld [tilespmem:$0x1FB70]  }
0x448: {  	v14 =	vadd.f32 v0, v7;
	v7 =	vld [tilespmem:$0x1FE40]  }
0x449: {  	v15 =	vld [tilespmem:$0x1FE60];
	v2 =	vadd.f32 v2, v13;
	v13 =	vpop (erf)  }
0x44a: {  	v10 =	vmul.f32 v13, v10;
	v13 =	vld [tilespmem:$0x1FE50];
	_ =	sdelay $0x1  }
0x44b: {  	v12 =	vmul.f32 v12, v12;
	v0 =	vmul.f32 v58, v58  }
0x44c: {  	v1 =	vmul.f32 v1, v1;
	v7 =	vadd.f32 v8, v7;
	v8 =	vmul.f32 v59, v59  }
0x44d: {  	v2 =	vadd.f32 v12, v2;
	v12 =	vmul.f32 v10, v10;
	v0 =	vadd.f32 v0, v15  }
0x44e: {  	v8 =	vadd.f32 v8, v13;
	v3 =	vadd.f32 v3, v7;
	v7 =	vmul.f32 v63, v63  }
0x44f: {  	v0 =	vadd.f32 v1, v0;
	v1 =	vmul.f32 v4, v4;
	v4 =	vmul.f32 v51, v51  }
0x450: {  	v7 =	vadd.f32 v7, v8;
	v8 =	vmul.f32 $2.857142980e-01, v12  }
0x451: {  	v1 =	vadd.f32 v1, v2;
	v0 =	vadd.f32 v4, v0;
	v2 =	vmul.f32 v53, v53  }
0x452: {  	v4 =	vmul.f32 v11, v11;
	v11 =	vmul.f32 v48, v48;
	v8 =	vadd.f32 $4.000000060e-01, v8  }
0x453: {  	v2 =	vadd.f32 v2, v7;
	v7 =	vmul.f32 v50, v50  }
0x454: {  	v1 =	vadd.f32 v4, v1;
	v0 =	vadd.f32 v11, v0;
	v4 =	vmul.f32 v8, v12  }
0x455: {  	v2 =	vadd.f32 v7, v2;
	v7 =	vmul.f32 v9, v9;
	v8 =	vmul.f32 v31, v31;
	v9 =	vld [tilespmem:$0x1FBE0]  }
0x456: {  	v3 =	vadd.f32 v56, v3  }
0x457: {  	v1 =	vadd.f32 v7, v1;
	v0 =	vadd.f32 v8, v0;
	v7 =	vmul.f32 v35, v35  }
0x458: {  	v3 =	vadd.f32 v52, v3;
	v8 =	vld [tilespmem:$0x1FBD0]  }
0x459: {  	v6 =	vmul.f32 v6, v6;
	v40 =	vld [tilespmem:$0x1FFE0];
	v4 =	vadd.f32 $6.666666860e-01, v4;
	v0 =	vadd.f32 v7, v0  }
0x45a: {  	v30 =	vld [tilespmem:$0x1FF80];
	v7 =	vmul.f32 v39, v39;
	v3 =	vadd.f32 v9, v3;
	v9 =	vmul.f32 v42, v42  }
0x45b: {  	v18 =	vld [tilespmem:$0x1FF70];
	v4 =	vmul.f32 v4, v12;
	v1 =	vadd.f32 v6, v1  }
0x45c: {  	v6 =	vmul.f32 v36, v36;
	v0 =	vadd.f32 v7, v0;
	v7 =	vld [tilespmem:$0x1FBA0];
	v2 =	vadd.f32 v9, v2  }
0x45d: {  	v54 =	vld [tilespmem:$0x1FFF0];
	v4 =	vadd.f32 $2.000000000e+00, v4;
	v3 =	vadd.f32 v8, v3  }
0x45e: {  	v15 =	vld [tilespmem:$0x1FF60];
	v2 =	vadd.f32 v6, v2;
	v6 =	vmul.f32 v32, v32  }
0x45f: {  	v48 =	vld [tilespmem:$0x1FFD0];
	v4 =	vmul.f32 v4, v10;
	v3 =	vadd.f32 v44, v3  }
0x460: {  	v5 =	vmax.f32 v5, $0.0e+00;
	v31 =	vld [tilespmem:$0x1FF90];
	v2 =	vadd.f32 v6, v2  }
0x461: {  	v35 =	vld [tilespmem:$0x1FFB0];
	v7 =	vadd.f32 v7, v3;
	v3 =	vadd.f32 v4, v5;
	v4 =	vmul.f32 v45, v45  }
0x462: {  	s18 =	sadd.s32 $0x1, s18;
	v39 =	vld [tilespmem:$0x1FFC0]  }
0x463: {  	p0 =	sne.s32 s18, $0x8;
	v4 =	vadd.f32 v4, v2;
	v2 =	vld [tilespmem:$0x1FE70]  }
.Ltmp7:
0x464: {  	v12 =	vld [tilespmem:$0x1FF50];
	(pc) =	sbr.rel @p0 .LBB2_14-.Ltmp7, $4  }
0x465: {  	v1 =	vadd.f32 v60, v1;
	v8 =	vld [tilespmem:$0x1FF40]  }
0x466: {  	v32 =	vld [tilespmem:$0x1FFA0];
	v6 =	vmul.f32 v43, v43  }
0x467: {  	v9 =	vadd.f32 v55, v1;
	v5 =	vld [tilespmem:$0x1FF20]  }
0x468: {  	v1 =	vadd.f32 v6, v0;
	v6 =	vld [tilespmem:$0x1FF30];
	v2 =	vadd.f32 v3, v2  }
0x469: {  	_ = 	snop  }
0x46a: {  	v0 =	vadd.f32 v9, v16;
	v1 =	vadd.f32 v1, v14;
	_ =	sdelay $0x1  }
0x46b: {  	v63 =	vadd.f32 v4, v7;
	v0 =	vadd.f32 v1, v0;
	_ =	sdelay $0x1  }
0x46c: {  	v0 =	vadd.f32 v63, v0  }
0x46d: {  	[tilespmem:$0x18C00] =	vst v2  }
0x46e: {  	[tilespmem:$0x18C80] =	vst v0  }
0x46f: {  	[hbm4b:s12+s2] =	stream.linear.scatter [tilespmem:s28], [sflag:$0x3], $0x80, $0x38;
	[tilespmem:$0x18D00] =	vst v63  }
0x470: {  	s0 =	sadd.s32 $0x1, s0;
	_ =	swait.ge [sflag:s14], $0x80  }
0x471: {  	p0 =	sne.s32 s0, s13;
	[sflag:s14] =	ssyncset.done $0x0  }
.Ltmp8:
0x472: {  	[sflag:s14] =	ssyncadd.s32 $0xFFFFFF80;
	(pc) =	sbr.rel @p0 .LBB2_1-.Ltmp8, $4  }
0x473: {  	[hbm4b:s9+s2] =	stream.linear.scatter [tilespmem:s31], [sflag:$0x3], $0x80, $0x38;
	[tilespmem:$0x18D00] =	vst v63  }
0x474: {  	_ =	swait.ge [sflag:s14], $0x80  }
0x475: {  	[sflag:s14] =	ssyncset.done $0x0  }
0x476: {  	[sflag:s14] =	ssyncadd.s32 $0xFFFFFF80  }
0x477: {  	_ =	sfence.sel $0x180000  }
0x478: {  	[bflag:$0x0] =	sbarrier.arrive $0xFFFF  }
0x479: {  	_ =	strace $0x90000047  }
0x47a: {  	s0 =	stileid.u32;
	[bflag:$0x2] =	sbarrier.arrive $0xFFFF  }
0x47b: {  	p0 =	sne.s32 s0, $0x0;
	s0 =	rddreg [dreg:$0x7]  }
0x47c: {  	s0 =	sadd.s32 @!p0 $0x100000, s0  }
0x47d: {  	[sflag:s0] =	ssyncadd.tile.s32 @!p0 $0x1;
	_ =	shalt  }
.Lfunc_end2:
_tile_overlayer_lowered:
.L_overlay_start_2:
0x47e: {  	(tag) =	ssettag $0x2  }
0x47f: {  	s0 =	rddreg [dreg:$0x0];
	s2 =	stileid.u32  }
0x480: {  	s1 =	rddreg [dreg:$0x1];
	p0 =	sne.s32 s2, $0x0  }
0x481: {  	s3 =	rddreg [dreg:$0x2];
	[bflag:$0x3] =	sbarrier.arrive $0xFFFF;
	s2 =	simm.s32 @!p0 $0x1C03  }
0x482: {  	[timem:s3], [sflag:s2] =	dma.local @!p0 [hbm:s0], s1  }
0x483: {  	s0 =	simm.s32 @!p0 $0x3  }
0x484: {  	_ =	swait.ge @!p0 [sflag:s0], s1  }
0x485: {  	s1 =	ssub.s32 @!p0 $0x0, s1;
	[sflag:s0] =	ssyncset.done @!p0 $0x0  }
0x486: {  	[sflag:s0] =	ssyncadd.s32 @!p0 s1  }
0x487: {  	[bflag:$0x3] =	sbarrier.arrive $0xFFFF  }
0x488: {  	_ =	shalt  }

</sc_bundles>
